<compile_context>
chip_gen: v7x
topology: tpu7x:2x2x1
jax: 0.10.2.dev20260603
libtpu: 0.0.44.dev20260713+nightly
codegen_flags: <defaults>
</compile_context>

<pallas_src>
import functools

import numpy as np
import jax
import jax.numpy as jnp
from jax import lax
from jax.experimental import pallas as pl
from jax.experimental.pallas import tpu as pltpu
from jax.experimental.pallas import tpu_sc as plsc

TIN = 2048
FIN = 256
TSEQ = 2072
NF = TSEQ // 2 + 1
NFP = 1040
D = 768
H = 12
DH = D // H
DFF = 3072
TOPK = 32
KDEC = 25
PADC = (KDEC - 1) // 2
RB = 296
KB = 208

_F32 = jnp.float32

def _dft_consts():
    t = np.arange(TSEQ, dtype=np.int64)
    k = np.arange(NFP, dtype=np.int64)
    m = (k[:, None] * t[None, :]) % TSEQ
    ang = (2.0 * np.pi / TSEQ) * m
    cc = np.cos(ang)
    cs = -np.sin(ang)
    cc[NF:] = 0.0
    cs[NF:] = 0.0
    return cc.astype(np.float32), cs.astype(np.float32)


def _pe_const():
    pos = np.arange(TSEQ, dtype=np.float64)[:, None]
    div = np.exp(np.arange(0, D, 2, dtype=np.float64) * (-np.log(10000.0) / D))
    pe = np.zeros((TSEQ, D), np.float64)
    pe[:, 0::2] = np.sin(pos * div)
    pe[:, 1::2] = np.cos(pos * div)
    return pe.astype(np.float32)


_CCOS_NP, _CSIN_NP = _dft_consts()
_PE_NP = _pe_const()
TSEQP = 2176
_BASIS_NP = np.zeros((NFP, TSEQP), np.float32)
_BASIS_NP[:, :TSEQ] = _CCOS_NP + _CSIN_NP


def _split_bf16(a):
    hi = a.astype(np.float32).astype(jnp.bfloat16)
    lo = (a - np.asarray(hi, np.float32)).astype(jnp.bfloat16)
    return np.asarray(hi), np.asarray(lo)


_CCOS_HI, _CCOS_LO = _split_bf16(_CCOS_NP)
_CSIN_HI, _CSIN_LO = _split_bf16(_CSIN_NP)

_HI = lax.Precision.HIGHEST


def _dg11(a, b, precision=None):
    return lax.dot_general(a, b, (((1,), (1,)), ((), ())),
                           precision=precision, preferred_element_type=_F32)


def _dg10(a, b, precision=None):
    return lax.dot_general(a, b, (((1,), (0,)), ((), ())),
                           precision=precision, preferred_element_type=_F32)


def _embed(xp, w, b, pe):
    def body(xp_ref, w_ref, b_ref, pe_ref, o_ref):
        acc = xp_ref[0:TSEQ, :]
        for j in range(1, KDEC):
            acc = acc + xp_ref[j:j + TSEQ, :]
        seasonal = xp_ref[PADC:PADC + TSEQ, :] - acc * (1.0 / KDEC)
        h = _dg11(seasonal, w_ref[...])
        o_ref[...] = h + b_ref[...] + pe_ref[...]

    return pl.pallas_call(
        body,
        out_shape=jax.ShapeDtypeStruct((TSEQ, D), _F32),
    )(xp, w, b, pe)


def _spectrum(h, cchi, cclo, cshi, cslo):
    h_hi = h.astype(jnp.bfloat16)
    h_lo = (h - h_hi.astype(_F32)).astype(jnp.bfloat16)

    def body(hhi_ref, hlo_ref, cchi_ref, cclo_ref, cshi_ref, cslo_ref,
             re_ref, amp_ref):
        h_hi_ = hhi_ref[...]
        h_lo_ = hlo_ref[...]
        re = (_dg10(cchi_ref[...], h_hi_) + _dg10(cchi_ref[...], h_lo_)
              + _dg10(cclo_ref[...], h_hi_))
        im = (_dg10(cshi_ref[...], h_hi_) + _dg10(cshi_ref[...], h_lo_)
              + _dg10(cslo_ref[...], h_hi_))
        re_ref[...] = re
        amp = jnp.sqrt(re * re + im * im).mean(axis=1)
        i = pl.program_id(0)
        row = i * KB + lax.broadcasted_iota(jnp.int32, (1, 1, KB), 2)
        amp_ref[...] = jnp.where(row < NF, amp[None, None, :], -1.0)

    re, amp = pl.pallas_call(
        body,
        grid=(NFP // KB,),
        in_specs=[
            pl.BlockSpec((TSEQ, D), lambda i: (0, 0)),
            pl.BlockSpec((TSEQ, D), lambda i: (0, 0)),
            pl.BlockSpec((KB, TSEQ), lambda i: (i, 0)),
            pl.BlockSpec((KB, TSEQ), lambda i: (i, 0)),
            pl.BlockSpec((KB, TSEQ), lambda i: (i, 0)),
            pl.BlockSpec((KB, TSEQ), lambda i: (i, 0)),
        ],
        out_specs=[
            pl.BlockSpec((KB, D), lambda i: (i, 0)),
            pl.BlockSpec((1, 1, KB), lambda i: (i, 0, 0)),
        ],
        out_shape=[
            jax.ShapeDtypeStruct((NFP, D), _F32),
            jax.ShapeDtypeStruct((NFP // KB, 1, KB), _F32),
        ],
    )(h_hi, h_lo, cchi, cclo, cshi, cslo)
    return re, amp


def _sc_topk_gather(amp, re, basis):
    nvreg = NFP // 16
    mesh = plsc.VectorSubcoreMesh(core_axis_name="c", subcore_axis_name="s")

    @functools.partial(
        pl.kernel,
        mesh=mesh,
        out_type=[
            jax.ShapeDtypeStruct((TOPK,), jnp.int32),
            jax.ShapeDtypeStruct((TOPK, D), _F32),
            jax.ShapeDtypeStruct((TOPK, TSEQP), _F32),
        ],
        scratch_types=[
            pltpu.VMEM((NFP,), _F32),
            pltpu.VMEM((TOPK,), jnp.int32),
            pltpu.VMEM((TOPK, D), _F32),
            pltpu.VMEM((TOPK, TSEQP), _F32),
            pltpu.SemaphoreType.DMA,
        ],
    )
    def sc_kernel(amp_hbm, re_hbm, basis_hbm, idx_out, rows_out, brows_out,
                  amp_v, idx_v, rows_v, brows_v, sem):
        wid = lax.axis_index("s") * 2 + lax.axis_index("c")

        @pl.when(wid == 0)
        def _():
            pltpu.sync_copy(amp_hbm, amp_v)
            lanes = lax.iota(jnp.int32, 16)

            def _perm(v, s):
                return v.at[jnp.bitwise_xor(lanes, s)].get(
                    mode="promise_in_bounds")

            def round_body(rnd, best_prev):
                m16 = jnp.full((16,), -3e38, _F32)
                a16 = jnp.full((16,), 2 ** 30, jnp.int32)
                for j in range(nvreg):
                    v = amp_v[pl.ds(j * 16, 16)]
                    idxv = lanes + j * 16
                    v = jnp.where(idxv == best_prev, _F32(-3e38), v)
                    amp_v[pl.ds(j * 16, 16)] = v
                    take = v > m16
                    a16 = jnp.where(take, idxv, a16)
                    m16 = jnp.maximum(m16, v)
                for s in (8, 4, 2, 1):
                    mp = _perm(m16, s)
                    ap = _perm(a16, s)
                    take = (mp > m16) | ((mp == m16) & (ap < a16))
                    a16 = jnp.where(take, ap, a16)
                    m16 = jnp.where(take, mp, m16)
                rnd16 = jnp.full((16,), 1, jnp.int32) * rnd
                for j in range(TOPK // 16):
                    cur = idx_v[pl.ds(j * 16, 16)]
                    sel = (lanes + j * 16) == rnd16
                    idx_v[pl.ds(j * 16, 16)] = jnp.where(sel, a16, cur)
                return a16

            lax.fori_loop(0, TOPK, round_body,
                          jnp.full((16,), -1, jnp.int32))
            cp1 = pltpu.async_copy(re_hbm.at[idx_v], rows_v, sem)
            cp2 = pltpu.async_copy(basis_hbm.at[idx_v], brows_v, sem)
            cp1.wait()
            cp2.wait()
            pltpu.sync_copy(idx_v, idx_out)
            pltpu.sync_copy(rows_v, rows_out)
            pltpu.sync_copy(brows_v, brows_out)

    return sc_kernel(amp, re, basis)


def _feb_apply(idx2d, r, brows, wq, bq, wk, bk, wv, bv, h):
    def body(idx_ref, r_ref, brows_ref, wq_ref, bq_ref, wk_ref, bk_ref,
             wv_ref, bv_ref, h_ref, o_ref):
        r_ = r_ref[...]
        q = _dg11(r_, wq_ref[...]) + bq_ref[...]
        k = _dg11(r_, wk_ref[...]) + bk_ref[...]
        v = _dg11(r_, wv_ref[...]) + bv_ref[...]
        s = _dg11(q, k, precision=_HI) * (1.0 / np.sqrt(D).astype(np.float32))
        s = s - s.max(axis=1, keepdims=True)
        e = jnp.exp(s)
        a = e / e.sum(axis=1, keepdims=True)
        ao = _dg10(a, v, precision=_HI)

        idx = idx_ref[0, :]
        coef = jnp.where((idx == 0) | (idx == TSEQ // 2), 1.0, 2.0) * (
            1.0 / TSEQ)
        aos = ao * coef[:, None].astype(_F32)
        fo = lax.dot_general(brows_ref[...], aos, (((0,), (0,)), ((), ())),
                             precision=_HI, preferred_element_type=_F32)
        o_ref[...] = h_ref[...] + fo[:TSEQ, :]

    return pl.pallas_call(
        body,
        out_shape=jax.ShapeDtypeStruct((TSEQ, D), _F32),
    )(idx2d, r, brows, wq, bq, wk, bk, wv, bv, h)


def _mm_bias(x, w, b, nb, relu=False):
    M, K = x.shape
    NW = w.shape[0]

    def body(x_ref, w_ref, b_ref, o_ref):
        y = _dg11(x_ref[...], w_ref[...]) + b_ref[...]
        if relu:
            y = jnp.maximum(y, 0.0)
        o_ref[...] = y

    return pl.pallas_call(
        body,
        grid=(NW // nb,),
        in_specs=[
            pl.BlockSpec((M, K), lambda j: (0, 0)),
            pl.BlockSpec((nb, K), lambda j: (j, 0)),
            pl.BlockSpec((1, nb), lambda j: (0, j)),
        ],
        out_specs=pl.BlockSpec((M, nb), lambda j: (0, j)),
        out_shape=jax.ShapeDtypeStruct((M, NW), _F32),
    )(x, w, b)


def _qkv3(x, w, b3):
    HB = 6

    def body(x_ref, w_ref, b_ref, o_ref):
        y = _dg11(x_ref[...], w_ref[...])
        for t in range(HB):
            o_ref[t] = y[:, t * DH:(t + 1) * DH] + b_ref[t]

    return pl.pallas_call(
        body,
        grid=(3 * H // HB,),
        in_specs=[
            pl.BlockSpec((TSEQ, D), lambda j: (0, 0)),
            pl.BlockSpec((HB * DH, D), lambda j: (j, 0)),
            pl.BlockSpec((HB, 1, DH), lambda j: (j, 0, 0)),
        ],
        out_specs=pl.BlockSpec((HB, TSEQ, DH), lambda j: (j, 0, 0)),
        out_shape=jax.ShapeDtypeStruct((3 * H, TSEQ, DH), _F32),
    )(x, w, b3)


def _mha_core(qkv3):
    def body(q_ref, k_ref, v_ref, o_ref):
        outs = []
        for hh in range(2):
            s = _dg11(q_ref[hh], k_ref[hh]) * (
                1.0 / np.sqrt(DH).astype(np.float32))
            e = jnp.exp(s)
            recip = 1.0 / e.sum(axis=1, keepdims=True)
            outs.append(_dg10(e, v_ref[hh]) * recip)
        o_ref[...] = jnp.concatenate(outs, axis=1)

    return pl.pallas_call(
        body,
        grid=(H // 2,),
        in_specs=[
            pl.BlockSpec((2, TSEQ, DH), lambda p: (p, 0, 0)),
            pl.BlockSpec((2, TSEQ, DH), lambda p: (H // 2 + p, 0, 0)),
            pl.BlockSpec((2, TSEQ, DH), lambda p: (H + p, 0, 0)),
        ],
        out_specs=pl.BlockSpec((TSEQ, 2 * DH), lambda p: (0, p)),
        out_shape=jax.ShapeDtypeStruct((TSEQ, D), _F32),
    )(qkv3, qkv3, qkv3)


def _ln(y, g, b):
    mu = y.mean(axis=1, keepdims=True)
    ms = (y * y).mean(axis=1, keepdims=True)
    var = ms - mu * mu
    k = 1.0 / jnp.sqrt(var + 1e-5)
    return (y - mu) * k * g + b


def _encoder_tail(o, wout, bout, res, g1, bn1, w1, b1, w2, b2, g2, bn2):
    def body(o_ref, wout_ref, bout_ref, res_ref, g1_ref, bn1_ref,
             w1_ref, b1_ref, w2_ref, b2_ref, g2_ref, bn2_ref, y_ref):
        x1 = _ln(_dg11(o_ref[...], wout_ref[...]) + bout_ref[...]
                 + res_ref[...], g1_ref[...], bn1_ref[...])
        a = jnp.maximum(_dg11(x1, w1_ref[...]) + b1_ref[...], 0.0)
        y = _dg11(a, w2_ref[...]) + b2_ref[...] + x1
        y_ref[...] = _ln(y, g2_ref[...], bn2_ref[...])

    vec = pl.BlockSpec((1, D), lambda i: (0, 0))
    return pl.pallas_call(
        body,
        grid=(TSEQ // RB,),
        in_specs=[
            pl.BlockSpec((RB, D), lambda i: (i, 0)),
            pl.BlockSpec((D, D), lambda i: (0, 0)),
            vec,
            pl.BlockSpec((RB, D), lambda i: (i, 0)),
            vec, vec,
            pl.BlockSpec((DFF, D), lambda i: (0, 0)),
            pl.BlockSpec((1, DFF), lambda i: (0, 0)),
            pl.BlockSpec((D, DFF), lambda i: (0, 0)),
            vec, vec, vec,
        ],
        out_specs=pl.BlockSpec((RB, D), lambda i: (i, 0)),
        out_shape=jax.ShapeDtypeStruct((TSEQ, D), _F32),
    )(o, wout, bout, res, g1, bn1, w1, b1, w2, b2, g2, bn2)


def _pool_fc(h, w, b):
    def body(h_ref, w_ref, b_ref, o_ref):
        pooled = h_ref[...].mean(axis=0, keepdims=True)
        o_ref[...] = _dg11(pooled, w_ref[...], precision=_HI) + b_ref[...]

    nout = w.shape[0]
    return pl.pallas_call(
        body,
        out_shape=jax.ShapeDtypeStruct((1, nout), _F32),
    )(h, w, b)


def kernel(x, params):
    cchi = jnp.asarray(_CCOS_HI)
    cclo = jnp.asarray(_CCOS_LO)
    cshi = jnp.asarray(_CSIN_HI)
    cslo = jnp.asarray(_CSIN_LO)
    pe = jnp.asarray(_PE_NP)
    basis = jnp.asarray(_BASIS_NP)

    x2 = x[0]
    xp = jnp.pad(x2, ((2 * PADC, 2 * PADC), (0, 0)))
    h = _embed(xp, params['in_w'], params['in_b'][None], pe)

    for lp in params['layers']:
        re, amp = _spectrum(h, cchi, cclo, cshi, cslo)
        idx, r, brows = _sc_topk_gather(amp.reshape(NFP), re, basis)
        h = _feb_apply(idx.reshape(1, TOPK), r, brows, lp['wq'],
                       lp['bq'][None], lp['wk'], lp['bk'][None],
                       lp['wv'], lp['bv'][None], h)

        qkv3 = _qkv3(h, lp['win'], lp['bin'].reshape(3 * H, 1, DH))
        o = _mha_core(qkv3)
        h = _encoder_tail(o, lp['wout'], lp['bout'][None], h,
                          lp['n1g'][None], lp['n1b'][None],
                          lp['w1'], lp['b1'][None], lp['w2'], lp['b2'][None],
                          lp['n2g'][None], lp['n2b'][None])

    out = _pool_fc(h, params['fc_w'], params['fc_b'][None])
    return out.reshape(1, 96, 8)

# --- scband reference (transcript-rebuilt; emitter-appended) ---
"""Pipeline reference for scband-fedforecaster-17841294148198 (READ-ONLY COPY).

The authoritative reference and input builder live on the scoring server;
editing this copy changes nothing except your own understanding.
"""

import jax, jax.numpy as jnp
import numpy as np

B, T, F_IN = 1, 2048, 256
D, H, DFF, NL = 768, 12, 3072, 2
TOPK = 32
DECOM_K = 25
OUT_LEN, NTGT = 96, 8


def setup_inputs(seed: int = 0):
    key = jax.random.key(seed)
    cnt = [0]
    def nk():
        cnt[0] += 1
        return jax.random.fold_in(key, cnt[0])
    def w(shape):
        return jax.random.normal(nk(), shape, dtype=jnp.float32) * 0.02
    x = jax.random.normal(nk(), (B, T, F_IN), dtype=jnp.float32)
    layers = []
    for _ in range(NL):
        layers.append({
            'wq': w((D, D)), 'bq': jnp.zeros((D,), jnp.float32),
            'wk': w((D, D)), 'bk': jnp.zeros((D,), jnp.float32),
            'wv': w((D, D)), 'bv': jnp.zeros((D,), jnp.float32),
            'win': w((3 * D, D)), 'bin': jnp.zeros((3 * D,), jnp.float32),
            'wout': w((D, D)), 'bout': jnp.zeros((D,), jnp.float32),
            'w1': w((DFF, D)), 'b1': jnp.zeros((DFF,), jnp.float32),
            'w2': w((D, DFF)), 'b2': jnp.zeros((D,), jnp.float32),
            'n1g': jnp.ones((D,), jnp.float32), 'n1b': jnp.zeros((D,), jnp.float32),
            'n2g': jnp.ones((D,), jnp.float32), 'n2b': jnp.zeros((D,), jnp.float32)})
    params = {'in_w': w((D, F_IN)), 'in_b': jnp.zeros((D,), jnp.float32),
              'layers': layers,
              'fc_w': w((OUT_LEN * NTGT, D)), 'fc_b': jnp.zeros((OUT_LEN * NTGT,), jnp.float32)}
    return {'x': x, 'params': params}


def _decompose(x, k=DECOM_K):
    # Faithful to SeriesDecomposer: manual symmetric pad of (k-1)//2 each side,
    # then AvgPool1d(kernel=k, stride=1, padding=(k-1)//2) with zero-padding
    # included in the average (count_include_pad). Output seq len is T + (k-1).
    pad = (k - 1) // 2
    xt = jnp.transpose(x, (0, 2, 1))
    xt = jnp.pad(xt, ((0, 0), (0, 0), (pad, pad)))        # manual pad -> T + k - 1
    xp = jnp.pad(xt, ((0, 0), (0, 0), (pad, pad)))        # pool's internal padding
    c = jnp.cumsum(xp, axis=-1)
    c = jnp.concatenate([jnp.zeros(c.shape[:-1] + (1,), c.dtype), c], axis=-1)
    trend_t = (c[..., k:] - c[..., :-k]) / float(k)
    seasonal_t = xt - trend_t
    return jnp.transpose(trend_t, (0, 2, 1)), jnp.transpose(seasonal_t, (0, 2, 1))


def _pos_encoding(t, d):
    pos = jnp.arange(t, dtype=jnp.float32)[:, None]
    div = jnp.exp(jnp.arange(0, d, 2, dtype=jnp.float32) * float(-np.log(10000.0) / d))
    pe = jnp.zeros((t, d), jnp.float32)
    pe = pe.at[:, 0::2].set(jnp.sin(pos * div))
    pe = pe.at[:, 1::2].set(jnp.cos(pos * div))
    return pe


def _layer_norm(x, g, b):
    m = x.mean(-1, keepdims=True)
    v = ((x - m) ** 2).mean(-1, keepdims=True)
    return (x - m) / jnp.sqrt(v + 1e-5) * g + b


def _feb(x, p):
    # FrequencyEnhancedBlock: rfft, pick top-k modes by mean amplitude,
    # attention over the real parts of selected modes, scatter back, irfft.
    b, t, d = x.shape
    xf = jnp.fft.rfft(x, axis=1)
    amp = jnp.abs(xf).mean(-1)
    _, idx = jax.lax.top_k(amp, TOPK)
    topf = jnp.take_along_axis(xf, idx[:, :, None], axis=1)
    r = jnp.real(topf)
    q = r @ p['wq'].T + p['bq']
    k = r @ p['wk'].T + p['bk']
    v = r @ p['wv'].T + p['bv']
    scores = q @ jnp.swapaxes(k, -1, -2) / float(np.sqrt(d))
    attn = jax.nn.softmax(scores, axis=-1)
    ao = attn @ v
    enh = jnp.zeros_like(xf)
    bidx = jnp.arange(b)[:, None]
    enh = enh.at[bidx, idx].set(ao + 1j * ao)
    return jnp.fft.irfft(enh, n=t, axis=1)


def _mha(x, p):
    b, t, d = x.shape
    dh = d // H
    qkv = x @ p['win'].T + p['bin']
    q, k, v = jnp.split(qkv, 3, axis=-1)
    def heads(z):
        return jnp.transpose(z.reshape(b, t, H, dh), (0, 2, 1, 3))
    q, k, v = heads(q), heads(k), heads(v)
    scores = q @ jnp.swapaxes(k, -1, -2) / float(np.sqrt(dh))
    attn = jax.nn.softmax(scores, axis=-1)
    o = attn @ v
    o = jnp.transpose(o, (0, 2, 1, 3)).reshape(b, t, d)
    return o @ p['wout'].T + p['bout']


def _encoder_layer(x, p):
    a = _mha(x, p)
    x = _layer_norm(x + a, p['n1g'], p['n1b'])
    ff = jax.nn.relu(x @ p['w1'].T + p['b1']) @ p['w2'].T + p['b2']
    return _layer_norm(x + ff, p['n2g'], p['n2b'])


def _forward(x, params):
    trend, seasonal = _decompose(x)
    h = seasonal @ params['in_w'].T + params['in_b']
    h = h + _pos_encoding(h.shape[1], h.shape[2])[None]
    for lp in params['layers']:
        h = h + _feb(h, lp)
        h = _encoder_layer(h, lp)
    pooled = h.mean(axis=1)
    out = pooled @ params['fc_w'].T + params['fc_b']
    return out.reshape(x.shape[0], OUT_LEN, NTGT)


def reference(x, params):
    return _forward(x, params)

if __name__ == "__main__":
    import jax
    _d = setup_inputs()
    print(jax.jit(kernel)(*tuple(_d.values())))

</pallas_src>

<mosaic_0001>
#map = affine_map<(d0, d1) -> (0)>
#map1 = affine_map<(d0, d1) -> (0, 0)>
module attributes {stable_mosaic.version = 14 : i64} {
  func.func @sc_kernel(%arg0: i32, %arg1: i32, %arg2: memref<1040xf32, #tpu.memory_space<hbm>>, %arg3: memref<1040x768xf32, #tpu.memory_space<hbm>>, %arg4: memref<1040x2176xf32, #tpu.memory_space<hbm>>, %arg5: memref<32xi32, #tpu.memory_space<hbm>>, %arg6: memref<32x768xf32, #tpu.memory_space<hbm>>, %arg7: memref<32x2176xf32, #tpu.memory_space<hbm>>, %arg8: memref<1040xf32, #tpu.memory_space<vmem>>, %arg9: memref<32xi32, #tpu.memory_space<vmem>>, %arg10: memref<32x768xf32, #tpu.memory_space<vmem>>, %arg11: memref<32x2176xf32, #tpu.memory_space<vmem>>, %arg12: memref<!tpu.dma_semaphore, #tpu.memory_space<semaphore_mem>>) attributes {dimension_semantics = [#tpu.dimension_semantics<core_parallel>, #tpu.dimension_semantics<subcore_parallel>], iteration_bounds = array<i64: 2, 16>, scalar_prefetch = 0 : i64, scratch_operands = 5 : i64, tpu.core_type = #tpu.core_type<sc_vector_subcore>, window_params = [{transform_indices = #map}, {transform_indices = #map1}, {transform_indices = #map1}, {transform_indices = #map}, {transform_indices = #map1}, {transform_indices = #map1}]} {
    %mul3A = arith.constant 2 : i32
    %mul3A_0 = arith.muli %arg1, %mul3A : i32
    %add3A = arith.addi %mul3A_0, %arg0 : i32
    %eq3A = arith.constant 0 : i32
    %eq3A_1 = arith.cmpi eq, %add3A, %eq3A : i32
    %convert_element_type3A = arith.extui %eq3A_1 : i1 to i32
    %cond3A = arith.constant 0 : i32
    %cond3A_2 = arith.cmpi ne, %convert_element_type3A, %cond3A : i32
    scf.if %cond3A_2 {
      "tpu.region"() ({
        %run_scoped3A = tpu.sem_alloc : memref<!tpu.dma_semaphore, #tpu.memory_space<semaphore_mem>>
        tpu.enqueue_dma source(%arg2 : memref<1040xf32, #tpu.memory_space<hbm>>) target(%arg8 : memref<1040xf32, #tpu.memory_space<vmem>>) target_semaphore(%run_scoped3A : memref<!tpu.dma_semaphore, #tpu.memory_space<semaphore_mem>>)
        tpu.wait_dma2 semaphore(%run_scoped3A : memref<!tpu.dma_semaphore, #tpu.memory_space<semaphore_mem>>) src(%arg2 : memref<1040xf32, #tpu.memory_space<hbm>>) dst(%arg8 : memref<1040xf32, #tpu.memory_space<vmem>>)
        tpu.yield
      }) : () -> ()
      %iota3A = tpu.iota {dimensions = array<i32: 0>} : vector<16xi32>
      %broadcast_in_dim3A = arith.constant -1 : i32
      %broadcast_in_dim3A_3 = vector.broadcast %broadcast_in_dim3A : i32 to vector<16xi32>
      %scan3A = arith.constant 0 : i32
      %scan3A_4 = arith.constant 32 : i32
      %scan3A_5 = arith.addi %scan3A, %scan3A_4 : i32
      %scan3A_6 = arith.constant 1 : i32
      %scan3A_7 = scf.for %scan3A_19 = %scan3A to %scan3A_5 step %scan3A_6 iter_args(%scan3A_20 = %broadcast_in_dim3A_3) -> (vector<16xi32>)  : i32 {
        %broadcast_in_dim3A_21 = arith.constant -3.000000e+38 : f32
        %broadcast_in_dim3A_22 = vector.broadcast %broadcast_in_dim3A_21 : f32 to vector<16xf32>
        %broadcast_in_dim3A_23 = arith.constant 1073741824 : i32
        %broadcast_in_dim3A_24 = vector.broadcast %broadcast_in_dim3A_23 : i32 to vector<16xi32>
        %get3A = arith.constant 0 : index
        %get3A_25 = tpu.vector_load %arg8[%get3A] {strides = array<i32>} : memref<1040xf32, #tpu.memory_space<vmem>>, vector<16xf32>,
        %get3A_26 = vector.shape_cast %get3A_25 : vector<16xf32> to vector<16xf32>
        %add3A_27 = arith.constant 0 : i32
        %add3A_28 = vector.broadcast %add3A_27 : i32 to vector<16xi32>
        %add3A_29 = arith.addi %iota3A, %add3A_28 : vector<16xi32>
        %eq3A_30 = arith.cmpi eq, %add3A_29, %scan3A_20 : vector<16xi32>
        %jit3A = arith.constant -3.000000e+38 : f32
        %broadcast_in_dim3A_31 = vector.broadcast %jit3A : f32 to vector<16xf32>
        %select_n3A = arith.select %eq3A_30, %broadcast_in_dim3A_31, %get3A_26 : vector<16xi1>, vector<16xf32>
        %swap3A = arith.constant 0 : index
        %swap3A_32 = tpu.vector_load %arg8[%swap3A] {strides = array<i32>} : memref<1040xf32, #tpu.memory_space<vmem>>, vector<16xf32>,
        %swap3A_33 = vector.shape_cast %swap3A_32 : vector<16xf32> to vector<16xf32>
        %swap3A_34 = vector.shape_cast %select_n3A : vector<16xf32> to vector<16xf32>
        tpu.vector_store %arg8[%swap3A], %swap3A_34 {strides = array<i32>} : memref<1040xf32, #tpu.memory_space<vmem>>, vector<16xf32>,
        %gt3A = arith.cmpf ogt, %select_n3A, %broadcast_in_dim3A_22 : vector<16xf32>
        %select_n3A_35 = arith.select %gt3A, %add3A_29, %broadcast_in_dim3A_24 : vector<16xi1>, vector<16xi32>
        %max3A = arith.maximumf %broadcast_in_dim3A_22, %select_n3A : vector<16xf32>
        %get3A_36 = arith.constant 16 : index
        %get3A_37 = tpu.vector_load %arg8[%get3A_36] {strides = array<i32>} : memref<1040xf32, #tpu.memory_space<vmem>>, vector<16xf32>,
        %get3A_38 = vector.shape_cast %get3A_37 : vector<16xf32> to vector<16xf32>
        %add3A_39 = arith.constant 16 : i32
        %add3A_40 = vector.broadcast %add3A_39 : i32 to vector<16xi32>
        %add3A_41 = arith.addi %iota3A, %add3A_40 : vector<16xi32>
        %eq3A_42 = arith.cmpi eq, %add3A_41, %scan3A_20 : vector<16xi32>
        %jit3A_43 = arith.constant -3.000000e+38 : f32
        %broadcast_in_dim3A_44 = vector.broadcast %jit3A_43 : f32 to vector<16xf32>
        %select_n3A_45 = arith.select %eq3A_42, %broadcast_in_dim3A_44, %get3A_38 : vector<16xi1>, vector<16xf32>
        %swap3A_46 = arith.constant 16 : index
        %swap3A_47 = tpu.vector_load %arg8[%swap3A_46] {strides = array<i32>} : memref<1040xf32, #tpu.memory_space<vmem>>, vector<16xf32>,
        %swap3A_48 = vector.shape_cast %swap3A_47 : vector<16xf32> to vector<16xf32>
        %swap3A_49 = vector.shape_cast %select_n3A_45 : vector<16xf32> to vector<16xf32>
        tpu.vector_store %arg8[%swap3A_46], %swap3A_49 {strides = array<i32>} : memref<1040xf32, #tpu.memory_space<vmem>>, vector<16xf32>,
        %gt3A_50 = arith.cmpf ogt, %select_n3A_45, %max3A : vector<16xf32>
        %select_n3A_51 = arith.select %gt3A_50, %add3A_41, %select_n3A_35 : vector<16xi1>, vector<16xi32>
        %max3A_52 = arith.maximumf %max3A, %select_n3A_45 : vector<16xf32>
        %get3A_53 = arith.constant 32 : index
        %get3A_54 = tpu.vector_load %arg8[%get3A_53] {strides = array<i32>} : memref<1040xf32, #tpu.memory_space<vmem>>, vector<16xf32>,
        %get3A_55 = vector.shape_cast %get3A_54 : vector<16xf32> to vector<16xf32>
        %add3A_56 = arith.constant 32 : i32
        %add3A_57 = vector.broadcast %add3A_56 : i32 to vector<16xi32>
        %add3A_58 = arith.addi %iota3A, %add3A_57 : vector<16xi32>
        %eq3A_59 = arith.cmpi eq, %add3A_58, %scan3A_20 : vector<16xi32>
        %jit3A_60 = arith.constant -3.000000e+38 : f32
        %broadcast_in_dim3A_61 = vector.broadcast %jit3A_60 : f32 to vector<16xf32>
        %select_n3A_62 = arith.select %eq3A_59, %broadcast_in_dim3A_61, %get3A_55 : vector<16xi1>, vector<16xf32>
        %swap3A_63 = arith.constant 32 : index
        %swap3A_64 = tpu.vector_load %arg8[%swap3A_63] {strides = array<i32>} : memref<1040xf32, #tpu.memory_space<vmem>>, vector<16xf32>,
        %swap3A_65 = vector.shape_cast %swap3A_64 : vector<16xf32> to vector<16xf32>
        %swap3A_66 = vector.shape_cast %select_n3A_62 : vector<16xf32> to vector<16xf32>
        tpu.vector_store %arg8[%swap3A_63], %swap3A_66 {strides = array<i32>} : memref<1040xf32, #tpu.memory_space<vmem>>, vector<16xf32>,
        %gt3A_67 = arith.cmpf ogt, %select_n3A_62, %max3A_52 : vector<16xf32>
        %select_n3A_68 = arith.select %gt3A_67, %add3A_58, %select_n3A_51 : vector<16xi1>, vector<16xi32>
        %max3A_69 = arith.maximumf %max3A_52, %select_n3A_62 : vector<16xf32>
        %get3A_70 = arith.constant 48 : index
        %get3A_71 = tpu.vector_load %arg8[%get3A_70] {strides = array<i32>} : memref<1040xf32, #tpu.memory_space<vmem>>, vector<16xf32>,
        %get3A_72 = vector.shape_cast %get3A_71 : vector<16xf32> to vector<16xf32>
        %add3A_73 = arith.constant 48 : i32
        %add3A_74 = vector.broadcast %add3A_73 : i32 to vector<16xi32>
        %add3A_75 = arith.addi %iota3A, %add3A_74 : vector<16xi32>
        %eq3A_76 = arith.cmpi eq, %add3A_75, %scan3A_20 : vector<16xi32>
        %jit3A_77 = arith.constant -3.000000e+38 : f32
        %broadcast_in_dim3A_78 = vector.broadcast %jit3A_77 : f32 to vector<16xf32>
        %select_n3A_79 = arith.select %eq3A_76, %broadcast_in_dim3A_78, %get3A_72 : vector<16xi1>, vector<16xf32>
        %swap3A_80 = arith.constant 48 : index
        %swap3A_81 = tpu.vector_load %arg8[%swap3A_80] {strides = array<i32>} : memref<1040xf32, #tpu.memory_space<vmem>>, vector<16xf32>,
        %swap3A_82 = vector.shape_cast %swap3A_81 : vector<16xf32> to vector<16xf32>
        %swap3A_83 = vector.shape_cast %select_n3A_79 : vector<16xf32> to vector<16xf32>
        tpu.vector_store %arg8[%swap3A_80], %swap3A_83 {strides = array<i32>} : memref<1040xf32, #tpu.memory_space<vmem>>, vector<16xf32>,
        %gt3A_84 = arith.cmpf ogt, %select_n3A_79, %max3A_69 : vector<16xf32>
        %select_n3A_85 = arith.select %gt3A_84, %add3A_75, %select_n3A_68 : vector<16xi1>, vector<16xi32>
        %max3A_86 = arith.maximumf %max3A_69, %select_n3A_79 : vector<16xf32>
        %get3A_87 = arith.constant 64 : index
        %get3A_88 = tpu.vector_load %arg8[%get3A_87] {strides = array<i32>} : memref<1040xf32, #tpu.memory_space<vmem>>, vector<16xf32>,
        %get3A_89 = vector.shape_cast %get3A_88 : vector<16xf32> to vector<16xf32>
        %add3A_90 = arith.constant 64 : i32
        %add3A_91 = vector.broadcast %add3A_90 : i32 to vector<16xi32>
        %add3A_92 = arith.addi %iota3A, %add3A_91 : vector<16xi32>
        %eq3A_93 = arith.cmpi eq, %add3A_92, %scan3A_20 : vector<16xi32>
        %jit3A_94 = arith.constant -3.000000e+38 : f32
        %broadcast_in_dim3A_95 = vector.broadcast %jit3A_94 : f32 to vector<16xf32>
        %select_n3A_96 = arith.select %eq3A_93, %broadcast_in_dim3A_95, %get3A_89 : vector<16xi1>, vector<16xf32>
        %swap3A_97 = arith.constant 64 : index
        %swap3A_98 = tpu.vector_load %arg8[%swap3A_97] {strides = array<i32>} : memref<1040xf32, #tpu.memory_space<vmem>>, vector<16xf32>,
        %swap3A_99 = vector.shape_cast %swap3A_98 : vector<16xf32> to vector<16xf32>
        %swap3A_100 = vector.shape_cast %select_n3A_96 : vector<16xf32> to vector<16xf32>
        tpu.vector_store %arg8[%swap3A_97], %swap3A_100 {strides = array<i32>} : memref<1040xf32, #tpu.memory_space<vmem>>, vector<16xf32>,
        %gt3A_101 = arith.cmpf ogt, %select_n3A_96, %max3A_86 : vector<16xf32>
        %select_n3A_102 = arith.select %gt3A_101, %add3A_92, %select_n3A_85 : vector<16xi1>, vector<16xi32>
        %max3A_103 = arith.maximumf %max3A_86, %select_n3A_96 : vector<16xf32>
        %get3A_104 = arith.constant 80 : index
        %get3A_105 = tpu.vector_load %arg8[%get3A_104] {strides = array<i32>} : memref<1040xf32, #tpu.memory_space<vmem>>, vector<16xf32>,
        %get3A_106 = vector.shape_cast %get3A_105 : vector<16xf32> to vector<16xf32>
        %add3A_107 = arith.constant 80 : i32
        %add3A_108 = vector.broadcast %add3A_107 : i32 to vector<16xi32>
        %add3A_109 = arith.addi %iota3A, %add3A_108 : vector<16xi32>
        %eq3A_110 = arith.cmpi eq, %add3A_109, %scan3A_20 : vector<16xi32>
        %jit3A_111 = arith.constant -3.000000e+38 : f32
        %broadcast_in_dim3A_112 = vector.broadcast %jit3A_111 : f32 to vector<16xf32>
        %select_n3A_113 = arith.select %eq3A_110, %broadcast_in_dim3A_112, %get3A_106 : vector<16xi1>, vector<16xf32>
        %swap3A_114 = arith.constant 80 : index
        %swap3A_115 = tpu.vector_load %arg8[%swap3A_114] {strides = array<i32>} : memref<1040xf32, #tpu.memory_space<vmem>>, vector<16xf32>,
        %swap3A_116 = vector.shape_cast %swap3A_115 : vector<16xf32> to vector<16xf32>
        %swap3A_117 = vector.shape_cast %select_n3A_113 : vector<16xf32> to vector<16xf32>
        tpu.vector_store %arg8[%swap3A_114], %swap3A_117 {strides = array<i32>} : memref<1040xf32, #tpu.memory_space<vmem>>, vector<16xf32>,
        %gt3A_118 = arith.cmpf ogt, %select_n3A_113, %max3A_103 : vector<16xf32>
        %select_n3A_119 = arith.select %gt3A_118, %add3A_109, %select_n3A_102 : vector<16xi1>, vector<16xi32>
        %max3A_120 = arith.maximumf %max3A_103, %select_n3A_113 : vector<16xf32>
        %get3A_121 = arith.constant 96 : index
        %get3A_122 = tpu.vector_load %arg8[%get3A_121] {strides = array<i32>} : memref<1040xf32, #tpu.memory_space<vmem>>, vector<16xf32>,
        %get3A_123 = vector.shape_cast %get3A_122 : vector<16xf32> to vector<16xf32>
        %add3A_124 = arith.constant 96 : i32
        %add3A_125 = vector.broadcast %add3A_124 : i32 to vector<16xi32>
        %add3A_126 = arith.addi %iota3A, %add3A_125 : vector<16xi32>
        %eq3A_127 = arith.cmpi eq, %add3A_126, %scan3A_20 : vector<16xi32>
        %jit3A_128 = arith.constant -3.000000e+38 : f32
        %broadcast_in_dim3A_129 = vector.broadcast %jit3A_128 : f32 to vector<16xf32>
        %select_n3A_130 = arith.select %eq3A_127, %broadcast_in_dim3A_129, %get3A_123 : vector<16xi1>, vector<16xf32>
        %swap3A_131 = arith.constant 96 : index
        %swap3A_132 = tpu.vector_load %arg8[%swap3A_131] {strides = array<i32>} : memref<1040xf32, #tpu.memory_space<vmem>>, vector<16xf32>,
        %swap3A_133 = vector.shape_cast %swap3A_132 : vector<16xf32> to vector<16xf32>
        %swap3A_134 = vector.shape_cast %select_n3A_130 : vector<16xf32> to vector<16xf32>
        tpu.vector_store %arg8[%swap3A_131], %swap3A_134 {strides = array<i32>} : memref<1040xf32, #tpu.memory_space<vmem>>, vector<16xf32>,
        %gt3A_135 = arith.cmpf ogt, %select_n3A_130, %max3A_120 : vector<16xf32>
        %select_n3A_136 = arith.select %gt3A_135, %add3A_126, %select_n3A_119 : vector<16xi1>, vector<16xi32>
        %max3A_137 = arith.maximumf %max3A_120, %select_n3A_130 : vector<16xf32>
        %get3A_138 = arith.constant 112 : index
        %get3A_139 = tpu.vector_load %arg8[%get3A_138] {strides = array<i32>} : memref<1040xf32, #tpu.memory_space<vmem>>, vector<16xf32>,
        %get3A_140 = vector.shape_cast %get3A_139 : vector<16xf32> to vector<16xf32>
        %add3A_141 = arith.constant 112 : i32
        %add3A_142 = vector.broadcast %add3A_141 : i32 to vector<16xi32>
        %add3A_143 = arith.addi %iota3A, %add3A_142 : vector<16xi32>
        %eq3A_144 = arith.cmpi eq, %add3A_143, %scan3A_20 : vector<16xi32>
        %jit3A_145 = arith.constant -3.000000e+38 : f32
        %broadcast_in_dim3A_146 = vector.broadcast %jit3A_145 : f32 to vector<16xf32>
        %select_n3A_147 = arith.select %eq3A_144, %broadcast_in_dim3A_146, %get3A_140 : vector<16xi1>, vector<16xf32>
        %swap3A_148 = arith.constant 112 : index
        %swap3A_149 = tpu.vector_load %arg8[%swap3A_148] {strides = array<i32>} : memref<1040xf32, #tpu.memory_space<vmem>>, vector<16xf32>,
        %swap3A_150 = vector.shape_cast %swap3A_149 : vector<16xf32> to vector<16xf32>
        %swap3A_151 = vector.shape_cast %select_n3A_147 : vector<16xf32> to vector<16xf32>
        tpu.vector_store %arg8[%swap3A_148], %swap3A_151 {strides = array<i32>} : memref<1040xf32, #tpu.memory_space<vmem>>, vector<16xf32>,
        %gt3A_152 = arith.cmpf ogt, %select_n3A_147, %max3A_137 : vector<16xf32>
        %select_n3A_153 = arith.select %gt3A_152, %add3A_143, %select_n3A_136 : vector<16xi1>, vector<16xi32>
        %max3A_154 = arith.maximumf %max3A_137, %select_n3A_147 : vector<16xf32>
        %get3A_155 = arith.constant 128 : index
        %get3A_156 = tpu.vector_load %arg8[%get3A_155] {strides = array<i32>} : memref<1040xf32, #tpu.memory_space<vmem>>, vector<16xf32>,
        %get3A_157 = vector.shape_cast %get3A_156 : vector<16xf32> to vector<16xf32>
        %add3A_158 = arith.constant 128 : i32
        %add3A_159 = vector.broadcast %add3A_158 : i32 to vector<16xi32>
        %add3A_160 = arith.addi %iota3A, %add3A_159 : vector<16xi32>
        %eq3A_161 = arith.cmpi eq, %add3A_160, %scan3A_20 : vector<16xi32>
        %jit3A_162 = arith.constant -3.000000e+38 : f32
        %broadcast_in_dim3A_163 = vector.broadcast %jit3A_162 : f32 to vector<16xf32>
        %select_n3A_164 = arith.select %eq3A_161, %broadcast_in_dim3A_163, %get3A_157 : vector<16xi1>, vector<16xf32>
        %swap3A_165 = arith.constant 128 : index
        %swap3A_166 = tpu.vector_load %arg8[%swap3A_165] {strides = array<i32>} : memref<1040xf32, #tpu.memory_space<vmem>>, vector<16xf32>,
        %swap3A_167 = vector.shape_cast %swap3A_166 : vector<16xf32> to vector<16xf32>
        %swap3A_168 = vector.shape_cast %select_n3A_164 : vector<16xf32> to vector<16xf32>
        tpu.vector_store %arg8[%swap3A_165], %swap3A_168 {strides = array<i32>} : memref<1040xf32, #tpu.memory_space<vmem>>, vector<16xf32>,
        %gt3A_169 = arith.cmpf ogt, %select_n3A_164, %max3A_154 : vector<16xf32>
        %select_n3A_170 = arith.select %gt3A_169, %add3A_160, %select_n3A_153 : vector<16xi1>, vector<16xi32>
        %max3A_171 = arith.maximumf %max3A_154, %select_n3A_164 : vector<16xf32>
        %get3A_172 = arith.constant 144 : index
        %get3A_173 = tpu.vector_load %arg8[%get3A_172] {strides = array<i32>} : memref<1040xf32, #tpu.memory_space<vmem>>, vector<16xf32>,
        %get3A_174 = vector.shape_cast %get3A_173 : vector<16xf32> to vector<16xf32>
        %add3A_175 = arith.constant 144 : i32
        %add3A_176 = vector.broadcast %add3A_175 : i32 to vector<16xi32>
        %add3A_177 = arith.addi %iota3A, %add3A_176 : vector<16xi32>
        %eq3A_178 = arith.cmpi eq, %add3A_177, %scan3A_20 : vector<16xi32>
        %jit3A_179 = arith.constant -3.000000e+38 : f32
        %broadcast_in_dim3A_180 = vector.broadcast %jit3A_179 : f32 to vector<16xf32>
        %select_n3A_181 = arith.select %eq3A_178, %broadcast_in_dim3A_180, %get3A_174 : vector<16xi1>, vector<16xf32>
        %swap3A_182 = arith.constant 144 : index
        %swap3A_183 = tpu.vector_load %arg8[%swap3A_182] {strides = array<i32>} : memref<1040xf32, #tpu.memory_space<vmem>>, vector<16xf32>,
        %swap3A_184 = vector.shape_cast %swap3A_183 : vector<16xf32> to vector<16xf32>
        %swap3A_185 = vector.shape_cast %select_n3A_181 : vector<16xf32> to vector<16xf32>
        tpu.vector_store %arg8[%swap3A_182], %swap3A_185 {strides = array<i32>} : memref<1040xf32, #tpu.memory_space<vmem>>, vector<16xf32>,
        %gt3A_186 = arith.cmpf ogt, %select_n3A_181, %max3A_171 : vector<16xf32>
        %select_n3A_187 = arith.select %gt3A_186, %add3A_177, %select_n3A_170 : vector<16xi1>, vector<16xi32>
        %max3A_188 = arith.maximumf %max3A_171, %select_n3A_181 : vector<16xf32>
        %get3A_189 = arith.constant 160 : index
        %get3A_190 = tpu.vector_load %arg8[%get3A_189] {strides = array<i32>} : memref<1040xf32, #tpu.memory_space<vmem>>, vector<16xf32>,
        %get3A_191 = vector.shape_cast %get3A_190 : vector<16xf32> to vector<16xf32>
        %add3A_192 = arith.constant 160 : i32
        %add3A_193 = vector.broadcast %add3A_192 : i32 to vector<16xi32>
        %add3A_194 = arith.addi %iota3A, %add3A_193 : vector<16xi32>
        %eq3A_195 = arith.cmpi eq, %add3A_194, %scan3A_20 : vector<16xi32>
        %jit3A_196 = arith.constant -3.000000e+38 : f32
        %broadcast_in_dim3A_197 = vector.broadcast %jit3A_196 : f32 to vector<16xf32>
        %select_n3A_198 = arith.select %eq3A_195, %broadcast_in_dim3A_197, %get3A_191 : vector<16xi1>, vector<16xf32>
        %swap3A_199 = arith.constant 160 : index
        %swap3A_200 = tpu.vector_load %arg8[%swap3A_199] {strides = array<i32>} : memref<1040xf32, #tpu.memory_space<vmem>>, vector<16xf32>,
        %swap3A_201 = vector.shape_cast %swap3A_200 : vector<16xf32> to vector<16xf32>
        %swap3A_202 = vector.shape_cast %select_n3A_198 : vector<16xf32> to vector<16xf32>
        tpu.vector_store %arg8[%swap3A_199], %swap3A_202 {strides = array<i32>} : memref<1040xf32, #tpu.memory_space<vmem>>, vector<16xf32>,
        %gt3A_203 = arith.cmpf ogt, %select_n3A_198, %max3A_188 : vector<16xf32>
        %select_n3A_204 = arith.select %gt3A_203, %add3A_194, %select_n3A_187 : vector<16xi1>, vector<16xi32>
        %max3A_205 = arith.maximumf %max3A_188, %select_n3A_198 : vector<16xf32>
        %get3A_206 = arith.constant 176 : index
        %get3A_207 = tpu.vector_load %arg8[%get3A_206] {strides = array<i32>} : memref<1040xf32, #tpu.memory_space<vmem>>, vector<16xf32>,
        %get3A_208 = vector.shape_cast %get3A_207 : vector<16xf32> to vector<16xf32>
        %add3A_209 = arith.constant 176 : i32
        %add3A_210 = vector.broadcast %add3A_209 : i32 to vector<16xi32>
        %add3A_211 = arith.addi %iota3A, %add3A_210 : vector<16xi32>
        %eq3A_212 = arith.cmpi eq, %add3A_211, %scan3A_20 : vector<16xi32>
        %jit3A_213 = arith.constant -3.000000e+38 : f32
        %broadcast_in_dim3A_214 = vector.broadcast %jit3A_213 : f32 to vector<16xf32>
        %select_n3A_215 = arith.select %eq3A_212, %broadcast_in_dim3A_214, %get3A_208 : vector<16xi1>, vector<16xf32>
        %swap3A_216 = arith.constant 176 : index
        %swap3A_217 = tpu.vector_load %arg8[%swap3A_216] {strides = array<i32>} : memref<1040xf32, #tpu.memory_space<vmem>>, vector<16xf32>,
        %swap3A_218 = vector.shape_cast %swap3A_217 : vector<16xf32> to vector<16xf32>
        %swap3A_219 = vector.shape_cast %select_n3A_215 : vector<16xf32> to vector<16xf32>
        tpu.vector_store %arg8[%swap3A_216], %swap3A_219 {strides = array<i32>} : memref<1040xf32, #tpu.memory_space<vmem>>, vector<16xf32>,
        %gt3A_220 = arith.cmpf ogt, %select_n3A_215, %max3A_205 : vector<16xf32>
        %select_n3A_221 = arith.select %gt3A_220, %add3A_211, %select_n3A_204 : vector<16xi1>, vector<16xi32>
        %max3A_222 = arith.maximumf %max3A_205, %select_n3A_215 : vector<16xf32>
        %get3A_223 = arith.constant 192 : index
        %get3A_224 = tpu.vector_load %arg8[%get3A_223] {strides = array<i32>} : memref<1040xf32, #tpu.memory_space<vmem>>, vector<16xf32>,
        %get3A_225 = vector.shape_cast %get3A_224 : vector<16xf32> to vector<16xf32>
        %add3A_226 = arith.constant 192 : i32
        %add3A_227 = vector.broadcast %add3A_226 : i32 to vector<16xi32>
        %add3A_228 = arith.addi %iota3A, %add3A_227 : vector<16xi32>
        %eq3A_229 = arith.cmpi eq, %add3A_228, %scan3A_20 : vector<16xi32>
        %jit3A_230 = arith.constant -3.000000e+38 : f32
        %broadcast_in_dim3A_231 = vector.broadcast %jit3A_230 : f32 to vector<16xf32>
        %select_n3A_232 = arith.select %eq3A_229, %broadcast_in_dim3A_231, %get3A_225 : vector<16xi1>, vector<16xf32>
        %swap3A_233 = arith.constant 192 : index
        %swap3A_234 = tpu.vector_load %arg8[%swap3A_233] {strides = array<i32>} : memref<1040xf32, #tpu.memory_space<vmem>>, vector<16xf32>,
        %swap3A_235 = vector.shape_cast %swap3A_234 : vector<16xf32> to vector<16xf32>
        %swap3A_236 = vector.shape_cast %select_n3A_232 : vector<16xf32> to vector<16xf32>
        tpu.vector_store %arg8[%swap3A_233], %swap3A_236 {strides = array<i32>} : memref<1040xf32, #tpu.memory_space<vmem>>, vector<16xf32>,
        %gt3A_237 = arith.cmpf ogt, %select_n3A_232, %max3A_222 : vector<16xf32>
        %select_n3A_238 = arith.select %gt3A_237, %add3A_228, %select_n3A_221 : vector<16xi1>, vector<16xi32>
        %max3A_239 = arith.maximumf %max3A_222, %select_n3A_232 : vector<16xf32>
        %get3A_240 = arith.constant 208 : index
        %get3A_241 = tpu.vector_load %arg8[%get3A_240] {strides = array<i32>} : memref<1040xf32, #tpu.memory_space<vmem>>, vector<16xf32>,
        %get3A_242 = vector.shape_cast %get3A_241 : vector<16xf32> to vector<16xf32>
        %add3A_243 = arith.constant 208 : i32
        %add3A_244 = vector.broadcast %add3A_243 : i32 to vector<16xi32>
        %add3A_245 = arith.addi %iota3A, %add3A_244 : vector<16xi32>
        %eq3A_246 = arith.cmpi eq, %add3A_245, %scan3A_20 : vector<16xi32>
        %jit3A_247 = arith.constant -3.000000e+38 : f32
        %broadcast_in_dim3A_248 = vector.broadcast %jit3A_247 : f32 to vector<16xf32>
        %select_n3A_249 = arith.select %eq3A_246, %broadcast_in_dim3A_248, %get3A_242 : vector<16xi1>, vector<16xf32>
        %swap3A_250 = arith.constant 208 : index
        %swap3A_251 = tpu.vector_load %arg8[%swap3A_250] {strides = array<i32>} : memref<1040xf32, #tpu.memory_space<vmem>>, vector<16xf32>,
        %swap3A_252 = vector.shape_cast %swap3A_251 : vector<16xf32> to vector<16xf32>
        %swap3A_253 = vector.shape_cast %select_n3A_249 : vector<16xf32> to vector<16xf32>
        tpu.vector_store %arg8[%swap3A_250], %swap3A_253 {strides = array<i32>} : memref<1040xf32, #tpu.memory_space<vmem>>, vector<16xf32>,
        %gt3A_254 = arith.cmpf ogt, %select_n3A_249, %max3A_239 : vector<16xf32>
        %select_n3A_255 = arith.select %gt3A_254, %add3A_245, %select_n3A_238 : vector<16xi1>, vector<16xi32>
        %max3A_256 = arith.maximumf %max3A_239, %select_n3A_249 : vector<16xf32>
        %get3A_257 = arith.constant 224 : index
        %get3A_258 = tpu.vector_load %arg8[%get3A_257] {strides = array<i32>} : memref<1040xf32, #tpu.memory_space<vmem>>, vector<16xf32>,
        %get3A_259 = vector.shape_cast %get3A_258 : vector<16xf32> to vector<16xf32>
        %add3A_260 = arith.constant 224 : i32
        %add3A_261 = vector.broadcast %add3A_260 : i32 to vector<16xi32>
        %add3A_262 = arith.addi %iota3A, %add3A_261 : vector<16xi32>
        %eq3A_263 = arith.cmpi eq, %add3A_262, %scan3A_20 : vector<16xi32>
        %jit3A_264 = arith.constant -3.000000e+38 : f32
        %broadcast_in_dim3A_265 = vector.broadcast %jit3A_264 : f32 to vector<16xf32>
        %select_n3A_266 = arith.select %eq3A_263, %broadcast_in_dim3A_265, %get3A_259 : vector<16xi1>, vector<16xf32>
        %swap3A_267 = arith.constant 224 : index
        %swap3A_268 = tpu.vector_load %arg8[%swap3A_267] {strides = array<i32>} : memref<1040xf32, #tpu.memory_space<vmem>>, vector<16xf32>,
        %swap3A_269 = vector.shape_cast %swap3A_268 : vector<16xf32> to vector<16xf32>
        %swap3A_270 = vector.shape_cast %select_n3A_266 : vector<16xf32> to vector<16xf32>
        tpu.vector_store %arg8[%swap3A_267], %swap3A_270 {strides = array<i32>} : memref<1040xf32, #tpu.memory_space<vmem>>, vector<16xf32>,
        %gt3A_271 = arith.cmpf ogt, %select_n3A_266, %max3A_256 : vector<16xf32>
        %select_n3A_272 = arith.select %gt3A_271, %add3A_262, %select_n3A_255 : vector<16xi1>, vector<16xi32>
        %max3A_273 = arith.maximumf %max3A_256, %select_n3A_266 : vector<16xf32>
        %get3A_274 = arith.constant 240 : index
        %get3A_275 = tpu.vector_load %arg8[%get3A_274] {strides = array<i32>} : memref<1040xf32, #tpu.memory_space<vmem>>, vector<16xf32>,
        %get3A_276 = vector.shape_cast %get3A_275 : vector<16xf32> to vector<16xf32>
        %add3A_277 = arith.constant 240 : i32
        %add3A_278 = vector.broadcast %add3A_277 : i32 to vector<16xi32>
        %add3A_279 = arith.addi %iota3A, %add3A_278 : vector<16xi32>
        %eq3A_280 = arith.cmpi eq, %add3A_279, %scan3A_20 : vector<16xi32>
        %jit3A_281 = arith.constant -3.000000e+38 : f32
        %broadcast_in_dim3A_282 = vector.broadcast %jit3A_281 : f32 to vector<16xf32>
        %select_n3A_283 = arith.select %eq3A_280, %broadcast_in_dim3A_282, %get3A_276 : vector<16xi1>, vector<16xf32>
        %swap3A_284 = arith.constant 240 : index
        %swap3A_285 = tpu.vector_load %arg8[%swap3A_284] {strides = array<i32>} : memref<1040xf32, #tpu.memory_space<vmem>>, vector<16xf32>,
        %swap3A_286 = vector.shape_cast %swap3A_285 : vector<16xf32> to vector<16xf32>
        %swap3A_287 = vector.shape_cast %select_n3A_283 : vector<16xf32> to vector<16xf32>
        tpu.vector_store %arg8[%swap3A_284], %swap3A_287 {strides = array<i32>} : memref<1040xf32, #tpu.memory_space<vmem>>, vector<16xf32>,
        %gt3A_288 = arith.cmpf ogt, %select_n3A_283, %max3A_273 : vector<16xf32>
        %select_n3A_289 = arith.select %gt3A_288, %add3A_279, %select_n3A_272 : vector<16xi1>, vector<16xi32>
        %max3A_290 = arith.maximumf %max3A_273, %select_n3A_283 : vector<16xf32>
        %get3A_291 = arith.constant 256 : index
        %get3A_292 = tpu.vector_load %arg8[%get3A_291] {strides = array<i32>} : memref<1040xf32, #tpu.memory_space<vmem>>, vector<16xf32>,
        %get3A_293 = vector.shape_cast %get3A_292 : vector<16xf32> to vector<16xf32>
        %add3A_294 = arith.constant 256 : i32
        %add3A_295 = vector.broadcast %add3A_294 : i32 to vector<16xi32>
        %add3A_296 = arith.addi %iota3A, %add3A_295 : vector<16xi32>
        %eq3A_297 = arith.cmpi eq, %add3A_296, %scan3A_20 : vector<16xi32>
        %jit3A_298 = arith.constant -3.000000e+38 : f32
        %broadcast_in_dim3A_299 = vector.broadcast %jit3A_298 : f32 to vector<16xf32>
        %select_n3A_300 = arith.select %eq3A_297, %broadcast_in_dim3A_299, %get3A_293 : vector<16xi1>, vector<16xf32>
        %swap3A_301 = arith.constant 256 : index
        %swap3A_302 = tpu.vector_load %arg8[%swap3A_301] {strides = array<i32>} : memref<1040xf32, #tpu.memory_space<vmem>>, vector<16xf32>,
        %swap3A_303 = vector.shape_cast %swap3A_302 : vector<16xf32> to vector<16xf32>
        %swap3A_304 = vector.shape_cast %select_n3A_300 : vector<16xf32> to vector<16xf32>
        tpu.vector_store %arg8[%swap3A_301], %swap3A_304 {strides = array<i32>} : memref<1040xf32, #tpu.memory_space<vmem>>, vector<16xf32>,
        %gt3A_305 = arith.cmpf ogt, %select_n3A_300, %max3A_290 : vector<16xf32>
        %select_n3A_306 = arith.select %gt3A_305, %add3A_296, %select_n3A_289 : vector<16xi1>, vector<16xi32>
        %max3A_307 = arith.maximumf %max3A_290, %select_n3A_300 : vector<16xf32>
        %get3A_308 = arith.constant 272 : index
        %get3A_309 = tpu.vector_load %arg8[%get3A_308] {strides = array<i32>} : memref<1040xf32, #tpu.memory_space<vmem>>, vector<16xf32>,
        %get3A_310 = vector.shape_cast %get3A_309 : vector<16xf32> to vector<16xf32>
        %add3A_311 = arith.constant 272 : i32
        %add3A_312 = vector.broadcast %add3A_311 : i32 to vector<16xi32>
        %add3A_313 = arith.addi %iota3A, %add3A_312 : vector<16xi32>
        %eq3A_314 = arith.cmpi eq, %add3A_313, %scan3A_20 : vector<16xi32>
        %jit3A_315 = arith.constant -3.000000e+38 : f32
        %broadcast_in_dim3A_316 = vector.broadcast %jit3A_315 : f32 to vector<16xf32>
        %select_n3A_317 = arith.select %eq3A_314, %broadcast_in_dim3A_316, %get3A_310 : vector<16xi1>, vector<16xf32>
        %swap3A_318 = arith.constant 272 : index
        %swap3A_319 = tpu.vector_load %arg8[%swap3A_318] {strides = array<i32>} : memref<1040xf32, #tpu.memory_space<vmem>>, vector<16xf32>,
        %swap3A_320 = vector.shape_cast %swap3A_319 : vector<16xf32> to vector<16xf32>
        %swap3A_321 = vector.shape_cast %select_n3A_317 : vector<16xf32> to vector<16xf32>
        tpu.vector_store %arg8[%swap3A_318], %swap3A_321 {strides = array<i32>} : memref<1040xf32, #tpu.memory_space<vmem>>, vector<16xf32>,
        %gt3A_322 = arith.cmpf ogt, %select_n3A_317, %max3A_307 : vector<16xf32>
        %select_n3A_323 = arith.select %gt3A_322, %add3A_313, %select_n3A_306 : vector<16xi1>, vector<16xi32>
        %max3A_324 = arith.maximumf %max3A_307, %select_n3A_317 : vector<16xf32>
        %get3A_325 = arith.constant 288 : index
        %get3A_326 = tpu.vector_load %arg8[%get3A_325] {strides = array<i32>} : memref<1040xf32, #tpu.memory_space<vmem>>, vector<16xf32>,
        %get3A_327 = vector.shape_cast %get3A_326 : vector<16xf32> to vector<16xf32>
        %add3A_328 = arith.constant 288 : i32
        %add3A_329 = vector.broadcast %add3A_328 : i32 to vector<16xi32>
        %add3A_330 = arith.addi %iota3A, %add3A_329 : vector<16xi32>
        %eq3A_331 = arith.cmpi eq, %add3A_330, %scan3A_20 : vector<16xi32>
        %jit3A_332 = arith.constant -3.000000e+38 : f32
        %broadcast_in_dim3A_333 = vector.broadcast %jit3A_332 : f32 to vector<16xf32>
        %select_n3A_334 = arith.select %eq3A_331, %broadcast_in_dim3A_333, %get3A_327 : vector<16xi1>, vector<16xf32>
        %swap3A_335 = arith.constant 288 : index
        %swap3A_336 = tpu.vector_load %arg8[%swap3A_335] {strides = array<i32>} : memref<1040xf32, #tpu.memory_space<vmem>>, vector<16xf32>,
        %swap3A_337 = vector.shape_cast %swap3A_336 : vector<16xf32> to vector<16xf32>
        %swap3A_338 = vector.shape_cast %select_n3A_334 : vector<16xf32> to vector<16xf32>
        tpu.vector_store %arg8[%swap3A_335], %swap3A_338 {strides = array<i32>} : memref<1040xf32, #tpu.memory_space<vmem>>, vector<16xf32>,
        %gt3A_339 = arith.cmpf ogt, %select_n3A_334, %max3A_324 : vector<16xf32>
        %select_n3A_340 = arith.select %gt3A_339, %add3A_330, %select_n3A_323 : vector<16xi1>, vector<16xi32>
        %max3A_341 = arith.maximumf %max3A_324, %select_n3A_334 : vector<16xf32>
        %get3A_342 = arith.constant 304 : index
        %get3A_343 = tpu.vector_load %arg8[%get3A_342] {strides = array<i32>} : memref<1040xf32, #tpu.memory_space<vmem>>, vector<16xf32>,
        %get3A_344 = vector.shape_cast %get3A_343 : vector<16xf32> to vector<16xf32>
        %add3A_345 = arith.constant 304 : i32
        %add3A_346 = vector.broadcast %add3A_345 : i32 to vector<16xi32>
        %add3A_347 = arith.addi %iota3A, %add3A_346 : vector<16xi32>
        %eq3A_348 = arith.cmpi eq, %add3A_347, %scan3A_20 : vector<16xi32>
        %jit3A_349 = arith.constant -3.000000e+38 : f32
        %broadcast_in_dim3A_350 = vector.broadcast %jit3A_349 : f32 to vector<16xf32>
        %select_n3A_351 = arith.select %eq3A_348, %broadcast_in_dim3A_350, %get3A_344 : vector<16xi1>, vector<16xf32>
        %swap3A_352 = arith.constant 304 : index
        %swap3A_353 = tpu.vector_load %arg8[%swap3A_352] {strides = array<i32>} : memref<1040xf32, #tpu.memory_space<vmem>>, vector<16xf32>,
        %swap3A_354 = vector.shape_cast %swap3A_353 : vector<16xf32> to vector<16xf32>
        %swap3A_355 = vector.shape_cast %select_n3A_351 : vector<16xf32> to vector<16xf32>
        tpu.vector_store %arg8[%swap3A_352], %swap3A_355 {strides = array<i32>} : memref<1040xf32, #tpu.memory_space<vmem>>, vector<16xf32>,
        %gt3A_356 = arith.cmpf ogt, %select_n3A_351, %max3A_341 : vector<16xf32>
        %select_n3A_357 = arith.select %gt3A_356, %add3A_347, %select_n3A_340 : vector<16xi1>, vector<16xi32>
        %max3A_358 = arith.maximumf %max3A_341, %select_n3A_351 : vector<16xf32>
        %get3A_359 = arith.constant 320 : index
        %get3A_360 = tpu.vector_load %arg8[%get3A_359] {strides = array<i32>} : memref<1040xf32, #tpu.memory_space<vmem>>, vector<16xf32>,
        %get3A_361 = vector.shape_cast %get3A_360 : vector<16xf32> to vector<16xf32>
        %add3A_362 = arith.constant 320 : i32
        %add3A_363 = vector.broadcast %add3A_362 : i32 to vector<16xi32>
        %add3A_364 = arith.addi %iota3A, %add3A_363 : vector<16xi32>
        %eq3A_365 = arith.cmpi eq, %add3A_364, %scan3A_20 : vector<16xi32>
        %jit3A_366 = arith.constant -3.000000e+38 : f32
        %broadcast_in_dim3A_367 = vector.broadcast %jit3A_366 : f32 to vector<16xf32>
        %select_n3A_368 = arith.select %eq3A_365, %broadcast_in_dim3A_367, %get3A_361 : vector<16xi1>, vector<16xf32>
        %swap3A_369 = arith.constant 320 : index
        %swap3A_370 = tpu.vector_load %arg8[%swap3A_369] {strides = array<i32>} : memref<1040xf32, #tpu.memory_space<vmem>>, vector<16xf32>,
        %swap3A_371 = vector.shape_cast %swap3A_370 : vector<16xf32> to vector<16xf32>
        %swap3A_372 = vector.shape_cast %select_n3A_368 : vector<16xf32> to vector<16xf32>
        tpu.vector_store %arg8[%swap3A_369], %swap3A_372 {strides = array<i32>} : memref<1040xf32, #tpu.memory_space<vmem>>, vector<16xf32>,
        %gt3A_373 = arith.cmpf ogt, %select_n3A_368, %max3A_358 : vector<16xf32>
        %select_n3A_374 = arith.select %gt3A_373, %add3A_364, %select_n3A_357 : vector<16xi1>, vector<16xi32>
        %max3A_375 = arith.maximumf %max3A_358, %select_n3A_368 : vector<16xf32>
        %get3A_376 = arith.constant 336 : index
        %get3A_377 = tpu.vector_load %arg8[%get3A_376] {strides = array<i32>} : memref<1040xf32, #tpu.memory_space<vmem>>, vector<16xf32>,
        %get3A_378 = vector.shape_cast %get3A_377 : vector<16xf32> to vector<16xf32>
        %add3A_379 = arith.constant 336 : i32
        %add3A_380 = vector.broadcast %add3A_379 : i32 to vector<16xi32>
        %add3A_381 = arith.addi %iota3A, %add3A_380 : vector<16xi32>
        %eq3A_382 = arith.cmpi eq, %add3A_381, %scan3A_20 : vector<16xi32>
        %jit3A_383 = arith.constant -3.000000e+38 : f32
        %broadcast_in_dim3A_384 = vector.broadcast %jit3A_383 : f32 to vector<16xf32>
        %select_n3A_385 = arith.select %eq3A_382, %broadcast_in_dim3A_384, %get3A_378 : vector<16xi1>, vector<16xf32>
        %swap3A_386 = arith.constant 336 : index
        %swap3A_387 = tpu.vector_load %arg8[%swap3A_386] {strides = array<i32>} : memref<1040xf32, #tpu.memory_space<vmem>>, vector<16xf32>,
        %swap3A_388 = vector.shape_cast %swap3A_387 : vector<16xf32> to vector<16xf32>
        %swap3A_389 = vector.shape_cast %select_n3A_385 : vector<16xf32> to vector<16xf32>
        tpu.vector_store %arg8[%swap3A_386], %swap3A_389 {strides = array<i32>} : memref<1040xf32, #tpu.memory_space<vmem>>, vector<16xf32>,
        %gt3A_390 = arith.cmpf ogt, %select_n3A_385, %max3A_375 : vector<16xf32>
        %select_n3A_391 = arith.select %gt3A_390, %add3A_381, %select_n3A_374 : vector<16xi1>, vector<16xi32>
        %max3A_392 = arith.maximumf %max3A_375, %select_n3A_385 : vector<16xf32>
        %get3A_393 = arith.constant 352 : index
        %get3A_394 = tpu.vector_load %arg8[%get3A_393] {strides = array<i32>} : memref<1040xf32, #tpu.memory_space<vmem>>, vector<16xf32>,
        %get3A_395 = vector.shape_cast %get3A_394 : vector<16xf32> to vector<16xf32>
        %add3A_396 = arith.constant 352 : i32
        %add3A_397 = vector.broadcast %add3A_396 : i32 to vector<16xi32>
        %add3A_398 = arith.addi %iota3A, %add3A_397 : vector<16xi32>
        %eq3A_399 = arith.cmpi eq, %add3A_398, %scan3A_20 : vector<16xi32>
        %jit3A_400 = arith.constant -3.000000e+38 : f32
        %broadcast_in_dim3A_401 = vector.broadcast %jit3A_400 : f32 to vector<16xf32>
        %select_n3A_402 = arith.select %eq3A_399, %broadcast_in_dim3A_401, %get3A_395 : vector<16xi1>, vector<16xf32>
        %swap3A_403 = arith.constant 352 : index
        %swap3A_404 = tpu.vector_load %arg8[%swap3A_403] {strides = array<i32>} : memref<1040xf32, #tpu.memory_space<vmem>>, vector<16xf32>,
        %swap3A_405 = vector.shape_cast %swap3A_404 : vector<16xf32> to vector<16xf32>
        %swap3A_406 = vector.shape_cast %select_n3A_402 : vector<16xf32> to vector<16xf32>
        tpu.vector_store %arg8[%swap3A_403], %swap3A_406 {strides = array<i32>} : memref<1040xf32, #tpu.memory_space<vmem>>, vector<16xf32>,
        %gt3A_407 = arith.cmpf ogt, %select_n3A_402, %max3A_392 : vector<16xf32>
        %select_n3A_408 = arith.select %gt3A_407, %add3A_398, %select_n3A_391 : vector<16xi1>, vector<16xi32>
        %max3A_409 = arith.maximumf %max3A_392, %select_n3A_402 : vector<16xf32>
        %get3A_410 = arith.constant 368 : index
        %get3A_411 = tpu.vector_load %arg8[%get3A_410] {strides = array<i32>} : memref<1040xf32, #tpu.memory_space<vmem>>, vector<16xf32>,
        %get3A_412 = vector.shape_cast %get3A_411 : vector<16xf32> to vector<16xf32>
        %add3A_413 = arith.constant 368 : i32
        %add3A_414 = vector.broadcast %add3A_413 : i32 to vector<16xi32>
        %add3A_415 = arith.addi %iota3A, %add3A_414 : vector<16xi32>
        %eq3A_416 = arith.cmpi eq, %add3A_415, %scan3A_20 : vector<16xi32>
        %jit3A_417 = arith.constant -3.000000e+38 : f32
        %broadcast_in_dim3A_418 = vector.broadcast %jit3A_417 : f32 to vector<16xf32>
        %select_n3A_419 = arith.select %eq3A_416, %broadcast_in_dim3A_418, %get3A_412 : vector<16xi1>, vector<16xf32>
        %swap3A_420 = arith.constant 368 : index
        %swap3A_421 = tpu.vector_load %arg8[%swap3A_420] {strides = array<i32>} : memref<1040xf32, #tpu.memory_space<vmem>>, vector<16xf32>,
        %swap3A_422 = vector.shape_cast %swap3A_421 : vector<16xf32> to vector<16xf32>
        %swap3A_423 = vector.shape_cast %select_n3A_419 : vector<16xf32> to vector<16xf32>
        tpu.vector_store %arg8[%swap3A_420], %swap3A_423 {strides = array<i32>} : memref<1040xf32, #tpu.memory_space<vmem>>, vector<16xf32>,
        %gt3A_424 = arith.cmpf ogt, %select_n3A_419, %max3A_409 : vector<16xf32>
        %select_n3A_425 = arith.select %gt3A_424, %add3A_415, %select_n3A_408 : vector<16xi1>, vector<16xi32>
        %max3A_426 = arith.maximumf %max3A_409, %select_n3A_419 : vector<16xf32>
        %get3A_427 = arith.constant 384 : index
        %get3A_428 = tpu.vector_load %arg8[%get3A_427] {strides = array<i32>} : memref<1040xf32, #tpu.memory_space<vmem>>, vector<16xf32>,
        %get3A_429 = vector.shape_cast %get3A_428 : vector<16xf32> to vector<16xf32>
        %add3A_430 = arith.constant 384 : i32
        %add3A_431 = vector.broadcast %add3A_430 : i32 to vector<16xi32>
        %add3A_432 = arith.addi %iota3A, %add3A_431 : vector<16xi32>
        %eq3A_433 = arith.cmpi eq, %add3A_432, %scan3A_20 : vector<16xi32>
        %jit3A_434 = arith.constant -3.000000e+38 : f32
        %broadcast_in_dim3A_435 = vector.broadcast %jit3A_434 : f32 to vector<16xf32>
        %select_n3A_436 = arith.select %eq3A_433, %broadcast_in_dim3A_435, %get3A_429 : vector<16xi1>, vector<16xf32>
        %swap3A_437 = arith.constant 384 : index
        %swap3A_438 = tpu.vector_load %arg8[%swap3A_437] {strides = array<i32>} : memref<1040xf32, #tpu.memory_space<vmem>>, vector<16xf32>,
        %swap3A_439 = vector.shape_cast %swap3A_438 : vector<16xf32> to vector<16xf32>
        %swap3A_440 = vector.shape_cast %select_n3A_436 : vector<16xf32> to vector<16xf32>
        tpu.vector_store %arg8[%swap3A_437], %swap3A_440 {strides = array<i32>} : memref<1040xf32, #tpu.memory_space<vmem>>, vector<16xf32>,
        %gt3A_441 = arith.cmpf ogt, %select_n3A_436, %max3A_426 : vector<16xf32>
        %select_n3A_442 = arith.select %gt3A_441, %add3A_432, %select_n3A_425 : vector<16xi1>, vector<16xi32>
        %max3A_443 = arith.maximumf %max3A_426, %select_n3A_436 : vector<16xf32>
        %get3A_444 = arith.constant 400 : index
        %get3A_445 = tpu.vector_load %arg8[%get3A_444] {strides = array<i32>} : memref<1040xf32, #tpu.memory_space<vmem>>, vector<16xf32>,
        %get3A_446 = vector.shape_cast %get3A_445 : vector<16xf32> to vector<16xf32>
        %add3A_447 = arith.constant 400 : i32
        %add3A_448 = vector.broadcast %add3A_447 : i32 to vector<16xi32>
        %add3A_449 = arith.addi %iota3A, %add3A_448 : vector<16xi32>
        %eq3A_450 = arith.cmpi eq, %add3A_449, %scan3A_20 : vector<16xi32>
        %jit3A_451 = arith.constant -3.000000e+38 : f32
        %broadcast_in_dim3A_452 = vector.broadcast %jit3A_451 : f32 to vector<16xf32>
        %select_n3A_453 = arith.select %eq3A_450, %broadcast_in_dim3A_452, %get3A_446 : vector<16xi1>, vector<16xf32>
        %swap3A_454 = arith.constant 400 : index
        %swap3A_455 = tpu.vector_load %arg8[%swap3A_454] {strides = array<i32>} : memref<1040xf32, #tpu.memory_space<vmem>>, vector<16xf32>,
        %swap3A_456 = vector.shape_cast %swap3A_455 : vector<16xf32> to vector<16xf32>
        %swap3A_457 = vector.shape_cast %select_n3A_453 : vector<16xf32> to vector<16xf32>
        tpu.vector_store %arg8[%swap3A_454], %swap3A_457 {strides = array<i32>} : memref<1040xf32, #tpu.memory_space<vmem>>, vector<16xf32>,
        %gt3A_458 = arith.cmpf ogt, %select_n3A_453, %max3A_443 : vector<16xf32>
        %select_n3A_459 = arith.select %gt3A_458, %add3A_449, %select_n3A_442 : vector<16xi1>, vector<16xi32>
        %max3A_460 = arith.maximumf %max3A_443, %select_n3A_453 : vector<16xf32>
        %get3A_461 = arith.constant 416 : index
        %get3A_462 = tpu.vector_load %arg8[%get3A_461] {strides = array<i32>} : memref<1040xf32, #tpu.memory_space<vmem>>, vector<16xf32>,
        %get3A_463 = vector.shape_cast %get3A_462 : vector<16xf32> to vector<16xf32>
        %add3A_464 = arith.constant 416 : i32
        %add3A_465 = vector.broadcast %add3A_464 : i32 to vector<16xi32>
        %add3A_466 = arith.addi %iota3A, %add3A_465 : vector<16xi32>
        %eq3A_467 = arith.cmpi eq, %add3A_466, %scan3A_20 : vector<16xi32>
        %jit3A_468 = arith.constant -3.000000e+38 : f32
        %broadcast_in_dim3A_469 = vector.broadcast %jit3A_468 : f32 to vector<16xf32>
        %select_n3A_470 = arith.select %eq3A_467, %broadcast_in_dim3A_469, %get3A_463 : vector<16xi1>, vector<16xf32>
        %swap3A_471 = arith.constant 416 : index
        %swap3A_472 = tpu.vector_load %arg8[%swap3A_471] {strides = array<i32>} : memref<1040xf32, #tpu.memory_space<vmem>>, vector<16xf32>,
        %swap3A_473 = vector.shape_cast %swap3A_472 : vector<16xf32> to vector<16xf32>
        %swap3A_474 = vector.shape_cast %select_n3A_470 : vector<16xf32> to vector<16xf32>
        tpu.vector_store %arg8[%swap3A_471], %swap3A_474 {strides = array<i32>} : memref<1040xf32, #tpu.memory_space<vmem>>, vector<16xf32>,
        %gt3A_475 = arith.cmpf ogt, %select_n3A_470, %max3A_460 : vector<16xf32>
        %select_n3A_476 = arith.select %gt3A_475, %add3A_466, %select_n3A_459 : vector<16xi1>, vector<16xi32>
        %max3A_477 = arith.maximumf %max3A_460, %select_n3A_470 : vector<16xf32>
        %get3A_478 = arith.constant 432 : index
        %get3A_479 = tpu.vector_load %arg8[%get3A_478] {strides = array<i32>} : memref<1040xf32, #tpu.memory_space<vmem>>, vector<16xf32>,
        %get3A_480 = vector.shape_cast %get3A_479 : vector<16xf32> to vector<16xf32>
        %add3A_481 = arith.constant 432 : i32
        %add3A_482 = vector.broadcast %add3A_481 : i32 to vector<16xi32>
        %add3A_483 = arith.addi %iota3A, %add3A_482 : vector<16xi32>
        %eq3A_484 = arith.cmpi eq, %add3A_483, %scan3A_20 : vector<16xi32>
        %jit3A_485 = arith.constant -3.000000e+38 : f32
        %broadcast_in_dim3A_486 = vector.broadcast %jit3A_485 : f32 to vector<16xf32>
        %select_n3A_487 = arith.select %eq3A_484, %broadcast_in_dim3A_486, %get3A_480 : vector<16xi1>, vector<16xf32>
        %swap3A_488 = arith.constant 432 : index
        %swap3A_489 = tpu.vector_load %arg8[%swap3A_488] {strides = array<i32>} : memref<1040xf32, #tpu.memory_space<vmem>>, vector<16xf32>,
        %swap3A_490 = vector.shape_cast %swap3A_489 : vector<16xf32> to vector<16xf32>
        %swap3A_491 = vector.shape_cast %select_n3A_487 : vector<16xf32> to vector<16xf32>
        tpu.vector_store %arg8[%swap3A_488], %swap3A_491 {strides = array<i32>} : memref<1040xf32, #tpu.memory_space<vmem>>, vector<16xf32>,
        %gt3A_492 = arith.cmpf ogt, %select_n3A_487, %max3A_477 : vector<16xf32>
        %select_n3A_493 = arith.select %gt3A_492, %add3A_483, %select_n3A_476 : vector<16xi1>, vector<16xi32>
        %max3A_494 = arith.maximumf %max3A_477, %select_n3A_487 : vector<16xf32>
        %get3A_495 = arith.constant 448 : index
        %get3A_496 = tpu.vector_load %arg8[%get3A_495] {strides = array<i32>} : memref<1040xf32, #tpu.memory_space<vmem>>, vector<16xf32>,
        %get3A_497 = vector.shape_cast %get3A_496 : vector<16xf32> to vector<16xf32>
        %add3A_498 = arith.constant 448 : i32
        %add3A_499 = vector.broadcast %add3A_498 : i32 to vector<16xi32>
        %add3A_500 = arith.addi %iota3A, %add3A_499 : vector<16xi32>
        %eq3A_501 = arith.cmpi eq, %add3A_500, %scan3A_20 : vector<16xi32>
        %jit3A_502 = arith.constant -3.000000e+38 : f32
        %broadcast_in_dim3A_503 = vector.broadcast %jit3A_502 : f32 to vector<16xf32>
        %select_n3A_504 = arith.select %eq3A_501, %broadcast_in_dim3A_503, %get3A_497 : vector<16xi1>, vector<16xf32>
        %swap3A_505 = arith.constant 448 : index
        %swap3A_506 = tpu.vector_load %arg8[%swap3A_505] {strides = array<i32>} : memref<1040xf32, #tpu.memory_space<vmem>>, vector<16xf32>,
        %swap3A_507 = vector.shape_cast %swap3A_506 : vector<16xf32> to vector<16xf32>
        %swap3A_508 = vector.shape_cast %select_n3A_504 : vector<16xf32> to vector<16xf32>
        tpu.vector_store %arg8[%swap3A_505], %swap3A_508 {strides = array<i32>} : memref<1040xf32, #tpu.memory_space<vmem>>, vector<16xf32>,
        %gt3A_509 = arith.cmpf ogt, %select_n3A_504, %max3A_494 : vector<16xf32>
        %select_n3A_510 = arith.select %gt3A_509, %add3A_500, %select_n3A_493 : vector<16xi1>, vector<16xi32>
        %max3A_511 = arith.maximumf %max3A_494, %select_n3A_504 : vector<16xf32>
        %get3A_512 = arith.constant 464 : index
        %get3A_513 = tpu.vector_load %arg8[%get3A_512] {strides = array<i32>} : memref<1040xf32, #tpu.memory_space<vmem>>, vector<16xf32>,
        %get3A_514 = vector.shape_cast %get3A_513 : vector<16xf32> to vector<16xf32>
        %add3A_515 = arith.constant 464 : i32
        %add3A_516 = vector.broadcast %add3A_515 : i32 to vector<16xi32>
        %add3A_517 = arith.addi %iota3A, %add3A_516 : vector<16xi32>
        %eq3A_518 = arith.cmpi eq, %add3A_517, %scan3A_20 : vector<16xi32>
        %jit3A_519 = arith.constant -3.000000e+38 : f32
        %broadcast_in_dim3A_520 = vector.broadcast %jit3A_519 : f32 to vector<16xf32>
        %select_n3A_521 = arith.select %eq3A_518, %broadcast_in_dim3A_520, %get3A_514 : vector<16xi1>, vector<16xf32>
        %swap3A_522 = arith.constant 464 : index
        %swap3A_523 = tpu.vector_load %arg8[%swap3A_522] {strides = array<i32>} : memref<1040xf32, #tpu.memory_space<vmem>>, vector<16xf32>,
        %swap3A_524 = vector.shape_cast %swap3A_523 : vector<16xf32> to vector<16xf32>
        %swap3A_525 = vector.shape_cast %select_n3A_521 : vector<16xf32> to vector<16xf32>
        tpu.vector_store %arg8[%swap3A_522], %swap3A_525 {strides = array<i32>} : memref<1040xf32, #tpu.memory_space<vmem>>, vector<16xf32>,
        %gt3A_526 = arith.cmpf ogt, %select_n3A_521, %max3A_511 : vector<16xf32>
        %select_n3A_527 = arith.select %gt3A_526, %add3A_517, %select_n3A_510 : vector<16xi1>, vector<16xi32>
        %max3A_528 = arith.maximumf %max3A_511, %select_n3A_521 : vector<16xf32>
        %get3A_529 = arith.constant 480 : index
        %get3A_530 = tpu.vector_load %arg8[%get3A_529] {strides = array<i32>} : memref<1040xf32, #tpu.memory_space<vmem>>, vector<16xf32>,
        %get3A_531 = vector.shape_cast %get3A_530 : vector<16xf32> to vector<16xf32>
        %add3A_532 = arith.constant 480 : i32
        %add3A_533 = vector.broadcast %add3A_532 : i32 to vector<16xi32>
        %add3A_534 = arith.addi %iota3A, %add3A_533 : vector<16xi32>
        %eq3A_535 = arith.cmpi eq, %add3A_534, %scan3A_20 : vector<16xi32>
        %jit3A_536 = arith.constant -3.000000e+38 : f32
        %broadcast_in_dim3A_537 = vector.broadcast %jit3A_536 : f32 to vector<16xf32>
        %select_n3A_538 = arith.select %eq3A_535, %broadcast_in_dim3A_537, %get3A_531 : vector<16xi1>, vector<16xf32>
        %swap3A_539 = arith.constant 480 : index
        %swap3A_540 = tpu.vector_load %arg8[%swap3A_539] {strides = array<i32>} : memref<1040xf32, #tpu.memory_space<vmem>>, vector<16xf32>,
        %swap3A_541 = vector.shape_cast %swap3A_540 : vector<16xf32> to vector<16xf32>
        %swap3A_542 = vector.shape_cast %select_n3A_538 : vector<16xf32> to vector<16xf32>
        tpu.vector_store %arg8[%swap3A_539], %swap3A_542 {strides = array<i32>} : memref<1040xf32, #tpu.memory_space<vmem>>, vector<16xf32>,
        %gt3A_543 = arith.cmpf ogt, %select_n3A_538, %max3A_528 : vector<16xf32>
        %select_n3A_544 = arith.select %gt3A_543, %add3A_534, %select_n3A_527 : vector<16xi1>, vector<16xi32>
        %max3A_545 = arith.maximumf %max3A_528, %select_n3A_538 : vector<16xf32>
        %get3A_546 = arith.constant 496 : index
        %get3A_547 = tpu.vector_load %arg8[%get3A_546] {strides = array<i32>} : memref<1040xf32, #tpu.memory_space<vmem>>, vector<16xf32>,
        %get3A_548 = vector.shape_cast %get3A_547 : vector<16xf32> to vector<16xf32>
        %add3A_549 = arith.constant 496 : i32
        %add3A_550 = vector.broadcast %add3A_549 : i32 to vector<16xi32>
        %add3A_551 = arith.addi %iota3A, %add3A_550 : vector<16xi32>
        %eq3A_552 = arith.cmpi eq, %add3A_551, %scan3A_20 : vector<16xi32>
        %jit3A_553 = arith.constant -3.000000e+38 : f32
        %broadcast_in_dim3A_554 = vector.broadcast %jit3A_553 : f32 to vector<16xf32>
        %select_n3A_555 = arith.select %eq3A_552, %broadcast_in_dim3A_554, %get3A_548 : vector<16xi1>, vector<16xf32>
        %swap3A_556 = arith.constant 496 : index
        %swap3A_557 = tpu.vector_load %arg8[%swap3A_556] {strides = array<i32>} : memref<1040xf32, #tpu.memory_space<vmem>>, vector<16xf32>,
        %swap3A_558 = vector.shape_cast %swap3A_557 : vector<16xf32> to vector<16xf32>
        %swap3A_559 = vector.shape_cast %select_n3A_555 : vector<16xf32> to vector<16xf32>
        tpu.vector_store %arg8[%swap3A_556], %swap3A_559 {strides = array<i32>} : memref<1040xf32, #tpu.memory_space<vmem>>, vector<16xf32>,
        %gt3A_560 = arith.cmpf ogt, %select_n3A_555, %max3A_545 : vector<16xf32>
        %select_n3A_561 = arith.select %gt3A_560, %add3A_551, %select_n3A_544 : vector<16xi1>, vector<16xi32>
        %max3A_562 = arith.maximumf %max3A_545, %select_n3A_555 : vector<16xf32>
        %get3A_563 = arith.constant 512 : index
        %get3A_564 = tpu.vector_load %arg8[%get3A_563] {strides = array<i32>} : memref<1040xf32, #tpu.memory_space<vmem>>, vector<16xf32>,
        %get3A_565 = vector.shape_cast %get3A_564 : vector<16xf32> to vector<16xf32>
        %add3A_566 = arith.constant 512 : i32
        %add3A_567 = vector.broadcast %add3A_566 : i32 to vector<16xi32>
        %add3A_568 = arith.addi %iota3A, %add3A_567 : vector<16xi32>
        %eq3A_569 = arith.cmpi eq, %add3A_568, %scan3A_20 : vector<16xi32>
        %jit3A_570 = arith.constant -3.000000e+38 : f32
        %broadcast_in_dim3A_571 = vector.broadcast %jit3A_570 : f32 to vector<16xf32>
        %select_n3A_572 = arith.select %eq3A_569, %broadcast_in_dim3A_571, %get3A_565 : vector<16xi1>, vector<16xf32>
        %swap3A_573 = arith.constant 512 : index
        %swap3A_574 = tpu.vector_load %arg8[%swap3A_573] {strides = array<i32>} : memref<1040xf32, #tpu.memory_space<vmem>>, vector<16xf32>,
        %swap3A_575 = vector.shape_cast %swap3A_574 : vector<16xf32> to vector<16xf32>
        %swap3A_576 = vector.shape_cast %select_n3A_572 : vector<16xf32> to vector<16xf32>
        tpu.vector_store %arg8[%swap3A_573], %swap3A_576 {strides = array<i32>} : memref<1040xf32, #tpu.memory_space<vmem>>, vector<16xf32>,
        %gt3A_577 = arith.cmpf ogt, %select_n3A_572, %max3A_562 : vector<16xf32>
        %select_n3A_578 = arith.select %gt3A_577, %add3A_568, %select_n3A_561 : vector<16xi1>, vector<16xi32>
        %max3A_579 = arith.maximumf %max3A_562, %select_n3A_572 : vector<16xf32>
        %get3A_580 = arith.constant 528 : index
        %get3A_581 = tpu.vector_load %arg8[%get3A_580] {strides = array<i32>} : memref<1040xf32, #tpu.memory_space<vmem>>, vector<16xf32>,
        %get3A_582 = vector.shape_cast %get3A_581 : vector<16xf32> to vector<16xf32>
        %add3A_583 = arith.constant 528 : i32
        %add3A_584 = vector.broadcast %add3A_583 : i32 to vector<16xi32>
        %add3A_585 = arith.addi %iota3A, %add3A_584 : vector<16xi32>
        %eq3A_586 = arith.cmpi eq, %add3A_585, %scan3A_20 : vector<16xi32>
        %jit3A_587 = arith.constant -3.000000e+38 : f32
        %broadcast_in_dim3A_588 = vector.broadcast %jit3A_587 : f32 to vector<16xf32>
        %select_n3A_589 = arith.select %eq3A_586, %broadcast_in_dim3A_588, %get3A_582 : vector<16xi1>, vector<16xf32>
        %swap3A_590 = arith.constant 528 : index
        %swap3A_591 = tpu.vector_load %arg8[%swap3A_590] {strides = array<i32>} : memref<1040xf32, #tpu.memory_space<vmem>>, vector<16xf32>,
        %swap3A_592 = vector.shape_cast %swap3A_591 : vector<16xf32> to vector<16xf32>
        %swap3A_593 = vector.shape_cast %select_n3A_589 : vector<16xf32> to vector<16xf32>
        tpu.vector_store %arg8[%swap3A_590], %swap3A_593 {strides = array<i32>} : memref<1040xf32, #tpu.memory_space<vmem>>, vector<16xf32>,
        %gt3A_594 = arith.cmpf ogt, %select_n3A_589, %max3A_579 : vector<16xf32>
        %select_n3A_595 = arith.select %gt3A_594, %add3A_585, %select_n3A_578 : vector<16xi1>, vector<16xi32>
        %max3A_596 = arith.maximumf %max3A_579, %select_n3A_589 : vector<16xf32>
        %get3A_597 = arith.constant 544 : index
        %get3A_598 = tpu.vector_load %arg8[%get3A_597] {strides = array<i32>} : memref<1040xf32, #tpu.memory_space<vmem>>, vector<16xf32>,
        %get3A_599 = vector.shape_cast %get3A_598 : vector<16xf32> to vector<16xf32>
        %add3A_600 = arith.constant 544 : i32
        %add3A_601 = vector.broadcast %add3A_600 : i32 to vector<16xi32>
        %add3A_602 = arith.addi %iota3A, %add3A_601 : vector<16xi32>
        %eq3A_603 = arith.cmpi eq, %add3A_602, %scan3A_20 : vector<16xi32>
        %jit3A_604 = arith.constant -3.000000e+38 : f32
        %broadcast_in_dim3A_605 = vector.broadcast %jit3A_604 : f32 to vector<16xf32>
        %select_n3A_606 = arith.select %eq3A_603, %broadcast_in_dim3A_605, %get3A_599 : vector<16xi1>, vector<16xf32>
        %swap3A_607 = arith.constant 544 : index
        %swap3A_608 = tpu.vector_load %arg8[%swap3A_607] {strides = array<i32>} : memref<1040xf32, #tpu.memory_space<vmem>>, vector<16xf32>,
        %swap3A_609 = vector.shape_cast %swap3A_608 : vector<16xf32> to vector<16xf32>
        %swap3A_610 = vector.shape_cast %select_n3A_606 : vector<16xf32> to vector<16xf32>
        tpu.vector_store %arg8[%swap3A_607], %swap3A_610 {strides = array<i32>} : memref<1040xf32, #tpu.memory_space<vmem>>, vector<16xf32>,
        %gt3A_611 = arith.cmpf ogt, %select_n3A_606, %max3A_596 : vector<16xf32>
        %select_n3A_612 = arith.select %gt3A_611, %add3A_602, %select_n3A_595 : vector<16xi1>, vector<16xi32>
        %max3A_613 = arith.maximumf %max3A_596, %select_n3A_606 : vector<16xf32>
        %get3A_614 = arith.constant 560 : index
        %get3A_615 = tpu.vector_load %arg8[%get3A_614] {strides = array<i32>} : memref<1040xf32, #tpu.memory_space<vmem>>, vector<16xf32>,
        %get3A_616 = vector.shape_cast %get3A_615 : vector<16xf32> to vector<16xf32>
        %add3A_617 = arith.constant 560 : i32
        %add3A_618 = vector.broadcast %add3A_617 : i32 to vector<16xi32>
        %add3A_619 = arith.addi %iota3A, %add3A_618 : vector<16xi32>
        %eq3A_620 = arith.cmpi eq, %add3A_619, %scan3A_20 : vector<16xi32>
        %jit3A_621 = arith.constant -3.000000e+38 : f32
        %broadcast_in_dim3A_622 = vector.broadcast %jit3A_621 : f32 to vector<16xf32>
        %select_n3A_623 = arith.select %eq3A_620, %broadcast_in_dim3A_622, %get3A_616 : vector<16xi1>, vector<16xf32>
        %swap3A_624 = arith.constant 560 : index
        %swap3A_625 = tpu.vector_load %arg8[%swap3A_624] {strides = array<i32>} : memref<1040xf32, #tpu.memory_space<vmem>>, vector<16xf32>,
        %swap3A_626 = vector.shape_cast %swap3A_625 : vector<16xf32> to vector<16xf32>
        %swap3A_627 = vector.shape_cast %select_n3A_623 : vector<16xf32> to vector<16xf32>
        tpu.vector_store %arg8[%swap3A_624], %swap3A_627 {strides = array<i32>} : memref<1040xf32, #tpu.memory_space<vmem>>, vector<16xf32>,
        %gt3A_628 = arith.cmpf ogt, %select_n3A_623, %max3A_613 : vector<16xf32>
        %select_n3A_629 = arith.select %gt3A_628, %add3A_619, %select_n3A_612 : vector<16xi1>, vector<16xi32>
        %max3A_630 = arith.maximumf %max3A_613, %select_n3A_623 : vector<16xf32>
        %get3A_631 = arith.constant 576 : index
        %get3A_632 = tpu.vector_load %arg8[%get3A_631] {strides = array<i32>} : memref<1040xf32, #tpu.memory_space<vmem>>, vector<16xf32>,
        %get3A_633 = vector.shape_cast %get3A_632 : vector<16xf32> to vector<16xf32>
        %add3A_634 = arith.constant 576 : i32
        %add3A_635 = vector.broadcast %add3A_634 : i32 to vector<16xi32>
        %add3A_636 = arith.addi %iota3A, %add3A_635 : vector<16xi32>
        %eq3A_637 = arith.cmpi eq, %add3A_636, %scan3A_20 : vector<16xi32>
        %jit3A_638 = arith.constant -3.000000e+38 : f32
        %broadcast_in_dim3A_639 = vector.broadcast %jit3A_638 : f32 to vector<16xf32>
        %select_n3A_640 = arith.select %eq3A_637, %broadcast_in_dim3A_639, %get3A_633 : vector<16xi1>, vector<16xf32>
        %swap3A_641 = arith.constant 576 : index
        %swap3A_642 = tpu.vector_load %arg8[%swap3A_641] {strides = array<i32>} : memref<1040xf32, #tpu.memory_space<vmem>>, vector<16xf32>,
        %swap3A_643 = vector.shape_cast %swap3A_642 : vector<16xf32> to vector<16xf32>
        %swap3A_644 = vector.shape_cast %select_n3A_640 : vector<16xf32> to vector<16xf32>
        tpu.vector_store %arg8[%swap3A_641], %swap3A_644 {strides = array<i32>} : memref<1040xf32, #tpu.memory_space<vmem>>, vector<16xf32>,
        %gt3A_645 = arith.cmpf ogt, %select_n3A_640, %max3A_630 : vector<16xf32>
        %select_n3A_646 = arith.select %gt3A_645, %add3A_636, %select_n3A_629 : vector<16xi1>, vector<16xi32>
        %max3A_647 = arith.maximumf %max3A_630, %select_n3A_640 : vector<16xf32>
        %get3A_648 = arith.constant 592 : index
        %get3A_649 = tpu.vector_load %arg8[%get3A_648] {strides = array<i32>} : memref<1040xf32, #tpu.memory_space<vmem>>, vector<16xf32>,
        %get3A_650 = vector.shape_cast %get3A_649 : vector<16xf32> to vector<16xf32>
        %add3A_651 = arith.constant 592 : i32
        %add3A_652 = vector.broadcast %add3A_651 : i32 to vector<16xi32>
        %add3A_653 = arith.addi %iota3A, %add3A_652 : vector<16xi32>
        %eq3A_654 = arith.cmpi eq, %add3A_653, %scan3A_20 : vector<16xi32>
        %jit3A_655 = arith.constant -3.000000e+38 : f32
        %broadcast_in_dim3A_656 = vector.broadcast %jit3A_655 : f32 to vector<16xf32>
        %select_n3A_657 = arith.select %eq3A_654, %broadcast_in_dim3A_656, %get3A_650 : vector<16xi1>, vector<16xf32>
        %swap3A_658 = arith.constant 592 : index
        %swap3A_659 = tpu.vector_load %arg8[%swap3A_658] {strides = array<i32>} : memref<1040xf32, #tpu.memory_space<vmem>>, vector<16xf32>,
        %swap3A_660 = vector.shape_cast %swap3A_659 : vector<16xf32> to vector<16xf32>
        %swap3A_661 = vector.shape_cast %select_n3A_657 : vector<16xf32> to vector<16xf32>
        tpu.vector_store %arg8[%swap3A_658], %swap3A_661 {strides = array<i32>} : memref<1040xf32, #tpu.memory_space<vmem>>, vector<16xf32>,
        %gt3A_662 = arith.cmpf ogt, %select_n3A_657, %max3A_647 : vector<16xf32>
        %select_n3A_663 = arith.select %gt3A_662, %add3A_653, %select_n3A_646 : vector<16xi1>, vector<16xi32>
        %max3A_664 = arith.maximumf %max3A_647, %select_n3A_657 : vector<16xf32>
        %get3A_665 = arith.constant 608 : index
        %get3A_666 = tpu.vector_load %arg8[%get3A_665] {strides = array<i32>} : memref<1040xf32, #tpu.memory_space<vmem>>, vector<16xf32>,
        %get3A_667 = vector.shape_cast %get3A_666 : vector<16xf32> to vector<16xf32>
        %add3A_668 = arith.constant 608 : i32
        %add3A_669 = vector.broadcast %add3A_668 : i32 to vector<16xi32>
        %add3A_670 = arith.addi %iota3A, %add3A_669 : vector<16xi32>
        %eq3A_671 = arith.cmpi eq, %add3A_670, %scan3A_20 : vector<16xi32>
        %jit3A_672 = arith.constant -3.000000e+38 : f32
        %broadcast_in_dim3A_673 = vector.broadcast %jit3A_672 : f32 to vector<16xf32>
        %select_n3A_674 = arith.select %eq3A_671, %broadcast_in_dim3A_673, %get3A_667 : vector<16xi1>, vector<16xf32>
        %swap3A_675 = arith.constant 608 : index
        %swap3A_676 = tpu.vector_load %arg8[%swap3A_675] {strides = array<i32>} : memref<1040xf32, #tpu.memory_space<vmem>>, vector<16xf32>,
        %swap3A_677 = vector.shape_cast %swap3A_676 : vector<16xf32> to vector<16xf32>
        %swap3A_678 = vector.shape_cast %select_n3A_674 : vector<16xf32> to vector<16xf32>
        tpu.vector_store %arg8[%swap3A_675], %swap3A_678 {strides = array<i32>} : memref<1040xf32, #tpu.memory_space<vmem>>, vector<16xf32>,
        %gt3A_679 = arith.cmpf ogt, %select_n3A_674, %max3A_664 : vector<16xf32>
        %select_n3A_680 = arith.select %gt3A_679, %add3A_670, %select_n3A_663 : vector<16xi1>, vector<16xi32>
        %max3A_681 = arith.maximumf %max3A_664, %select_n3A_674 : vector<16xf32>
        %get3A_682 = arith.constant 624 : index
        %get3A_683 = tpu.vector_load %arg8[%get3A_682] {strides = array<i32>} : memref<1040xf32, #tpu.memory_space<vmem>>, vector<16xf32>,
        %get3A_684 = vector.shape_cast %get3A_683 : vector<16xf32> to vector<16xf32>
        %add3A_685 = arith.constant 624 : i32
        %add3A_686 = vector.broadcast %add3A_685 : i32 to vector<16xi32>
        %add3A_687 = arith.addi %iota3A, %add3A_686 : vector<16xi32>
        %eq3A_688 = arith.cmpi eq, %add3A_687, %scan3A_20 : vector<16xi32>
        %jit3A_689 = arith.constant -3.000000e+38 : f32
        %broadcast_in_dim3A_690 = vector.broadcast %jit3A_689 : f32 to vector<16xf32>
        %select_n3A_691 = arith.select %eq3A_688, %broadcast_in_dim3A_690, %get3A_684 : vector<16xi1>, vector<16xf32>
        %swap3A_692 = arith.constant 624 : index
        %swap3A_693 = tpu.vector_load %arg8[%swap3A_692] {strides = array<i32>} : memref<1040xf32, #tpu.memory_space<vmem>>, vector<16xf32>,
        %swap3A_694 = vector.shape_cast %swap3A_693 : vector<16xf32> to vector<16xf32>
        %swap3A_695 = vector.shape_cast %select_n3A_691 : vector<16xf32> to vector<16xf32>
        tpu.vector_store %arg8[%swap3A_692], %swap3A_695 {strides = array<i32>} : memref<1040xf32, #tpu.memory_space<vmem>>, vector<16xf32>,
        %gt3A_696 = arith.cmpf ogt, %select_n3A_691, %max3A_681 : vector<16xf32>
        %select_n3A_697 = arith.select %gt3A_696, %add3A_687, %select_n3A_680 : vector<16xi1>, vector<16xi32>
        %max3A_698 = arith.maximumf %max3A_681, %select_n3A_691 : vector<16xf32>
        %get3A_699 = arith.constant 640 : index
        %get3A_700 = tpu.vector_load %arg8[%get3A_699] {strides = array<i32>} : memref<1040xf32, #tpu.memory_space<vmem>>, vector<16xf32>,
        %get3A_701 = vector.shape_cast %get3A_700 : vector<16xf32> to vector<16xf32>
        %add3A_702 = arith.constant 640 : i32
        %add3A_703 = vector.broadcast %add3A_702 : i32 to vector<16xi32>
        %add3A_704 = arith.addi %iota3A, %add3A_703 : vector<16xi32>
        %eq3A_705 = arith.cmpi eq, %add3A_704, %scan3A_20 : vector<16xi32>
        %jit3A_706 = arith.constant -3.000000e+38 : f32
        %broadcast_in_dim3A_707 = vector.broadcast %jit3A_706 : f32 to vector<16xf32>
        %select_n3A_708 = arith.select %eq3A_705, %broadcast_in_dim3A_707, %get3A_701 : vector<16xi1>, vector<16xf32>
        %swap3A_709 = arith.constant 640 : index
        %swap3A_710 = tpu.vector_load %arg8[%swap3A_709] {strides = array<i32>} : memref<1040xf32, #tpu.memory_space<vmem>>, vector<16xf32>,
        %swap3A_711 = vector.shape_cast %swap3A_710 : vector<16xf32> to vector<16xf32>
        %swap3A_712 = vector.shape_cast %select_n3A_708 : vector<16xf32> to vector<16xf32>
        tpu.vector_store %arg8[%swap3A_709], %swap3A_712 {strides = array<i32>} : memref<1040xf32, #tpu.memory_space<vmem>>, vector<16xf32>,
        %gt3A_713 = arith.cmpf ogt, %select_n3A_708, %max3A_698 : vector<16xf32>
        %select_n3A_714 = arith.select %gt3A_713, %add3A_704, %select_n3A_697 : vector<16xi1>, vector<16xi32>
        %max3A_715 = arith.maximumf %max3A_698, %select_n3A_708 : vector<16xf32>
        %get3A_716 = arith.constant 656 : index
        %get3A_717 = tpu.vector_load %arg8[%get3A_716] {strides = array<i32>} : memref<1040xf32, #tpu.memory_space<vmem>>, vector<16xf32>,
        %get3A_718 = vector.shape_cast %get3A_717 : vector<16xf32> to vector<16xf32>
        %add3A_719 = arith.constant 656 : i32
        %add3A_720 = vector.broadcast %add3A_719 : i32 to vector<16xi32>
        %add3A_721 = arith.addi %iota3A, %add3A_720 : vector<16xi32>
        %eq3A_722 = arith.cmpi eq, %add3A_721, %scan3A_20 : vector<16xi32>
        %jit3A_723 = arith.constant -3.000000e+38 : f32
        %broadcast_in_dim3A_724 = vector.broadcast %jit3A_723 : f32 to vector<16xf32>
        %select_n3A_725 = arith.select %eq3A_722, %broadcast_in_dim3A_724, %get3A_718 : vector<16xi1>, vector<16xf32>
        %swap3A_726 = arith.constant 656 : index
        %swap3A_727 = tpu.vector_load %arg8[%swap3A_726] {strides = array<i32>} : memref<1040xf32, #tpu.memory_space<vmem>>, vector<16xf32>,
        %swap3A_728 = vector.shape_cast %swap3A_727 : vector<16xf32> to vector<16xf32>
        %swap3A_729 = vector.shape_cast %select_n3A_725 : vector<16xf32> to vector<16xf32>
        tpu.vector_store %arg8[%swap3A_726], %swap3A_729 {strides = array<i32>} : memref<1040xf32, #tpu.memory_space<vmem>>, vector<16xf32>,
        %gt3A_730 = arith.cmpf ogt, %select_n3A_725, %max3A_715 : vector<16xf32>
        %select_n3A_731 = arith.select %gt3A_730, %add3A_721, %select_n3A_714 : vector<16xi1>, vector<16xi32>
        %max3A_732 = arith.maximumf %max3A_715, %select_n3A_725 : vector<16xf32>
        %get3A_733 = arith.constant 672 : index
        %get3A_734 = tpu.vector_load %arg8[%get3A_733] {strides = array<i32>} : memref<1040xf32, #tpu.memory_space<vmem>>, vector<16xf32>,
        %get3A_735 = vector.shape_cast %get3A_734 : vector<16xf32> to vector<16xf32>
        %add3A_736 = arith.constant 672 : i32
        %add3A_737 = vector.broadcast %add3A_736 : i32 to vector<16xi32>
        %add3A_738 = arith.addi %iota3A, %add3A_737 : vector<16xi32>
        %eq3A_739 = arith.cmpi eq, %add3A_738, %scan3A_20 : vector<16xi32>
        %jit3A_740 = arith.constant -3.000000e+38 : f32
        %broadcast_in_dim3A_741 = vector.broadcast %jit3A_740 : f32 to vector<16xf32>
        %select_n3A_742 = arith.select %eq3A_739, %broadcast_in_dim3A_741, %get3A_735 : vector<16xi1>, vector<16xf32>
        %swap3A_743 = arith.constant 672 : index
        %swap3A_744 = tpu.vector_load %arg8[%swap3A_743] {strides = array<i32>} : memref<1040xf32, #tpu.memory_space<vmem>>, vector<16xf32>,
        %swap3A_745 = vector.shape_cast %swap3A_744 : vector<16xf32> to vector<16xf32>
        %swap3A_746 = vector.shape_cast %select_n3A_742 : vector<16xf32> to vector<16xf32>
        tpu.vector_store %arg8[%swap3A_743], %swap3A_746 {strides = array<i32>} : memref<1040xf32, #tpu.memory_space<vmem>>, vector<16xf32>,
        %gt3A_747 = arith.cmpf ogt, %select_n3A_742, %max3A_732 : vector<16xf32>
        %select_n3A_748 = arith.select %gt3A_747, %add3A_738, %select_n3A_731 : vector<16xi1>, vector<16xi32>
        %max3A_749 = arith.maximumf %max3A_732, %select_n3A_742 : vector<16xf32>
        %get3A_750 = arith.constant 688 : index
        %get3A_751 = tpu.vector_load %arg8[%get3A_750] {strides = array<i32>} : memref<1040xf32, #tpu.memory_space<vmem>>, vector<16xf32>,
        %get3A_752 = vector.shape_cast %get3A_751 : vector<16xf32> to vector<16xf32>
        %add3A_753 = arith.constant 688 : i32
        %add3A_754 = vector.broadcast %add3A_753 : i32 to vector<16xi32>
        %add3A_755 = arith.addi %iota3A, %add3A_754 : vector<16xi32>
        %eq3A_756 = arith.cmpi eq, %add3A_755, %scan3A_20 : vector<16xi32>
        %jit3A_757 = arith.constant -3.000000e+38 : f32
        %broadcast_in_dim3A_758 = vector.broadcast %jit3A_757 : f32 to vector<16xf32>
        %select_n3A_759 = arith.select %eq3A_756, %broadcast_in_dim3A_758, %get3A_752 : vector<16xi1>, vector<16xf32>
        %swap3A_760 = arith.constant 688 : index
        %swap3A_761 = tpu.vector_load %arg8[%swap3A_760] {strides = array<i32>} : memref<1040xf32, #tpu.memory_space<vmem>>, vector<16xf32>,
        %swap3A_762 = vector.shape_cast %swap3A_761 : vector<16xf32> to vector<16xf32>
        %swap3A_763 = vector.shape_cast %select_n3A_759 : vector<16xf32> to vector<16xf32>
        tpu.vector_store %arg8[%swap3A_760], %swap3A_763 {strides = array<i32>} : memref<1040xf32, #tpu.memory_space<vmem>>, vector<16xf32>,
        %gt3A_764 = arith.cmpf ogt, %select_n3A_759, %max3A_749 : vector<16xf32>
        %select_n3A_765 = arith.select %gt3A_764, %add3A_755, %select_n3A_748 : vector<16xi1>, vector<16xi32>
        %max3A_766 = arith.maximumf %max3A_749, %select_n3A_759 : vector<16xf32>
        %get3A_767 = arith.constant 704 : index
        %get3A_768 = tpu.vector_load %arg8[%get3A_767] {strides = array<i32>} : memref<1040xf32, #tpu.memory_space<vmem>>, vector<16xf32>,
        %get3A_769 = vector.shape_cast %get3A_768 : vector<16xf32> to vector<16xf32>
        %add3A_770 = arith.constant 704 : i32
        %add3A_771 = vector.broadcast %add3A_770 : i32 to vector<16xi32>
        %add3A_772 = arith.addi %iota3A, %add3A_771 : vector<16xi32>
        %eq3A_773 = arith.cmpi eq, %add3A_772, %scan3A_20 : vector<16xi32>
        %jit3A_774 = arith.constant -3.000000e+38 : f32
        %broadcast_in_dim3A_775 = vector.broadcast %jit3A_774 : f32 to vector<16xf32>
        %select_n3A_776 = arith.select %eq3A_773, %broadcast_in_dim3A_775, %get3A_769 : vector<16xi1>, vector<16xf32>
        %swap3A_777 = arith.constant 704 : index
        %swap3A_778 = tpu.vector_load %arg8[%swap3A_777] {strides = array<i32>} : memref<1040xf32, #tpu.memory_space<vmem>>, vector<16xf32>,
        %swap3A_779 = vector.shape_cast %swap3A_778 : vector<16xf32> to vector<16xf32>
        %swap3A_780 = vector.shape_cast %select_n3A_776 : vector<16xf32> to vector<16xf32>
        tpu.vector_store %arg8[%swap3A_777], %swap3A_780 {strides = array<i32>} : memref<1040xf32, #tpu.memory_space<vmem>>, vector<16xf32>,
        %gt3A_781 = arith.cmpf ogt, %select_n3A_776, %max3A_766 : vector<16xf32>
        %select_n3A_782 = arith.select %gt3A_781, %add3A_772, %select_n3A_765 : vector<16xi1>, vector<16xi32>
        %max3A_783 = arith.maximumf %max3A_766, %select_n3A_776 : vector<16xf32>
        %get3A_784 = arith.constant 720 : index
        %get3A_785 = tpu.vector_load %arg8[%get3A_784] {strides = array<i32>} : memref<1040xf32, #tpu.memory_space<vmem>>, vector<16xf32>,
        %get3A_786 = vector.shape_cast %get3A_785 : vector<16xf32> to vector<16xf32>
        %add3A_787 = arith.constant 720 : i32
        %add3A_788 = vector.broadcast %add3A_787 : i32 to vector<16xi32>
        %add3A_789 = arith.addi %iota3A, %add3A_788 : vector<16xi32>
        %eq3A_790 = arith.cmpi eq, %add3A_789, %scan3A_20 : vector<16xi32>
        %jit3A_791 = arith.constant -3.000000e+38 : f32
        %broadcast_in_dim3A_792 = vector.broadcast %jit3A_791 : f32 to vector<16xf32>
        %select_n3A_793 = arith.select %eq3A_790, %broadcast_in_dim3A_792, %get3A_786 : vector<16xi1>, vector<16xf32>
        %swap3A_794 = arith.constant 720 : index
        %swap3A_795 = tpu.vector_load %arg8[%swap3A_794] {strides = array<i32>} : memref<1040xf32, #tpu.memory_space<vmem>>, vector<16xf32>,
        %swap3A_796 = vector.shape_cast %swap3A_795 : vector<16xf32> to vector<16xf32>
        %swap3A_797 = vector.shape_cast %select_n3A_793 : vector<16xf32> to vector<16xf32>
        tpu.vector_store %arg8[%swap3A_794], %swap3A_797 {strides = array<i32>} : memref<1040xf32, #tpu.memory_space<vmem>>, vector<16xf32>,
        %gt3A_798 = arith.cmpf ogt, %select_n3A_793, %max3A_783 : vector<16xf32>
        %select_n3A_799 = arith.select %gt3A_798, %add3A_789, %select_n3A_782 : vector<16xi1>, vector<16xi32>
        %max3A_800 = arith.maximumf %max3A_783, %select_n3A_793 : vector<16xf32>
        %get3A_801 = arith.constant 736 : index
        %get3A_802 = tpu.vector_load %arg8[%get3A_801] {strides = array<i32>} : memref<1040xf32, #tpu.memory_space<vmem>>, vector<16xf32>,
        %get3A_803 = vector.shape_cast %get3A_802 : vector<16xf32> to vector<16xf32>
        %add3A_804 = arith.constant 736 : i32
        %add3A_805 = vector.broadcast %add3A_804 : i32 to vector<16xi32>
        %add3A_806 = arith.addi %iota3A, %add3A_805 : vector<16xi32>
        %eq3A_807 = arith.cmpi eq, %add3A_806, %scan3A_20 : vector<16xi32>
        %jit3A_808 = arith.constant -3.000000e+38 : f32
        %broadcast_in_dim3A_809 = vector.broadcast %jit3A_808 : f32 to vector<16xf32>
        %select_n3A_810 = arith.select %eq3A_807, %broadcast_in_dim3A_809, %get3A_803 : vector<16xi1>, vector<16xf32>
        %swap3A_811 = arith.constant 736 : index
        %swap3A_812 = tpu.vector_load %arg8[%swap3A_811] {strides = array<i32>} : memref<1040xf32, #tpu.memory_space<vmem>>, vector<16xf32>,
        %swap3A_813 = vector.shape_cast %swap3A_812 : vector<16xf32> to vector<16xf32>
        %swap3A_814 = vector.shape_cast %select_n3A_810 : vector<16xf32> to vector<16xf32>
        tpu.vector_store %arg8[%swap3A_811], %swap3A_814 {strides = array<i32>} : memref<1040xf32, #tpu.memory_space<vmem>>, vector<16xf32>,
        %gt3A_815 = arith.cmpf ogt, %select_n3A_810, %max3A_800 : vector<16xf32>
        %select_n3A_816 = arith.select %gt3A_815, %add3A_806, %select_n3A_799 : vector<16xi1>, vector<16xi32>
        %max3A_817 = arith.maximumf %max3A_800, %select_n3A_810 : vector<16xf32>
        %get3A_818 = arith.constant 752 : index
        %get3A_819 = tpu.vector_load %arg8[%get3A_818] {strides = array<i32>} : memref<1040xf32, #tpu.memory_space<vmem>>, vector<16xf32>,
        %get3A_820 = vector.shape_cast %get3A_819 : vector<16xf32> to vector<16xf32>
        %add3A_821 = arith.constant 752 : i32
        %add3A_822 = vector.broadcast %add3A_821 : i32 to vector<16xi32>
        %add3A_823 = arith.addi %iota3A, %add3A_822 : vector<16xi32>
        %eq3A_824 = arith.cmpi eq, %add3A_823, %scan3A_20 : vector<16xi32>
        %jit3A_825 = arith.constant -3.000000e+38 : f32
        %broadcast_in_dim3A_826 = vector.broadcast %jit3A_825 : f32 to vector<16xf32>
        %select_n3A_827 = arith.select %eq3A_824, %broadcast_in_dim3A_826, %get3A_820 : vector<16xi1>, vector<16xf32>
        %swap3A_828 = arith.constant 752 : index
        %swap3A_829 = tpu.vector_load %arg8[%swap3A_828] {strides = array<i32>} : memref<1040xf32, #tpu.memory_space<vmem>>, vector<16xf32>,
        %swap3A_830 = vector.shape_cast %swap3A_829 : vector<16xf32> to vector<16xf32>
        %swap3A_831 = vector.shape_cast %select_n3A_827 : vector<16xf32> to vector<16xf32>
        tpu.vector_store %arg8[%swap3A_828], %swap3A_831 {strides = array<i32>} : memref<1040xf32, #tpu.memory_space<vmem>>, vector<16xf32>,
        %gt3A_832 = arith.cmpf ogt, %select_n3A_827, %max3A_817 : vector<16xf32>
        %select_n3A_833 = arith.select %gt3A_832, %add3A_823, %select_n3A_816 : vector<16xi1>, vector<16xi32>
        %max3A_834 = arith.maximumf %max3A_817, %select_n3A_827 : vector<16xf32>
        %get3A_835 = arith.constant 768 : index
        %get3A_836 = tpu.vector_load %arg8[%get3A_835] {strides = array<i32>} : memref<1040xf32, #tpu.memory_space<vmem>>, vector<16xf32>,
        %get3A_837 = vector.shape_cast %get3A_836 : vector<16xf32> to vector<16xf32>
        %add3A_838 = arith.constant 768 : i32
        %add3A_839 = vector.broadcast %add3A_838 : i32 to vector<16xi32>
        %add3A_840 = arith.addi %iota3A, %add3A_839 : vector<16xi32>
        %eq3A_841 = arith.cmpi eq, %add3A_840, %scan3A_20 : vector<16xi32>
        %jit3A_842 = arith.constant -3.000000e+38 : f32
        %broadcast_in_dim3A_843 = vector.broadcast %jit3A_842 : f32 to vector<16xf32>
        %select_n3A_844 = arith.select %eq3A_841, %broadcast_in_dim3A_843, %get3A_837 : vector<16xi1>, vector<16xf32>
        %swap3A_845 = arith.constant 768 : index
        %swap3A_846 = tpu.vector_load %arg8[%swap3A_845] {strides = array<i32>} : memref<1040xf32, #tpu.memory_space<vmem>>, vector<16xf32>,
        %swap3A_847 = vector.shape_cast %swap3A_846 : vector<16xf32> to vector<16xf32>
        %swap3A_848 = vector.shape_cast %select_n3A_844 : vector<16xf32> to vector<16xf32>
        tpu.vector_store %arg8[%swap3A_845], %swap3A_848 {strides = array<i32>} : memref<1040xf32, #tpu.memory_space<vmem>>, vector<16xf32>,
        %gt3A_849 = arith.cmpf ogt, %select_n3A_844, %max3A_834 : vector<16xf32>
        %select_n3A_850 = arith.select %gt3A_849, %add3A_840, %select_n3A_833 : vector<16xi1>, vector<16xi32>
        %max3A_851 = arith.maximumf %max3A_834, %select_n3A_844 : vector<16xf32>
        %get3A_852 = arith.constant 784 : index
        %get3A_853 = tpu.vector_load %arg8[%get3A_852] {strides = array<i32>} : memref<1040xf32, #tpu.memory_space<vmem>>, vector<16xf32>,
        %get3A_854 = vector.shape_cast %get3A_853 : vector<16xf32> to vector<16xf32>
        %add3A_855 = arith.constant 784 : i32
        %add3A_856 = vector.broadcast %add3A_855 : i32 to vector<16xi32>
        %add3A_857 = arith.addi %iota3A, %add3A_856 : vector<16xi32>
        %eq3A_858 = arith.cmpi eq, %add3A_857, %scan3A_20 : vector<16xi32>
        %jit3A_859 = arith.constant -3.000000e+38 : f32
        %broadcast_in_dim3A_860 = vector.broadcast %jit3A_859 : f32 to vector<16xf32>
        %select_n3A_861 = arith.select %eq3A_858, %broadcast_in_dim3A_860, %get3A_854 : vector<16xi1>, vector<16xf32>
        %swap3A_862 = arith.constant 784 : index
        %swap3A_863 = tpu.vector_load %arg8[%swap3A_862] {strides = array<i32>} : memref<1040xf32, #tpu.memory_space<vmem>>, vector<16xf32>,
        %swap3A_864 = vector.shape_cast %swap3A_863 : vector<16xf32> to vector<16xf32>
        %swap3A_865 = vector.shape_cast %select_n3A_861 : vector<16xf32> to vector<16xf32>
        tpu.vector_store %arg8[%swap3A_862], %swap3A_865 {strides = array<i32>} : memref<1040xf32, #tpu.memory_space<vmem>>, vector<16xf32>,
        %gt3A_866 = arith.cmpf ogt, %select_n3A_861, %max3A_851 : vector<16xf32>
        %select_n3A_867 = arith.select %gt3A_866, %add3A_857, %select_n3A_850 : vector<16xi1>, vector<16xi32>
        %max3A_868 = arith.maximumf %max3A_851, %select_n3A_861 : vector<16xf32>
        %get3A_869 = arith.constant 800 : index
        %get3A_870 = tpu.vector_load %arg8[%get3A_869] {strides = array<i32>} : memref<1040xf32, #tpu.memory_space<vmem>>, vector<16xf32>,
        %get3A_871 = vector.shape_cast %get3A_870 : vector<16xf32> to vector<16xf32>
        %add3A_872 = arith.constant 800 : i32
        %add3A_873 = vector.broadcast %add3A_872 : i32 to vector<16xi32>
        %add3A_874 = arith.addi %iota3A, %add3A_873 : vector<16xi32>
        %eq3A_875 = arith.cmpi eq, %add3A_874, %scan3A_20 : vector<16xi32>
        %jit3A_876 = arith.constant -3.000000e+38 : f32
        %broadcast_in_dim3A_877 = vector.broadcast %jit3A_876 : f32 to vector<16xf32>
        %select_n3A_878 = arith.select %eq3A_875, %broadcast_in_dim3A_877, %get3A_871 : vector<16xi1>, vector<16xf32>
        %swap3A_879 = arith.constant 800 : index
        %swap3A_880 = tpu.vector_load %arg8[%swap3A_879] {strides = array<i32>} : memref<1040xf32, #tpu.memory_space<vmem>>, vector<16xf32>,
        %swap3A_881 = vector.shape_cast %swap3A_880 : vector<16xf32> to vector<16xf32>
        %swap3A_882 = vector.shape_cast %select_n3A_878 : vector<16xf32> to vector<16xf32>
        tpu.vector_store %arg8[%swap3A_879], %swap3A_882 {strides = array<i32>} : memref<1040xf32, #tpu.memory_space<vmem>>, vector<16xf32>,
        %gt3A_883 = arith.cmpf ogt, %select_n3A_878, %max3A_868 : vector<16xf32>
        %select_n3A_884 = arith.select %gt3A_883, %add3A_874, %select_n3A_867 : vector<16xi1>, vector<16xi32>
        %max3A_885 = arith.maximumf %max3A_868, %select_n3A_878 : vector<16xf32>
        %get3A_886 = arith.constant 816 : index
        %get3A_887 = tpu.vector_load %arg8[%get3A_886] {strides = array<i32>} : memref<1040xf32, #tpu.memory_space<vmem>>, vector<16xf32>,
        %get3A_888 = vector.shape_cast %get3A_887 : vector<16xf32> to vector<16xf32>
        %add3A_889 = arith.constant 816 : i32
        %add3A_890 = vector.broadcast %add3A_889 : i32 to vector<16xi32>
        %add3A_891 = arith.addi %iota3A, %add3A_890 : vector<16xi32>
        %eq3A_892 = arith.cmpi eq, %add3A_891, %scan3A_20 : vector<16xi32>
        %jit3A_893 = arith.constant -3.000000e+38 : f32
        %broadcast_in_dim3A_894 = vector.broadcast %jit3A_893 : f32 to vector<16xf32>
        %select_n3A_895 = arith.select %eq3A_892, %broadcast_in_dim3A_894, %get3A_888 : vector<16xi1>, vector<16xf32>
        %swap3A_896 = arith.constant 816 : index
        %swap3A_897 = tpu.vector_load %arg8[%swap3A_896] {strides = array<i32>} : memref<1040xf32, #tpu.memory_space<vmem>>, vector<16xf32>,
        %swap3A_898 = vector.shape_cast %swap3A_897 : vector<16xf32> to vector<16xf32>
        %swap3A_899 = vector.shape_cast %select_n3A_895 : vector<16xf32> to vector<16xf32>
        tpu.vector_store %arg8[%swap3A_896], %swap3A_899 {strides = array<i32>} : memref<1040xf32, #tpu.memory_space<vmem>>, vector<16xf32>,
        %gt3A_900 = arith.cmpf ogt, %select_n3A_895, %max3A_885 : vector<16xf32>
        %select_n3A_901 = arith.select %gt3A_900, %add3A_891, %select_n3A_884 : vector<16xi1>, vector<16xi32>
        %max3A_902 = arith.maximumf %max3A_885, %select_n3A_895 : vector<16xf32>
        %get3A_903 = arith.constant 832 : index
        %get3A_904 = tpu.vector_load %arg8[%get3A_903] {strides = array<i32>} : memref<1040xf32, #tpu.memory_space<vmem>>, vector<16xf32>,
        %get3A_905 = vector.shape_cast %get3A_904 : vector<16xf32> to vector<16xf32>
        %add3A_906 = arith.constant 832 : i32
        %add3A_907 = vector.broadcast %add3A_906 : i32 to vector<16xi32>
        %add3A_908 = arith.addi %iota3A, %add3A_907 : vector<16xi32>
        %eq3A_909 = arith.cmpi eq, %add3A_908, %scan3A_20 : vector<16xi32>
        %jit3A_910 = arith.constant -3.000000e+38 : f32
        %broadcast_in_dim3A_911 = vector.broadcast %jit3A_910 : f32 to vector<16xf32>
        %select_n3A_912 = arith.select %eq3A_909, %broadcast_in_dim3A_911, %get3A_905 : vector<16xi1>, vector<16xf32>
        %swap3A_913 = arith.constant 832 : index
        %swap3A_914 = tpu.vector_load %arg8[%swap3A_913] {strides = array<i32>} : memref<1040xf32, #tpu.memory_space<vmem>>, vector<16xf32>,
        %swap3A_915 = vector.shape_cast %swap3A_914 : vector<16xf32> to vector<16xf32>
        %swap3A_916 = vector.shape_cast %select_n3A_912 : vector<16xf32> to vector<16xf32>
        tpu.vector_store %arg8[%swap3A_913], %swap3A_916 {strides = array<i32>} : memref<1040xf32, #tpu.memory_space<vmem>>, vector<16xf32>,
        %gt3A_917 = arith.cmpf ogt, %select_n3A_912, %max3A_902 : vector<16xf32>
        %select_n3A_918 = arith.select %gt3A_917, %add3A_908, %select_n3A_901 : vector<16xi1>, vector<16xi32>
        %max3A_919 = arith.maximumf %max3A_902, %select_n3A_912 : vector<16xf32>
        %get3A_920 = arith.constant 848 : index
        %get3A_921 = tpu.vector_load %arg8[%get3A_920] {strides = array<i32>} : memref<1040xf32, #tpu.memory_space<vmem>>, vector<16xf32>,
        %get3A_922 = vector.shape_cast %get3A_921 : vector<16xf32> to vector<16xf32>
        %add3A_923 = arith.constant 848 : i32
        %add3A_924 = vector.broadcast %add3A_923 : i32 to vector<16xi32>
        %add3A_925 = arith.addi %iota3A, %add3A_924 : vector<16xi32>
        %eq3A_926 = arith.cmpi eq, %add3A_925, %scan3A_20 : vector<16xi32>
        %jit3A_927 = arith.constant -3.000000e+38 : f32
        %broadcast_in_dim3A_928 = vector.broadcast %jit3A_927 : f32 to vector<16xf32>
        %select_n3A_929 = arith.select %eq3A_926, %broadcast_in_dim3A_928, %get3A_922 : vector<16xi1>, vector<16xf32>
        %swap3A_930 = arith.constant 848 : index
        %swap3A_931 = tpu.vector_load %arg8[%swap3A_930] {strides = array<i32>} : memref<1040xf32, #tpu.memory_space<vmem>>, vector<16xf32>,
        %swap3A_932 = vector.shape_cast %swap3A_931 : vector<16xf32> to vector<16xf32>
        %swap3A_933 = vector.shape_cast %select_n3A_929 : vector<16xf32> to vector<16xf32>
        tpu.vector_store %arg8[%swap3A_930], %swap3A_933 {strides = array<i32>} : memref<1040xf32, #tpu.memory_space<vmem>>, vector<16xf32>,
        %gt3A_934 = arith.cmpf ogt, %select_n3A_929, %max3A_919 : vector<16xf32>
        %select_n3A_935 = arith.select %gt3A_934, %add3A_925, %select_n3A_918 : vector<16xi1>, vector<16xi32>
        %max3A_936 = arith.maximumf %max3A_919, %select_n3A_929 : vector<16xf32>
        %get3A_937 = arith.constant 864 : index
        %get3A_938 = tpu.vector_load %arg8[%get3A_937] {strides = array<i32>} : memref<1040xf32, #tpu.memory_space<vmem>>, vector<16xf32>,
        %get3A_939 = vector.shape_cast %get3A_938 : vector<16xf32> to vector<16xf32>
        %add3A_940 = arith.constant 864 : i32
        %add3A_941 = vector.broadcast %add3A_940 : i32 to vector<16xi32>
        %add3A_942 = arith.addi %iota3A, %add3A_941 : vector<16xi32>
        %eq3A_943 = arith.cmpi eq, %add3A_942, %scan3A_20 : vector<16xi32>
        %jit3A_944 = arith.constant -3.000000e+38 : f32
        %broadcast_in_dim3A_945 = vector.broadcast %jit3A_944 : f32 to vector<16xf32>
        %select_n3A_946 = arith.select %eq3A_943, %broadcast_in_dim3A_945, %get3A_939 : vector<16xi1>, vector<16xf32>
        %swap3A_947 = arith.constant 864 : index
        %swap3A_948 = tpu.vector_load %arg8[%swap3A_947] {strides = array<i32>} : memref<1040xf32, #tpu.memory_space<vmem>>, vector<16xf32>,
        %swap3A_949 = vector.shape_cast %swap3A_948 : vector<16xf32> to vector<16xf32>
        %swap3A_950 = vector.shape_cast %select_n3A_946 : vector<16xf32> to vector<16xf32>
        tpu.vector_store %arg8[%swap3A_947], %swap3A_950 {strides = array<i32>} : memref<1040xf32, #tpu.memory_space<vmem>>, vector<16xf32>,
        %gt3A_951 = arith.cmpf ogt, %select_n3A_946, %max3A_936 : vector<16xf32>
        %select_n3A_952 = arith.select %gt3A_951, %add3A_942, %select_n3A_935 : vector<16xi1>, vector<16xi32>
        %max3A_953 = arith.maximumf %max3A_936, %select_n3A_946 : vector<16xf32>
        %get3A_954 = arith.constant 880 : index
        %get3A_955 = tpu.vector_load %arg8[%get3A_954] {strides = array<i32>} : memref<1040xf32, #tpu.memory_space<vmem>>, vector<16xf32>,
        %get3A_956 = vector.shape_cast %get3A_955 : vector<16xf32> to vector<16xf32>
        %add3A_957 = arith.constant 880 : i32
        %add3A_958 = vector.broadcast %add3A_957 : i32 to vector<16xi32>
        %add3A_959 = arith.addi %iota3A, %add3A_958 : vector<16xi32>
        %eq3A_960 = arith.cmpi eq, %add3A_959, %scan3A_20 : vector<16xi32>
        %jit3A_961 = arith.constant -3.000000e+38 : f32
        %broadcast_in_dim3A_962 = vector.broadcast %jit3A_961 : f32 to vector<16xf32>
        %select_n3A_963 = arith.select %eq3A_960, %broadcast_in_dim3A_962, %get3A_956 : vector<16xi1>, vector<16xf32>
        %swap3A_964 = arith.constant 880 : index
        %swap3A_965 = tpu.vector_load %arg8[%swap3A_964] {strides = array<i32>} : memref<1040xf32, #tpu.memory_space<vmem>>, vector<16xf32>,
        %swap3A_966 = vector.shape_cast %swap3A_965 : vector<16xf32> to vector<16xf32>
        %swap3A_967 = vector.shape_cast %select_n3A_963 : vector<16xf32> to vector<16xf32>
        tpu.vector_store %arg8[%swap3A_964], %swap3A_967 {strides = array<i32>} : memref<1040xf32, #tpu.memory_space<vmem>>, vector<16xf32>,
        %gt3A_968 = arith.cmpf ogt, %select_n3A_963, %max3A_953 : vector<16xf32>
        %select_n3A_969 = arith.select %gt3A_968, %add3A_959, %select_n3A_952 : vector<16xi1>, vector<16xi32>
        %max3A_970 = arith.maximumf %max3A_953, %select_n3A_963 : vector<16xf32>
        %get3A_971 = arith.constant 896 : index
        %get3A_972 = tpu.vector_load %arg8[%get3A_971] {strides = array<i32>} : memref<1040xf32, #tpu.memory_space<vmem>>, vector<16xf32>,
        %get3A_973 = vector.shape_cast %get3A_972 : vector<16xf32> to vector<16xf32>
        %add3A_974 = arith.constant 896 : i32
        %add3A_975 = vector.broadcast %add3A_974 : i32 to vector<16xi32>
        %add3A_976 = arith.addi %iota3A, %add3A_975 : vector<16xi32>
        %eq3A_977 = arith.cmpi eq, %add3A_976, %scan3A_20 : vector<16xi32>
        %jit3A_978 = arith.constant -3.000000e+38 : f32
        %broadcast_in_dim3A_979 = vector.broadcast %jit3A_978 : f32 to vector<16xf32>
        %select_n3A_980 = arith.select %eq3A_977, %broadcast_in_dim3A_979, %get3A_973 : vector<16xi1>, vector<16xf32>
        %swap3A_981 = arith.constant 896 : index
        %swap3A_982 = tpu.vector_load %arg8[%swap3A_981] {strides = array<i32>} : memref<1040xf32, #tpu.memory_space<vmem>>, vector<16xf32>,
        %swap3A_983 = vector.shape_cast %swap3A_982 : vector<16xf32> to vector<16xf32>
        %swap3A_984 = vector.shape_cast %select_n3A_980 : vector<16xf32> to vector<16xf32>
        tpu.vector_store %arg8[%swap3A_981], %swap3A_984 {strides = array<i32>} : memref<1040xf32, #tpu.memory_space<vmem>>, vector<16xf32>,
        %gt3A_985 = arith.cmpf ogt, %select_n3A_980, %max3A_970 : vector<16xf32>
        %select_n3A_986 = arith.select %gt3A_985, %add3A_976, %select_n3A_969 : vector<16xi1>, vector<16xi32>
        %max3A_987 = arith.maximumf %max3A_970, %select_n3A_980 : vector<16xf32>
        %get3A_988 = arith.constant 912 : index
        %get3A_989 = tpu.vector_load %arg8[%get3A_988] {strides = array<i32>} : memref<1040xf32, #tpu.memory_space<vmem>>, vector<16xf32>,
        %get3A_990 = vector.shape_cast %get3A_989 : vector<16xf32> to vector<16xf32>
        %add3A_991 = arith.constant 912 : i32
        %add3A_992 = vector.broadcast %add3A_991 : i32 to vector<16xi32>
        %add3A_993 = arith.addi %iota3A, %add3A_992 : vector<16xi32>
        %eq3A_994 = arith.cmpi eq, %add3A_993, %scan3A_20 : vector<16xi32>
        %jit3A_995 = arith.constant -3.000000e+38 : f32
        %broadcast_in_dim3A_996 = vector.broadcast %jit3A_995 : f32 to vector<16xf32>
        %select_n3A_997 = arith.select %eq3A_994, %broadcast_in_dim3A_996, %get3A_990 : vector<16xi1>, vector<16xf32>
        %swap3A_998 = arith.constant 912 : index
        %swap3A_999 = tpu.vector_load %arg8[%swap3A_998] {strides = array<i32>} : memref<1040xf32, #tpu.memory_space<vmem>>, vector<16xf32>,
        %swap3A_1000 = vector.shape_cast %swap3A_999 : vector<16xf32> to vector<16xf32>
        %swap3A_1001 = vector.shape_cast %select_n3A_997 : vector<16xf32> to vector<16xf32>
        tpu.vector_store %arg8[%swap3A_998], %swap3A_1001 {strides = array<i32>} : memref<1040xf32, #tpu.memory_space<vmem>>, vector<16xf32>,
        %gt3A_1002 = arith.cmpf ogt, %select_n3A_997, %max3A_987 : vector<16xf32>
        %select_n3A_1003 = arith.select %gt3A_1002, %add3A_993, %select_n3A_986 : vector<16xi1>, vector<16xi32>
        %max3A_1004 = arith.maximumf %max3A_987, %select_n3A_997 : vector<16xf32>
        %get3A_1005 = arith.constant 928 : index
        %get3A_1006 = tpu.vector_load %arg8[%get3A_1005] {strides = array<i32>} : memref<1040xf32, #tpu.memory_space<vmem>>, vector<16xf32>,
        %get3A_1007 = vector.shape_cast %get3A_1006 : vector<16xf32> to vector<16xf32>
        %add3A_1008 = arith.constant 928 : i32
        %add3A_1009 = vector.broadcast %add3A_1008 : i32 to vector<16xi32>
        %add3A_1010 = arith.addi %iota3A, %add3A_1009 : vector<16xi32>
        %eq3A_1011 = arith.cmpi eq, %add3A_1010, %scan3A_20 : vector<16xi32>
        %jit3A_1012 = arith.constant -3.000000e+38 : f32
        %broadcast_in_dim3A_1013 = vector.broadcast %jit3A_1012 : f32 to vector<16xf32>
        %select_n3A_1014 = arith.select %eq3A_1011, %broadcast_in_dim3A_1013, %get3A_1007 : vector<16xi1>, vector<16xf32>
        %swap3A_1015 = arith.constant 928 : index
        %swap3A_1016 = tpu.vector_load %arg8[%swap3A_1015] {strides = array<i32>} : memref<1040xf32, #tpu.memory_space<vmem>>, vector<16xf32>,
        %swap3A_1017 = vector.shape_cast %swap3A_1016 : vector<16xf32> to vector<16xf32>
        %swap3A_1018 = vector.shape_cast %select_n3A_1014 : vector<16xf32> to vector<16xf32>
        tpu.vector_store %arg8[%swap3A_1015], %swap3A_1018 {strides = array<i32>} : memref<1040xf32, #tpu.memory_space<vmem>>, vector<16xf32>,
        %gt3A_1019 = arith.cmpf ogt, %select_n3A_1014, %max3A_1004 : vector<16xf32>
        %select_n3A_1020 = arith.select %gt3A_1019, %add3A_1010, %select_n3A_1003 : vector<16xi1>, vector<16xi32>
        %max3A_1021 = arith.maximumf %max3A_1004, %select_n3A_1014 : vector<16xf32>
        %get3A_1022 = arith.constant 944 : index
        %get3A_1023 = tpu.vector_load %arg8[%get3A_1022] {strides = array<i32>} : memref<1040xf32, #tpu.memory_space<vmem>>, vector<16xf32>,
        %get3A_1024 = vector.shape_cast %get3A_1023 : vector<16xf32> to vector<16xf32>
        %add3A_1025 = arith.constant 944 : i32
        %add3A_1026 = vector.broadcast %add3A_1025 : i32 to vector<16xi32>
        %add3A_1027 = arith.addi %iota3A, %add3A_1026 : vector<16xi32>
        %eq3A_1028 = arith.cmpi eq, %add3A_1027, %scan3A_20 : vector<16xi32>
        %jit3A_1029 = arith.constant -3.000000e+38 : f32
        %broadcast_in_dim3A_1030 = vector.broadcast %jit3A_1029 : f32 to vector<16xf32>
        %select_n3A_1031 = arith.select %eq3A_1028, %broadcast_in_dim3A_1030, %get3A_1024 : vector<16xi1>, vector<16xf32>
        %swap3A_1032 = arith.constant 944 : index
        %swap3A_1033 = tpu.vector_load %arg8[%swap3A_1032] {strides = array<i32>} : memref<1040xf32, #tpu.memory_space<vmem>>, vector<16xf32>,
        %swap3A_1034 = vector.shape_cast %swap3A_1033 : vector<16xf32> to vector<16xf32>
        %swap3A_1035 = vector.shape_cast %select_n3A_1031 : vector<16xf32> to vector<16xf32>
        tpu.vector_store %arg8[%swap3A_1032], %swap3A_1035 {strides = array<i32>} : memref<1040xf32, #tpu.memory_space<vmem>>, vector<16xf32>,
        %gt3A_1036 = arith.cmpf ogt, %select_n3A_1031, %max3A_1021 : vector<16xf32>
        %select_n3A_1037 = arith.select %gt3A_1036, %add3A_1027, %select_n3A_1020 : vector<16xi1>, vector<16xi32>
        %max3A_1038 = arith.maximumf %max3A_1021, %select_n3A_1031 : vector<16xf32>
        %get3A_1039 = arith.constant 960 : index
        %get3A_1040 = tpu.vector_load %arg8[%get3A_1039] {strides = array<i32>} : memref<1040xf32, #tpu.memory_space<vmem>>, vector<16xf32>,
        %get3A_1041 = vector.shape_cast %get3A_1040 : vector<16xf32> to vector<16xf32>
        %add3A_1042 = arith.constant 960 : i32
        %add3A_1043 = vector.broadcast %add3A_1042 : i32 to vector<16xi32>
        %add3A_1044 = arith.addi %iota3A, %add3A_1043 : vector<16xi32>
        %eq3A_1045 = arith.cmpi eq, %add3A_1044, %scan3A_20 : vector<16xi32>
        %jit3A_1046 = arith.constant -3.000000e+38 : f32
        %broadcast_in_dim3A_1047 = vector.broadcast %jit3A_1046 : f32 to vector<16xf32>
        %select_n3A_1048 = arith.select %eq3A_1045, %broadcast_in_dim3A_1047, %get3A_1041 : vector<16xi1>, vector<16xf32>
        %swap3A_1049 = arith.constant 960 : index
        %swap3A_1050 = tpu.vector_load %arg8[%swap3A_1049] {strides = array<i32>} : memref<1040xf32, #tpu.memory_space<vmem>>, vector<16xf32>,
        %swap3A_1051 = vector.shape_cast %swap3A_1050 : vector<16xf32> to vector<16xf32>
        %swap3A_1052 = vector.shape_cast %select_n3A_1048 : vector<16xf32> to vector<16xf32>
        tpu.vector_store %arg8[%swap3A_1049], %swap3A_1052 {strides = array<i32>} : memref<1040xf32, #tpu.memory_space<vmem>>, vector<16xf32>,
        %gt3A_1053 = arith.cmpf ogt, %select_n3A_1048, %max3A_1038 : vector<16xf32>
        %select_n3A_1054 = arith.select %gt3A_1053, %add3A_1044, %select_n3A_1037 : vector<16xi1>, vector<16xi32>
        %max3A_1055 = arith.maximumf %max3A_1038, %select_n3A_1048 : vector<16xf32>
        %get3A_1056 = arith.constant 976 : index
        %get3A_1057 = tpu.vector_load %arg8[%get3A_1056] {strides = array<i32>} : memref<1040xf32, #tpu.memory_space<vmem>>, vector<16xf32>,
        %get3A_1058 = vector.shape_cast %get3A_1057 : vector<16xf32> to vector<16xf32>
        %add3A_1059 = arith.constant 976 : i32
        %add3A_1060 = vector.broadcast %add3A_1059 : i32 to vector<16xi32>
        %add3A_1061 = arith.addi %iota3A, %add3A_1060 : vector<16xi32>
        %eq3A_1062 = arith.cmpi eq, %add3A_1061, %scan3A_20 : vector<16xi32>
        %jit3A_1063 = arith.constant -3.000000e+38 : f32
        %broadcast_in_dim3A_1064 = vector.broadcast %jit3A_1063 : f32 to vector<16xf32>
        %select_n3A_1065 = arith.select %eq3A_1062, %broadcast_in_dim3A_1064, %get3A_1058 : vector<16xi1>, vector<16xf32>
        %swap3A_1066 = arith.constant 976 : index
        %swap3A_1067 = tpu.vector_load %arg8[%swap3A_1066] {strides = array<i32>} : memref<1040xf32, #tpu.memory_space<vmem>>, vector<16xf32>,
        %swap3A_1068 = vector.shape_cast %swap3A_1067 : vector<16xf32> to vector<16xf32>
        %swap3A_1069 = vector.shape_cast %select_n3A_1065 : vector<16xf32> to vector<16xf32>
        tpu.vector_store %arg8[%swap3A_1066], %swap3A_1069 {strides = array<i32>} : memref<1040xf32, #tpu.memory_space<vmem>>, vector<16xf32>,
        %gt3A_1070 = arith.cmpf ogt, %select_n3A_1065, %max3A_1055 : vector<16xf32>
        %select_n3A_1071 = arith.select %gt3A_1070, %add3A_1061, %select_n3A_1054 : vector<16xi1>, vector<16xi32>
        %max3A_1072 = arith.maximumf %max3A_1055, %select_n3A_1065 : vector<16xf32>
        %get3A_1073 = arith.constant 992 : index
        %get3A_1074 = tpu.vector_load %arg8[%get3A_1073] {strides = array<i32>} : memref<1040xf32, #tpu.memory_space<vmem>>, vector<16xf32>,
        %get3A_1075 = vector.shape_cast %get3A_1074 : vector<16xf32> to vector<16xf32>
        %add3A_1076 = arith.constant 992 : i32
        %add3A_1077 = vector.broadcast %add3A_1076 : i32 to vector<16xi32>
        %add3A_1078 = arith.addi %iota3A, %add3A_1077 : vector<16xi32>
        %eq3A_1079 = arith.cmpi eq, %add3A_1078, %scan3A_20 : vector<16xi32>
        %jit3A_1080 = arith.constant -3.000000e+38 : f32
        %broadcast_in_dim3A_1081 = vector.broadcast %jit3A_1080 : f32 to vector<16xf32>
        %select_n3A_1082 = arith.select %eq3A_1079, %broadcast_in_dim3A_1081, %get3A_1075 : vector<16xi1>, vector<16xf32>
        %swap3A_1083 = arith.constant 992 : index
        %swap3A_1084 = tpu.vector_load %arg8[%swap3A_1083] {strides = array<i32>} : memref<1040xf32, #tpu.memory_space<vmem>>, vector<16xf32>,
        %swap3A_1085 = vector.shape_cast %swap3A_1084 : vector<16xf32> to vector<16xf32>
        %swap3A_1086 = vector.shape_cast %select_n3A_1082 : vector<16xf32> to vector<16xf32>
        tpu.vector_store %arg8[%swap3A_1083], %swap3A_1086 {strides = array<i32>} : memref<1040xf32, #tpu.memory_space<vmem>>, vector<16xf32>,
        %gt3A_1087 = arith.cmpf ogt, %select_n3A_1082, %max3A_1072 : vector<16xf32>
        %select_n3A_1088 = arith.select %gt3A_1087, %add3A_1078, %select_n3A_1071 : vector<16xi1>, vector<16xi32>
        %max3A_1089 = arith.maximumf %max3A_1072, %select_n3A_1082 : vector<16xf32>
        %get3A_1090 = arith.constant 1008 : index
        %get3A_1091 = tpu.vector_load %arg8[%get3A_1090] {strides = array<i32>} : memref<1040xf32, #tpu.memory_space<vmem>>, vector<16xf32>,
        %get3A_1092 = vector.shape_cast %get3A_1091 : vector<16xf32> to vector<16xf32>
        %add3A_1093 = arith.constant 1008 : i32
        %add3A_1094 = vector.broadcast %add3A_1093 : i32 to vector<16xi32>
        %add3A_1095 = arith.addi %iota3A, %add3A_1094 : vector<16xi32>
        %eq3A_1096 = arith.cmpi eq, %add3A_1095, %scan3A_20 : vector<16xi32>
        %jit3A_1097 = arith.constant -3.000000e+38 : f32
        %broadcast_in_dim3A_1098 = vector.broadcast %jit3A_1097 : f32 to vector<16xf32>
        %select_n3A_1099 = arith.select %eq3A_1096, %broadcast_in_dim3A_1098, %get3A_1092 : vector<16xi1>, vector<16xf32>
        %swap3A_1100 = arith.constant 1008 : index
        %swap3A_1101 = tpu.vector_load %arg8[%swap3A_1100] {strides = array<i32>} : memref<1040xf32, #tpu.memory_space<vmem>>, vector<16xf32>,
        %swap3A_1102 = vector.shape_cast %swap3A_1101 : vector<16xf32> to vector<16xf32>
        %swap3A_1103 = vector.shape_cast %select_n3A_1099 : vector<16xf32> to vector<16xf32>
        tpu.vector_store %arg8[%swap3A_1100], %swap3A_1103 {strides = array<i32>} : memref<1040xf32, #tpu.memory_space<vmem>>, vector<16xf32>,
        %gt3A_1104 = arith.cmpf ogt, %select_n3A_1099, %max3A_1089 : vector<16xf32>
        %select_n3A_1105 = arith.select %gt3A_1104, %add3A_1095, %select_n3A_1088 : vector<16xi1>, vector<16xi32>
        %max3A_1106 = arith.maximumf %max3A_1089, %select_n3A_1099 : vector<16xf32>
        %get3A_1107 = arith.constant 1024 : index
        %get3A_1108 = tpu.vector_load %arg8[%get3A_1107] {strides = array<i32>} : memref<1040xf32, #tpu.memory_space<vmem>>, vector<16xf32>,
        %get3A_1109 = vector.shape_cast %get3A_1108 : vector<16xf32> to vector<16xf32>
        %add3A_1110 = arith.constant 1024 : i32
        %add3A_1111 = vector.broadcast %add3A_1110 : i32 to vector<16xi32>
        %add3A_1112 = arith.addi %iota3A, %add3A_1111 : vector<16xi32>
        %eq3A_1113 = arith.cmpi eq, %add3A_1112, %scan3A_20 : vector<16xi32>
        %jit3A_1114 = arith.constant -3.000000e+38 : f32
        %broadcast_in_dim3A_1115 = vector.broadcast %jit3A_1114 : f32 to vector<16xf32>
        %select_n3A_1116 = arith.select %eq3A_1113, %broadcast_in_dim3A_1115, %get3A_1109 : vector<16xi1>, vector<16xf32>
        %swap3A_1117 = arith.constant 1024 : index
        %swap3A_1118 = tpu.vector_load %arg8[%swap3A_1117] {strides = array<i32>} : memref<1040xf32, #tpu.memory_space<vmem>>, vector<16xf32>,
        %swap3A_1119 = vector.shape_cast %swap3A_1118 : vector<16xf32> to vector<16xf32>
        %swap3A_1120 = vector.shape_cast %select_n3A_1116 : vector<16xf32> to vector<16xf32>
        tpu.vector_store %arg8[%swap3A_1117], %swap3A_1120 {strides = array<i32>} : memref<1040xf32, #tpu.memory_space<vmem>>, vector<16xf32>,
        %gt3A_1121 = arith.cmpf ogt, %select_n3A_1116, %max3A_1106 : vector<16xf32>
        %select_n3A_1122 = arith.select %gt3A_1121, %add3A_1112, %select_n3A_1105 : vector<16xi1>, vector<16xi32>
        %max3A_1123 = arith.maximumf %max3A_1106, %select_n3A_1116 : vector<16xf32>
        %xor3A = arith.constant 8 : i32
        %xor3A_1124 = vector.broadcast %xor3A : i32 to vector<16xi32>
        %xor3A_1125 = arith.xori %iota3A, %xor3A_1124 : vector<16xi32>
        %lt3A = arith.constant 0 : i32
        %lt3A_1126 = vector.broadcast %lt3A : i32 to vector<16xi32>
        %lt3A_1127 = arith.cmpi slt, %xor3A_1125, %lt3A_1126 : vector<16xi32>
        %add3A_1128 = arith.constant 16 : i32
        %add3A_1129 = vector.broadcast %add3A_1128 : i32 to vector<16xi32>
        %add3A_1130 = arith.addi %xor3A_1125, %add3A_1129 : vector<16xi32>
        %select_n3A_1131 = arith.select %lt3A_1127, %add3A_1130, %xor3A_1125 : vector<16xi1>, vector<16xi32>
        %broadcast_in_dim3A_1132 = vector.shape_cast %select_n3A_1131 : vector<16xi32> to vector<16x1xi32>
        %gather3A = vector.shape_cast %broadcast_in_dim3A_1132 : vector<16x1xi32> to vector<16xi32>
        %gather3A_1133 = tpu.dynamic_gather %max3A_1123[%gather3A] in [0] : vector<16xf32>, vector<16xi32> -> vector<16xf32>
        %xor3A_1134 = arith.constant 8 : i32
        %xor3A_1135 = vector.broadcast %xor3A_1134 : i32 to vector<16xi32>
        %xor3A_1136 = arith.xori %iota3A, %xor3A_1135 : vector<16xi32>
        %lt3A_1137 = arith.constant 0 : i32
        %lt3A_1138 = vector.broadcast %lt3A_1137 : i32 to vector<16xi32>
        %lt3A_1139 = arith.cmpi slt, %xor3A_1136, %lt3A_1138 : vector<16xi32>
        %add3A_1140 = arith.constant 16 : i32
        %add3A_1141 = vector.broadcast %add3A_1140 : i32 to vector<16xi32>
        %add3A_1142 = arith.addi %xor3A_1136, %add3A_1141 : vector<16xi32>
        %select_n3A_1143 = arith.select %lt3A_1139, %add3A_1142, %xor3A_1136 : vector<16xi1>, vector<16xi32>
        %broadcast_in_dim3A_1144 = vector.shape_cast %select_n3A_1143 : vector<16xi32> to vector<16x1xi32>
        %gather3A_1145 = vector.shape_cast %broadcast_in_dim3A_1144 : vector<16x1xi32> to vector<16xi32>
        %gather3A_1146 = tpu.dynamic_gather %select_n3A_1122[%gather3A_1145] in [0] : vector<16xi32>, vector<16xi32> -> vector<16xi32>
        %gt3A_1147 = arith.cmpf ogt, %gather3A_1133, %max3A_1123 : vector<16xf32>
        %eq3A_1148 = arith.cmpf oeq, %gather3A_1133, %max3A_1123 : vector<16xf32>
        %lt3A_1149 = arith.cmpi slt, %gather3A_1146, %select_n3A_1122 : vector<16xi32>
        %and3A = arith.andi %eq3A_1148, %lt3A_1149 : vector<16xi1>
        %or3A = arith.ori %gt3A_1147, %and3A : vector<16xi1>
        %select_n3A_1150 = arith.select %or3A, %gather3A_1146, %select_n3A_1122 : vector<16xi1>, vector<16xi32>
        %select_n3A_1151 = arith.select %or3A, %gather3A_1133, %max3A_1123 : vector<16xi1>, vector<16xf32>
        %xor3A_1152 = arith.constant 4 : i32
        %xor3A_1153 = vector.broadcast %xor3A_1152 : i32 to vector<16xi32>
        %xor3A_1154 = arith.xori %iota3A, %xor3A_1153 : vector<16xi32>
        %lt3A_1155 = arith.constant 0 : i32
        %lt3A_1156 = vector.broadcast %lt3A_1155 : i32 to vector<16xi32>
        %lt3A_1157 = arith.cmpi slt, %xor3A_1154, %lt3A_1156 : vector<16xi32>
        %add3A_1158 = arith.constant 16 : i32
        %add3A_1159 = vector.broadcast %add3A_1158 : i32 to vector<16xi32>
        %add3A_1160 = arith.addi %xor3A_1154, %add3A_1159 : vector<16xi32>
        %select_n3A_1161 = arith.select %lt3A_1157, %add3A_1160, %xor3A_1154 : vector<16xi1>, vector<16xi32>
        %broadcast_in_dim3A_1162 = vector.shape_cast %select_n3A_1161 : vector<16xi32> to vector<16x1xi32>
        %gather3A_1163 = vector.shape_cast %broadcast_in_dim3A_1162 : vector<16x1xi32> to vector<16xi32>
        %gather3A_1164 = tpu.dynamic_gather %select_n3A_1151[%gather3A_1163] in [0] : vector<16xf32>, vector<16xi32> -> vector<16xf32>
        %xor3A_1165 = arith.constant 4 : i32
        %xor3A_1166 = vector.broadcast %xor3A_1165 : i32 to vector<16xi32>
        %xor3A_1167 = arith.xori %iota3A, %xor3A_1166 : vector<16xi32>
        %lt3A_1168 = arith.constant 0 : i32
        %lt3A_1169 = vector.broadcast %lt3A_1168 : i32 to vector<16xi32>
        %lt3A_1170 = arith.cmpi slt, %xor3A_1167, %lt3A_1169 : vector<16xi32>
        %add3A_1171 = arith.constant 16 : i32
        %add3A_1172 = vector.broadcast %add3A_1171 : i32 to vector<16xi32>
        %add3A_1173 = arith.addi %xor3A_1167, %add3A_1172 : vector<16xi32>
        %select_n3A_1174 = arith.select %lt3A_1170, %add3A_1173, %xor3A_1167 : vector<16xi1>, vector<16xi32>
        %broadcast_in_dim3A_1175 = vector.shape_cast %select_n3A_1174 : vector<16xi32> to vector<16x1xi32>
        %gather3A_1176 = vector.shape_cast %broadcast_in_dim3A_1175 : vector<16x1xi32> to vector<16xi32>
        %gather3A_1177 = tpu.dynamic_gather %select_n3A_1150[%gather3A_1176] in [0] : vector<16xi32>, vector<16xi32> -> vector<16xi32>
        %gt3A_1178 = arith.cmpf ogt, %gather3A_1164, %select_n3A_1151 : vector<16xf32>
        %eq3A_1179 = arith.cmpf oeq, %gather3A_1164, %select_n3A_1151 : vector<16xf32>
        %lt3A_1180 = arith.cmpi slt, %gather3A_1177, %select_n3A_1150 : vector<16xi32>
        %and3A_1181 = arith.andi %eq3A_1179, %lt3A_1180 : vector<16xi1>
        %or3A_1182 = arith.ori %gt3A_1178, %and3A_1181 : vector<16xi1>
        %select_n3A_1183 = arith.select %or3A_1182, %gather3A_1177, %select_n3A_1150 : vector<16xi1>, vector<16xi32>
        %select_n3A_1184 = arith.select %or3A_1182, %gather3A_1164, %select_n3A_1151 : vector<16xi1>, vector<16xf32>
        %xor3A_1185 = arith.constant 2 : i32
        %xor3A_1186 = vector.broadcast %xor3A_1185 : i32 to vector<16xi32>
        %xor3A_1187 = arith.xori %iota3A, %xor3A_1186 : vector<16xi32>
        %lt3A_1188 = arith.constant 0 : i32
        %lt3A_1189 = vector.broadcast %lt3A_1188 : i32 to vector<16xi32>
        %lt3A_1190 = arith.cmpi slt, %xor3A_1187, %lt3A_1189 : vector<16xi32>
        %add3A_1191 = arith.constant 16 : i32
        %add3A_1192 = vector.broadcast %add3A_1191 : i32 to vector<16xi32>
        %add3A_1193 = arith.addi %xor3A_1187, %add3A_1192 : vector<16xi32>
        %select_n3A_1194 = arith.select %lt3A_1190, %add3A_1193, %xor3A_1187 : vector<16xi1>, vector<16xi32>
        %broadcast_in_dim3A_1195 = vector.shape_cast %select_n3A_1194 : vector<16xi32> to vector<16x1xi32>
        %gather3A_1196 = vector.shape_cast %broadcast_in_dim3A_1195 : vector<16x1xi32> to vector<16xi32>
        %gather3A_1197 = tpu.dynamic_gather %select_n3A_1184[%gather3A_1196] in [0] : vector<16xf32>, vector<16xi32> -> vector<16xf32>
        %xor3A_1198 = arith.constant 2 : i32
        %xor3A_1199 = vector.broadcast %xor3A_1198 : i32 to vector<16xi32>
        %xor3A_1200 = arith.xori %iota3A, %xor3A_1199 : vector<16xi32>
        %lt3A_1201 = arith.constant 0 : i32
        %lt3A_1202 = vector.broadcast %lt3A_1201 : i32 to vector<16xi32>
        %lt3A_1203 = arith.cmpi slt, %xor3A_1200, %lt3A_1202 : vector<16xi32>
        %add3A_1204 = arith.constant 16 : i32
        %add3A_1205 = vector.broadcast %add3A_1204 : i32 to vector<16xi32>
        %add3A_1206 = arith.addi %xor3A_1200, %add3A_1205 : vector<16xi32>
        %select_n3A_1207 = arith.select %lt3A_1203, %add3A_1206, %xor3A_1200 : vector<16xi1>, vector<16xi32>
        %broadcast_in_dim3A_1208 = vector.shape_cast %select_n3A_1207 : vector<16xi32> to vector<16x1xi32>
        %gather3A_1209 = vector.shape_cast %broadcast_in_dim3A_1208 : vector<16x1xi32> to vector<16xi32>
        %gather3A_1210 = tpu.dynamic_gather %select_n3A_1183[%gather3A_1209] in [0] : vector<16xi32>, vector<16xi32> -> vector<16xi32>
        %gt3A_1211 = arith.cmpf ogt, %gather3A_1197, %select_n3A_1184 : vector<16xf32>
        %eq3A_1212 = arith.cmpf oeq, %gather3A_1197, %select_n3A_1184 : vector<16xf32>
        %lt3A_1213 = arith.cmpi slt, %gather3A_1210, %select_n3A_1183 : vector<16xi32>
        %and3A_1214 = arith.andi %eq3A_1212, %lt3A_1213 : vector<16xi1>
        %or3A_1215 = arith.ori %gt3A_1211, %and3A_1214 : vector<16xi1>
        %select_n3A_1216 = arith.select %or3A_1215, %gather3A_1210, %select_n3A_1183 : vector<16xi1>, vector<16xi32>
        %select_n3A_1217 = arith.select %or3A_1215, %gather3A_1197, %select_n3A_1184 : vector<16xi1>, vector<16xf32>
        %xor3A_1218 = arith.constant 1 : i32
        %xor3A_1219 = vector.broadcast %xor3A_1218 : i32 to vector<16xi32>
        %xor3A_1220 = arith.xori %iota3A, %xor3A_1219 : vector<16xi32>
        %lt3A_1221 = arith.constant 0 : i32
        %lt3A_1222 = vector.broadcast %lt3A_1221 : i32 to vector<16xi32>
        %lt3A_1223 = arith.cmpi slt, %xor3A_1220, %lt3A_1222 : vector<16xi32>
        %add3A_1224 = arith.constant 16 : i32
        %add3A_1225 = vector.broadcast %add3A_1224 : i32 to vector<16xi32>
        %add3A_1226 = arith.addi %xor3A_1220, %add3A_1225 : vector<16xi32>
        %select_n3A_1227 = arith.select %lt3A_1223, %add3A_1226, %xor3A_1220 : vector<16xi1>, vector<16xi32>
        %broadcast_in_dim3A_1228 = vector.shape_cast %select_n3A_1227 : vector<16xi32> to vector<16x1xi32>
        %gather3A_1229 = vector.shape_cast %broadcast_in_dim3A_1228 : vector<16x1xi32> to vector<16xi32>
        %gather3A_1230 = tpu.dynamic_gather %select_n3A_1217[%gather3A_1229] in [0] : vector<16xf32>, vector<16xi32> -> vector<16xf32>
        %xor3A_1231 = arith.constant 1 : i32
        %xor3A_1232 = vector.broadcast %xor3A_1231 : i32 to vector<16xi32>
        %xor3A_1233 = arith.xori %iota3A, %xor3A_1232 : vector<16xi32>
        %lt3A_1234 = arith.constant 0 : i32
        %lt3A_1235 = vector.broadcast %lt3A_1234 : i32 to vector<16xi32>
        %lt3A_1236 = arith.cmpi slt, %xor3A_1233, %lt3A_1235 : vector<16xi32>
        %add3A_1237 = arith.constant 16 : i32
        %add3A_1238 = vector.broadcast %add3A_1237 : i32 to vector<16xi32>
        %add3A_1239 = arith.addi %xor3A_1233, %add3A_1238 : vector<16xi32>
        %select_n3A_1240 = arith.select %lt3A_1236, %add3A_1239, %xor3A_1233 : vector<16xi1>, vector<16xi32>
        %broadcast_in_dim3A_1241 = vector.shape_cast %select_n3A_1240 : vector<16xi32> to vector<16x1xi32>
        %gather3A_1242 = vector.shape_cast %broadcast_in_dim3A_1241 : vector<16x1xi32> to vector<16xi32>
        %gather3A_1243 = tpu.dynamic_gather %select_n3A_1216[%gather3A_1242] in [0] : vector<16xi32>, vector<16xi32> -> vector<16xi32>
        %gt3A_1244 = arith.cmpf ogt, %gather3A_1230, %select_n3A_1217 : vector<16xf32>
        %eq3A_1245 = arith.cmpf oeq, %gather3A_1230, %select_n3A_1217 : vector<16xf32>
        %lt3A_1246 = arith.cmpi slt, %gather3A_1243, %select_n3A_1216 : vector<16xi32>
        %and3A_1247 = arith.andi %eq3A_1245, %lt3A_1246 : vector<16xi1>
        %or3A_1248 = arith.ori %gt3A_1244, %and3A_1247 : vector<16xi1>
        %select_n3A_1249 = arith.select %or3A_1248, %gather3A_1243, %select_n3A_1216 : vector<16xi1>, vector<16xi32>
        %select_n3A_1250 = arith.select %or3A_1248, %gather3A_1230, %select_n3A_1217 : vector<16xi1>, vector<16xf32>
        %broadcast_in_dim3A_1251 = arith.constant 1 : i32
        %broadcast_in_dim3A_1252 = vector.broadcast %broadcast_in_dim3A_1251 : i32 to vector<16xi32>
        %mul3A_1253 = vector.broadcast %scan3A_19 : i32 to vector<16xi32>
        %mul3A_1254 = arith.muli %broadcast_in_dim3A_1252, %mul3A_1253 : vector<16xi32>
        %get3A_1255 = arith.constant 0 : index
        %get3A_1256 = tpu.vector_load %arg9[%get3A_1255] {strides = array<i32>} : memref<32xi32, #tpu.memory_space<vmem>>, vector<16xi32>,
        %get3A_1257 = vector.shape_cast %get3A_1256 : vector<16xi32> to vector<16xi32>
        %add3A_1258 = arith.constant 0 : i32
        %add3A_1259 = vector.broadcast %add3A_1258 : i32 to vector<16xi32>
        %add3A_1260 = arith.addi %iota3A, %add3A_1259 : vector<16xi32>
        %eq3A_1261 = arith.cmpi eq, %add3A_1260, %mul3A_1254 : vector<16xi32>
        %select_n3A_1262 = arith.select %eq3A_1261, %select_n3A_1249, %get3A_1257 : vector<16xi1>, vector<16xi32>
        %swap3A_1263 = arith.constant 0 : index
        %swap3A_1264 = tpu.vector_load %arg9[%swap3A_1263] {strides = array<i32>} : memref<32xi32, #tpu.memory_space<vmem>>, vector<16xi32>,
        %swap3A_1265 = vector.shape_cast %swap3A_1264 : vector<16xi32> to vector<16xi32>
        %swap3A_1266 = vector.shape_cast %select_n3A_1262 : vector<16xi32> to vector<16xi32>
        tpu.vector_store %arg9[%swap3A_1263], %swap3A_1266 {strides = array<i32>} : memref<32xi32, #tpu.memory_space<vmem>>, vector<16xi32>,
        %get3A_1267 = arith.constant 16 : index
        %get3A_1268 = tpu.vector_load %arg9[%get3A_1267] {strides = array<i32>} : memref<32xi32, #tpu.memory_space<vmem>>, vector<16xi32>,
        %get3A_1269 = vector.shape_cast %get3A_1268 : vector<16xi32> to vector<16xi32>
        %add3A_1270 = arith.constant 16 : i32
        %add3A_1271 = vector.broadcast %add3A_1270 : i32 to vector<16xi32>
        %add3A_1272 = arith.addi %iota3A, %add3A_1271 : vector<16xi32>
        %eq3A_1273 = arith.cmpi eq, %add3A_1272, %mul3A_1254 : vector<16xi32>
        %select_n3A_1274 = arith.select %eq3A_1273, %select_n3A_1249, %get3A_1269 : vector<16xi1>, vector<16xi32>
        %swap3A_1275 = arith.constant 16 : index
        %swap3A_1276 = tpu.vector_load %arg9[%swap3A_1275] {strides = array<i32>} : memref<32xi32, #tpu.memory_space<vmem>>, vector<16xi32>,
        %swap3A_1277 = vector.shape_cast %swap3A_1276 : vector<16xi32> to vector<16xi32>
        %swap3A_1278 = vector.shape_cast %select_n3A_1274 : vector<16xi32> to vector<16xi32>
        tpu.vector_store %arg9[%swap3A_1275], %swap3A_1278 {strides = array<i32>} : memref<32xi32, #tpu.memory_space<vmem>>, vector<16xi32>,
        scf.yield %select_n3A_1249 : vector<16xi32>
      }
      %scan3A_8 = arith.constant 32 : i32
      %dma_start3A = arith.constant 0 : i32
      %dma_start3A_9 = arith.constant 0 : i32
      %dma_start3A_10 = tpu.memref_slice %arg3[%dma_start3A, %dma_start3A_9] : memref<1040x768xf32, #tpu.memory_space<hbm>> -> memref<1040x768xf32, #tpu.memory_space<hbm>>
      tpu.enqueue_indirect_dma source(%dma_start3A_10 : memref<1040x768xf32, #tpu.memory_space<hbm>>) target(%arg10 : memref<32x768xf32, #tpu.memory_space<vmem>>) offsets(%arg9 : memref<32xi32, #tpu.memory_space<vmem>>) semaphore(%arg12 : memref<!tpu.dma_semaphore, #tpu.memory_space<semaphore_mem>>)
      %dma_start3A_11 = arith.constant 0 : i32
      %dma_start3A_12 = arith.constant 0 : i32
      %dma_start3A_13 = tpu.memref_slice %arg4[%dma_start3A_11, %dma_start3A_12] : memref<1040x2176xf32, #tpu.memory_space<hbm>> -> memref<1040x2176xf32, #tpu.memory_space<hbm>>
      tpu.enqueue_indirect_dma source(%dma_start3A_13 : memref<1040x2176xf32, #tpu.memory_space<hbm>>) target(%arg11 : memref<32x2176xf32, #tpu.memory_space<vmem>>) offsets(%arg9 : memref<32xi32, #tpu.memory_space<vmem>>) semaphore(%arg12 : memref<!tpu.dma_semaphore, #tpu.memory_space<semaphore_mem>>)
      %dma_wait3A = arith.constant 0 : i32
      %dma_wait3A_14 = arith.constant 0 : i32
      %dma_wait3A_15 = tpu.memref_slice %arg3[%dma_wait3A, %dma_wait3A_14] : memref<1040x768xf32, #tpu.memory_space<hbm>> -> memref<1040x768xf32, #tpu.memory_space<hbm>>
      tpu.wait_indirect_dma semaphore(%arg12 : memref<!tpu.dma_semaphore, #tpu.memory_space<semaphore_mem>>) src(%dma_wait3A_15 : memref<1040x768xf32, #tpu.memory_space<hbm>>) dst(%arg10 : memref<32x768xf32, #tpu.memory_space<vmem>>)
      %dma_wait3A_16 = arith.constant 0 : i32
      %dma_wait3A_17 = arith.constant 0 : i32
      %dma_wait3A_18 = tpu.memref_slice %arg4[%dma_wait3A_16, %dma_wait3A_17] : memref<1040x2176xf32, #tpu.memory_space<hbm>> -> memref<1040x2176xf32, #tpu.memory_space<hbm>>
      tpu.wait_indirect_dma semaphore(%arg12 : memref<!tpu.dma_semaphore, #tpu.memory_space<semaphore_mem>>) src(%dma_wait3A_18 : memref<1040x2176xf32, #tpu.memory_space<hbm>>) dst(%arg11 : memref<32x2176xf32, #tpu.memory_space<vmem>>)
      "tpu.region"() ({
        %run_scoped3A = tpu.sem_alloc : memref<!tpu.dma_semaphore, #tpu.memory_space<semaphore_mem>>
        tpu.enqueue_dma source(%arg9 : memref<32xi32, #tpu.memory_space<vmem>>) target(%arg5 : memref<32xi32, #tpu.memory_space<hbm>>) target_semaphore(%run_scoped3A : memref<!tpu.dma_semaphore, #tpu.memory_space<semaphore_mem>>)
        tpu.wait_dma2 semaphore(%run_scoped3A : memref<!tpu.dma_semaphore, #tpu.memory_space<semaphore_mem>>) src(%arg9 : memref<32xi32, #tpu.memory_space<vmem>>) dst(%arg5 : memref<32xi32, #tpu.memory_space<hbm>>)
        tpu.yield
      }) : () -> ()
      "tpu.region"() ({
        %run_scoped3A = tpu.sem_alloc : memref<!tpu.dma_semaphore, #tpu.memory_space<semaphore_mem>>
        tpu.enqueue_dma source(%arg10 : memref<32x768xf32, #tpu.memory_space<vmem>>) target(%arg6 : memref<32x768xf32, #tpu.memory_space<hbm>>) target_semaphore(%run_scoped3A : memref<!tpu.dma_semaphore, #tpu.memory_space<semaphore_mem>>)
        tpu.wait_dma2 semaphore(%run_scoped3A : memref<!tpu.dma_semaphore, #tpu.memory_space<semaphore_mem>>) src(%arg10 : memref<32x768xf32, #tpu.memory_space<vmem>>) dst(%arg6 : memref<32x768xf32, #tpu.memory_space<hbm>>)
        tpu.yield
      }) : () -> ()
      "tpu.region"() ({
        %run_scoped3A = tpu.sem_alloc : memref<!tpu.dma_semaphore, #tpu.memory_space<semaphore_mem>>
        tpu.enqueue_dma source(%arg11 : memref<32x2176xf32, #tpu.memory_space<vmem>>) target(%arg7 : memref<32x2176xf32, #tpu.memory_space<hbm>>) target_semaphore(%run_scoped3A : memref<!tpu.dma_semaphore, #tpu.memory_space<semaphore_mem>>)
        tpu.wait_dma2 semaphore(%run_scoped3A : memref<!tpu.dma_semaphore, #tpu.memory_space<semaphore_mem>>) src(%arg11 : memref<32x2176xf32, #tpu.memory_space<vmem>>) dst(%arg7 : memref<32x2176xf32, #tpu.memory_space<hbm>>)
        tpu.yield
      }) : () -> ()
    } else {
    }
    return
  }
}

#map = affine_map<(d0, d1) -> (0)>
#map1 = affine_map<(d0, d1) -> (0, 0)>
module attributes {stable_mosaic.version = 14 : i64} {
  func.func @sc_kernel(%arg0: i32, %arg1: i32, %arg2: memref<1040xf32, #tpu.memory_space<hbm>>, %arg3: memref<1040x768xf32, #tpu.memory_space<hbm>>, %arg4: memref<1040x2176xf32, #tpu.memory_space<hbm>>, %arg5: memref<32xi32, #tpu.memory_space<hbm>>, %arg6: memref<32x768xf32, #tpu.memory_space<hbm>>, %arg7: memref<32x2176xf32, #tpu.memory_space<hbm>>, %arg8: memref<1040xf32, #tpu.memory_space<vmem>>, %arg9: memref<32xi32, #tpu.memory_space<vmem>>, %arg10: memref<32x768xf32, #tpu.memory_space<vmem>>, %arg11: memref<32x2176xf32, #tpu.memory_space<vmem>>, %arg12: memref<!tpu.dma_semaphore, #tpu.memory_space<semaphore_mem>>) attributes {dimension_semantics = [#tpu.dimension_semantics<core_parallel>, #tpu.dimension_semantics<subcore_parallel>], iteration_bounds = array<i64: 2, 16>, scalar_prefetch = 0 : i64, scratch_operands = 5 : i64, tpu.core_type = #tpu.core_type<sc_vector_subcore>, window_params = [{transform_indices = #map}, {transform_indices = #map1}, {transform_indices = #map1}, {transform_indices = #map}, {transform_indices = #map1}, {transform_indices = #map1}]} {
    %mul3A = arith.constant 2 : i32
    %mul3A_0 = arith.muli %arg1, %mul3A : i32
    %add3A = arith.addi %mul3A_0, %arg0 : i32
    %eq3A = arith.constant 0 : i32
    %eq3A_1 = arith.cmpi eq, %add3A, %eq3A : i32
    %convert_element_type3A = arith.extui %eq3A_1 : i1 to i32
    %cond3A = arith.constant 0 : i32
    %cond3A_2 = arith.cmpi ne, %convert_element_type3A, %cond3A : i32
    scf.if %cond3A_2 {
      "tpu.region"() ({
        %run_scoped3A = tpu.sem_alloc : memref<!tpu.dma_semaphore, #tpu.memory_space<semaphore_mem>>
        tpu.enqueue_dma source(%arg2 : memref<1040xf32, #tpu.memory_space<hbm>>) target(%arg8 : memref<1040xf32, #tpu.memory_space<vmem>>) target_semaphore(%run_scoped3A : memref<!tpu.dma_semaphore, #tpu.memory_space<semaphore_mem>>)
        tpu.wait_dma2 semaphore(%run_scoped3A : memref<!tpu.dma_semaphore, #tpu.memory_space<semaphore_mem>>) src(%arg2 : memref<1040xf32, #tpu.memory_space<hbm>>) dst(%arg8 : memref<1040xf32, #tpu.memory_space<vmem>>)
        tpu.yield
      }) : () -> ()
      %iota3A = tpu.iota {dimensions = array<i32: 0>} : vector<16xi32>
      %broadcast_in_dim3A = arith.constant -1 : i32
      %broadcast_in_dim3A_3 = vector.broadcast %broadcast_in_dim3A : i32 to vector<16xi32>
      %scan3A = arith.constant 0 : i32
      %scan3A_4 = arith.constant 32 : i32
      %scan3A_5 = arith.addi %scan3A, %scan3A_4 : i32
      %scan3A_6 = arith.constant 1 : i32
      %scan3A_7 = scf.for %scan3A_19 = %scan3A to %scan3A_5 step %scan3A_6 iter_args(%scan3A_20 = %broadcast_in_dim3A_3) -> (vector<16xi32>)  : i32 {
        %broadcast_in_dim3A_21 = arith.constant -3.000000e+38 : f32
        %broadcast_in_dim3A_22 = vector.broadcast %broadcast_in_dim3A_21 : f32 to vector<16xf32>
        %broadcast_in_dim3A_23 = arith.constant 1073741824 : i32
        %broadcast_in_dim3A_24 = vector.broadcast %broadcast_in_dim3A_23 : i32 to vector<16xi32>
        %get3A = arith.constant 0 : index
        %get3A_25 = tpu.vector_load %arg8[%get3A] {strides = array<i32>} : memref<1040xf32, #tpu.memory_space<vmem>>, vector<16xf32>,
        %get3A_26 = vector.shape_cast %get3A_25 : vector<16xf32> to vector<16xf32>
        %add3A_27 = arith.constant 0 : i32
        %add3A_28 = vector.broadcast %add3A_27 : i32 to vector<16xi32>
        %add3A_29 = arith.addi %iota3A, %add3A_28 : vector<16xi32>
        %eq3A_30 = arith.cmpi eq, %add3A_29, %scan3A_20 : vector<16xi32>
        %jit3A = arith.constant -3.000000e+38 : f32
        %broadcast_in_dim3A_31 = vector.broadcast %jit3A : f32 to vector<16xf32>
        %select_n3A = arith.select %eq3A_30, %broadcast_in_dim3A_31, %get3A_26 : vector<16xi1>, vector<16xf32>
        %swap3A = arith.constant 0 : index
        %swap3A_32 = tpu.vector_load %arg8[%swap3A] {strides = array<i32>} : memref<1040xf32, #tpu.memory_space<vmem>>, vector<16xf32>,
        %swap3A_33 = vector.shape_cast %swap3A_32 : vector<16xf32> to vector<16xf32>
        %swap3A_34 = vector.shape_cast %select_n3A : vector<16xf32> to vector<16xf32>
        tpu.vector_store %arg8[%swap3A], %swap3A_34 {strides = array<i32>} : memref<1040xf32, #tpu.memory_space<vmem>>, vector<16xf32>,
        %gt3A = arith.cmpf ogt, %select_n3A, %broadcast_in_dim3A_22 : vector<16xf32>
        %select_n3A_35 = arith.select %gt3A, %add3A_29, %broadcast_in_dim3A_24 : vector<16xi1>, vector<16xi32>
        %max3A = arith.maximumf %broadcast_in_dim3A_22, %select_n3A : vector<16xf32>
        %get3A_36 = arith.constant 16 : index
        %get3A_37 = tpu.vector_load %arg8[%get3A_36] {strides = array<i32>} : memref<1040xf32, #tpu.memory_space<vmem>>, vector<16xf32>,
        %get3A_38 = vector.shape_cast %get3A_37 : vector<16xf32> to vector<16xf32>
        %add3A_39 = arith.constant 16 : i32
        %add3A_40 = vector.broadcast %add3A_39 : i32 to vector<16xi32>
        %add3A_41 = arith.addi %iota3A, %add3A_40 : vector<16xi32>
        %eq3A_42 = arith.cmpi eq, %add3A_41, %scan3A_20 : vector<16xi32>
        %jit3A_43 = arith.constant -3.000000e+38 : f32
        %broadcast_in_dim3A_44 = vector.broadcast %jit3A_43 : f32 to vector<16xf32>
        %select_n3A_45 = arith.select %eq3A_42, %broadcast_in_dim3A_44, %get3A_38 : vector<16xi1>, vector<16xf32>
        %swap3A_46 = arith.constant 16 : index
        %swap3A_47 = tpu.vector_load %arg8[%swap3A_46] {strides = array<i32>} : memref<1040xf32, #tpu.memory_space<vmem>>, vector<16xf32>,
        %swap3A_48 = vector.shape_cast %swap3A_47 : vector<16xf32> to vector<16xf32>
        %swap3A_49 = vector.shape_cast %select_n3A_45 : vector<16xf32> to vector<16xf32>
        tpu.vector_store %arg8[%swap3A_46], %swap3A_49 {strides = array<i32>} : memref<1040xf32, #tpu.memory_space<vmem>>, vector<16xf32>,
        %gt3A_50 = arith.cmpf ogt, %select_n3A_45, %max3A : vector<16xf32>
        %select_n3A_51 = arith.select %gt3A_50, %add3A_41, %select_n3A_35 : vector<16xi1>, vector<16xi32>
        %max3A_52 = arith.maximumf %max3A, %select_n3A_45 : vector<16xf32>
        %get3A_53 = arith.constant 32 : index
        %get3A_54 = tpu.vector_load %arg8[%get3A_53] {strides = array<i32>} : memref<1040xf32, #tpu.memory_space<vmem>>, vector<16xf32>,
        %get3A_55 = vector.shape_cast %get3A_54 : vector<16xf32> to vector<16xf32>
        %add3A_56 = arith.constant 32 : i32
        %add3A_57 = vector.broadcast %add3A_56 : i32 to vector<16xi32>
        %add3A_58 = arith.addi %iota3A, %add3A_57 : vector<16xi32>
        %eq3A_59 = arith.cmpi eq, %add3A_58, %scan3A_20 : vector<16xi32>
        %jit3A_60 = arith.constant -3.000000e+38 : f32
        %broadcast_in_dim3A_61 = vector.broadcast %jit3A_60 : f32 to vector<16xf32>
        %select_n3A_62 = arith.select %eq3A_59, %broadcast_in_dim3A_61, %get3A_55 : vector<16xi1>, vector<16xf32>
        %swap3A_63 = arith.constant 32 : index
        %swap3A_64 = tpu.vector_load %arg8[%swap3A_63] {strides = array<i32>} : memref<1040xf32, #tpu.memory_space<vmem>>, vector<16xf32>,
        %swap3A_65 = vector.shape_cast %swap3A_64 : vector<16xf32> to vector<16xf32>
        %swap3A_66 = vector.shape_cast %select_n3A_62 : vector<16xf32> to vector<16xf32>
        tpu.vector_store %arg8[%swap3A_63], %swap3A_66 {strides = array<i32>} : memref<1040xf32, #tpu.memory_space<vmem>>, vector<16xf32>,
        %gt3A_67 = arith.cmpf ogt, %select_n3A_62, %max3A_52 : vector<16xf32>
        %select_n3A_68 = arith.select %gt3A_67, %add3A_58, %select_n3A_51 : vector<16xi1>, vector<16xi32>
        %max3A_69 = arith.maximumf %max3A_52, %select_n3A_62 : vector<16xf32>
        %get3A_70 = arith.constant 48 : index
        %get3A_71 = tpu.vector_load %arg8[%get3A_70] {strides = array<i32>} : memref<1040xf32, #tpu.memory_space<vmem>>, vector<16xf32>,
        %get3A_72 = vector.shape_cast %get3A_71 : vector<16xf32> to vector<16xf32>
        %add3A_73 = arith.constant 48 : i32
        %add3A_74 = vector.broadcast %add3A_73 : i32 to vector<16xi32>
        %add3A_75 = arith.addi %iota3A, %add3A_74 : vector<16xi32>
        %eq3A_76 = arith.cmpi eq, %add3A_75, %scan3A_20 : vector<16xi32>
        %jit3A_77 = arith.constant -3.000000e+38 : f32
        %broadcast_in_dim3A_78 = vector.broadcast %jit3A_77 : f32 to vector<16xf32>
        %select_n3A_79 = arith.select %eq3A_76, %broadcast_in_dim3A_78, %get3A_72 : vector<16xi1>, vector<16xf32>
        %swap3A_80 = arith.constant 48 : index
        %swap3A_81 = tpu.vector_load %arg8[%swap3A_80] {strides = array<i32>} : memref<1040xf32, #tpu.memory_space<vmem>>, vector<16xf32>,
        %swap3A_82 = vector.shape_cast %swap3A_81 : vector<16xf32> to vector<16xf32>
        %swap3A_83 = vector.shape_cast %select_n3A_79 : vector<16xf32> to vector<16xf32>
        tpu.vector_store %arg8[%swap3A_80], %swap3A_83 {strides = array<i32>} : memref<1040xf32, #tpu.memory_space<vmem>>, vector<16xf32>,
        %gt3A_84 = arith.cmpf ogt, %select_n3A_79, %max3A_69 : vector<16xf32>
        %select_n3A_85 = arith.select %gt3A_84, %add3A_75, %select_n3A_68 : vector<16xi1>, vector<16xi32>
        %max3A_86 = arith.maximumf %max3A_69, %select_n3A_79 : vector<16xf32>
        %get3A_87 = arith.constant 64 : index
        %get3A_88 = tpu.vector_load %arg8[%get3A_87] {strides = array<i32>} : memref<1040xf32, #tpu.memory_space<vmem>>, vector<16xf32>,
        %get3A_89 = vector.shape_cast %get3A_88 : vector<16xf32> to vector<16xf32>
        %add3A_90 = arith.constant 64 : i32
        %add3A_91 = vector.broadcast %add3A_90 : i32 to vector<16xi32>
        %add3A_92 = arith.addi %iota3A, %add3A_91 : vector<16xi32>
        %eq3A_93 = arith.cmpi eq, %add3A_92, %scan3A_20 : vector<16xi32>
        %jit3A_94 = arith.constant -3.000000e+38 : f32
        %broadcast_in_dim3A_95 = vector.broadcast %jit3A_94 : f32 to vector<16xf32>
        %select_n3A_96 = arith.select %eq3A_93, %broadcast_in_dim3A_95, %get3A_89 : vector<16xi1>, vector<16xf32>
        %swap3A_97 = arith.constant 64 : index
        %swap3A_98 = tpu.vector_load %arg8[%swap3A_97] {strides = array<i32>} : memref<1040xf32, #tpu.memory_space<vmem>>, vector<16xf32>,
        %swap3A_99 = vector.shape_cast %swap3A_98 : vector<16xf32> to vector<16xf32>
        %swap3A_100 = vector.shape_cast %select_n3A_96 : vector<16xf32> to vector<16xf32>
        tpu.vector_store %arg8[%swap3A_97], %swap3A_100 {strides = array<i32>} : memref<1040xf32, #tpu.memory_space<vmem>>, vector<16xf32>,
        %gt3A_101 = arith.cmpf ogt, %select_n3A_96, %max3A_86 : vector<16xf32>
        %select_n3A_102 = arith.select %gt3A_101, %add3A_92, %select_n3A_85 : vector<16xi1>, vector<16xi32>
        %max3A_103 = arith.maximumf %max3A_86, %select_n3A_96 : vector<16xf32>
        %get3A_104 = arith.constant 80 : index
        %get3A_105 = tpu.vector_load %arg8[%get3A_104] {strides = array<i32>} : memref<1040xf32, #tpu.memory_space<vmem>>, vector<16xf32>,
        %get3A_106 = vector.shape_cast %get3A_105 : vector<16xf32> to vector<16xf32>
        %add3A_107 = arith.constant 80 : i32
        %add3A_108 = vector.broadcast %add3A_107 : i32 to vector<16xi32>
        %add3A_109 = arith.addi %iota3A, %add3A_108 : vector<16xi32>
        %eq3A_110 = arith.cmpi eq, %add3A_109, %scan3A_20 : vector<16xi32>
        %jit3A_111 = arith.constant -3.000000e+38 : f32
        %broadcast_in_dim3A_112 = vector.broadcast %jit3A_111 : f32 to vector<16xf32>
        %select_n3A_113 = arith.select %eq3A_110, %broadcast_in_dim3A_112, %get3A_106 : vector<16xi1>, vector<16xf32>
        %swap3A_114 = arith.constant 80 : index
        %swap3A_115 = tpu.vector_load %arg8[%swap3A_114] {strides = array<i32>} : memref<1040xf32, #tpu.memory_space<vmem>>, vector<16xf32>,
        %swap3A_116 = vector.shape_cast %swap3A_115 : vector<16xf32> to vector<16xf32>
        %swap3A_117 = vector.shape_cast %select_n3A_113 : vector<16xf32> to vector<16xf32>
        tpu.vector_store %arg8[%swap3A_114], %swap3A_117 {strides = array<i32>} : memref<1040xf32, #tpu.memory_space<vmem>>, vector<16xf32>,
        %gt3A_118 = arith.cmpf ogt, %select_n3A_113, %max3A_103 : vector<16xf32>
        %select_n3A_119 = arith.select %gt3A_118, %add3A_109, %select_n3A_102 : vector<16xi1>, vector<16xi32>
        %max3A_120 = arith.maximumf %max3A_103, %select_n3A_113 : vector<16xf32>
        %get3A_121 = arith.constant 96 : index
        %get3A_122 = tpu.vector_load %arg8[%get3A_121] {strides = array<i32>} : memref<1040xf32, #tpu.memory_space<vmem>>, vector<16xf32>,
        %get3A_123 = vector.shape_cast %get3A_122 : vector<16xf32> to vector<16xf32>
        %add3A_124 = arith.constant 96 : i32
        %add3A_125 = vector.broadcast %add3A_124 : i32 to vector<16xi32>
        %add3A_126 = arith.addi %iota3A, %add3A_125 : vector<16xi32>
        %eq3A_127 = arith.cmpi eq, %add3A_126, %scan3A_20 : vector<16xi32>
        %jit3A_128 = arith.constant -3.000000e+38 : f32
        %broadcast_in_dim3A_129 = vector.broadcast %jit3A_128 : f32 to vector<16xf32>
        %select_n3A_130 = arith.select %eq3A_127, %broadcast_in_dim3A_129, %get3A_123 : vector<16xi1>, vector<16xf32>
        %swap3A_131 = arith.constant 96 : index
        %swap3A_132 = tpu.vector_load %arg8[%swap3A_131] {strides = array<i32>} : memref<1040xf32, #tpu.memory_space<vmem>>, vector<16xf32>,
        %swap3A_133 = vector.shape_cast %swap3A_132 : vector<16xf32> to vector<16xf32>
        %swap3A_134 = vector.shape_cast %select_n3A_130 : vector<16xf32> to vector<16xf32>
        tpu.vector_store %arg8[%swap3A_131], %swap3A_134 {strides = array<i32>} : memref<1040xf32, #tpu.memory_space<vmem>>, vector<16xf32>,
        %gt3A_135 = arith.cmpf ogt, %select_n3A_130, %max3A_120 : vector<16xf32>
        %select_n3A_136 = arith.select %gt3A_135, %add3A_126, %select_n3A_119 : vector<16xi1>, vector<16xi32>
        %max3A_137 = arith.maximumf %max3A_120, %select_n3A_130 : vector<16xf32>
        %get3A_138 = arith.constant 112 : index
        %get3A_139 = tpu.vector_load %arg8[%get3A_138] {strides = array<i32>} : memref<1040xf32, #tpu.memory_space<vmem>>, vector<16xf32>,
        %get3A_140 = vector.shape_cast %get3A_139 : vector<16xf32> to vector<16xf32>
        %add3A_141 = arith.constant 112 : i32
        %add3A_142 = vector.broadcast %add3A_141 : i32 to vector<16xi32>
        %add3A_143 = arith.addi %iota3A, %add3A_142 : vector<16xi32>
        %eq3A_144 = arith.cmpi eq, %add3A_143, %scan3A_20 : vector<16xi32>
        %jit3A_145 = arith.constant -3.000000e+38 : f32
        %broadcast_in_dim3A_146 = vector.broadcast %jit3A_145 : f32 to vector<16xf32>
        %select_n3A_147 = arith.select %eq3A_144, %broadcast_in_dim3A_146, %get3A_140 : vector<16xi1>, vector<16xf32>
        %swap3A_148 = arith.constant 112 : index
        %swap3A_149 = tpu.vector_load %arg8[%swap3A_148] {strides = array<i32>} : memref<1040xf32, #tpu.memory_space<vmem>>, vector<16xf32>,
        %swap3A_150 = vector.shape_cast %swap3A_149 : vector<16xf32> to vector<16xf32>
        %swap3A_151 = vector.shape_cast %select_n3A_147 : vector<16xf32> to vector<16xf32>
        tpu.vector_store %arg8[%swap3A_148], %swap3A_151 {strides = array<i32>} : memref<1040xf32, #tpu.memory_space<vmem>>, vector<16xf32>,
        %gt3A_152 = arith.cmpf ogt, %select_n3A_147, %max3A_137 : vector<16xf32>
        %select_n3A_153 = arith.select %gt3A_152, %add3A_143, %select_n3A_136 : vector<16xi1>, vector<16xi32>
        %max3A_154 = arith.maximumf %max3A_137, %select_n3A_147 : vector<16xf32>
        %get3A_155 = arith.constant 128 : index
        %get3A_156 = tpu.vector_load %arg8[%get3A_155] {strides = array<i32>} : memref<1040xf32, #tpu.memory_space<vmem>>, vector<16xf32>,
        %get3A_157 = vector.shape_cast %get3A_156 : vector<16xf32> to vector<16xf32>
        %add3A_158 = arith.constant 128 : i32
        %add3A_159 = vector.broadcast %add3A_158 : i32 to vector<16xi32>
        %add3A_160 = arith.addi %iota3A, %add3A_159 : vector<16xi32>
        %eq3A_161 = arith.cmpi eq, %add3A_160, %scan3A_20 : vector<16xi32>
        %jit3A_162 = arith.constant -3.000000e+38 : f32
        %broadcast_in_dim3A_163 = vector.broadcast %jit3A_162 : f32 to vector<16xf32>
        %select_n3A_164 = arith.select %eq3A_161, %broadcast_in_dim3A_163, %get3A_157 : vector<16xi1>, vector<16xf32>
        %swap3A_165 = arith.constant 128 : index
        %swap3A_166 = tpu.vector_load %arg8[%swap3A_165] {strides = array<i32>} : memref<1040xf32, #tpu.memory_space<vmem>>, vector<16xf32>,
        %swap3A_167 = vector.shape_cast %swap3A_166 : vector<16xf32> to vector<16xf32>
        %swap3A_168 = vector.shape_cast %select_n3A_164 : vector<16xf32> to vector<16xf32>
        tpu.vector_store %arg8[%swap3A_165], %swap3A_168 {strides = array<i32>} : memref<1040xf32, #tpu.memory_space<vmem>>, vector<16xf32>,
        %gt3A_169 = arith.cmpf ogt, %select_n3A_164, %max3A_154 : vector<16xf32>
        %select_n3A_170 = arith.select %gt3A_169, %add3A_160, %select_n3A_153 : vector<16xi1>, vector<16xi32>
        %max3A_171 = arith.maximumf %max3A_154, %select_n3A_164 : vector<16xf32>
        %get3A_172 = arith.constant 144 : index
        %get3A_173 = tpu.vector_load %arg8[%get3A_172] {strides = array<i32>} : memref<1040xf32, #tpu.memory_space<vmem>>, vector<16xf32>,
        %get3A_174 = vector.shape_cast %get3A_173 : vector<16xf32> to vector<16xf32>
        %add3A_175 = arith.constant 144 : i32
        %add3A_176 = vector.broadcast %add3A_175 : i32 to vector<16xi32>
        %add3A_177 = arith.addi %iota3A, %add3A_176 : vector<16xi32>
        %eq3A_178 = arith.cmpi eq, %add3A_177, %scan3A_20 : vector<16xi32>
        %jit3A_179 = arith.constant -3.000000e+38 : f32
        %broadcast_in_dim3A_180 = vector.broadcast %jit3A_179 : f32 to vector<16xf32>
        %select_n3A_181 = arith.select %eq3A_178, %broadcast_in_dim3A_180, %get3A_174 : vector<16xi1>, vector<16xf32>
        %swap3A_182 = arith.constant 144 : index
        %swap3A_183 = tpu.vector_load %arg8[%swap3A_182] {strides = array<i32>} : memref<1040xf32, #tpu.memory_space<vmem>>, vector<16xf32>,
        %swap3A_184 = vector.shape_cast %swap3A_183 : vector<16xf32> to vector<16xf32>
        %swap3A_185 = vector.shape_cast %select_n3A_181 : vector<16xf32> to vector<16xf32>
        tpu.vector_store %arg8[%swap3A_182], %swap3A_185 {strides = array<i32>} : memref<1040xf32, #tpu.memory_space<vmem>>, vector<16xf32>,
        %gt3A_186 = arith.cmpf ogt, %select_n3A_181, %max3A_171 : vector<16xf32>
        %select_n3A_187 = arith.select %gt3A_186, %add3A_177, %select_n3A_170 : vector<16xi1>, vector<16xi32>
        %max3A_188 = arith.maximumf %max3A_171, %select_n3A_181 : vector<16xf32>
        %get3A_189 = arith.constant 160 : index
        %get3A_190 = tpu.vector_load %arg8[%get3A_189] {strides = array<i32>} : memref<1040xf32, #tpu.memory_space<vmem>>, vector<16xf32>,
        %get3A_191 = vector.shape_cast %get3A_190 : vector<16xf32> to vector<16xf32>
        %add3A_192 = arith.constant 160 : i32
        %add3A_193 = vector.broadcast %add3A_192 : i32 to vector<16xi32>
        %add3A_194 = arith.addi %iota3A, %add3A_193 : vector<16xi32>
        %eq3A_195 = arith.cmpi eq, %add3A_194, %scan3A_20 : vector<16xi32>
        %jit3A_196 = arith.constant -3.000000e+38 : f32
        %broadcast_in_dim3A_197 = vector.broadcast %jit3A_196 : f32 to vector<16xf32>
        %select_n3A_198 = arith.select %eq3A_195, %broadcast_in_dim3A_197, %get3A_191 : vector<16xi1>, vector<16xf32>
        %swap3A_199 = arith.constant 160 : index
        %swap3A_200 = tpu.vector_load %arg8[%swap3A_199] {strides = array<i32>} : memref<1040xf32, #tpu.memory_space<vmem>>, vector<16xf32>,
        %swap3A_201 = vector.shape_cast %swap3A_200 : vector<16xf32> to vector<16xf32>
        %swap3A_202 = vector.shape_cast %select_n3A_198 : vector<16xf32> to vector<16xf32>
        tpu.vector_store %arg8[%swap3A_199], %swap3A_202 {strides = array<i32>} : memref<1040xf32, #tpu.memory_space<vmem>>, vector<16xf32>,
        %gt3A_203 = arith.cmpf ogt, %select_n3A_198, %max3A_188 : vector<16xf32>
        %select_n3A_204 = arith.select %gt3A_203, %add3A_194, %select_n3A_187 : vector<16xi1>, vector<16xi32>
        %max3A_205 = arith.maximumf %max3A_188, %select_n3A_198 : vector<16xf32>
        %get3A_206 = arith.constant 176 : index
        %get3A_207 = tpu.vector_load %arg8[%get3A_206] {strides = array<i32>} : memref<1040xf32, #tpu.memory_space<vmem>>, vector<16xf32>,
        %get3A_208 = vector.shape_cast %get3A_207 : vector<16xf32> to vector<16xf32>
        %add3A_209 = arith.constant 176 : i32
        %add3A_210 = vector.broadcast %add3A_209 : i32 to vector<16xi32>
        %add3A_211 = arith.addi %iota3A, %add3A_210 : vector<16xi32>
        %eq3A_212 = arith.cmpi eq, %add3A_211, %scan3A_20 : vector<16xi32>
        %jit3A_213 = arith.constant -3.000000e+38 : f32
        %broadcast_in_dim3A_214 = vector.broadcast %jit3A_213 : f32 to vector<16xf32>
        %select_n3A_215 = arith.select %eq3A_212, %broadcast_in_dim3A_214, %get3A_208 : vector<16xi1>, vector<16xf32>
        %swap3A_216 = arith.constant 176 : index
        %swap3A_217 = tpu.vector_load %arg8[%swap3A_216] {strides = array<i32>} : memref<1040xf32, #tpu.memory_space<vmem>>, vector<16xf32>,
        %swap3A_218 = vector.shape_cast %swap3A_217 : vector<16xf32> to vector<16xf32>
        %swap3A_219 = vector.shape_cast %select_n3A_215 : vector<16xf32> to vector<16xf32>
        tpu.vector_store %arg8[%swap3A_216], %swap3A_219 {strides = array<i32>} : memref<1040xf32, #tpu.memory_space<vmem>>, vector<16xf32>,
        %gt3A_220 = arith.cmpf ogt, %select_n3A_215, %max3A_205 : vector<16xf32>
        %select_n3A_221 = arith.select %gt3A_220, %add3A_211, %select_n3A_204 : vector<16xi1>, vector<16xi32>
        %max3A_222 = arith.maximumf %max3A_205, %select_n3A_215 : vector<16xf32>
        %get3A_223 = arith.constant 192 : index
        %get3A_224 = tpu.vector_load %arg8[%get3A_223] {strides = array<i32>} : memref<1040xf32, #tpu.memory_space<vmem>>, vector<16xf32>,
        %get3A_225 = vector.shape_cast %get3A_224 : vector<16xf32> to vector<16xf32>
        %add3A_226 = arith.constant 192 : i32
        %add3A_227 = vector.broadcast %add3A_226 : i32 to vector<16xi32>
        %add3A_228 = arith.addi %iota3A, %add3A_227 : vector<16xi32>
        %eq3A_229 = arith.cmpi eq, %add3A_228, %scan3A_20 : vector<16xi32>
        %jit3A_230 = arith.constant -3.000000e+38 : f32
        %broadcast_in_dim3A_231 = vector.broadcast %jit3A_230 : f32 to vector<16xf32>
        %select_n3A_232 = arith.select %eq3A_229, %broadcast_in_dim3A_231, %get3A_225 : vector<16xi1>, vector<16xf32>
        %swap3A_233 = arith.constant 192 : index
        %swap3A_234 = tpu.vector_load %arg8[%swap3A_233] {strides = array<i32>} : memref<1040xf32, #tpu.memory_space<vmem>>, vector<16xf32>,
        %swap3A_235 = vector.shape_cast %swap3A_234 : vector<16xf32> to vector<16xf32>
        %swap3A_236 = vector.shape_cast %select_n3A_232 : vector<16xf32> to vector<16xf32>
        tpu.vector_store %arg8[%swap3A_233], %swap3A_236 {strides = array<i32>} : memref<1040xf32, #tpu.memory_space<vmem>>, vector<16xf32>,
        %gt3A_237 = arith.cmpf ogt, %select_n3A_232, %max3A_222 : vector<16xf32>
        %select_n3A_238 = arith.select %gt3A_237, %add3A_228, %select_n3A_221 : vector<16xi1>, vector<16xi32>
        %max3A_239 = arith.maximumf %max3A_222, %select_n3A_232 : vector<16xf32>
        %get3A_240 = arith.constant 208 : index
        %get3A_241 = tpu.vector_load %arg8[%get3A_240] {strides = array<i32>} : memref<1040xf32, #tpu.memory_space<vmem>>, vector<16xf32>,
        %get3A_242 = vector.shape_cast %get3A_241 : vector<16xf32> to vector<16xf32>
        %add3A_243 = arith.constant 208 : i32
        %add3A_244 = vector.broadcast %add3A_243 : i32 to vector<16xi32>
        %add3A_245 = arith.addi %iota3A, %add3A_244 : vector<16xi32>
        %eq3A_246 = arith.cmpi eq, %add3A_245, %scan3A_20 : vector<16xi32>
        %jit3A_247 = arith.constant -3.000000e+38 : f32
        %broadcast_in_dim3A_248 = vector.broadcast %jit3A_247 : f32 to vector<16xf32>
        %select_n3A_249 = arith.select %eq3A_246, %broadcast_in_dim3A_248, %get3A_242 : vector<16xi1>, vector<16xf32>
        %swap3A_250 = arith.constant 208 : index
        %swap3A_251 = tpu.vector_load %arg8[%swap3A_250] {strides = array<i32>} : memref<1040xf32, #tpu.memory_space<vmem>>, vector<16xf32>,
        %swap3A_252 = vector.shape_cast %swap3A_251 : vector<16xf32> to vector<16xf32>
        %swap3A_253 = vector.shape_cast %select_n3A_249 : vector<16xf32> to vector<16xf32>
        tpu.vector_store %arg8[%swap3A_250], %swap3A_253 {strides = array<i32>} : memref<1040xf32, #tpu.memory_space<vmem>>, vector<16xf32>,
        %gt3A_254 = arith.cmpf ogt, %select_n3A_249, %max3A_239 : vector<16xf32>
        %select_n3A_255 = arith.select %gt3A_254, %add3A_245, %select_n3A_238 : vector<16xi1>, vector<16xi32>
        %max3A_256 = arith.maximumf %max3A_239, %select_n3A_249 : vector<16xf32>
        %get3A_257 = arith.constant 224 : index
        %get3A_258 = tpu.vector_load %arg8[%get3A_257] {strides = array<i32>} : memref<1040xf32, #tpu.memory_space<vmem>>, vector<16xf32>,
        %get3A_259 = vector.shape_cast %get3A_258 : vector<16xf32> to vector<16xf32>
        %add3A_260 = arith.constant 224 : i32
        %add3A_261 = vector.broadcast %add3A_260 : i32 to vector<16xi32>
        %add3A_262 = arith.addi %iota3A, %add3A_261 : vector<16xi32>
        %eq3A_263 = arith.cmpi eq, %add3A_262, %scan3A_20 : vector<16xi32>
        %jit3A_264 = arith.constant -3.000000e+38 : f32
        %broadcast_in_dim3A_265 = vector.broadcast %jit3A_264 : f32 to vector<16xf32>
        %select_n3A_266 = arith.select %eq3A_263, %broadcast_in_dim3A_265, %get3A_259 : vector<16xi1>, vector<16xf32>
        %swap3A_267 = arith.constant 224 : index
        %swap3A_268 = tpu.vector_load %arg8[%swap3A_267] {strides = array<i32>} : memref<1040xf32, #tpu.memory_space<vmem>>, vector<16xf32>,
        %swap3A_269 = vector.shape_cast %swap3A_268 : vector<16xf32> to vector<16xf32>
        %swap3A_270 = vector.shape_cast %select_n3A_266 : vector<16xf32> to vector<16xf32>
        tpu.vector_store %arg8[%swap3A_267], %swap3A_270 {strides = array<i32>} : memref<1040xf32, #tpu.memory_space<vmem>>, vector<16xf32>,
        %gt3A_271 = arith.cmpf ogt, %select_n3A_266, %max3A_256 : vector<16xf32>
        %select_n3A_272 = arith.select %gt3A_271, %add3A_262, %select_n3A_255 : vector<16xi1>, vector<16xi32>
        %max3A_273 = arith.maximumf %max3A_256, %select_n3A_266 : vector<16xf32>
        %get3A_274 = arith.constant 240 : index
        %get3A_275 = tpu.vector_load %arg8[%get3A_274] {strides = array<i32>} : memref<1040xf32, #tpu.memory_space<vmem>>, vector<16xf32>,
        %get3A_276 = vector.shape_cast %get3A_275 : vector<16xf32> to vector<16xf32>
        %add3A_277 = arith.constant 240 : i32
        %add3A_278 = vector.broadcast %add3A_277 : i32 to vector<16xi32>
        %add3A_279 = arith.addi %iota3A, %add3A_278 : vector<16xi32>
        %eq3A_280 = arith.cmpi eq, %add3A_279, %scan3A_20 : vector<16xi32>
        %jit3A_281 = arith.constant -3.000000e+38 : f32
        %broadcast_in_dim3A_282 = vector.broadcast %jit3A_281 : f32 to vector<16xf32>
        %select_n3A_283 = arith.select %eq3A_280, %broadcast_in_dim3A_282, %get3A_276 : vector<16xi1>, vector<16xf32>
        %swap3A_284 = arith.constant 240 : index
        %swap3A_285 = tpu.vector_load %arg8[%swap3A_284] {strides = array<i32>} : memref<1040xf32, #tpu.memory_space<vmem>>, vector<16xf32>,
        %swap3A_286 = vector.shape_cast %swap3A_285 : vector<16xf32> to vector<16xf32>
        %swap3A_287 = vector.shape_cast %select_n3A_283 : vector<16xf32> to vector<16xf32>
        tpu.vector_store %arg8[%swap3A_284], %swap3A_287 {strides = array<i32>} : memref<1040xf32, #tpu.memory_space<vmem>>, vector<16xf32>,
        %gt3A_288 = arith.cmpf ogt, %select_n3A_283, %max3A_273 : vector<16xf32>
        %select_n3A_289 = arith.select %gt3A_288, %add3A_279, %select_n3A_272 : vector<16xi1>, vector<16xi32>
        %max3A_290 = arith.maximumf %max3A_273, %select_n3A_283 : vector<16xf32>
        %get3A_291 = arith.constant 256 : index
        %get3A_292 = tpu.vector_load %arg8[%get3A_291] {strides = array<i32>} : memref<1040xf32, #tpu.memory_space<vmem>>, vector<16xf32>,
        %get3A_293 = vector.shape_cast %get3A_292 : vector<16xf32> to vector<16xf32>
        %add3A_294 = arith.constant 256 : i32
        %add3A_295 = vector.broadcast %add3A_294 : i32 to vector<16xi32>
        %add3A_296 = arith.addi %iota3A, %add3A_295 : vector<16xi32>
        %eq3A_297 = arith.cmpi eq, %add3A_296, %scan3A_20 : vector<16xi32>
        %jit3A_298 = arith.constant -3.000000e+38 : f32
        %broadcast_in_dim3A_299 = vector.broadcast %jit3A_298 : f32 to vector<16xf32>
        %select_n3A_300 = arith.select %eq3A_297, %broadcast_in_dim3A_299, %get3A_293 : vector<16xi1>, vector<16xf32>
        %swap3A_301 = arith.constant 256 : index
        %swap3A_302 = tpu.vector_load %arg8[%swap3A_301] {strides = array<i32>} : memref<1040xf32, #tpu.memory_space<vmem>>, vector<16xf32>,
        %swap3A_303 = vector.shape_cast %swap3A_302 : vector<16xf32> to vector<16xf32>
        %swap3A_304 = vector.shape_cast %select_n3A_300 : vector<16xf32> to vector<16xf32>
        tpu.vector_store %arg8[%swap3A_301], %swap3A_304 {strides = array<i32>} : memref<1040xf32, #tpu.memory_space<vmem>>, vector<16xf32>,
        %gt3A_305 = arith.cmpf ogt, %select_n3A_300, %max3A_290 : vector<16xf32>
        %select_n3A_306 = arith.select %gt3A_305, %add3A_296, %select_n3A_289 : vector<16xi1>, vector<16xi32>
        %max3A_307 = arith.maximumf %max3A_290, %select_n3A_300 : vector<16xf32>
        %get3A_308 = arith.constant 272 : index
        %get3A_309 = tpu.vector_load %arg8[%get3A_308] {strides = array<i32>} : memref<1040xf32, #tpu.memory_space<vmem>>, vector<16xf32>,
        %get3A_310 = vector.shape_cast %get3A_309 : vector<16xf32> to vector<16xf32>
        %add3A_311 = arith.constant 272 : i32
        %add3A_312 = vector.broadcast %add3A_311 : i32 to vector<16xi32>
        %add3A_313 = arith.addi %iota3A, %add3A_312 : vector<16xi32>
        %eq3A_314 = arith.cmpi eq, %add3A_313, %scan3A_20 : vector<16xi32>
        %jit3A_315 = arith.constant -3.000000e+38 : f32
        %broadcast_in_dim3A_316 = vector.broadcast %jit3A_315 : f32 to vector<16xf32>
        %select_n3A_317 = arith.select %eq3A_314, %broadcast_in_dim3A_316, %get3A_310 : vector<16xi1>, vector<16xf32>
        %swap3A_318 = arith.constant 272 : index
        %swap3A_319 = tpu.vector_load %arg8[%swap3A_318] {strides = array<i32>} : memref<1040xf32, #tpu.memory_space<vmem>>, vector<16xf32>,
        %swap3A_320 = vector.shape_cast %swap3A_319 : vector<16xf32> to vector<16xf32>
        %swap3A_321 = vector.shape_cast %select_n3A_317 : vector<16xf32> to vector<16xf32>
        tpu.vector_store %arg8[%swap3A_318], %swap3A_321 {strides = array<i32>} : memref<1040xf32, #tpu.memory_space<vmem>>, vector<16xf32>,
        %gt3A_322 = arith.cmpf ogt, %select_n3A_317, %max3A_307 : vector<16xf32>
        %select_n3A_323 = arith.select %gt3A_322, %add3A_313, %select_n3A_306 : vector<16xi1>, vector<16xi32>
        %max3A_324 = arith.maximumf %max3A_307, %select_n3A_317 : vector<16xf32>
        %get3A_325 = arith.constant 288 : index
        %get3A_326 = tpu.vector_load %arg8[%get3A_325] {strides = array<i32>} : memref<1040xf32, #tpu.memory_space<vmem>>, vector<16xf32>,
        %get3A_327 = vector.shape_cast %get3A_326 : vector<16xf32> to vector<16xf32>
        %add3A_328 = arith.constant 288 : i32
        %add3A_329 = vector.broadcast %add3A_328 : i32 to vector<16xi32>
        %add3A_330 = arith.addi %iota3A, %add3A_329 : vector<16xi32>
        %eq3A_331 = arith.cmpi eq, %add3A_330, %scan3A_20 : vector<16xi32>
        %jit3A_332 = arith.constant -3.000000e+38 : f32
        %broadcast_in_dim3A_333 = vector.broadcast %jit3A_332 : f32 to vector<16xf32>
        %select_n3A_334 = arith.select %eq3A_331, %broadcast_in_dim3A_333, %get3A_327 : vector<16xi1>, vector<16xf32>
        %swap3A_335 = arith.constant 288 : index
        %swap3A_336 = tpu.vector_load %arg8[%swap3A_335] {strides = array<i32>} : memref<1040xf32, #tpu.memory_space<vmem>>, vector<16xf32>,
        %swap3A_337 = vector.shape_cast %swap3A_336 : vector<16xf32> to vector<16xf32>
        %swap3A_338 = vector.shape_cast %select_n3A_334 : vector<16xf32> to vector<16xf32>
        tpu.vector_store %arg8[%swap3A_335], %swap3A_338 {strides = array<i32>} : memref<1040xf32, #tpu.memory_space<vmem>>, vector<16xf32>,
        %gt3A_339 = arith.cmpf ogt, %select_n3A_334, %max3A_324 : vector<16xf32>
        %select_n3A_340 = arith.select %gt3A_339, %add3A_330, %select_n3A_323 : vector<16xi1>, vector<16xi32>
        %max3A_341 = arith.maximumf %max3A_324, %select_n3A_334 : vector<16xf32>
        %get3A_342 = arith.constant 304 : index
        %get3A_343 = tpu.vector_load %arg8[%get3A_342] {strides = array<i32>} : memref<1040xf32, #tpu.memory_space<vmem>>, vector<16xf32>,
        %get3A_344 = vector.shape_cast %get3A_343 : vector<16xf32> to vector<16xf32>
        %add3A_345 = arith.constant 304 : i32
        %add3A_346 = vector.broadcast %add3A_345 : i32 to vector<16xi32>
        %add3A_347 = arith.addi %iota3A, %add3A_346 : vector<16xi32>
        %eq3A_348 = arith.cmpi eq, %add3A_347, %scan3A_20 : vector<16xi32>
        %jit3A_349 = arith.constant -3.000000e+38 : f32
        %broadcast_in_dim3A_350 = vector.broadcast %jit3A_349 : f32 to vector<16xf32>
        %select_n3A_351 = arith.select %eq3A_348, %broadcast_in_dim3A_350, %get3A_344 : vector<16xi1>, vector<16xf32>
        %swap3A_352 = arith.constant 304 : index
        %swap3A_353 = tpu.vector_load %arg8[%swap3A_352] {strides = array<i32>} : memref<1040xf32, #tpu.memory_space<vmem>>, vector<16xf32>,
        %swap3A_354 = vector.shape_cast %swap3A_353 : vector<16xf32> to vector<16xf32>
        %swap3A_355 = vector.shape_cast %select_n3A_351 : vector<16xf32> to vector<16xf32>
        tpu.vector_store %arg8[%swap3A_352], %swap3A_355 {strides = array<i32>} : memref<1040xf32, #tpu.memory_space<vmem>>, vector<16xf32>,
        %gt3A_356 = arith.cmpf ogt, %select_n3A_351, %max3A_341 : vector<16xf32>
        %select_n3A_357 = arith.select %gt3A_356, %add3A_347, %select_n3A_340 : vector<16xi1>, vector<16xi32>
        %max3A_358 = arith.maximumf %max3A_341, %select_n3A_351 : vector<16xf32>
        %get3A_359 = arith.constant 320 : index
        %get3A_360 = tpu.vector_load %arg8[%get3A_359] {strides = array<i32>} : memref<1040xf32, #tpu.memory_space<vmem>>, vector<16xf32>,
        %get3A_361 = vector.shape_cast %get3A_360 : vector<16xf32> to vector<16xf32>
        %add3A_362 = arith.constant 320 : i32
        %add3A_363 = vector.broadcast %add3A_362 : i32 to vector<16xi32>
        %add3A_364 = arith.addi %iota3A, %add3A_363 : vector<16xi32>
        %eq3A_365 = arith.cmpi eq, %add3A_364, %scan3A_20 : vector<16xi32>
        %jit3A_366 = arith.constant -3.000000e+38 : f32
        %broadcast_in_dim3A_367 = vector.broadcast %jit3A_366 : f32 to vector<16xf32>
        %select_n3A_368 = arith.select %eq3A_365, %broadcast_in_dim3A_367, %get3A_361 : vector<16xi1>, vector<16xf32>
        %swap3A_369 = arith.constant 320 : index
        %swap3A_370 = tpu.vector_load %arg8[%swap3A_369] {strides = array<i32>} : memref<1040xf32, #tpu.memory_space<vmem>>, vector<16xf32>,
        %swap3A_371 = vector.shape_cast %swap3A_370 : vector<16xf32> to vector<16xf32>
        %swap3A_372 = vector.shape_cast %select_n3A_368 : vector<16xf32> to vector<16xf32>
        tpu.vector_store %arg8[%swap3A_369], %swap3A_372 {strides = array<i32>} : memref<1040xf32, #tpu.memory_space<vmem>>, vector<16xf32>,
        %gt3A_373 = arith.cmpf ogt, %select_n3A_368, %max3A_358 : vector<16xf32>
        %select_n3A_374 = arith.select %gt3A_373, %add3A_364, %select_n3A_357 : vector<16xi1>, vector<16xi32>
        %max3A_375 = arith.maximumf %max3A_358, %select_n3A_368 : vector<16xf32>
        %get3A_376 = arith.constant 336 : index
        %get3A_377 = tpu.vector_load %arg8[%get3A_376] {strides = array<i32>} : memref<1040xf32, #tpu.memory_space<vmem>>, vector<16xf32>,
        %get3A_378 = vector.shape_cast %get3A_377 : vector<16xf32> to vector<16xf32>
        %add3A_379 = arith.constant 336 : i32
        %add3A_380 = vector.broadcast %add3A_379 : i32 to vector<16xi32>
        %add3A_381 = arith.addi %iota3A, %add3A_380 : vector<16xi32>
        %eq3A_382 = arith.cmpi eq, %add3A_381, %scan3A_20 : vector<16xi32>
        %jit3A_383 = arith.constant -3.000000e+38 : f32
        %broadcast_in_dim3A_384 = vector.broadcast %jit3A_383 : f32 to vector<16xf32>
        %select_n3A_385 = arith.select %eq3A_382, %broadcast_in_dim3A_384, %get3A_378 : vector<16xi1>, vector<16xf32>
        %swap3A_386 = arith.constant 336 : index
        %swap3A_387 = tpu.vector_load %arg8[%swap3A_386] {strides = array<i32>} : memref<1040xf32, #tpu.memory_space<vmem>>, vector<16xf32>,
        %swap3A_388 = vector.shape_cast %swap3A_387 : vector<16xf32> to vector<16xf32>
        %swap3A_389 = vector.shape_cast %select_n3A_385 : vector<16xf32> to vector<16xf32>
        tpu.vector_store %arg8[%swap3A_386], %swap3A_389 {strides = array<i32>} : memref<1040xf32, #tpu.memory_space<vmem>>, vector<16xf32>,
        %gt3A_390 = arith.cmpf ogt, %select_n3A_385, %max3A_375 : vector<16xf32>
        %select_n3A_391 = arith.select %gt3A_390, %add3A_381, %select_n3A_374 : vector<16xi1>, vector<16xi32>
        %max3A_392 = arith.maximumf %max3A_375, %select_n3A_385 : vector<16xf32>
        %get3A_393 = arith.constant 352 : index
        %get3A_394 = tpu.vector_load %arg8[%get3A_393] {strides = array<i32>} : memref<1040xf32, #tpu.memory_space<vmem>>, vector<16xf32>,
        %get3A_395 = vector.shape_cast %get3A_394 : vector<16xf32> to vector<16xf32>
        %add3A_396 = arith.constant 352 : i32
        %add3A_397 = vector.broadcast %add3A_396 : i32 to vector<16xi32>
        %add3A_398 = arith.addi %iota3A, %add3A_397 : vector<16xi32>
        %eq3A_399 = arith.cmpi eq, %add3A_398, %scan3A_20 : vector<16xi32>
        %jit3A_400 = arith.constant -3.000000e+38 : f32
        %broadcast_in_dim3A_401 = vector.broadcast %jit3A_400 : f32 to vector<16xf32>
        %select_n3A_402 = arith.select %eq3A_399, %broadcast_in_dim3A_401, %get3A_395 : vector<16xi1>, vector<16xf32>
        %swap3A_403 = arith.constant 352 : index
        %swap3A_404 = tpu.vector_load %arg8[%swap3A_403] {strides = array<i32>} : memref<1040xf32, #tpu.memory_space<vmem>>, vector<16xf32>,
        %swap3A_405 = vector.shape_cast %swap3A_404 : vector<16xf32> to vector<16xf32>
        %swap3A_406 = vector.shape_cast %select_n3A_402 : vector<16xf32> to vector<16xf32>
        tpu.vector_store %arg8[%swap3A_403], %swap3A_406 {strides = array<i32>} : memref<1040xf32, #tpu.memory_space<vmem>>, vector<16xf32>,
        %gt3A_407 = arith.cmpf ogt, %select_n3A_402, %max3A_392 : vector<16xf32>
        %select_n3A_408 = arith.select %gt3A_407, %add3A_398, %select_n3A_391 : vector<16xi1>, vector<16xi32>
        %max3A_409 = arith.maximumf %max3A_392, %select_n3A_402 : vector<16xf32>
        %get3A_410 = arith.constant 368 : index
        %get3A_411 = tpu.vector_load %arg8[%get3A_410] {strides = array<i32>} : memref<1040xf32, #tpu.memory_space<vmem>>, vector<16xf32>,
        %get3A_412 = vector.shape_cast %get3A_411 : vector<16xf32> to vector<16xf32>
        %add3A_413 = arith.constant 368 : i32
        %add3A_414 = vector.broadcast %add3A_413 : i32 to vector<16xi32>
        %add3A_415 = arith.addi %iota3A, %add3A_414 : vector<16xi32>
        %eq3A_416 = arith.cmpi eq, %add3A_415, %scan3A_20 : vector<16xi32>
        %jit3A_417 = arith.constant -3.000000e+38 : f32
        %broadcast_in_dim3A_418 = vector.broadcast %jit3A_417 : f32 to vector<16xf32>
        %select_n3A_419 = arith.select %eq3A_416, %broadcast_in_dim3A_418, %get3A_412 : vector<16xi1>, vector<16xf32>
        %swap3A_420 = arith.constant 368 : index
        %swap3A_421 = tpu.vector_load %arg8[%swap3A_420] {strides = array<i32>} : memref<1040xf32, #tpu.memory_space<vmem>>, vector<16xf32>,
        %swap3A_422 = vector.shape_cast %swap3A_421 : vector<16xf32> to vector<16xf32>
        %swap3A_423 = vector.shape_cast %select_n3A_419 : vector<16xf32> to vector<16xf32>
        tpu.vector_store %arg8[%swap3A_420], %swap3A_423 {strides = array<i32>} : memref<1040xf32, #tpu.memory_space<vmem>>, vector<16xf32>,
        %gt3A_424 = arith.cmpf ogt, %select_n3A_419, %max3A_409 : vector<16xf32>
        %select_n3A_425 = arith.select %gt3A_424, %add3A_415, %select_n3A_408 : vector<16xi1>, vector<16xi32>
        %max3A_426 = arith.maximumf %max3A_409, %select_n3A_419 : vector<16xf32>
        %get3A_427 = arith.constant 384 : index
        %get3A_428 = tpu.vector_load %arg8[%get3A_427] {strides = array<i32>} : memref<1040xf32, #tpu.memory_space<vmem>>, vector<16xf32>,
        %get3A_429 = vector.shape_cast %get3A_428 : vector<16xf32> to vector<16xf32>
        %add3A_430 = arith.constant 384 : i32
        %add3A_431 = vector.broadcast %add3A_430 : i32 to vector<16xi32>
        %add3A_432 = arith.addi %iota3A, %add3A_431 : vector<16xi32>
        %eq3A_433 = arith.cmpi eq, %add3A_432, %scan3A_20 : vector<16xi32>
        %jit3A_434 = arith.constant -3.000000e+38 : f32
        %broadcast_in_dim3A_435 = vector.broadcast %jit3A_434 : f32 to vector<16xf32>
        %select_n3A_436 = arith.select %eq3A_433, %broadcast_in_dim3A_435, %get3A_429 : vector<16xi1>, vector<16xf32>
        %swap3A_437 = arith.constant 384 : index
        %swap3A_438 = tpu.vector_load %arg8[%swap3A_437] {strides = array<i32>} : memref<1040xf32, #tpu.memory_space<vmem>>, vector<16xf32>,
        %swap3A_439 = vector.shape_cast %swap3A_438 : vector<16xf32> to vector<16xf32>
        %swap3A_440 = vector.shape_cast %select_n3A_436 : vector<16xf32> to vector<16xf32>
        tpu.vector_store %arg8[%swap3A_437], %swap3A_440 {strides = array<i32>} : memref<1040xf32, #tpu.memory_space<vmem>>, vector<16xf32>,
        %gt3A_441 = arith.cmpf ogt, %select_n3A_436, %max3A_426 : vector<16xf32>
        %select_n3A_442 = arith.select %gt3A_441, %add3A_432, %select_n3A_425 : vector<16xi1>, vector<16xi32>
        %max3A_443 = arith.maximumf %max3A_426, %select_n3A_436 : vector<16xf32>
        %get3A_444 = arith.constant 400 : index
        %get3A_445 = tpu.vector_load %arg8[%get3A_444] {strides = array<i32>} : memref<1040xf32, #tpu.memory_space<vmem>>, vector<16xf32>,
        %get3A_446 = vector.shape_cast %get3A_445 : vector<16xf32> to vector<16xf32>
        %add3A_447 = arith.constant 400 : i32
        %add3A_448 = vector.broadcast %add3A_447 : i32 to vector<16xi32>
        %add3A_449 = arith.addi %iota3A, %add3A_448 : vector<16xi32>
        %eq3A_450 = arith.cmpi eq, %add3A_449, %scan3A_20 : vector<16xi32>
        %jit3A_451 = arith.constant -3.000000e+38 : f32
        %broadcast_in_dim3A_452 = vector.broadcast %jit3A_451 : f32 to vector<16xf32>
        %select_n3A_453 = arith.select %eq3A_450, %broadcast_in_dim3A_452, %get3A_446 : vector<16xi1>, vector<16xf32>
        %swap3A_454 = arith.constant 400 : index
        %swap3A_455 = tpu.vector_load %arg8[%swap3A_454] {strides = array<i32>} : memref<1040xf32, #tpu.memory_space<vmem>>, vector<16xf32>,
        %swap3A_456 = vector.shape_cast %swap3A_455 : vector<16xf32> to vector<16xf32>
        %swap3A_457 = vector.shape_cast %select_n3A_453 : vector<16xf32> to vector<16xf32>
        tpu.vector_store %arg8[%swap3A_454], %swap3A_457 {strides = array<i32>} : memref<1040xf32, #tpu.memory_space<vmem>>, vector<16xf32>,
        %gt3A_458 = arith.cmpf ogt, %select_n3A_453, %max3A_443 : vector<16xf32>
        %select_n3A_459 = arith.select %gt3A_458, %add3A_449, %select_n3A_442 : vector<16xi1>, vector<16xi32>
        %max3A_460 = arith.maximumf %max3A_443, %select_n3A_453 : vector<16xf32>
        %get3A_461 = arith.constant 416 : index
        %get3A_462 = tpu.vector_load %arg8[%get3A_461] {strides = array<i32>} : memref<1040xf32, #tpu.memory_space<vmem>>, vector<16xf32>,
        %get3A_463 = vector.shape_cast %get3A_462 : vector<16xf32> to vector<16xf32>
        %add3A_464 = arith.constant 416 : i32
        %add3A_465 = vector.broadcast %add3A_464 : i32 to vector<16xi32>
        %add3A_466 = arith.addi %iota3A, %add3A_465 : vector<16xi32>
        %eq3A_467 = arith.cmpi eq, %add3A_466, %scan3A_20 : vector<16xi32>
        %jit3A_468 = arith.constant -3.000000e+38 : f32
        %broadcast_in_dim3A_469 = vector.broadcast %jit3A_468 : f32 to vector<16xf32>
        %select_n3A_470 = arith.select %eq3A_467, %broadcast_in_dim3A_469, %get3A_463 : vector<16xi1>, vector<16xf32>
        %swap3A_471 = arith.constant 416 : index
        %swap3A_472 = tpu.vector_load %arg8[%swap3A_471] {strides = array<i32>} : memref<1040xf32, #tpu.memory_space<vmem>>, vector<16xf32>,
        %swap3A_473 = vector.shape_cast %swap3A_472 : vector<16xf32> to vector<16xf32>
        %swap3A_474 = vector.shape_cast %select_n3A_470 : vector<16xf32> to vector<16xf32>
        tpu.vector_store %arg8[%swap3A_471], %swap3A_474 {strides = array<i32>} : memref<1040xf32, #tpu.memory_space<vmem>>, vector<16xf32>,
        %gt3A_475 = arith.cmpf ogt, %select_n3A_470, %max3A_460 : vector<16xf32>
        %select_n3A_476 = arith.select %gt3A_475, %add3A_466, %select_n3A_459 : vector<16xi1>, vector<16xi32>
        %max3A_477 = arith.maximumf %max3A_460, %select_n3A_470 : vector<16xf32>
        %get3A_478 = arith.constant 432 : index
        %get3A_479 = tpu.vector_load %arg8[%get3A_478] {strides = array<i32>} : memref<1040xf32, #tpu.memory_space<vmem>>, vector<16xf32>,
        %get3A_480 = vector.shape_cast %get3A_479 : vector<16xf32> to vector<16xf32>
        %add3A_481 = arith.constant 432 : i32
        %add3A_482 = vector.broadcast %add3A_481 : i32 to vector<16xi32>
        %add3A_483 = arith.addi %iota3A, %add3A_482 : vector<16xi32>
        %eq3A_484 = arith.cmpi eq, %add3A_483, %scan3A_20 : vector<16xi32>
        %jit3A_485 = arith.constant -3.000000e+38 : f32
        %broadcast_in_dim3A_486 = vector.broadcast %jit3A_485 : f32 to vector<16xf32>
        %select_n3A_487 = arith.select %eq3A_484, %broadcast_in_dim3A_486, %get3A_480 : vector<16xi1>, vector<16xf32>
        %swap3A_488 = arith.constant 432 : index
        %swap3A_489 = tpu.vector_load %arg8[%swap3A_488] {strides = array<i32>} : memref<1040xf32, #tpu.memory_space<vmem>>, vector<16xf32>,
        %swap3A_490 = vector.shape_cast %swap3A_489 : vector<16xf32> to vector<16xf32>
        %swap3A_491 = vector.shape_cast %select_n3A_487 : vector<16xf32> to vector<16xf32>
        tpu.vector_store %arg8[%swap3A_488], %swap3A_491 {strides = array<i32>} : memref<1040xf32, #tpu.memory_space<vmem>>, vector<16xf32>,
        %gt3A_492 = arith.cmpf ogt, %select_n3A_487, %max3A_477 : vector<16xf32>
        %select_n3A_493 = arith.select %gt3A_492, %add3A_483, %select_n3A_476 : vector<16xi1>, vector<16xi32>
        %max3A_494 = arith.maximumf %max3A_477, %select_n3A_487 : vector<16xf32>
        %get3A_495 = arith.constant 448 : index
        %get3A_496 = tpu.vector_load %arg8[%get3A_495] {strides = array<i32>} : memref<1040xf32, #tpu.memory_space<vmem>>, vector<16xf32>,
        %get3A_497 = vector.shape_cast %get3A_496 : vector<16xf32> to vector<16xf32>
        %add3A_498 = arith.constant 448 : i32
        %add3A_499 = vector.broadcast %add3A_498 : i32 to vector<16xi32>
        %add3A_500 = arith.addi %iota3A, %add3A_499 : vector<16xi32>
        %eq3A_501 = arith.cmpi eq, %add3A_500, %scan3A_20 : vector<16xi32>
        %jit3A_502 = arith.constant -3.000000e+38 : f32
        %broadcast_in_dim3A_503 = vector.broadcast %jit3A_502 : f32 to vector<16xf32>
        %select_n3A_504 = arith.select %eq3A_501, %broadcast_in_dim3A_503, %get3A_497 : vector<16xi1>, vector<16xf32>
        %swap3A_505 = arith.constant 448 : index
        %swap3A_506 = tpu.vector_load %arg8[%swap3A_505] {strides = array<i32>} : memref<1040xf32, #tpu.memory_space<vmem>>, vector<16xf32>,
        %swap3A_507 = vector.shape_cast %swap3A_506 : vector<16xf32> to vector<16xf32>
        %swap3A_508 = vector.shape_cast %select_n3A_504 : vector<16xf32> to vector<16xf32>
        tpu.vector_store %arg8[%swap3A_505], %swap3A_508 {strides = array<i32>} : memref<1040xf32, #tpu.memory_space<vmem>>, vector<16xf32>,
        %gt3A_509 = arith.cmpf ogt, %select_n3A_504, %max3A_494 : vector<16xf32>
        %select_n3A_510 = arith.select %gt3A_509, %add3A_500, %select_n3A_493 : vector<16xi1>, vector<16xi32>
        %max3A_511 = arith.maximumf %max3A_494, %select_n3A_504 : vector<16xf32>
        %get3A_512 = arith.constant 464 : index
        %get3A_513 = tpu.vector_load %arg8[%get3A_512] {strides = array<i32>} : memref<1040xf32, #tpu.memory_space<vmem>>, vector<16xf32>,
        %get3A_514 = vector.shape_cast %get3A_513 : vector<16xf32> to vector<16xf32>
        %add3A_515 = arith.constant 464 : i32
        %add3A_516 = vector.broadcast %add3A_515 : i32 to vector<16xi32>
        %add3A_517 = arith.addi %iota3A, %add3A_516 : vector<16xi32>
        %eq3A_518 = arith.cmpi eq, %add3A_517, %scan3A_20 : vector<16xi32>
        %jit3A_519 = arith.constant -3.000000e+38 : f32
        %broadcast_in_dim3A_520 = vector.broadcast %jit3A_519 : f32 to vector<16xf32>
        %select_n3A_521 = arith.select %eq3A_518, %broadcast_in_dim3A_520, %get3A_514 : vector<16xi1>, vector<16xf32>
        %swap3A_522 = arith.constant 464 : index
        %swap3A_523 = tpu.vector_load %arg8[%swap3A_522] {strides = array<i32>} : memref<1040xf32, #tpu.memory_space<vmem>>, vector<16xf32>,
        %swap3A_524 = vector.shape_cast %swap3A_523 : vector<16xf32> to vector<16xf32>
        %swap3A_525 = vector.shape_cast %select_n3A_521 : vector<16xf32> to vector<16xf32>
        tpu.vector_store %arg8[%swap3A_522], %swap3A_525 {strides = array<i32>} : memref<1040xf32, #tpu.memory_space<vmem>>, vector<16xf32>,
        %gt3A_526 = arith.cmpf ogt, %select_n3A_521, %max3A_511 : vector<16xf32>
        %select_n3A_527 = arith.select %gt3A_526, %add3A_517, %select_n3A_510 : vector<16xi1>, vector<16xi32>
        %max3A_528 = arith.maximumf %max3A_511, %select_n3A_521 : vector<16xf32>
        %get3A_529 = arith.constant 480 : index
        %get3A_530 = tpu.vector_load %arg8[%get3A_529] {strides = array<i32>} : memref<1040xf32, #tpu.memory_space<vmem>>, vector<16xf32>,
        %get3A_531 = vector.shape_cast %get3A_530 : vector<16xf32> to vector<16xf32>
        %add3A_532 = arith.constant 480 : i32
        %add3A_533 = vector.broadcast %add3A_532 : i32 to vector<16xi32>
        %add3A_534 = arith.addi %iota3A, %add3A_533 : vector<16xi32>
        %eq3A_535 = arith.cmpi eq, %add3A_534, %scan3A_20 : vector<16xi32>
        %jit3A_536 = arith.constant -3.000000e+38 : f32
        %broadcast_in_dim3A_537 = vector.broadcast %jit3A_536 : f32 to vector<16xf32>
        %select_n3A_538 = arith.select %eq3A_535, %broadcast_in_dim3A_537, %get3A_531 : vector<16xi1>, vector<16xf32>
        %swap3A_539 = arith.constant 480 : index
        %swap3A_540 = tpu.vector_load %arg8[%swap3A_539] {strides = array<i32>} : memref<1040xf32, #tpu.memory_space<vmem>>, vector<16xf32>,
        %swap3A_541 = vector.shape_cast %swap3A_540 : vector<16xf32> to vector<16xf32>
        %swap3A_542 = vector.shape_cast %select_n3A_538 : vector<16xf32> to vector<16xf32>
        tpu.vector_store %arg8[%swap3A_539], %swap3A_542 {strides = array<i32>} : memref<1040xf32, #tpu.memory_space<vmem>>, vector<16xf32>,
        %gt3A_543 = arith.cmpf ogt, %select_n3A_538, %max3A_528 : vector<16xf32>
        %select_n3A_544 = arith.select %gt3A_543, %add3A_534, %select_n3A_527 : vector<16xi1>, vector<16xi32>
        %max3A_545 = arith.maximumf %max3A_528, %select_n3A_538 : vector<16xf32>
        %get3A_546 = arith.constant 496 : index
        %get3A_547 = tpu.vector_load %arg8[%get3A_546] {strides = array<i32>} : memref<1040xf32, #tpu.memory_space<vmem>>, vector<16xf32>,
        %get3A_548 = vector.shape_cast %get3A_547 : vector<16xf32> to vector<16xf32>
        %add3A_549 = arith.constant 496 : i32
        %add3A_550 = vector.broadcast %add3A_549 : i32 to vector<16xi32>
        %add3A_551 = arith.addi %iota3A, %add3A_550 : vector<16xi32>
        %eq3A_552 = arith.cmpi eq, %add3A_551, %scan3A_20 : vector<16xi32>
        %jit3A_553 = arith.constant -3.000000e+38 : f32
        %broadcast_in_dim3A_554 = vector.broadcast %jit3A_553 : f32 to vector<16xf32>
        %select_n3A_555 = arith.select %eq3A_552, %broadcast_in_dim3A_554, %get3A_548 : vector<16xi1>, vector<16xf32>
        %swap3A_556 = arith.constant 496 : index
        %swap3A_557 = tpu.vector_load %arg8[%swap3A_556] {strides = array<i32>} : memref<1040xf32, #tpu.memory_space<vmem>>, vector<16xf32>,
        %swap3A_558 = vector.shape_cast %swap3A_557 : vector<16xf32> to vector<16xf32>
        %swap3A_559 = vector.shape_cast %select_n3A_555 : vector<16xf32> to vector<16xf32>
        tpu.vector_store %arg8[%swap3A_556], %swap3A_559 {strides = array<i32>} : memref<1040xf32, #tpu.memory_space<vmem>>, vector<16xf32>,
        %gt3A_560 = arith.cmpf ogt, %select_n3A_555, %max3A_545 : vector<16xf32>
        %select_n3A_561 = arith.select %gt3A_560, %add3A_551, %select_n3A_544 : vector<16xi1>, vector<16xi32>
        %max3A_562 = arith.maximumf %max3A_545, %select_n3A_555 : vector<16xf32>
        %get3A_563 = arith.constant 512 : index
        %get3A_564 = tpu.vector_load %arg8[%get3A_563] {strides = array<i32>} : memref<1040xf32, #tpu.memory_space<vmem>>, vector<16xf32>,
        %get3A_565 = vector.shape_cast %get3A_564 : vector<16xf32> to vector<16xf32>
        %add3A_566 = arith.constant 512 : i32
        %add3A_567 = vector.broadcast %add3A_566 : i32 to vector<16xi32>
        %add3A_568 = arith.addi %iota3A, %add3A_567 : vector<16xi32>
        %eq3A_569 = arith.cmpi eq, %add3A_568, %scan3A_20 : vector<16xi32>
        %jit3A_570 = arith.constant -3.000000e+38 : f32
        %broadcast_in_dim3A_571 = vector.broadcast %jit3A_570 : f32 to vector<16xf32>
        %select_n3A_572 = arith.select %eq3A_569, %broadcast_in_dim3A_571, %get3A_565 : vector<16xi1>, vector<16xf32>
        %swap3A_573 = arith.constant 512 : index
        %swap3A_574 = tpu.vector_load %arg8[%swap3A_573] {strides = array<i32>} : memref<1040xf32, #tpu.memory_space<vmem>>, vector<16xf32>,
        %swap3A_575 = vector.shape_cast %swap3A_574 : vector<16xf32> to vector<16xf32>
        %swap3A_576 = vector.shape_cast %select_n3A_572 : vector<16xf32> to vector<16xf32>
        tpu.vector_store %arg8[%swap3A_573], %swap3A_576 {strides = array<i32>} : memref<1040xf32, #tpu.memory_space<vmem>>, vector<16xf32>,
        %gt3A_577 = arith.cmpf ogt, %select_n3A_572, %max3A_562 : vector<16xf32>
        %select_n3A_578 = arith.select %gt3A_577, %add3A_568, %select_n3A_561 : vector<16xi1>, vector<16xi32>
        %max3A_579 = arith.maximumf %max3A_562, %select_n3A_572 : vector<16xf32>
        %get3A_580 = arith.constant 528 : index
        %get3A_581 = tpu.vector_load %arg8[%get3A_580] {strides = array<i32>} : memref<1040xf32, #tpu.memory_space<vmem>>, vector<16xf32>,
        %get3A_582 = vector.shape_cast %get3A_581 : vector<16xf32> to vector<16xf32>
        %add3A_583 = arith.constant 528 : i32
        %add3A_584 = vector.broadcast %add3A_583 : i32 to vector<16xi32>
        %add3A_585 = arith.addi %iota3A, %add3A_584 : vector<16xi32>
        %eq3A_586 = arith.cmpi eq, %add3A_585, %scan3A_20 : vector<16xi32>
        %jit3A_587 = arith.constant -3.000000e+38 : f32
        %broadcast_in_dim3A_588 = vector.broadcast %jit3A_587 : f32 to vector<16xf32>
        %select_n3A_589 = arith.select %eq3A_586, %broadcast_in_dim3A_588, %get3A_582 : vector<16xi1>, vector<16xf32>
        %swap3A_590 = arith.constant 528 : index
        %swap3A_591 = tpu.vector_load %arg8[%swap3A_590] {strides = array<i32>} : memref<1040xf32, #tpu.memory_space<vmem>>, vector<16xf32>,
        %swap3A_592 = vector.shape_cast %swap3A_591 : vector<16xf32> to vector<16xf32>
        %swap3A_593 = vector.shape_cast %select_n3A_589 : vector<16xf32> to vector<16xf32>
        tpu.vector_store %arg8[%swap3A_590], %swap3A_593 {strides = array<i32>} : memref<1040xf32, #tpu.memory_space<vmem>>, vector<16xf32>,
        %gt3A_594 = arith.cmpf ogt, %select_n3A_589, %max3A_579 : vector<16xf32>
        %select_n3A_595 = arith.select %gt3A_594, %add3A_585, %select_n3A_578 : vector<16xi1>, vector<16xi32>
        %max3A_596 = arith.maximumf %max3A_579, %select_n3A_589 : vector<16xf32>
        %get3A_597 = arith.constant 544 : index
        %get3A_598 = tpu.vector_load %arg8[%get3A_597] {strides = array<i32>} : memref<1040xf32, #tpu.memory_space<vmem>>, vector<16xf32>,
        %get3A_599 = vector.shape_cast %get3A_598 : vector<16xf32> to vector<16xf32>
        %add3A_600 = arith.constant 544 : i32
        %add3A_601 = vector.broadcast %add3A_600 : i32 to vector<16xi32>
        %add3A_602 = arith.addi %iota3A, %add3A_601 : vector<16xi32>
        %eq3A_603 = arith.cmpi eq, %add3A_602, %scan3A_20 : vector<16xi32>
        %jit3A_604 = arith.constant -3.000000e+38 : f32
        %broadcast_in_dim3A_605 = vector.broadcast %jit3A_604 : f32 to vector<16xf32>
        %select_n3A_606 = arith.select %eq3A_603, %broadcast_in_dim3A_605, %get3A_599 : vector<16xi1>, vector<16xf32>
        %swap3A_607 = arith.constant 544 : index
        %swap3A_608 = tpu.vector_load %arg8[%swap3A_607] {strides = array<i32>} : memref<1040xf32, #tpu.memory_space<vmem>>, vector<16xf32>,
        %swap3A_609 = vector.shape_cast %swap3A_608 : vector<16xf32> to vector<16xf32>
        %swap3A_610 = vector.shape_cast %select_n3A_606 : vector<16xf32> to vector<16xf32>
        tpu.vector_store %arg8[%swap3A_607], %swap3A_610 {strides = array<i32>} : memref<1040xf32, #tpu.memory_space<vmem>>, vector<16xf32>,
        %gt3A_611 = arith.cmpf ogt, %select_n3A_606, %max3A_596 : vector<16xf32>
        %select_n3A_612 = arith.select %gt3A_611, %add3A_602, %select_n3A_595 : vector<16xi1>, vector<16xi32>
        %max3A_613 = arith.maximumf %max3A_596, %select_n3A_606 : vector<16xf32>
        %get3A_614 = arith.constant 560 : index
        %get3A_615 = tpu.vector_load %arg8[%get3A_614] {strides = array<i32>} : memref<1040xf32, #tpu.memory_space<vmem>>, vector<16xf32>,
        %get3A_616 = vector.shape_cast %get3A_615 : vector<16xf32> to vector<16xf32>
        %add3A_617 = arith.constant 560 : i32
        %add3A_618 = vector.broadcast %add3A_617 : i32 to vector<16xi32>
        %add3A_619 = arith.addi %iota3A, %add3A_618 : vector<16xi32>
        %eq3A_620 = arith.cmpi eq, %add3A_619, %scan3A_20 : vector<16xi32>
        %jit3A_621 = arith.constant -3.000000e+38 : f32
        %broadcast_in_dim3A_622 = vector.broadcast %jit3A_621 : f32 to vector<16xf32>
        %select_n3A_623 = arith.select %eq3A_620, %broadcast_in_dim3A_622, %get3A_616 : vector<16xi1>, vector<16xf32>
        %swap3A_624 = arith.constant 560 : index
        %swap3A_625 = tpu.vector_load %arg8[%swap3A_624] {strides = array<i32>} : memref<1040xf32, #tpu.memory_space<vmem>>, vector<16xf32>,
        %swap3A_626 = vector.shape_cast %swap3A_625 : vector<16xf32> to vector<16xf32>
        %swap3A_627 = vector.shape_cast %select_n3A_623 : vector<16xf32> to vector<16xf32>
        tpu.vector_store %arg8[%swap3A_624], %swap3A_627 {strides = array<i32>} : memref<1040xf32, #tpu.memory_space<vmem>>, vector<16xf32>,
        %gt3A_628 = arith.cmpf ogt, %select_n3A_623, %max3A_613 : vector<16xf32>
        %select_n3A_629 = arith.select %gt3A_628, %add3A_619, %select_n3A_612 : vector<16xi1>, vector<16xi32>
        %max3A_630 = arith.maximumf %max3A_613, %select_n3A_623 : vector<16xf32>
        %get3A_631 = arith.constant 576 : index
        %get3A_632 = tpu.vector_load %arg8[%get3A_631] {strides = array<i32>} : memref<1040xf32, #tpu.memory_space<vmem>>, vector<16xf32>,
        %get3A_633 = vector.shape_cast %get3A_632 : vector<16xf32> to vector<16xf32>
        %add3A_634 = arith.constant 576 : i32
        %add3A_635 = vector.broadcast %add3A_634 : i32 to vector<16xi32>
        %add3A_636 = arith.addi %iota3A, %add3A_635 : vector<16xi32>
        %eq3A_637 = arith.cmpi eq, %add3A_636, %scan3A_20 : vector<16xi32>
        %jit3A_638 = arith.constant -3.000000e+38 : f32
        %broadcast_in_dim3A_639 = vector.broadcast %jit3A_638 : f32 to vector<16xf32>
        %select_n3A_640 = arith.select %eq3A_637, %broadcast_in_dim3A_639, %get3A_633 : vector<16xi1>, vector<16xf32>
        %swap3A_641 = arith.constant 576 : index
        %swap3A_642 = tpu.vector_load %arg8[%swap3A_641] {strides = array<i32>} : memref<1040xf32, #tpu.memory_space<vmem>>, vector<16xf32>,
        %swap3A_643 = vector.shape_cast %swap3A_642 : vector<16xf32> to vector<16xf32>
        %swap3A_644 = vector.shape_cast %select_n3A_640 : vector<16xf32> to vector<16xf32>
        tpu.vector_store %arg8[%swap3A_641], %swap3A_644 {strides = array<i32>} : memref<1040xf32, #tpu.memory_space<vmem>>, vector<16xf32>,
        %gt3A_645 = arith.cmpf ogt, %select_n3A_640, %max3A_630 : vector<16xf32>
        %select_n3A_646 = arith.select %gt3A_645, %add3A_636, %select_n3A_629 : vector<16xi1>, vector<16xi32>
        %max3A_647 = arith.maximumf %max3A_630, %select_n3A_640 : vector<16xf32>
        %get3A_648 = arith.constant 592 : index
        %get3A_649 = tpu.vector_load %arg8[%get3A_648] {strides = array<i32>} : memref<1040xf32, #tpu.memory_space<vmem>>, vector<16xf32>,
        %get3A_650 = vector.shape_cast %get3A_649 : vector<16xf32> to vector<16xf32>
        %add3A_651 = arith.constant 592 : i32
        %add3A_652 = vector.broadcast %add3A_651 : i32 to vector<16xi32>
        %add3A_653 = arith.addi %iota3A, %add3A_652 : vector<16xi32>
        %eq3A_654 = arith.cmpi eq, %add3A_653, %scan3A_20 : vector<16xi32>
        %jit3A_655 = arith.constant -3.000000e+38 : f32
        %broadcast_in_dim3A_656 = vector.broadcast %jit3A_655 : f32 to vector<16xf32>
        %select_n3A_657 = arith.select %eq3A_654, %broadcast_in_dim3A_656, %get3A_650 : vector<16xi1>, vector<16xf32>
        %swap3A_658 = arith.constant 592 : index
        %swap3A_659 = tpu.vector_load %arg8[%swap3A_658] {strides = array<i32>} : memref<1040xf32, #tpu.memory_space<vmem>>, vector<16xf32>,
        %swap3A_660 = vector.shape_cast %swap3A_659 : vector<16xf32> to vector<16xf32>
        %swap3A_661 = vector.shape_cast %select_n3A_657 : vector<16xf32> to vector<16xf32>
        tpu.vector_store %arg8[%swap3A_658], %swap3A_661 {strides = array<i32>} : memref<1040xf32, #tpu.memory_space<vmem>>, vector<16xf32>,
        %gt3A_662 = arith.cmpf ogt, %select_n3A_657, %max3A_647 : vector<16xf32>
        %select_n3A_663 = arith.select %gt3A_662, %add3A_653, %select_n3A_646 : vector<16xi1>, vector<16xi32>
        %max3A_664 = arith.maximumf %max3A_647, %select_n3A_657 : vector<16xf32>
        %get3A_665 = arith.constant 608 : index
        %get3A_666 = tpu.vector_load %arg8[%get3A_665] {strides = array<i32>} : memref<1040xf32, #tpu.memory_space<vmem>>, vector<16xf32>,
        %get3A_667 = vector.shape_cast %get3A_666 : vector<16xf32> to vector<16xf32>
        %add3A_668 = arith.constant 608 : i32
        %add3A_669 = vector.broadcast %add3A_668 : i32 to vector<16xi32>
        %add3A_670 = arith.addi %iota3A, %add3A_669 : vector<16xi32>
        %eq3A_671 = arith.cmpi eq, %add3A_670, %scan3A_20 : vector<16xi32>
        %jit3A_672 = arith.constant -3.000000e+38 : f32
        %broadcast_in_dim3A_673 = vector.broadcast %jit3A_672 : f32 to vector<16xf32>
        %select_n3A_674 = arith.select %eq3A_671, %broadcast_in_dim3A_673, %get3A_667 : vector<16xi1>, vector<16xf32>
        %swap3A_675 = arith.constant 608 : index
        %swap3A_676 = tpu.vector_load %arg8[%swap3A_675] {strides = array<i32>} : memref<1040xf32, #tpu.memory_space<vmem>>, vector<16xf32>,
        %swap3A_677 = vector.shape_cast %swap3A_676 : vector<16xf32> to vector<16xf32>
        %swap3A_678 = vector.shape_cast %select_n3A_674 : vector<16xf32> to vector<16xf32>
        tpu.vector_store %arg8[%swap3A_675], %swap3A_678 {strides = array<i32>} : memref<1040xf32, #tpu.memory_space<vmem>>, vector<16xf32>,
        %gt3A_679 = arith.cmpf ogt, %select_n3A_674, %max3A_664 : vector<16xf32>
        %select_n3A_680 = arith.select %gt3A_679, %add3A_670, %select_n3A_663 : vector<16xi1>, vector<16xi32>
        %max3A_681 = arith.maximumf %max3A_664, %select_n3A_674 : vector<16xf32>
        %get3A_682 = arith.constant 624 : index
        %get3A_683 = tpu.vector_load %arg8[%get3A_682] {strides = array<i32>} : memref<1040xf32, #tpu.memory_space<vmem>>, vector<16xf32>,
        %get3A_684 = vector.shape_cast %get3A_683 : vector<16xf32> to vector<16xf32>
        %add3A_685 = arith.constant 624 : i32
        %add3A_686 = vector.broadcast %add3A_685 : i32 to vector<16xi32>
        %add3A_687 = arith.addi %iota3A, %add3A_686 : vector<16xi32>
        %eq3A_688 = arith.cmpi eq, %add3A_687, %scan3A_20 : vector<16xi32>
        %jit3A_689 = arith.constant -3.000000e+38 : f32
        %broadcast_in_dim3A_690 = vector.broadcast %jit3A_689 : f32 to vector<16xf32>
        %select_n3A_691 = arith.select %eq3A_688, %broadcast_in_dim3A_690, %get3A_684 : vector<16xi1>, vector<16xf32>
        %swap3A_692 = arith.constant 624 : index
        %swap3A_693 = tpu.vector_load %arg8[%swap3A_692] {strides = array<i32>} : memref<1040xf32, #tpu.memory_space<vmem>>, vector<16xf32>,
        %swap3A_694 = vector.shape_cast %swap3A_693 : vector<16xf32> to vector<16xf32>
        %swap3A_695 = vector.shape_cast %select_n3A_691 : vector<16xf32> to vector<16xf32>
        tpu.vector_store %arg8[%swap3A_692], %swap3A_695 {strides = array<i32>} : memref<1040xf32, #tpu.memory_space<vmem>>, vector<16xf32>,
        %gt3A_696 = arith.cmpf ogt, %select_n3A_691, %max3A_681 : vector<16xf32>
        %select_n3A_697 = arith.select %gt3A_696, %add3A_687, %select_n3A_680 : vector<16xi1>, vector<16xi32>
        %max3A_698 = arith.maximumf %max3A_681, %select_n3A_691 : vector<16xf32>
        %get3A_699 = arith.constant 640 : index
        %get3A_700 = tpu.vector_load %arg8[%get3A_699] {strides = array<i32>} : memref<1040xf32, #tpu.memory_space<vmem>>, vector<16xf32>,
        %get3A_701 = vector.shape_cast %get3A_700 : vector<16xf32> to vector<16xf32>
        %add3A_702 = arith.constant 640 : i32
        %add3A_703 = vector.broadcast %add3A_702 : i32 to vector<16xi32>
        %add3A_704 = arith.addi %iota3A, %add3A_703 : vector<16xi32>
        %eq3A_705 = arith.cmpi eq, %add3A_704, %scan3A_20 : vector<16xi32>
        %jit3A_706 = arith.constant -3.000000e+38 : f32
        %broadcast_in_dim3A_707 = vector.broadcast %jit3A_706 : f32 to vector<16xf32>
        %select_n3A_708 = arith.select %eq3A_705, %broadcast_in_dim3A_707, %get3A_701 : vector<16xi1>, vector<16xf32>
        %swap3A_709 = arith.constant 640 : index
        %swap3A_710 = tpu.vector_load %arg8[%swap3A_709] {strides = array<i32>} : memref<1040xf32, #tpu.memory_space<vmem>>, vector<16xf32>,
        %swap3A_711 = vector.shape_cast %swap3A_710 : vector<16xf32> to vector<16xf32>
        %swap3A_712 = vector.shape_cast %select_n3A_708 : vector<16xf32> to vector<16xf32>
        tpu.vector_store %arg8[%swap3A_709], %swap3A_712 {strides = array<i32>} : memref<1040xf32, #tpu.memory_space<vmem>>, vector<16xf32>,
        %gt3A_713 = arith.cmpf ogt, %select_n3A_708, %max3A_698 : vector<16xf32>
        %select_n3A_714 = arith.select %gt3A_713, %add3A_704, %select_n3A_697 : vector<16xi1>, vector<16xi32>
        %max3A_715 = arith.maximumf %max3A_698, %select_n3A_708 : vector<16xf32>
        %get3A_716 = arith.constant 656 : index
        %get3A_717 = tpu.vector_load %arg8[%get3A_716] {strides = array<i32>} : memref<1040xf32, #tpu.memory_space<vmem>>, vector<16xf32>,
        %get3A_718 = vector.shape_cast %get3A_717 : vector<16xf32> to vector<16xf32>
        %add3A_719 = arith.constant 656 : i32
        %add3A_720 = vector.broadcast %add3A_719 : i32 to vector<16xi32>
        %add3A_721 = arith.addi %iota3A, %add3A_720 : vector<16xi32>
        %eq3A_722 = arith.cmpi eq, %add3A_721, %scan3A_20 : vector<16xi32>
        %jit3A_723 = arith.constant -3.000000e+38 : f32
        %broadcast_in_dim3A_724 = vector.broadcast %jit3A_723 : f32 to vector<16xf32>
        %select_n3A_725 = arith.select %eq3A_722, %broadcast_in_dim3A_724, %get3A_718 : vector<16xi1>, vector<16xf32>
        %swap3A_726 = arith.constant 656 : index
        %swap3A_727 = tpu.vector_load %arg8[%swap3A_726] {strides = array<i32>} : memref<1040xf32, #tpu.memory_space<vmem>>, vector<16xf32>,
        %swap3A_728 = vector.shape_cast %swap3A_727 : vector<16xf32> to vector<16xf32>
        %swap3A_729 = vector.shape_cast %select_n3A_725 : vector<16xf32> to vector<16xf32>
        tpu.vector_store %arg8[%swap3A_726], %swap3A_729 {strides = array<i32>} : memref<1040xf32, #tpu.memory_space<vmem>>, vector<16xf32>,
        %gt3A_730 = arith.cmpf ogt, %select_n3A_725, %max3A_715 : vector<16xf32>
        %select_n3A_731 = arith.select %gt3A_730, %add3A_721, %select_n3A_714 : vector<16xi1>, vector<16xi32>
        %max3A_732 = arith.maximumf %max3A_715, %select_n3A_725 : vector<16xf32>
        %get3A_733 = arith.constant 672 : index
        %get3A_734 = tpu.vector_load %arg8[%get3A_733] {strides = array<i32>} : memref<1040xf32, #tpu.memory_space<vmem>>, vector<16xf32>,
        %get3A_735 = vector.shape_cast %get3A_734 : vector<16xf32> to vector<16xf32>
        %add3A_736 = arith.constant 672 : i32
        %add3A_737 = vector.broadcast %add3A_736 : i32 to vector<16xi32>
        %add3A_738 = arith.addi %iota3A, %add3A_737 : vector<16xi32>
        %eq3A_739 = arith.cmpi eq, %add3A_738, %scan3A_20 : vector<16xi32>
        %jit3A_740 = arith.constant -3.000000e+38 : f32
        %broadcast_in_dim3A_741 = vector.broadcast %jit3A_740 : f32 to vector<16xf32>
        %select_n3A_742 = arith.select %eq3A_739, %broadcast_in_dim3A_741, %get3A_735 : vector<16xi1>, vector<16xf32>
        %swap3A_743 = arith.constant 672 : index
        %swap3A_744 = tpu.vector_load %arg8[%swap3A_743] {strides = array<i32>} : memref<1040xf32, #tpu.memory_space<vmem>>, vector<16xf32>,
        %swap3A_745 = vector.shape_cast %swap3A_744 : vector<16xf32> to vector<16xf32>
        %swap3A_746 = vector.shape_cast %select_n3A_742 : vector<16xf32> to vector<16xf32>
        tpu.vector_store %arg8[%swap3A_743], %swap3A_746 {strides = array<i32>} : memref<1040xf32, #tpu.memory_space<vmem>>, vector<16xf32>,
        %gt3A_747 = arith.cmpf ogt, %select_n3A_742, %max3A_732 : vector<16xf32>
        %select_n3A_748 = arith.select %gt3A_747, %add3A_738, %select_n3A_731 : vector<16xi1>, vector<16xi32>
        %max3A_749 = arith.maximumf %max3A_732, %select_n3A_742 : vector<16xf32>
        %get3A_750 = arith.constant 688 : index
        %get3A_751 = tpu.vector_load %arg8[%get3A_750] {strides = array<i32>} : memref<1040xf32, #tpu.memory_space<vmem>>, vector<16xf32>,
        %get3A_752 = vector.shape_cast %get3A_751 : vector<16xf32> to vector<16xf32>
        %add3A_753 = arith.constant 688 : i32
        %add3A_754 = vector.broadcast %add3A_753 : i32 to vector<16xi32>
        %add3A_755 = arith.addi %iota3A, %add3A_754 : vector<16xi32>
        %eq3A_756 = arith.cmpi eq, %add3A_755, %scan3A_20 : vector<16xi32>
        %jit3A_757 = arith.constant -3.000000e+38 : f32
        %broadcast_in_dim3A_758 = vector.broadcast %jit3A_757 : f32 to vector<16xf32>
        %select_n3A_759 = arith.select %eq3A_756, %broadcast_in_dim3A_758, %get3A_752 : vector<16xi1>, vector<16xf32>
        %swap3A_760 = arith.constant 688 : index
        %swap3A_761 = tpu.vector_load %arg8[%swap3A_760] {strides = array<i32>} : memref<1040xf32, #tpu.memory_space<vmem>>, vector<16xf32>,
        %swap3A_762 = vector.shape_cast %swap3A_761 : vector<16xf32> to vector<16xf32>
        %swap3A_763 = vector.shape_cast %select_n3A_759 : vector<16xf32> to vector<16xf32>
        tpu.vector_store %arg8[%swap3A_760], %swap3A_763 {strides = array<i32>} : memref<1040xf32, #tpu.memory_space<vmem>>, vector<16xf32>,
        %gt3A_764 = arith.cmpf ogt, %select_n3A_759, %max3A_749 : vector<16xf32>
        %select_n3A_765 = arith.select %gt3A_764, %add3A_755, %select_n3A_748 : vector<16xi1>, vector<16xi32>
        %max3A_766 = arith.maximumf %max3A_749, %select_n3A_759 : vector<16xf32>
        %get3A_767 = arith.constant 704 : index
        %get3A_768 = tpu.vector_load %arg8[%get3A_767] {strides = array<i32>} : memref<1040xf32, #tpu.memory_space<vmem>>, vector<16xf32>,
        %get3A_769 = vector.shape_cast %get3A_768 : vector<16xf32> to vector<16xf32>
        %add3A_770 = arith.constant 704 : i32
        %add3A_771 = vector.broadcast %add3A_770 : i32 to vector<16xi32>
        %add3A_772 = arith.addi %iota3A, %add3A_771 : vector<16xi32>
        %eq3A_773 = arith.cmpi eq, %add3A_772, %scan3A_20 : vector<16xi32>
        %jit3A_774 = arith.constant -3.000000e+38 : f32
        %broadcast_in_dim3A_775 = vector.broadcast %jit3A_774 : f32 to vector<16xf32>
        %select_n3A_776 = arith.select %eq3A_773, %broadcast_in_dim3A_775, %get3A_769 : vector<16xi1>, vector<16xf32>
        %swap3A_777 = arith.constant 704 : index
        %swap3A_778 = tpu.vector_load %arg8[%swap3A_777] {strides = array<i32>} : memref<1040xf32, #tpu.memory_space<vmem>>, vector<16xf32>,
        %swap3A_779 = vector.shape_cast %swap3A_778 : vector<16xf32> to vector<16xf32>
        %swap3A_780 = vector.shape_cast %select_n3A_776 : vector<16xf32> to vector<16xf32>
        tpu.vector_store %arg8[%swap3A_777], %swap3A_780 {strides = array<i32>} : memref<1040xf32, #tpu.memory_space<vmem>>, vector<16xf32>,
        %gt3A_781 = arith.cmpf ogt, %select_n3A_776, %max3A_766 : vector<16xf32>
        %select_n3A_782 = arith.select %gt3A_781, %add3A_772, %select_n3A_765 : vector<16xi1>, vector<16xi32>
        %max3A_783 = arith.maximumf %max3A_766, %select_n3A_776 : vector<16xf32>
        %get3A_784 = arith.constant 720 : index
        %get3A_785 = tpu.vector_load %arg8[%get3A_784] {strides = array<i32>} : memref<1040xf32, #tpu.memory_space<vmem>>, vector<16xf32>,
        %get3A_786 = vector.shape_cast %get3A_785 : vector<16xf32> to vector<16xf32>
        %add3A_787 = arith.constant 720 : i32
        %add3A_788 = vector.broadcast %add3A_787 : i32 to vector<16xi32>
        %add3A_789 = arith.addi %iota3A, %add3A_788 : vector<16xi32>
        %eq3A_790 = arith.cmpi eq, %add3A_789, %scan3A_20 : vector<16xi32>
        %jit3A_791 = arith.constant -3.000000e+38 : f32
        %broadcast_in_dim3A_792 = vector.broadcast %jit3A_791 : f32 to vector<16xf32>
        %select_n3A_793 = arith.select %eq3A_790, %broadcast_in_dim3A_792, %get3A_786 : vector<16xi1>, vector<16xf32>
        %swap3A_794 = arith.constant 720 : index
        %swap3A_795 = tpu.vector_load %arg8[%swap3A_794] {strides = array<i32>} : memref<1040xf32, #tpu.memory_space<vmem>>, vector<16xf32>,
        %swap3A_796 = vector.shape_cast %swap3A_795 : vector<16xf32> to vector<16xf32>
        %swap3A_797 = vector.shape_cast %select_n3A_793 : vector<16xf32> to vector<16xf32>
        tpu.vector_store %arg8[%swap3A_794], %swap3A_797 {strides = array<i32>} : memref<1040xf32, #tpu.memory_space<vmem>>, vector<16xf32>,
        %gt3A_798 = arith.cmpf ogt, %select_n3A_793, %max3A_783 : vector<16xf32>
        %select_n3A_799 = arith.select %gt3A_798, %add3A_789, %select_n3A_782 : vector<16xi1>, vector<16xi32>
        %max3A_800 = arith.maximumf %max3A_783, %select_n3A_793 : vector<16xf32>
        %get3A_801 = arith.constant 736 : index
        %get3A_802 = tpu.vector_load %arg8[%get3A_801] {strides = array<i32>} : memref<1040xf32, #tpu.memory_space<vmem>>, vector<16xf32>,
        %get3A_803 = vector.shape_cast %get3A_802 : vector<16xf32> to vector<16xf32>
        %add3A_804 = arith.constant 736 : i32
        %add3A_805 = vector.broadcast %add3A_804 : i32 to vector<16xi32>
        %add3A_806 = arith.addi %iota3A, %add3A_805 : vector<16xi32>
        %eq3A_807 = arith.cmpi eq, %add3A_806, %scan3A_20 : vector<16xi32>
        %jit3A_808 = arith.constant -3.000000e+38 : f32
        %broadcast_in_dim3A_809 = vector.broadcast %jit3A_808 : f32 to vector<16xf32>
        %select_n3A_810 = arith.select %eq3A_807, %broadcast_in_dim3A_809, %get3A_803 : vector<16xi1>, vector<16xf32>
        %swap3A_811 = arith.constant 736 : index
        %swap3A_812 = tpu.vector_load %arg8[%swap3A_811] {strides = array<i32>} : memref<1040xf32, #tpu.memory_space<vmem>>, vector<16xf32>,
        %swap3A_813 = vector.shape_cast %swap3A_812 : vector<16xf32> to vector<16xf32>
        %swap3A_814 = vector.shape_cast %select_n3A_810 : vector<16xf32> to vector<16xf32>
        tpu.vector_store %arg8[%swap3A_811], %swap3A_814 {strides = array<i32>} : memref<1040xf32, #tpu.memory_space<vmem>>, vector<16xf32>,
        %gt3A_815 = arith.cmpf ogt, %select_n3A_810, %max3A_800 : vector<16xf32>
        %select_n3A_816 = arith.select %gt3A_815, %add3A_806, %select_n3A_799 : vector<16xi1>, vector<16xi32>
        %max3A_817 = arith.maximumf %max3A_800, %select_n3A_810 : vector<16xf32>
        %get3A_818 = arith.constant 752 : index
        %get3A_819 = tpu.vector_load %arg8[%get3A_818] {strides = array<i32>} : memref<1040xf32, #tpu.memory_space<vmem>>, vector<16xf32>,
        %get3A_820 = vector.shape_cast %get3A_819 : vector<16xf32> to vector<16xf32>
        %add3A_821 = arith.constant 752 : i32
        %add3A_822 = vector.broadcast %add3A_821 : i32 to vector<16xi32>
        %add3A_823 = arith.addi %iota3A, %add3A_822 : vector<16xi32>
        %eq3A_824 = arith.cmpi eq, %add3A_823, %scan3A_20 : vector<16xi32>
        %jit3A_825 = arith.constant -3.000000e+38 : f32
        %broadcast_in_dim3A_826 = vector.broadcast %jit3A_825 : f32 to vector<16xf32>
        %select_n3A_827 = arith.select %eq3A_824, %broadcast_in_dim3A_826, %get3A_820 : vector<16xi1>, vector<16xf32>
        %swap3A_828 = arith.constant 752 : index
        %swap3A_829 = tpu.vector_load %arg8[%swap3A_828] {strides = array<i32>} : memref<1040xf32, #tpu.memory_space<vmem>>, vector<16xf32>,
        %swap3A_830 = vector.shape_cast %swap3A_829 : vector<16xf32> to vector<16xf32>
        %swap3A_831 = vector.shape_cast %select_n3A_827 : vector<16xf32> to vector<16xf32>
        tpu.vector_store %arg8[%swap3A_828], %swap3A_831 {strides = array<i32>} : memref<1040xf32, #tpu.memory_space<vmem>>, vector<16xf32>,
        %gt3A_832 = arith.cmpf ogt, %select_n3A_827, %max3A_817 : vector<16xf32>
        %select_n3A_833 = arith.select %gt3A_832, %add3A_823, %select_n3A_816 : vector<16xi1>, vector<16xi32>
        %max3A_834 = arith.maximumf %max3A_817, %select_n3A_827 : vector<16xf32>
        %get3A_835 = arith.constant 768 : index
        %get3A_836 = tpu.vector_load %arg8[%get3A_835] {strides = array<i32>} : memref<1040xf32, #tpu.memory_space<vmem>>, vector<16xf32>,
        %get3A_837 = vector.shape_cast %get3A_836 : vector<16xf32> to vector<16xf32>
        %add3A_838 = arith.constant 768 : i32
        %add3A_839 = vector.broadcast %add3A_838 : i32 to vector<16xi32>
        %add3A_840 = arith.addi %iota3A, %add3A_839 : vector<16xi32>
        %eq3A_841 = arith.cmpi eq, %add3A_840, %scan3A_20 : vector<16xi32>
        %jit3A_842 = arith.constant -3.000000e+38 : f32
        %broadcast_in_dim3A_843 = vector.broadcast %jit3A_842 : f32 to vector<16xf32>
        %select_n3A_844 = arith.select %eq3A_841, %broadcast_in_dim3A_843, %get3A_837 : vector<16xi1>, vector<16xf32>
        %swap3A_845 = arith.constant 768 : index
        %swap3A_846 = tpu.vector_load %arg8[%swap3A_845] {strides = array<i32>} : memref<1040xf32, #tpu.memory_space<vmem>>, vector<16xf32>,
        %swap3A_847 = vector.shape_cast %swap3A_846 : vector<16xf32> to vector<16xf32>
        %swap3A_848 = vector.shape_cast %select_n3A_844 : vector<16xf32> to vector<16xf32>
        tpu.vector_store %arg8[%swap3A_845], %swap3A_848 {strides = array<i32>} : memref<1040xf32, #tpu.memory_space<vmem>>, vector<16xf32>,
        %gt3A_849 = arith.cmpf ogt, %select_n3A_844, %max3A_834 : vector<16xf32>
        %select_n3A_850 = arith.select %gt3A_849, %add3A_840, %select_n3A_833 : vector<16xi1>, vector<16xi32>
        %max3A_851 = arith.maximumf %max3A_834, %select_n3A_844 : vector<16xf32>
        %get3A_852 = arith.constant 784 : index
        %get3A_853 = tpu.vector_load %arg8[%get3A_852] {strides = array<i32>} : memref<1040xf32, #tpu.memory_space<vmem>>, vector<16xf32>,
        %get3A_854 = vector.shape_cast %get3A_853 : vector<16xf32> to vector<16xf32>
        %add3A_855 = arith.constant 784 : i32
        %add3A_856 = vector.broadcast %add3A_855 : i32 to vector<16xi32>
        %add3A_857 = arith.addi %iota3A, %add3A_856 : vector<16xi32>
        %eq3A_858 = arith.cmpi eq, %add3A_857, %scan3A_20 : vector<16xi32>
        %jit3A_859 = arith.constant -3.000000e+38 : f32
        %broadcast_in_dim3A_860 = vector.broadcast %jit3A_859 : f32 to vector<16xf32>
        %select_n3A_861 = arith.select %eq3A_858, %broadcast_in_dim3A_860, %get3A_854 : vector<16xi1>, vector<16xf32>
        %swap3A_862 = arith.constant 784 : index
        %swap3A_863 = tpu.vector_load %arg8[%swap3A_862] {strides = array<i32>} : memref<1040xf32, #tpu.memory_space<vmem>>, vector<16xf32>,
        %swap3A_864 = vector.shape_cast %swap3A_863 : vector<16xf32> to vector<16xf32>
        %swap3A_865 = vector.shape_cast %select_n3A_861 : vector<16xf32> to vector<16xf32>
        tpu.vector_store %arg8[%swap3A_862], %swap3A_865 {strides = array<i32>} : memref<1040xf32, #tpu.memory_space<vmem>>, vector<16xf32>,
        %gt3A_866 = arith.cmpf ogt, %select_n3A_861, %max3A_851 : vector<16xf32>
        %select_n3A_867 = arith.select %gt3A_866, %add3A_857, %select_n3A_850 : vector<16xi1>, vector<16xi32>
        %max3A_868 = arith.maximumf %max3A_851, %select_n3A_861 : vector<16xf32>
        %get3A_869 = arith.constant 800 : index
        %get3A_870 = tpu.vector_load %arg8[%get3A_869] {strides = array<i32>} : memref<1040xf32, #tpu.memory_space<vmem>>, vector<16xf32>,
        %get3A_871 = vector.shape_cast %get3A_870 : vector<16xf32> to vector<16xf32>
        %add3A_872 = arith.constant 800 : i32
        %add3A_873 = vector.broadcast %add3A_872 : i32 to vector<16xi32>
        %add3A_874 = arith.addi %iota3A, %add3A_873 : vector<16xi32>
        %eq3A_875 = arith.cmpi eq, %add3A_874, %scan3A_20 : vector<16xi32>
        %jit3A_876 = arith.constant -3.000000e+38 : f32
        %broadcast_in_dim3A_877 = vector.broadcast %jit3A_876 : f32 to vector<16xf32>
        %select_n3A_878 = arith.select %eq3A_875, %broadcast_in_dim3A_877, %get3A_871 : vector<16xi1>, vector<16xf32>
        %swap3A_879 = arith.constant 800 : index
        %swap3A_880 = tpu.vector_load %arg8[%swap3A_879] {strides = array<i32>} : memref<1040xf32, #tpu.memory_space<vmem>>, vector<16xf32>,
        %swap3A_881 = vector.shape_cast %swap3A_880 : vector<16xf32> to vector<16xf32>
        %swap3A_882 = vector.shape_cast %select_n3A_878 : vector<16xf32> to vector<16xf32>
        tpu.vector_store %arg8[%swap3A_879], %swap3A_882 {strides = array<i32>} : memref<1040xf32, #tpu.memory_space<vmem>>, vector<16xf32>,
        %gt3A_883 = arith.cmpf ogt, %select_n3A_878, %max3A_868 : vector<16xf32>
        %select_n3A_884 = arith.select %gt3A_883, %add3A_874, %select_n3A_867 : vector<16xi1>, vector<16xi32>
        %max3A_885 = arith.maximumf %max3A_868, %select_n3A_878 : vector<16xf32>
        %get3A_886 = arith.constant 816 : index
        %get3A_887 = tpu.vector_load %arg8[%get3A_886] {strides = array<i32>} : memref<1040xf32, #tpu.memory_space<vmem>>, vector<16xf32>,
        %get3A_888 = vector.shape_cast %get3A_887 : vector<16xf32> to vector<16xf32>
        %add3A_889 = arith.constant 816 : i32
        %add3A_890 = vector.broadcast %add3A_889 : i32 to vector<16xi32>
        %add3A_891 = arith.addi %iota3A, %add3A_890 : vector<16xi32>
        %eq3A_892 = arith.cmpi eq, %add3A_891, %scan3A_20 : vector<16xi32>
        %jit3A_893 = arith.constant -3.000000e+38 : f32
        %broadcast_in_dim3A_894 = vector.broadcast %jit3A_893 : f32 to vector<16xf32>
        %select_n3A_895 = arith.select %eq3A_892, %broadcast_in_dim3A_894, %get3A_888 : vector<16xi1>, vector<16xf32>
        %swap3A_896 = arith.constant 816 : index
        %swap3A_897 = tpu.vector_load %arg8[%swap3A_896] {strides = array<i32>} : memref<1040xf32, #tpu.memory_space<vmem>>, vector<16xf32>,
        %swap3A_898 = vector.shape_cast %swap3A_897 : vector<16xf32> to vector<16xf32>
        %swap3A_899 = vector.shape_cast %select_n3A_895 : vector<16xf32> to vector<16xf32>
        tpu.vector_store %arg8[%swap3A_896], %swap3A_899 {strides = array<i32>} : memref<1040xf32, #tpu.memory_space<vmem>>, vector<16xf32>,
        %gt3A_900 = arith.cmpf ogt, %select_n3A_895, %max3A_885 : vector<16xf32>
        %select_n3A_901 = arith.select %gt3A_900, %add3A_891, %select_n3A_884 : vector<16xi1>, vector<16xi32>
        %max3A_902 = arith.maximumf %max3A_885, %select_n3A_895 : vector<16xf32>
        %get3A_903 = arith.constant 832 : index
        %get3A_904 = tpu.vector_load %arg8[%get3A_903] {strides = array<i32>} : memref<1040xf32, #tpu.memory_space<vmem>>, vector<16xf32>,
        %get3A_905 = vector.shape_cast %get3A_904 : vector<16xf32> to vector<16xf32>
        %add3A_906 = arith.constant 832 : i32
        %add3A_907 = vector.broadcast %add3A_906 : i32 to vector<16xi32>
        %add3A_908 = arith.addi %iota3A, %add3A_907 : vector<16xi32>
        %eq3A_909 = arith.cmpi eq, %add3A_908, %scan3A_20 : vector<16xi32>
        %jit3A_910 = arith.constant -3.000000e+38 : f32
        %broadcast_in_dim3A_911 = vector.broadcast %jit3A_910 : f32 to vector<16xf32>
        %select_n3A_912 = arith.select %eq3A_909, %broadcast_in_dim3A_911, %get3A_905 : vector<16xi1>, vector<16xf32>
        %swap3A_913 = arith.constant 832 : index
        %swap3A_914 = tpu.vector_load %arg8[%swap3A_913] {strides = array<i32>} : memref<1040xf32, #tpu.memory_space<vmem>>, vector<16xf32>,
        %swap3A_915 = vector.shape_cast %swap3A_914 : vector<16xf32> to vector<16xf32>
        %swap3A_916 = vector.shape_cast %select_n3A_912 : vector<16xf32> to vector<16xf32>
        tpu.vector_store %arg8[%swap3A_913], %swap3A_916 {strides = array<i32>} : memref<1040xf32, #tpu.memory_space<vmem>>, vector<16xf32>,
        %gt3A_917 = arith.cmpf ogt, %select_n3A_912, %max3A_902 : vector<16xf32>
        %select_n3A_918 = arith.select %gt3A_917, %add3A_908, %select_n3A_901 : vector<16xi1>, vector<16xi32>
        %max3A_919 = arith.maximumf %max3A_902, %select_n3A_912 : vector<16xf32>
        %get3A_920 = arith.constant 848 : index
        %get3A_921 = tpu.vector_load %arg8[%get3A_920] {strides = array<i32>} : memref<1040xf32, #tpu.memory_space<vmem>>, vector<16xf32>,
        %get3A_922 = vector.shape_cast %get3A_921 : vector<16xf32> to vector<16xf32>
        %add3A_923 = arith.constant 848 : i32
        %add3A_924 = vector.broadcast %add3A_923 : i32 to vector<16xi32>
        %add3A_925 = arith.addi %iota3A, %add3A_924 : vector<16xi32>
        %eq3A_926 = arith.cmpi eq, %add3A_925, %scan3A_20 : vector<16xi32>
        %jit3A_927 = arith.constant -3.000000e+38 : f32
        %broadcast_in_dim3A_928 = vector.broadcast %jit3A_927 : f32 to vector<16xf32>
        %select_n3A_929 = arith.select %eq3A_926, %broadcast_in_dim3A_928, %get3A_922 : vector<16xi1>, vector<16xf32>
        %swap3A_930 = arith.constant 848 : index
        %swap3A_931 = tpu.vector_load %arg8[%swap3A_930] {strides = array<i32>} : memref<1040xf32, #tpu.memory_space<vmem>>, vector<16xf32>,
        %swap3A_932 = vector.shape_cast %swap3A_931 : vector<16xf32> to vector<16xf32>
        %swap3A_933 = vector.shape_cast %select_n3A_929 : vector<16xf32> to vector<16xf32>
        tpu.vector_store %arg8[%swap3A_930], %swap3A_933 {strides = array<i32>} : memref<1040xf32, #tpu.memory_space<vmem>>, vector<16xf32>,
        %gt3A_934 = arith.cmpf ogt, %select_n3A_929, %max3A_919 : vector<16xf32>
        %select_n3A_935 = arith.select %gt3A_934, %add3A_925, %select_n3A_918 : vector<16xi1>, vector<16xi32>
        %max3A_936 = arith.maximumf %max3A_919, %select_n3A_929 : vector<16xf32>
        %get3A_937 = arith.constant 864 : index
        %get3A_938 = tpu.vector_load %arg8[%get3A_937] {strides = array<i32>} : memref<1040xf32, #tpu.memory_space<vmem>>, vector<16xf32>,
        %get3A_939 = vector.shape_cast %get3A_938 : vector<16xf32> to vector<16xf32>
        %add3A_940 = arith.constant 864 : i32
        %add3A_941 = vector.broadcast %add3A_940 : i32 to vector<16xi32>
        %add3A_942 = arith.addi %iota3A, %add3A_941 : vector<16xi32>
        %eq3A_943 = arith.cmpi eq, %add3A_942, %scan3A_20 : vector<16xi32>
        %jit3A_944 = arith.constant -3.000000e+38 : f32
        %broadcast_in_dim3A_945 = vector.broadcast %jit3A_944 : f32 to vector<16xf32>
        %select_n3A_946 = arith.select %eq3A_943, %broadcast_in_dim3A_945, %get3A_939 : vector<16xi1>, vector<16xf32>
        %swap3A_947 = arith.constant 864 : index
        %swap3A_948 = tpu.vector_load %arg8[%swap3A_947] {strides = array<i32>} : memref<1040xf32, #tpu.memory_space<vmem>>, vector<16xf32>,
        %swap3A_949 = vector.shape_cast %swap3A_948 : vector<16xf32> to vector<16xf32>
        %swap3A_950 = vector.shape_cast %select_n3A_946 : vector<16xf32> to vector<16xf32>
        tpu.vector_store %arg8[%swap3A_947], %swap3A_950 {strides = array<i32>} : memref<1040xf32, #tpu.memory_space<vmem>>, vector<16xf32>,
        %gt3A_951 = arith.cmpf ogt, %select_n3A_946, %max3A_936 : vector<16xf32>
        %select_n3A_952 = arith.select %gt3A_951, %add3A_942, %select_n3A_935 : vector<16xi1>, vector<16xi32>
        %max3A_953 = arith.maximumf %max3A_936, %select_n3A_946 : vector<16xf32>
        %get3A_954 = arith.constant 880 : index
        %get3A_955 = tpu.vector_load %arg8[%get3A_954] {strides = array<i32>} : memref<1040xf32, #tpu.memory_space<vmem>>, vector<16xf32>,
        %get3A_956 = vector.shape_cast %get3A_955 : vector<16xf32> to vector<16xf32>
        %add3A_957 = arith.constant 880 : i32
        %add3A_958 = vector.broadcast %add3A_957 : i32 to vector<16xi32>
        %add3A_959 = arith.addi %iota3A, %add3A_958 : vector<16xi32>
        %eq3A_960 = arith.cmpi eq, %add3A_959, %scan3A_20 : vector<16xi32>
        %jit3A_961 = arith.constant -3.000000e+38 : f32
        %broadcast_in_dim3A_962 = vector.broadcast %jit3A_961 : f32 to vector<16xf32>
        %select_n3A_963 = arith.select %eq3A_960, %broadcast_in_dim3A_962, %get3A_956 : vector<16xi1>, vector<16xf32>
        %swap3A_964 = arith.constant 880 : index
        %swap3A_965 = tpu.vector_load %arg8[%swap3A_964] {strides = array<i32>} : memref<1040xf32, #tpu.memory_space<vmem>>, vector<16xf32>,
        %swap3A_966 = vector.shape_cast %swap3A_965 : vector<16xf32> to vector<16xf32>
        %swap3A_967 = vector.shape_cast %select_n3A_963 : vector<16xf32> to vector<16xf32>
        tpu.vector_store %arg8[%swap3A_964], %swap3A_967 {strides = array<i32>} : memref<1040xf32, #tpu.memory_space<vmem>>, vector<16xf32>,
        %gt3A_968 = arith.cmpf ogt, %select_n3A_963, %max3A_953 : vector<16xf32>
        %select_n3A_969 = arith.select %gt3A_968, %add3A_959, %select_n3A_952 : vector<16xi1>, vector<16xi32>
        %max3A_970 = arith.maximumf %max3A_953, %select_n3A_963 : vector<16xf32>
        %get3A_971 = arith.constant 896 : index
        %get3A_972 = tpu.vector_load %arg8[%get3A_971] {strides = array<i32>} : memref<1040xf32, #tpu.memory_space<vmem>>, vector<16xf32>,
        %get3A_973 = vector.shape_cast %get3A_972 : vector<16xf32> to vector<16xf32>
        %add3A_974 = arith.constant 896 : i32
        %add3A_975 = vector.broadcast %add3A_974 : i32 to vector<16xi32>
        %add3A_976 = arith.addi %iota3A, %add3A_975 : vector<16xi32>
        %eq3A_977 = arith.cmpi eq, %add3A_976, %scan3A_20 : vector<16xi32>
        %jit3A_978 = arith.constant -3.000000e+38 : f32
        %broadcast_in_dim3A_979 = vector.broadcast %jit3A_978 : f32 to vector<16xf32>
        %select_n3A_980 = arith.select %eq3A_977, %broadcast_in_dim3A_979, %get3A_973 : vector<16xi1>, vector<16xf32>
        %swap3A_981 = arith.constant 896 : index
        %swap3A_982 = tpu.vector_load %arg8[%swap3A_981] {strides = array<i32>} : memref<1040xf32, #tpu.memory_space<vmem>>, vector<16xf32>,
        %swap3A_983 = vector.shape_cast %swap3A_982 : vector<16xf32> to vector<16xf32>
        %swap3A_984 = vector.shape_cast %select_n3A_980 : vector<16xf32> to vector<16xf32>
        tpu.vector_store %arg8[%swap3A_981], %swap3A_984 {strides = array<i32>} : memref<1040xf32, #tpu.memory_space<vmem>>, vector<16xf32>,
        %gt3A_985 = arith.cmpf ogt, %select_n3A_980, %max3A_970 : vector<16xf32>
        %select_n3A_986 = arith.select %gt3A_985, %add3A_976, %select_n3A_969 : vector<16xi1>, vector<16xi32>
        %max3A_987 = arith.maximumf %max3A_970, %select_n3A_980 : vector<16xf32>
        %get3A_988 = arith.constant 912 : index
        %get3A_989 = tpu.vector_load %arg8[%get3A_988] {strides = array<i32>} : memref<1040xf32, #tpu.memory_space<vmem>>, vector<16xf32>,
        %get3A_990 = vector.shape_cast %get3A_989 : vector<16xf32> to vector<16xf32>
        %add3A_991 = arith.constant 912 : i32
        %add3A_992 = vector.broadcast %add3A_991 : i32 to vector<16xi32>
        %add3A_993 = arith.addi %iota3A, %add3A_992 : vector<16xi32>
        %eq3A_994 = arith.cmpi eq, %add3A_993, %scan3A_20 : vector<16xi32>
        %jit3A_995 = arith.constant -3.000000e+38 : f32
        %broadcast_in_dim3A_996 = vector.broadcast %jit3A_995 : f32 to vector<16xf32>
        %select_n3A_997 = arith.select %eq3A_994, %broadcast_in_dim3A_996, %get3A_990 : vector<16xi1>, vector<16xf32>
        %swap3A_998 = arith.constant 912 : index
        %swap3A_999 = tpu.vector_load %arg8[%swap3A_998] {strides = array<i32>} : memref<1040xf32, #tpu.memory_space<vmem>>, vector<16xf32>,
        %swap3A_1000 = vector.shape_cast %swap3A_999 : vector<16xf32> to vector<16xf32>
        %swap3A_1001 = vector.shape_cast %select_n3A_997 : vector<16xf32> to vector<16xf32>
        tpu.vector_store %arg8[%swap3A_998], %swap3A_1001 {strides = array<i32>} : memref<1040xf32, #tpu.memory_space<vmem>>, vector<16xf32>,
        %gt3A_1002 = arith.cmpf ogt, %select_n3A_997, %max3A_987 : vector<16xf32>
        %select_n3A_1003 = arith.select %gt3A_1002, %add3A_993, %select_n3A_986 : vector<16xi1>, vector<16xi32>
        %max3A_1004 = arith.maximumf %max3A_987, %select_n3A_997 : vector<16xf32>
        %get3A_1005 = arith.constant 928 : index
        %get3A_1006 = tpu.vector_load %arg8[%get3A_1005] {strides = array<i32>} : memref<1040xf32, #tpu.memory_space<vmem>>, vector<16xf32>,
        %get3A_1007 = vector.shape_cast %get3A_1006 : vector<16xf32> to vector<16xf32>
        %add3A_1008 = arith.constant 928 : i32
        %add3A_1009 = vector.broadcast %add3A_1008 : i32 to vector<16xi32>
        %add3A_1010 = arith.addi %iota3A, %add3A_1009 : vector<16xi32>
        %eq3A_1011 = arith.cmpi eq, %add3A_1010, %scan3A_20 : vector<16xi32>
        %jit3A_1012 = arith.constant -3.000000e+38 : f32
        %broadcast_in_dim3A_1013 = vector.broadcast %jit3A_1012 : f32 to vector<16xf32>
        %select_n3A_1014 = arith.select %eq3A_1011, %broadcast_in_dim3A_1013, %get3A_1007 : vector<16xi1>, vector<16xf32>
        %swap3A_1015 = arith.constant 928 : index
        %swap3A_1016 = tpu.vector_load %arg8[%swap3A_1015] {strides = array<i32>} : memref<1040xf32, #tpu.memory_space<vmem>>, vector<16xf32>,
        %swap3A_1017 = vector.shape_cast %swap3A_1016 : vector<16xf32> to vector<16xf32>
        %swap3A_1018 = vector.shape_cast %select_n3A_1014 : vector<16xf32> to vector<16xf32>
        tpu.vector_store %arg8[%swap3A_1015], %swap3A_1018 {strides = array<i32>} : memref<1040xf32, #tpu.memory_space<vmem>>, vector<16xf32>,
        %gt3A_1019 = arith.cmpf ogt, %select_n3A_1014, %max3A_1004 : vector<16xf32>
        %select_n3A_1020 = arith.select %gt3A_1019, %add3A_1010, %select_n3A_1003 : vector<16xi1>, vector<16xi32>
        %max3A_1021 = arith.maximumf %max3A_1004, %select_n3A_1014 : vector<16xf32>
        %get3A_1022 = arith.constant 944 : index
        %get3A_1023 = tpu.vector_load %arg8[%get3A_1022] {strides = array<i32>} : memref<1040xf32, #tpu.memory_space<vmem>>, vector<16xf32>,
        %get3A_1024 = vector.shape_cast %get3A_1023 : vector<16xf32> to vector<16xf32>
        %add3A_1025 = arith.constant 944 : i32
        %add3A_1026 = vector.broadcast %add3A_1025 : i32 to vector<16xi32>
        %add3A_1027 = arith.addi %iota3A, %add3A_1026 : vector<16xi32>
        %eq3A_1028 = arith.cmpi eq, %add3A_1027, %scan3A_20 : vector<16xi32>
        %jit3A_1029 = arith.constant -3.000000e+38 : f32
        %broadcast_in_dim3A_1030 = vector.broadcast %jit3A_1029 : f32 to vector<16xf32>
        %select_n3A_1031 = arith.select %eq3A_1028, %broadcast_in_dim3A_1030, %get3A_1024 : vector<16xi1>, vector<16xf32>
        %swap3A_1032 = arith.constant 944 : index
        %swap3A_1033 = tpu.vector_load %arg8[%swap3A_1032] {strides = array<i32>} : memref<1040xf32, #tpu.memory_space<vmem>>, vector<16xf32>,
        %swap3A_1034 = vector.shape_cast %swap3A_1033 : vector<16xf32> to vector<16xf32>
        %swap3A_1035 = vector.shape_cast %select_n3A_1031 : vector<16xf32> to vector<16xf32>
        tpu.vector_store %arg8[%swap3A_1032], %swap3A_1035 {strides = array<i32>} : memref<1040xf32, #tpu.memory_space<vmem>>, vector<16xf32>,
        %gt3A_1036 = arith.cmpf ogt, %select_n3A_1031, %max3A_1021 : vector<16xf32>
        %select_n3A_1037 = arith.select %gt3A_1036, %add3A_1027, %select_n3A_1020 : vector<16xi1>, vector<16xi32>
        %max3A_1038 = arith.maximumf %max3A_1021, %select_n3A_1031 : vector<16xf32>
        %get3A_1039 = arith.constant 960 : index
        %get3A_1040 = tpu.vector_load %arg8[%get3A_1039] {strides = array<i32>} : memref<1040xf32, #tpu.memory_space<vmem>>, vector<16xf32>,
        %get3A_1041 = vector.shape_cast %get3A_1040 : vector<16xf32> to vector<16xf32>
        %add3A_1042 = arith.constant 960 : i32
        %add3A_1043 = vector.broadcast %add3A_1042 : i32 to vector<16xi32>
        %add3A_1044 = arith.addi %iota3A, %add3A_1043 : vector<16xi32>
        %eq3A_1045 = arith.cmpi eq, %add3A_1044, %scan3A_20 : vector<16xi32>
        %jit3A_1046 = arith.constant -3.000000e+38 : f32
        %broadcast_in_dim3A_1047 = vector.broadcast %jit3A_1046 : f32 to vector<16xf32>
        %select_n3A_1048 = arith.select %eq3A_1045, %broadcast_in_dim3A_1047, %get3A_1041 : vector<16xi1>, vector<16xf32>
        %swap3A_1049 = arith.constant 960 : index
        %swap3A_1050 = tpu.vector_load %arg8[%swap3A_1049] {strides = array<i32>} : memref<1040xf32, #tpu.memory_space<vmem>>, vector<16xf32>,
        %swap3A_1051 = vector.shape_cast %swap3A_1050 : vector<16xf32> to vector<16xf32>
        %swap3A_1052 = vector.shape_cast %select_n3A_1048 : vector<16xf32> to vector<16xf32>
        tpu.vector_store %arg8[%swap3A_1049], %swap3A_1052 {strides = array<i32>} : memref<1040xf32, #tpu.memory_space<vmem>>, vector<16xf32>,
        %gt3A_1053 = arith.cmpf ogt, %select_n3A_1048, %max3A_1038 : vector<16xf32>
        %select_n3A_1054 = arith.select %gt3A_1053, %add3A_1044, %select_n3A_1037 : vector<16xi1>, vector<16xi32>
        %max3A_1055 = arith.maximumf %max3A_1038, %select_n3A_1048 : vector<16xf32>
        %get3A_1056 = arith.constant 976 : index
        %get3A_1057 = tpu.vector_load %arg8[%get3A_1056] {strides = array<i32>} : memref<1040xf32, #tpu.memory_space<vmem>>, vector<16xf32>,
        %get3A_1058 = vector.shape_cast %get3A_1057 : vector<16xf32> to vector<16xf32>
        %add3A_1059 = arith.constant 976 : i32
        %add3A_1060 = vector.broadcast %add3A_1059 : i32 to vector<16xi32>
        %add3A_1061 = arith.addi %iota3A, %add3A_1060 : vector<16xi32>
        %eq3A_1062 = arith.cmpi eq, %add3A_1061, %scan3A_20 : vector<16xi32>
        %jit3A_1063 = arith.constant -3.000000e+38 : f32
        %broadcast_in_dim3A_1064 = vector.broadcast %jit3A_1063 : f32 to vector<16xf32>
        %select_n3A_1065 = arith.select %eq3A_1062, %broadcast_in_dim3A_1064, %get3A_1058 : vector<16xi1>, vector<16xf32>
        %swap3A_1066 = arith.constant 976 : index
        %swap3A_1067 = tpu.vector_load %arg8[%swap3A_1066] {strides = array<i32>} : memref<1040xf32, #tpu.memory_space<vmem>>, vector<16xf32>,
        %swap3A_1068 = vector.shape_cast %swap3A_1067 : vector<16xf32> to vector<16xf32>
        %swap3A_1069 = vector.shape_cast %select_n3A_1065 : vector<16xf32> to vector<16xf32>
        tpu.vector_store %arg8[%swap3A_1066], %swap3A_1069 {strides = array<i32>} : memref<1040xf32, #tpu.memory_space<vmem>>, vector<16xf32>,
        %gt3A_1070 = arith.cmpf ogt, %select_n3A_1065, %max3A_1055 : vector<16xf32>
        %select_n3A_1071 = arith.select %gt3A_1070, %add3A_1061, %select_n3A_1054 : vector<16xi1>, vector<16xi32>
        %max3A_1072 = arith.maximumf %max3A_1055, %select_n3A_1065 : vector<16xf32>
        %get3A_1073 = arith.constant 992 : index
        %get3A_1074 = tpu.vector_load %arg8[%get3A_1073] {strides = array<i32>} : memref<1040xf32, #tpu.memory_space<vmem>>, vector<16xf32>,
        %get3A_1075 = vector.shape_cast %get3A_1074 : vector<16xf32> to vector<16xf32>
        %add3A_1076 = arith.constant 992 : i32
        %add3A_1077 = vector.broadcast %add3A_1076 : i32 to vector<16xi32>
        %add3A_1078 = arith.addi %iota3A, %add3A_1077 : vector<16xi32>
        %eq3A_1079 = arith.cmpi eq, %add3A_1078, %scan3A_20 : vector<16xi32>
        %jit3A_1080 = arith.constant -3.000000e+38 : f32
        %broadcast_in_dim3A_1081 = vector.broadcast %jit3A_1080 : f32 to vector<16xf32>
        %select_n3A_1082 = arith.select %eq3A_1079, %broadcast_in_dim3A_1081, %get3A_1075 : vector<16xi1>, vector<16xf32>
        %swap3A_1083 = arith.constant 992 : index
        %swap3A_1084 = tpu.vector_load %arg8[%swap3A_1083] {strides = array<i32>} : memref<1040xf32, #tpu.memory_space<vmem>>, vector<16xf32>,
        %swap3A_1085 = vector.shape_cast %swap3A_1084 : vector<16xf32> to vector<16xf32>
        %swap3A_1086 = vector.shape_cast %select_n3A_1082 : vector<16xf32> to vector<16xf32>
        tpu.vector_store %arg8[%swap3A_1083], %swap3A_1086 {strides = array<i32>} : memref<1040xf32, #tpu.memory_space<vmem>>, vector<16xf32>,
        %gt3A_1087 = arith.cmpf ogt, %select_n3A_1082, %max3A_1072 : vector<16xf32>
        %select_n3A_1088 = arith.select %gt3A_1087, %add3A_1078, %select_n3A_1071 : vector<16xi1>, vector<16xi32>
        %max3A_1089 = arith.maximumf %max3A_1072, %select_n3A_1082 : vector<16xf32>
        %get3A_1090 = arith.constant 1008 : index
        %get3A_1091 = tpu.vector_load %arg8[%get3A_1090] {strides = array<i32>} : memref<1040xf32, #tpu.memory_space<vmem>>, vector<16xf32>,
        %get3A_1092 = vector.shape_cast %get3A_1091 : vector<16xf32> to vector<16xf32>
        %add3A_1093 = arith.constant 1008 : i32
        %add3A_1094 = vector.broadcast %add3A_1093 : i32 to vector<16xi32>
        %add3A_1095 = arith.addi %iota3A, %add3A_1094 : vector<16xi32>
        %eq3A_1096 = arith.cmpi eq, %add3A_1095, %scan3A_20 : vector<16xi32>
        %jit3A_1097 = arith.constant -3.000000e+38 : f32
        %broadcast_in_dim3A_1098 = vector.broadcast %jit3A_1097 : f32 to vector<16xf32>
        %select_n3A_1099 = arith.select %eq3A_1096, %broadcast_in_dim3A_1098, %get3A_1092 : vector<16xi1>, vector<16xf32>
        %swap3A_1100 = arith.constant 1008 : index
        %swap3A_1101 = tpu.vector_load %arg8[%swap3A_1100] {strides = array<i32>} : memref<1040xf32, #tpu.memory_space<vmem>>, vector<16xf32>,
        %swap3A_1102 = vector.shape_cast %swap3A_1101 : vector<16xf32> to vector<16xf32>
        %swap3A_1103 = vector.shape_cast %select_n3A_1099 : vector<16xf32> to vector<16xf32>
        tpu.vector_store %arg8[%swap3A_1100], %swap3A_1103 {strides = array<i32>} : memref<1040xf32, #tpu.memory_space<vmem>>, vector<16xf32>,
        %gt3A_1104 = arith.cmpf ogt, %select_n3A_1099, %max3A_1089 : vector<16xf32>
        %select_n3A_1105 = arith.select %gt3A_1104, %add3A_1095, %select_n3A_1088 : vector<16xi1>, vector<16xi32>
        %max3A_1106 = arith.maximumf %max3A_1089, %select_n3A_1099 : vector<16xf32>
        %get3A_1107 = arith.constant 1024 : index
        %get3A_1108 = tpu.vector_load %arg8[%get3A_1107] {strides = array<i32>} : memref<1040xf32, #tpu.memory_space<vmem>>, vector<16xf32>,
        %get3A_1109 = vector.shape_cast %get3A_1108 : vector<16xf32> to vector<16xf32>
        %add3A_1110 = arith.constant 1024 : i32
        %add3A_1111 = vector.broadcast %add3A_1110 : i32 to vector<16xi32>
        %add3A_1112 = arith.addi %iota3A, %add3A_1111 : vector<16xi32>
        %eq3A_1113 = arith.cmpi eq, %add3A_1112, %scan3A_20 : vector<16xi32>
        %jit3A_1114 = arith.constant -3.000000e+38 : f32
        %broadcast_in_dim3A_1115 = vector.broadcast %jit3A_1114 : f32 to vector<16xf32>
        %select_n3A_1116 = arith.select %eq3A_1113, %broadcast_in_dim3A_1115, %get3A_1109 : vector<16xi1>, vector<16xf32>
        %swap3A_1117 = arith.constant 1024 : index
        %swap3A_1118 = tpu.vector_load %arg8[%swap3A_1117] {strides = array<i32>} : memref<1040xf32, #tpu.memory_space<vmem>>, vector<16xf32>,
        %swap3A_1119 = vector.shape_cast %swap3A_1118 : vector<16xf32> to vector<16xf32>
        %swap3A_1120 = vector.shape_cast %select_n3A_1116 : vector<16xf32> to vector<16xf32>
        tpu.vector_store %arg8[%swap3A_1117], %swap3A_1120 {strides = array<i32>} : memref<1040xf32, #tpu.memory_space<vmem>>, vector<16xf32>,
        %gt3A_1121 = arith.cmpf ogt, %select_n3A_1116, %max3A_1106 : vector<16xf32>
        %select_n3A_1122 = arith.select %gt3A_1121, %add3A_1112, %select_n3A_1105 : vector<16xi1>, vector<16xi32>
        %max3A_1123 = arith.maximumf %max3A_1106, %select_n3A_1116 : vector<16xf32>
        %xor3A = arith.constant 8 : i32
        %xor3A_1124 = vector.broadcast %xor3A : i32 to vector<16xi32>
        %xor3A_1125 = arith.xori %iota3A, %xor3A_1124 : vector<16xi32>
        %lt3A = arith.constant 0 : i32
        %lt3A_1126 = vector.broadcast %lt3A : i32 to vector<16xi32>
        %lt3A_1127 = arith.cmpi slt, %xor3A_1125, %lt3A_1126 : vector<16xi32>
        %add3A_1128 = arith.constant 16 : i32
        %add3A_1129 = vector.broadcast %add3A_1128 : i32 to vector<16xi32>
        %add3A_1130 = arith.addi %xor3A_1125, %add3A_1129 : vector<16xi32>
        %select_n3A_1131 = arith.select %lt3A_1127, %add3A_1130, %xor3A_1125 : vector<16xi1>, vector<16xi32>
        %broadcast_in_dim3A_1132 = vector.shape_cast %select_n3A_1131 : vector<16xi32> to vector<16x1xi32>
        %gather3A = vector.shape_cast %broadcast_in_dim3A_1132 : vector<16x1xi32> to vector<16xi32>
        %gather3A_1133 = tpu.dynamic_gather %max3A_1123[%gather3A] in [0] : vector<16xf32>, vector<16xi32> -> vector<16xf32>
        %xor3A_1134 = arith.constant 8 : i32
        %xor3A_1135 = vector.broadcast %xor3A_1134 : i32 to vector<16xi32>
        %xor3A_1136 = arith.xori %iota3A, %xor3A_1135 : vector<16xi32>
        %lt3A_1137 = arith.constant 0 : i32
        %lt3A_1138 = vector.broadcast %lt3A_1137 : i32 to vector<16xi32>
        %lt3A_1139 = arith.cmpi slt, %xor3A_1136, %lt3A_1138 : vector<16xi32>
        %add3A_1140 = arith.constant 16 : i32
        %add3A_1141 = vector.broadcast %add3A_1140 : i32 to vector<16xi32>
        %add3A_1142 = arith.addi %xor3A_1136, %add3A_1141 : vector<16xi32>
        %select_n3A_1143 = arith.select %lt3A_1139, %add3A_1142, %xor3A_1136 : vector<16xi1>, vector<16xi32>
        %broadcast_in_dim3A_1144 = vector.shape_cast %select_n3A_1143 : vector<16xi32> to vector<16x1xi32>
        %gather3A_1145 = vector.shape_cast %broadcast_in_dim3A_1144 : vector<16x1xi32> to vector<16xi32>
        %gather3A_1146 = tpu.dynamic_gather %select_n3A_1122[%gather3A_1145] in [0] : vector<16xi32>, vector<16xi32> -> vector<16xi32>
        %gt3A_1147 = arith.cmpf ogt, %gather3A_1133, %max3A_1123 : vector<16xf32>
        %eq3A_1148 = arith.cmpf oeq, %gather3A_1133, %max3A_1123 : vector<16xf32>
        %lt3A_1149 = arith.cmpi slt, %gather3A_1146, %select_n3A_1122 : vector<16xi32>
        %and3A = arith.andi %eq3A_1148, %lt3A_1149 : vector<16xi1>
        %or3A = arith.ori %gt3A_1147, %and3A : vector<16xi1>
        %select_n3A_1150 = arith.select %or3A, %gather3A_1146, %select_n3A_1122 : vector<16xi1>, vector<16xi32>
        %select_n3A_1151 = arith.select %or3A, %gather3A_1133, %max3A_1123 : vector<16xi1>, vector<16xf32>
        %xor3A_1152 = arith.constant 4 : i32
        %xor3A_1153 = vector.broadcast %xor3A_1152 : i32 to vector<16xi32>
        %xor3A_1154 = arith.xori %iota3A, %xor3A_1153 : vector<16xi32>
        %lt3A_1155 = arith.constant 0 : i32
        %lt3A_1156 = vector.broadcast %lt3A_1155 : i32 to vector<16xi32>
        %lt3A_1157 = arith.cmpi slt, %xor3A_1154, %lt3A_1156 : vector<16xi32>
        %add3A_1158 = arith.constant 16 : i32
        %add3A_1159 = vector.broadcast %add3A_1158 : i32 to vector<16xi32>
        %add3A_1160 = arith.addi %xor3A_1154, %add3A_1159 : vector<16xi32>
        %select_n3A_1161 = arith.select %lt3A_1157, %add3A_1160, %xor3A_1154 : vector<16xi1>, vector<16xi32>
        %broadcast_in_dim3A_1162 = vector.shape_cast %select_n3A_1161 : vector<16xi32> to vector<16x1xi32>
        %gather3A_1163 = vector.shape_cast %broadcast_in_dim3A_1162 : vector<16x1xi32> to vector<16xi32>
        %gather3A_1164 = tpu.dynamic_gather %select_n3A_1151[%gather3A_1163] in [0] : vector<16xf32>, vector<16xi32> -> vector<16xf32>
        %xor3A_1165 = arith.constant 4 : i32
        %xor3A_1166 = vector.broadcast %xor3A_1165 : i32 to vector<16xi32>
        %xor3A_1167 = arith.xori %iota3A, %xor3A_1166 : vector<16xi32>
        %lt3A_1168 = arith.constant 0 : i32
        %lt3A_1169 = vector.broadcast %lt3A_1168 : i32 to vector<16xi32>
        %lt3A_1170 = arith.cmpi slt, %xor3A_1167, %lt3A_1169 : vector<16xi32>
        %add3A_1171 = arith.constant 16 : i32
        %add3A_1172 = vector.broadcast %add3A_1171 : i32 to vector<16xi32>
        %add3A_1173 = arith.addi %xor3A_1167, %add3A_1172 : vector<16xi32>
        %select_n3A_1174 = arith.select %lt3A_1170, %add3A_1173, %xor3A_1167 : vector<16xi1>, vector<16xi32>
        %broadcast_in_dim3A_1175 = vector.shape_cast %select_n3A_1174 : vector<16xi32> to vector<16x1xi32>
        %gather3A_1176 = vector.shape_cast %broadcast_in_dim3A_1175 : vector<16x1xi32> to vector<16xi32>
        %gather3A_1177 = tpu.dynamic_gather %select_n3A_1150[%gather3A_1176] in [0] : vector<16xi32>, vector<16xi32> -> vector<16xi32>
        %gt3A_1178 = arith.cmpf ogt, %gather3A_1164, %select_n3A_1151 : vector<16xf32>
        %eq3A_1179 = arith.cmpf oeq, %gather3A_1164, %select_n3A_1151 : vector<16xf32>
        %lt3A_1180 = arith.cmpi slt, %gather3A_1177, %select_n3A_1150 : vector<16xi32>
        %and3A_1181 = arith.andi %eq3A_1179, %lt3A_1180 : vector<16xi1>
        %or3A_1182 = arith.ori %gt3A_1178, %and3A_1181 : vector<16xi1>
        %select_n3A_1183 = arith.select %or3A_1182, %gather3A_1177, %select_n3A_1150 : vector<16xi1>, vector<16xi32>
        %select_n3A_1184 = arith.select %or3A_1182, %gather3A_1164, %select_n3A_1151 : vector<16xi1>, vector<16xf32>
        %xor3A_1185 = arith.constant 2 : i32
        %xor3A_1186 = vector.broadcast %xor3A_1185 : i32 to vector<16xi32>
        %xor3A_1187 = arith.xori %iota3A, %xor3A_1186 : vector<16xi32>
        %lt3A_1188 = arith.constant 0 : i32
        %lt3A_1189 = vector.broadcast %lt3A_1188 : i32 to vector<16xi32>
        %lt3A_1190 = arith.cmpi slt, %xor3A_1187, %lt3A_1189 : vector<16xi32>
        %add3A_1191 = arith.constant 16 : i32
        %add3A_1192 = vector.broadcast %add3A_1191 : i32 to vector<16xi32>
        %add3A_1193 = arith.addi %xor3A_1187, %add3A_1192 : vector<16xi32>
        %select_n3A_1194 = arith.select %lt3A_1190, %add3A_1193, %xor3A_1187 : vector<16xi1>, vector<16xi32>
        %broadcast_in_dim3A_1195 = vector.shape_cast %select_n3A_1194 : vector<16xi32> to vector<16x1xi32>
        %gather3A_1196 = vector.shape_cast %broadcast_in_dim3A_1195 : vector<16x1xi32> to vector<16xi32>
        %gather3A_1197 = tpu.dynamic_gather %select_n3A_1184[%gather3A_1196] in [0] : vector<16xf32>, vector<16xi32> -> vector<16xf32>
        %xor3A_1198 = arith.constant 2 : i32
        %xor3A_1199 = vector.broadcast %xor3A_1198 : i32 to vector<16xi32>
        %xor3A_1200 = arith.xori %iota3A, %xor3A_1199 : vector<16xi32>
        %lt3A_1201 = arith.constant 0 : i32
        %lt3A_1202 = vector.broadcast %lt3A_1201 : i32 to vector<16xi32>
        %lt3A_1203 = arith.cmpi slt, %xor3A_1200, %lt3A_1202 : vector<16xi32>
        %add3A_1204 = arith.constant 16 : i32
        %add3A_1205 = vector.broadcast %add3A_1204 : i32 to vector<16xi32>
        %add3A_1206 = arith.addi %xor3A_1200, %add3A_1205 : vector<16xi32>
        %select_n3A_1207 = arith.select %lt3A_1203, %add3A_1206, %xor3A_1200 : vector<16xi1>, vector<16xi32>
        %broadcast_in_dim3A_1208 = vector.shape_cast %select_n3A_1207 : vector<16xi32> to vector<16x1xi32>
        %gather3A_1209 = vector.shape_cast %broadcast_in_dim3A_1208 : vector<16x1xi32> to vector<16xi32>
        %gather3A_1210 = tpu.dynamic_gather %select_n3A_1183[%gather3A_1209] in [0] : vector<16xi32>, vector<16xi32> -> vector<16xi32>
        %gt3A_1211 = arith.cmpf ogt, %gather3A_1197, %select_n3A_1184 : vector<16xf32>
        %eq3A_1212 = arith.cmpf oeq, %gather3A_1197, %select_n3A_1184 : vector<16xf32>
        %lt3A_1213 = arith.cmpi slt, %gather3A_1210, %select_n3A_1183 : vector<16xi32>
        %and3A_1214 = arith.andi %eq3A_1212, %lt3A_1213 : vector<16xi1>
        %or3A_1215 = arith.ori %gt3A_1211, %and3A_1214 : vector<16xi1>
        %select_n3A_1216 = arith.select %or3A_1215, %gather3A_1210, %select_n3A_1183 : vector<16xi1>, vector<16xi32>
        %select_n3A_1217 = arith.select %or3A_1215, %gather3A_1197, %select_n3A_1184 : vector<16xi1>, vector<16xf32>
        %xor3A_1218 = arith.constant 1 : i32
        %xor3A_1219 = vector.broadcast %xor3A_1218 : i32 to vector<16xi32>
        %xor3A_1220 = arith.xori %iota3A, %xor3A_1219 : vector<16xi32>
        %lt3A_1221 = arith.constant 0 : i32
        %lt3A_1222 = vector.broadcast %lt3A_1221 : i32 to vector<16xi32>
        %lt3A_1223 = arith.cmpi slt, %xor3A_1220, %lt3A_1222 : vector<16xi32>
        %add3A_1224 = arith.constant 16 : i32
        %add3A_1225 = vector.broadcast %add3A_1224 : i32 to vector<16xi32>
        %add3A_1226 = arith.addi %xor3A_1220, %add3A_1225 : vector<16xi32>
        %select_n3A_1227 = arith.select %lt3A_1223, %add3A_1226, %xor3A_1220 : vector<16xi1>, vector<16xi32>
        %broadcast_in_dim3A_1228 = vector.shape_cast %select_n3A_1227 : vector<16xi32> to vector<16x1xi32>
        %gather3A_1229 = vector.shape_cast %broadcast_in_dim3A_1228 : vector<16x1xi32> to vector<16xi32>
        %gather3A_1230 = tpu.dynamic_gather %select_n3A_1217[%gather3A_1229] in [0] : vector<16xf32>, vector<16xi32> -> vector<16xf32>
        %xor3A_1231 = arith.constant 1 : i32
        %xor3A_1232 = vector.broadcast %xor3A_1231 : i32 to vector<16xi32>
        %xor3A_1233 = arith.xori %iota3A, %xor3A_1232 : vector<16xi32>
        %lt3A_1234 = arith.constant 0 : i32
        %lt3A_1235 = vector.broadcast %lt3A_1234 : i32 to vector<16xi32>
        %lt3A_1236 = arith.cmpi slt, %xor3A_1233, %lt3A_1235 : vector<16xi32>
        %add3A_1237 = arith.constant 16 : i32
        %add3A_1238 = vector.broadcast %add3A_1237 : i32 to vector<16xi32>
        %add3A_1239 = arith.addi %xor3A_1233, %add3A_1238 : vector<16xi32>
        %select_n3A_1240 = arith.select %lt3A_1236, %add3A_1239, %xor3A_1233 : vector<16xi1>, vector<16xi32>
        %broadcast_in_dim3A_1241 = vector.shape_cast %select_n3A_1240 : vector<16xi32> to vector<16x1xi32>
        %gather3A_1242 = vector.shape_cast %broadcast_in_dim3A_1241 : vector<16x1xi32> to vector<16xi32>
        %gather3A_1243 = tpu.dynamic_gather %select_n3A_1216[%gather3A_1242] in [0] : vector<16xi32>, vector<16xi32> -> vector<16xi32>
        %gt3A_1244 = arith.cmpf ogt, %gather3A_1230, %select_n3A_1217 : vector<16xf32>
        %eq3A_1245 = arith.cmpf oeq, %gather3A_1230, %select_n3A_1217 : vector<16xf32>
        %lt3A_1246 = arith.cmpi slt, %gather3A_1243, %select_n3A_1216 : vector<16xi32>
        %and3A_1247 = arith.andi %eq3A_1245, %lt3A_1246 : vector<16xi1>
        %or3A_1248 = arith.ori %gt3A_1244, %and3A_1247 : vector<16xi1>
        %select_n3A_1249 = arith.select %or3A_1248, %gather3A_1243, %select_n3A_1216 : vector<16xi1>, vector<16xi32>
        %select_n3A_1250 = arith.select %or3A_1248, %gather3A_1230, %select_n3A_1217 : vector<16xi1>, vector<16xf32>
        %broadcast_in_dim3A_1251 = arith.constant 1 : i32
        %broadcast_in_dim3A_1252 = vector.broadcast %broadcast_in_dim3A_1251 : i32 to vector<16xi32>
        %mul3A_1253 = vector.broadcast %scan3A_19 : i32 to vector<16xi32>
        %mul3A_1254 = arith.muli %broadcast_in_dim3A_1252, %mul3A_1253 : vector<16xi32>
        %get3A_1255 = arith.constant 0 : index
        %get3A_1256 = tpu.vector_load %arg9[%get3A_1255] {strides = array<i32>} : memref<32xi32, #tpu.memory_space<vmem>>, vector<16xi32>,
        %get3A_1257 = vector.shape_cast %get3A_1256 : vector<16xi32> to vector<16xi32>
        %add3A_1258 = arith.constant 0 : i32
        %add3A_1259 = vector.broadcast %add3A_1258 : i32 to vector<16xi32>
        %add3A_1260 = arith.addi %iota3A, %add3A_1259 : vector<16xi32>
        %eq3A_1261 = arith.cmpi eq, %add3A_1260, %mul3A_1254 : vector<16xi32>
        %select_n3A_1262 = arith.select %eq3A_1261, %select_n3A_1249, %get3A_1257 : vector<16xi1>, vector<16xi32>
        %swap3A_1263 = arith.constant 0 : index
        %swap3A_1264 = tpu.vector_load %arg9[%swap3A_1263] {strides = array<i32>} : memref<32xi32, #tpu.memory_space<vmem>>, vector<16xi32>,
        %swap3A_1265 = vector.shape_cast %swap3A_1264 : vector<16xi32> to vector<16xi32>
        %swap3A_1266 = vector.shape_cast %select_n3A_1262 : vector<16xi32> to vector<16xi32>
        tpu.vector_store %arg9[%swap3A_1263], %swap3A_1266 {strides = array<i32>} : memref<32xi32, #tpu.memory_space<vmem>>, vector<16xi32>,
        %get3A_1267 = arith.constant 16 : index
        %get3A_1268 = tpu.vector_load %arg9[%get3A_1267] {strides = array<i32>} : memref<32xi32, #tpu.memory_space<vmem>>, vector<16xi32>,
        %get3A_1269 = vector.shape_cast %get3A_1268 : vector<16xi32> to vector<16xi32>
        %add3A_1270 = arith.constant 16 : i32
        %add3A_1271 = vector.broadcast %add3A_1270 : i32 to vector<16xi32>
        %add3A_1272 = arith.addi %iota3A, %add3A_1271 : vector<16xi32>
        %eq3A_1273 = arith.cmpi eq, %add3A_1272, %mul3A_1254 : vector<16xi32>
        %select_n3A_1274 = arith.select %eq3A_1273, %select_n3A_1249, %get3A_1269 : vector<16xi1>, vector<16xi32>
        %swap3A_1275 = arith.constant 16 : index
        %swap3A_1276 = tpu.vector_load %arg9[%swap3A_1275] {strides = array<i32>} : memref<32xi32, #tpu.memory_space<vmem>>, vector<16xi32>,
        %swap3A_1277 = vector.shape_cast %swap3A_1276 : vector<16xi32> to vector<16xi32>
        %swap3A_1278 = vector.shape_cast %select_n3A_1274 : vector<16xi32> to vector<16xi32>
        tpu.vector_store %arg9[%swap3A_1275], %swap3A_1278 {strides = array<i32>} : memref<32xi32, #tpu.memory_space<vmem>>, vector<16xi32>,
        scf.yield %select_n3A_1249 : vector<16xi32>
      }
      %scan3A_8 = arith.constant 32 : i32
      %dma_start3A = arith.constant 0 : i32
      %dma_start3A_9 = arith.constant 0 : i32
      %dma_start3A_10 = tpu.memref_slice %arg3[%dma_start3A, %dma_start3A_9] : memref<1040x768xf32, #tpu.memory_space<hbm>> -> memref<1040x768xf32, #tpu.memory_space<hbm>>
      tpu.enqueue_indirect_dma source(%dma_start3A_10 : memref<1040x768xf32, #tpu.memory_space<hbm>>) target(%arg10 : memref<32x768xf32, #tpu.memory_space<vmem>>) offsets(%arg9 : memref<32xi32, #tpu.memory_space<vmem>>) semaphore(%arg12 : memref<!tpu.dma_semaphore, #tpu.memory_space<semaphore_mem>>)
      %dma_start3A_11 = arith.constant 0 : i32
      %dma_start3A_12 = arith.constant 0 : i32
      %dma_start3A_13 = tpu.memref_slice %arg4[%dma_start3A_11, %dma_start3A_12] : memref<1040x2176xf32, #tpu.memory_space<hbm>> -> memref<1040x2176xf32, #tpu.memory_space<hbm>>
      tpu.enqueue_indirect_dma source(%dma_start3A_13 : memref<1040x2176xf32, #tpu.memory_space<hbm>>) target(%arg11 : memref<32x2176xf32, #tpu.memory_space<vmem>>) offsets(%arg9 : memref<32xi32, #tpu.memory_space<vmem>>) semaphore(%arg12 : memref<!tpu.dma_semaphore, #tpu.memory_space<semaphore_mem>>)
      %dma_wait3A = arith.constant 0 : i32
      %dma_wait3A_14 = arith.constant 0 : i32
      %dma_wait3A_15 = tpu.memref_slice %arg3[%dma_wait3A, %dma_wait3A_14] : memref<1040x768xf32, #tpu.memory_space<hbm>> -> memref<1040x768xf32, #tpu.memory_space<hbm>>
      tpu.wait_indirect_dma semaphore(%arg12 : memref<!tpu.dma_semaphore, #tpu.memory_space<semaphore_mem>>) src(%dma_wait3A_15 : memref<1040x768xf32, #tpu.memory_space<hbm>>) dst(%arg10 : memref<32x768xf32, #tpu.memory_space<vmem>>)
      %dma_wait3A_16 = arith.constant 0 : i32
      %dma_wait3A_17 = arith.constant 0 : i32
      %dma_wait3A_18 = tpu.memref_slice %arg4[%dma_wait3A_16, %dma_wait3A_17] : memref<1040x2176xf32, #tpu.memory_space<hbm>> -> memref<1040x2176xf32, #tpu.memory_space<hbm>>
      tpu.wait_indirect_dma semaphore(%arg12 : memref<!tpu.dma_semaphore, #tpu.memory_space<semaphore_mem>>) src(%dma_wait3A_18 : memref<1040x2176xf32, #tpu.memory_space<hbm>>) dst(%arg11 : memref<32x2176xf32, #tpu.memory_space<vmem>>)
      "tpu.region"() ({
        %run_scoped3A = tpu.sem_alloc : memref<!tpu.dma_semaphore, #tpu.memory_space<semaphore_mem>>
        tpu.enqueue_dma source(%arg9 : memref<32xi32, #tpu.memory_space<vmem>>) target(%arg5 : memref<32xi32, #tpu.memory_space<hbm>>) target_semaphore(%run_scoped3A : memref<!tpu.dma_semaphore, #tpu.memory_space<semaphore_mem>>)
        tpu.wait_dma2 semaphore(%run_scoped3A : memref<!tpu.dma_semaphore, #tpu.memory_space<semaphore_mem>>) src(%arg9 : memref<32xi32, #tpu.memory_space<vmem>>) dst(%arg5 : memref<32xi32, #tpu.memory_space<hbm>>)
        tpu.yield
      }) : () -> ()
      "tpu.region"() ({
        %run_scoped3A = tpu.sem_alloc : memref<!tpu.dma_semaphore, #tpu.memory_space<semaphore_mem>>
        tpu.enqueue_dma source(%arg10 : memref<32x768xf32, #tpu.memory_space<vmem>>) target(%arg6 : memref<32x768xf32, #tpu.memory_space<hbm>>) target_semaphore(%run_scoped3A : memref<!tpu.dma_semaphore, #tpu.memory_space<semaphore_mem>>)
        tpu.wait_dma2 semaphore(%run_scoped3A : memref<!tpu.dma_semaphore, #tpu.memory_space<semaphore_mem>>) src(%arg10 : memref<32x768xf32, #tpu.memory_space<vmem>>) dst(%arg6 : memref<32x768xf32, #tpu.memory_space<hbm>>)
        tpu.yield
      }) : () -> ()
      "tpu.region"() ({
        %run_scoped3A = tpu.sem_alloc : memref<!tpu.dma_semaphore, #tpu.memory_space<semaphore_mem>>
        tpu.enqueue_dma source(%arg11 : memref<32x2176xf32, #tpu.memory_space<vmem>>) target(%arg7 : memref<32x2176xf32, #tpu.memory_space<hbm>>) target_semaphore(%run_scoped3A : memref<!tpu.dma_semaphore, #tpu.memory_space<semaphore_mem>>)
        tpu.wait_dma2 semaphore(%run_scoped3A : memref<!tpu.dma_semaphore, #tpu.memory_space<semaphore_mem>>) src(%arg11 : memref<32x2176xf32, #tpu.memory_space<vmem>>) dst(%arg7 : memref<32x2176xf32, #tpu.memory_space<hbm>>)
        tpu.yield
      }) : () -> ()
    } else {
    }
    return
  }
}

module attributes {stable_mosaic.version = 14 : i64} {
  func.func @body(%arg0: memref<2096x256xf32, #tpu.memory_space<vmem>>, %arg1: memref<768x256xf32, #tpu.memory_space<vmem>>, %arg2: memref<1x768xf32, #tpu.memory_space<vmem>>, %arg3: memref<2072x768xf32, #tpu.memory_space<vmem>>, %arg4: memref<2072x768xf32, #tpu.memory_space<vmem>>) attributes {dimension_semantics = [], scalar_prefetch = 0 : i64, scratch_operands = 0 : i64, tpu.core_type = #tpu.core_type<tc>} {
    %get3A = arith.constant 0 : index
    %get3A_0 = arith.constant 0 : index
    %get3A_1 = vector.load %arg0[%get3A, %get3A_0] : memref<2096x256xf32, #tpu.memory_space<vmem>>, vector<2072x256xf32>
    %get3A_2 = arith.constant 1 : index
    %get3A_3 = arith.constant 0 : index
    %get3A_4 = vector.load %arg0[%get3A_2, %get3A_3] : memref<2096x256xf32, #tpu.memory_space<vmem>>, vector<2072x256xf32>
    %add3A = arith.addf %get3A_1, %get3A_4 : vector<2072x256xf32>
    %get3A_5 = arith.constant 2 : index
    %get3A_6 = arith.constant 0 : index
    %get3A_7 = vector.load %arg0[%get3A_5, %get3A_6] : memref<2096x256xf32, #tpu.memory_space<vmem>>, vector<2072x256xf32>
    %add3A_8 = arith.addf %add3A, %get3A_7 : vector<2072x256xf32>
    %get3A_9 = arith.constant 3 : index
    %get3A_10 = arith.constant 0 : index
    %get3A_11 = vector.load %arg0[%get3A_9, %get3A_10] : memref<2096x256xf32, #tpu.memory_space<vmem>>, vector<2072x256xf32>
    %add3A_12 = arith.addf %add3A_8, %get3A_11 : vector<2072x256xf32>
    %get3A_13 = arith.constant 4 : index
    %get3A_14 = arith.constant 0 : index
    %get3A_15 = vector.load %arg0[%get3A_13, %get3A_14] : memref<2096x256xf32, #tpu.memory_space<vmem>>, vector<2072x256xf32>
    %add3A_16 = arith.addf %add3A_12, %get3A_15 : vector<2072x256xf32>
    %get3A_17 = arith.constant 5 : index
    %get3A_18 = arith.constant 0 : index
    %get3A_19 = vector.load %arg0[%get3A_17, %get3A_18] : memref<2096x256xf32, #tpu.memory_space<vmem>>, vector<2072x256xf32>
    %add3A_20 = arith.addf %add3A_16, %get3A_19 : vector<2072x256xf32>
    %get3A_21 = arith.constant 6 : index
    %get3A_22 = arith.constant 0 : index
    %get3A_23 = vector.load %arg0[%get3A_21, %get3A_22] : memref<2096x256xf32, #tpu.memory_space<vmem>>, vector<2072x256xf32>
    %add3A_24 = arith.addf %add3A_20, %get3A_23 : vector<2072x256xf32>
    %get3A_25 = arith.constant 7 : index
    %get3A_26 = arith.constant 0 : index
    %get3A_27 = vector.load %arg0[%get3A_25, %get3A_26] : memref<2096x256xf32, #tpu.memory_space<vmem>>, vector<2072x256xf32>
    %add3A_28 = arith.addf %add3A_24, %get3A_27 : vector<2072x256xf32>
    %get3A_29 = arith.constant 8 : index
    %get3A_30 = arith.constant 0 : index
    %get3A_31 = vector.load %arg0[%get3A_29, %get3A_30] : memref<2096x256xf32, #tpu.memory_space<vmem>>, vector<2072x256xf32>
    %add3A_32 = arith.addf %add3A_28, %get3A_31 : vector<2072x256xf32>
    %get3A_33 = arith.constant 9 : index
    %get3A_34 = arith.constant 0 : index
    %get3A_35 = vector.load %arg0[%get3A_33, %get3A_34] : memref<2096x256xf32, #tpu.memory_space<vmem>>, vector<2072x256xf32>
    %add3A_36 = arith.addf %add3A_32, %get3A_35 : vector<2072x256xf32>
    %get3A_37 = arith.constant 10 : index
    %get3A_38 = arith.constant 0 : index
    %get3A_39 = vector.load %arg0[%get3A_37, %get3A_38] : memref<2096x256xf32, #tpu.memory_space<vmem>>, vector<2072x256xf32>
    %add3A_40 = arith.addf %add3A_36, %get3A_39 : vector<2072x256xf32>
    %get3A_41 = arith.constant 11 : index
    %get3A_42 = arith.constant 0 : index
    %get3A_43 = vector.load %arg0[%get3A_41, %get3A_42] : memref<2096x256xf32, #tpu.memory_space<vmem>>, vector<2072x256xf32>
    %add3A_44 = arith.addf %add3A_40, %get3A_43 : vector<2072x256xf32>
    %get3A_45 = arith.constant 12 : index
    %get3A_46 = arith.constant 0 : index
    %get3A_47 = vector.load %arg0[%get3A_45, %get3A_46] : memref<2096x256xf32, #tpu.memory_space<vmem>>, vector<2072x256xf32>
    %add3A_48 = arith.addf %add3A_44, %get3A_47 : vector<2072x256xf32>
    %get3A_49 = arith.constant 13 : index
    %get3A_50 = arith.constant 0 : index
    %get3A_51 = vector.load %arg0[%get3A_49, %get3A_50] : memref<2096x256xf32, #tpu.memory_space<vmem>>, vector<2072x256xf32>
    %add3A_52 = arith.addf %add3A_48, %get3A_51 : vector<2072x256xf32>
    %get3A_53 = arith.constant 14 : index
    %get3A_54 = arith.constant 0 : index
    %get3A_55 = vector.load %arg0[%get3A_53, %get3A_54] : memref<2096x256xf32, #tpu.memory_space<vmem>>, vector<2072x256xf32>
    %add3A_56 = arith.addf %add3A_52, %get3A_55 : vector<2072x256xf32>
    %get3A_57 = arith.constant 15 : index
    %get3A_58 = arith.constant 0 : index
    %get3A_59 = vector.load %arg0[%get3A_57, %get3A_58] : memref<2096x256xf32, #tpu.memory_space<vmem>>, vector<2072x256xf32>
    %add3A_60 = arith.addf %add3A_56, %get3A_59 : vector<2072x256xf32>
    %get3A_61 = arith.constant 16 : index
    %get3A_62 = arith.constant 0 : index
    %get3A_63 = vector.load %arg0[%get3A_61, %get3A_62] : memref<2096x256xf32, #tpu.memory_space<vmem>>, vector<2072x256xf32>
    %add3A_64 = arith.addf %add3A_60, %get3A_63 : vector<2072x256xf32>
    %get3A_65 = arith.constant 17 : index
    %get3A_66 = arith.constant 0 : index
    %get3A_67 = vector.load %arg0[%get3A_65, %get3A_66] : memref<2096x256xf32, #tpu.memory_space<vmem>>, vector<2072x256xf32>
    %add3A_68 = arith.addf %add3A_64, %get3A_67 : vector<2072x256xf32>
    %get3A_69 = arith.constant 18 : index
    %get3A_70 = arith.constant 0 : index
    %get3A_71 = vector.load %arg0[%get3A_69, %get3A_70] : memref<2096x256xf32, #tpu.memory_space<vmem>>, vector<2072x256xf32>
    %add3A_72 = arith.addf %add3A_68, %get3A_71 : vector<2072x256xf32>
    %get3A_73 = arith.constant 19 : index
    %get3A_74 = arith.constant 0 : index
    %get3A_75 = vector.load %arg0[%get3A_73, %get3A_74] : memref<2096x256xf32, #tpu.memory_space<vmem>>, vector<2072x256xf32>
    %add3A_76 = arith.addf %add3A_72, %get3A_75 : vector<2072x256xf32>
    %get3A_77 = arith.constant 20 : index
    %get3A_78 = arith.constant 0 : index
    %get3A_79 = vector.load %arg0[%get3A_77, %get3A_78] : memref<2096x256xf32, #tpu.memory_space<vmem>>, vector<2072x256xf32>
    %add3A_80 = arith.addf %add3A_76, %get3A_79 : vector<2072x256xf32>
    %get3A_81 = arith.constant 21 : index
    %get3A_82 = arith.constant 0 : index
    %get3A_83 = vector.load %arg0[%get3A_81, %get3A_82] : memref<2096x256xf32, #tpu.memory_space<vmem>>, vector<2072x256xf32>
    %add3A_84 = arith.addf %add3A_80, %get3A_83 : vector<2072x256xf32>
    %get3A_85 = arith.constant 22 : index
    %get3A_86 = arith.constant 0 : index
    %get3A_87 = vector.load %arg0[%get3A_85, %get3A_86] : memref<2096x256xf32, #tpu.memory_space<vmem>>, vector<2072x256xf32>
    %add3A_88 = arith.addf %add3A_84, %get3A_87 : vector<2072x256xf32>
    %get3A_89 = arith.constant 23 : index
    %get3A_90 = arith.constant 0 : index
    %get3A_91 = vector.load %arg0[%get3A_89, %get3A_90] : memref<2096x256xf32, #tpu.memory_space<vmem>>, vector<2072x256xf32>
    %add3A_92 = arith.addf %add3A_88, %get3A_91 : vector<2072x256xf32>
    %get3A_93 = arith.constant 24 : index
    %get3A_94 = arith.constant 0 : index
    %get3A_95 = vector.load %arg0[%get3A_93, %get3A_94] : memref<2096x256xf32, #tpu.memory_space<vmem>>, vector<2072x256xf32>
    %add3A_96 = arith.addf %add3A_92, %get3A_95 : vector<2072x256xf32>
    %get3A_97 = arith.constant 12 : index
    %get3A_98 = arith.constant 0 : index
    %get3A_99 = vector.load %arg0[%get3A_97, %get3A_98] : memref<2096x256xf32, #tpu.memory_space<vmem>>, vector<2072x256xf32>
    %mul3A = arith.constant 4.000000e-02 : f32
    %mul3A_100 = vector.broadcast %mul3A : f32 to vector<2072x256xf32>
    %mul3A_101 = arith.mulf %add3A_96, %mul3A_100 : vector<2072x256xf32>
    %sub3A = arith.subf %get3A_99, %mul3A_101 : vector<2072x256xf32>
    %get3A_102 = arith.constant 0 : index
    %get3A_103 = arith.constant 0 : index
    %get3A_104 = vector.load %arg1[%get3A_102, %get3A_103] : memref<768x256xf32, #tpu.memory_space<vmem>>, vector<768x256xf32>
    %dot_general3A = arith.constant dense<0.000000e+00> : vector<2072x768xf32>
    %dot_general3A_105 = tpu.matmul %sub3A, %get3A_104, %dot_general3A {dimension_numbers = #tpu.dot_dimension_numbers<[1], [1], [0], [0], [0, 0, 1, 0], [], []>, transpose_lhs_hint = false} : vector<2072x256xf32>, vector<768x256xf32>, vector<2072x768xf32> -> vector<2072x768xf32>
    %get3A_106 = arith.constant 0 : index
    %get3A_107 = arith.constant 0 : index
    %get3A_108 = vector.load %arg2[%get3A_106, %get3A_107] : memref<1x768xf32, #tpu.memory_space<vmem>>, vector<1x768xf32>
    %add3A_109 = vector.broadcast %get3A_108 : vector<1x768xf32> to vector<2072x768xf32>
    %add3A_110 = arith.addf %dot_general3A_105, %add3A_109 : vector<2072x768xf32>
    %get3A_111 = arith.constant 0 : index
    %get3A_112 = arith.constant 0 : index
    %get3A_113 = vector.load %arg3[%get3A_111, %get3A_112] : memref<2072x768xf32, #tpu.memory_space<vmem>>, vector<2072x768xf32>
    %add3A_114 = arith.addf %add3A_110, %get3A_113 : vector<2072x768xf32>
    %swap3A = arith.constant 0 : index
    %swap3A_115 = arith.constant 0 : index
    %swap3A_116 = vector.load %arg4[%swap3A, %swap3A_115] : memref<2072x768xf32, #tpu.memory_space<vmem>>, vector<2072x768xf32>
    tpu.vector_store %arg4[%swap3A, %swap3A_115], %add3A_114 {strides = array<i32>} : memref<2072x768xf32, #tpu.memory_space<vmem>>, vector<2072x768xf32>,
    return
  }
}

module attributes {stable_mosaic.version = 14 : i64} {
  func.func @body(%arg0: i32, %arg1: memref<2072x768xbf16, #tpu.memory_space<vmem>>, %arg2: memref<2072x768xbf16, #tpu.memory_space<vmem>>, %arg3: memref<208x2072xbf16, #tpu.memory_space<vmem>>, %arg4: memref<208x2072xbf16, #tpu.memory_space<vmem>>, %arg5: memref<208x2072xbf16, #tpu.memory_space<vmem>>, %arg6: memref<208x2072xbf16, #tpu.memory_space<vmem>>, %arg7: memref<208x768xf32, #tpu.memory_space<vmem>>, %arg8: memref<1x1x208xf32, #tpu.memory_space<vmem>>) attributes {dimension_semantics = [#tpu.dimension_semantics<arbitrary>], iteration_bounds = array<i64: 5>, scalar_prefetch = 0 : i64, scratch_operands = 0 : i64, tpu.core_type = #tpu.core_type<tc>, window_params = [{pipeline_mode = #tpu.pipeline_mode<synchronous>, transform_indices = @transform_0, window_bounds = array<i64: 2072, 768>}, {pipeline_mode = #tpu.pipeline_mode<synchronous>, transform_indices = @transform_1, window_bounds = array<i64: 2072, 768>}, {transform_indices = @transform_2, window_bounds = array<i64: 208, 2072>}, {transform_indices = @transform_3, window_bounds = array<i64: 208, 2072>}, {transform_indices = @transform_4, window_bounds = array<i64: 208, 2072>}, {transform_indices = @transform_5, window_bounds = array<i64: 208, 2072>}, {transform_indices = @transform_6, window_bounds = array<i64: 208, 768>}, {transform_indices = @transform_7, window_bounds = array<i64: 1, 1, 208>}]} {
    %get3A = arith.constant 0 : index
    %get3A_0 = arith.constant 0 : index
    %get3A_1 = vector.load %arg1[%get3A, %get3A_0] : memref<2072x768xbf16, #tpu.memory_space<vmem>>, vector<2072x768xbf16>
    %get3A_2 = arith.constant 0 : index
    %get3A_3 = arith.constant 0 : index
    %get3A_4 = vector.load %arg2[%get3A_2, %get3A_3] : memref<2072x768xbf16, #tpu.memory_space<vmem>>, vector<2072x768xbf16>
    %get3A_5 = arith.constant 0 : index
    %get3A_6 = arith.constant 0 : index
    %get3A_7 = vector.load %arg3[%get3A_5, %get3A_6] : memref<208x2072xbf16, #tpu.memory_space<vmem>>, vector<208x2072xbf16>
    %dot_general3A = arith.constant dense<0.000000e+00> : vector<208x768xf32>
    %dot_general3A_8 = tpu.matmul %get3A_7, %get3A_1, %dot_general3A {dimension_numbers = #tpu.dot_dimension_numbers<[1], [0], [0], [1], [0, 0, 1, 1], [], []>, transpose_lhs_hint = false} : vector<208x2072xbf16>, vector<2072x768xbf16>, vector<208x768xf32> -> vector<208x768xf32>
    %get3A_9 = arith.constant 0 : index
    %get3A_10 = arith.constant 0 : index
    %get3A_11 = vector.load %arg3[%get3A_9, %get3A_10] : memref<208x2072xbf16, #tpu.memory_space<vmem>>, vector<208x2072xbf16>
    %dot_general3A_12 = arith.constant dense<0.000000e+00> : vector<208x768xf32>
    %dot_general3A_13 = tpu.matmul %get3A_11, %get3A_4, %dot_general3A_12 {dimension_numbers = #tpu.dot_dimension_numbers<[1], [0], [0], [1], [0, 0, 1, 1], [], []>, transpose_lhs_hint = false} : vector<208x2072xbf16>, vector<2072x768xbf16>, vector<208x768xf32> -> vector<208x768xf32>
    %add3A = arith.addf %dot_general3A_8, %dot_general3A_13 : vector<208x768xf32>
    %get3A_14 = arith.constant 0 : index
    %get3A_15 = arith.constant 0 : index
    %get3A_16 = vector.load %arg4[%get3A_14, %get3A_15] : memref<208x2072xbf16, #tpu.memory_space<vmem>>, vector<208x2072xbf16>
    %dot_general3A_17 = arith.constant dense<0.000000e+00> : vector<208x768xf32>
    %dot_general3A_18 = tpu.matmul %get3A_16, %get3A_1, %dot_general3A_17 {dimension_numbers = #tpu.dot_dimension_numbers<[1], [0], [0], [1], [0, 0, 1, 1], [], []>, transpose_lhs_hint = false} : vector<208x2072xbf16>, vector<2072x768xbf16>, vector<208x768xf32> -> vector<208x768xf32>
    %add3A_19 = arith.addf %add3A, %dot_general3A_18 : vector<208x768xf32>
    %get3A_20 = arith.constant 0 : index
    %get3A_21 = arith.constant 0 : index
    %get3A_22 = vector.load %arg5[%get3A_20, %get3A_21] : memref<208x2072xbf16, #tpu.memory_space<vmem>>, vector<208x2072xbf16>
    %dot_general3A_23 = arith.constant dense<0.000000e+00> : vector<208x768xf32>
    %dot_general3A_24 = tpu.matmul %get3A_22, %get3A_1, %dot_general3A_23 {dimension_numbers = #tpu.dot_dimension_numbers<[1], [0], [0], [1], [0, 0, 1, 1], [], []>, transpose_lhs_hint = false} : vector<208x2072xbf16>, vector<2072x768xbf16>, vector<208x768xf32> -> vector<208x768xf32>
    %get3A_25 = arith.constant 0 : index
    %get3A_26 = arith.constant 0 : index
    %get3A_27 = vector.load %arg5[%get3A_25, %get3A_26] : memref<208x2072xbf16, #tpu.memory_space<vmem>>, vector<208x2072xbf16>
    %dot_general3A_28 = arith.constant dense<0.000000e+00> : vector<208x768xf32>
    %dot_general3A_29 = tpu.matmul %get3A_27, %get3A_4, %dot_general3A_28 {dimension_numbers = #tpu.dot_dimension_numbers<[1], [0], [0], [1], [0, 0, 1, 1], [], []>, transpose_lhs_hint = false} : vector<208x2072xbf16>, vector<2072x768xbf16>, vector<208x768xf32> -> vector<208x768xf32>
    %add3A_30 = arith.addf %dot_general3A_24, %dot_general3A_29 : vector<208x768xf32>
    %get3A_31 = arith.constant 0 : index
    %get3A_32 = arith.constant 0 : index
    %get3A_33 = vector.load %arg6[%get3A_31, %get3A_32] : memref<208x2072xbf16, #tpu.memory_space<vmem>>, vector<208x2072xbf16>
    %dot_general3A_34 = arith.constant dense<0.000000e+00> : vector<208x768xf32>
    %dot_general3A_35 = tpu.matmul %get3A_33, %get3A_1, %dot_general3A_34 {dimension_numbers = #tpu.dot_dimension_numbers<[1], [0], [0], [1], [0, 0, 1, 1], [], []>, transpose_lhs_hint = false} : vector<208x2072xbf16>, vector<2072x768xbf16>, vector<208x768xf32> -> vector<208x768xf32>
    %add3A_36 = arith.addf %add3A_30, %dot_general3A_35 : vector<208x768xf32>
    %swap3A = arith.constant 0 : index
    %swap3A_37 = arith.constant 0 : index
    %swap3A_38 = vector.load %arg7[%swap3A, %swap3A_37] : memref<208x768xf32, #tpu.memory_space<vmem>>, vector<208x768xf32>
    tpu.vector_store %arg7[%swap3A, %swap3A_37], %add3A_19 {strides = array<i32>} : memref<208x768xf32, #tpu.memory_space<vmem>>, vector<208x768xf32>,
    %mul3A = arith.mulf %add3A_19, %add3A_19 : vector<208x768xf32>
    %mul3A_39 = arith.mulf %add3A_36, %add3A_36 : vector<208x768xf32>
    %add3A_40 = arith.addf %mul3A, %mul3A_39 : vector<208x768xf32>
    %sqrt3A = math.sqrt %add3A_40 : vector<208x768xf32>
    %reduce_sum3A = arith.constant dense<0.000000e+00> : vector<208xf32>
    %reduce_sum3A_41 = vector.multi_reduction <add>, %sqrt3A, %reduce_sum3A [1] : vector<208x768xf32> to vector<208xf32>
    %div3A = arith.constant 7.680000e+02 : f32
    %div3A_42 = vector.broadcast %div3A : f32 to vector<208xf32>
    %div3A_43 = arith.divf %reduce_sum3A_41, %div3A_42 : vector<208xf32>
    %mul3A_44 = arith.constant 208 : i32
    %mul3A_45 = arith.muli %arg0, %mul3A_44 : i32
    %iota3A = tpu.iota {dimensions = array<i32: 2>} : vector<1x1x208xi32>
    %add3A_46 = vector.broadcast %mul3A_45 : i32 to vector<1x1x208xi32>
    %add3A_47 = arith.addi %add3A_46, %iota3A : vector<1x1x208xi32>
    %lt3A = arith.constant 1037 : i32
    %lt3A_48 = vector.broadcast %lt3A : i32 to vector<1x1x208xi32>
    %lt3A_49 = arith.cmpi slt, %add3A_47, %lt3A_48 : vector<1x1x208xi32>
    %broadcast_in_dim3A = vector.shape_cast %div3A_43 : vector<208xf32> to vector<1x1x208xf32>
    %jit3A = arith.constant -1.000000e+00 : f32
    %broadcast_in_dim3A_50 = vector.broadcast %jit3A : f32 to vector<1x1x208xf32>
    %select_n3A = arith.select %lt3A_49, %broadcast_in_dim3A, %broadcast_in_dim3A_50 : vector<1x1x208xi1>, vector<1x1x208xf32>
    %swap3A_51 = arith.constant 0 : index
    %swap3A_52 = arith.constant 0 : index
    %swap3A_53 = arith.constant 0 : index
    %swap3A_54 = vector.load %arg8[%swap3A_51, %swap3A_52, %swap3A_53] : memref<1x1x208xf32, #tpu.memory_space<vmem>>, vector<1x1x208xf32>
    tpu.vector_store %arg8[%swap3A_51, %swap3A_52, %swap3A_53], %select_n3A {strides = array<i32>} : memref<1x1x208xf32, #tpu.memory_space<vmem>>, vector<1x1x208xf32>,
    return
  }
  func.func @transform_0(%arg0: i32) -> (i32, i32) {
    %c0_i32 = arith.constant 0 : i32
    %c0_i32_0 = arith.constant 0 : i32
    %c0_i32_1 = arith.constant 0 : i32
    return %c0_i32, %c0_i32_0 : i32, i32
  }
  func.func @transform_1(%arg0: i32) -> (i32, i32) {
    %c0_i32 = arith.constant 0 : i32
    %c0_i32_0 = arith.constant 0 : i32
    %c0_i32_1 = arith.constant 0 : i32
    return %c0_i32, %c0_i32_0 : i32, i32
  }
  func.func @transform_2(%arg0: i32) -> (i32, i32) {
    %c0_i32 = arith.constant 0 : i32
    %c0_i32_0 = arith.constant 0 : i32
    return %arg0, %c0_i32 : i32, i32
  }
  func.func @transform_3(%arg0: i32) -> (i32, i32) {
    %c0_i32 = arith.constant 0 : i32
    %c0_i32_0 = arith.constant 0 : i32
    return %arg0, %c0_i32 : i32, i32
  }
  func.func @transform_4(%arg0: i32) -> (i32, i32) {
    %c0_i32 = arith.constant 0 : i32
    %c0_i32_0 = arith.constant 0 : i32
    return %arg0, %c0_i32 : i32, i32
  }
  func.func @transform_5(%arg0: i32) -> (i32, i32) {
    %c0_i32 = arith.constant 0 : i32
    %c0_i32_0 = arith.constant 0 : i32
    return %arg0, %c0_i32 : i32, i32
  }
  func.func @transform_6(%arg0: i32) -> (i32, i32) {
    %c0_i32 = arith.constant 0 : i32
    %c0_i32_0 = arith.constant 0 : i32
    return %arg0, %c0_i32 : i32, i32
  }
  func.func @transform_7(%arg0: i32) -> (i32, i32, i32) {
    %c0_i32 = arith.constant 0 : i32
    %c0_i32_0 = arith.constant 0 : i32
    %c0_i32_1 = arith.constant 0 : i32
    return %arg0, %c0_i32, %c0_i32_0 : i32, i32, i32
  }
}

module attributes {stable_mosaic.version = 14 : i64} {
  func.func @body(%arg0: memref<1x32xi32, #tpu.memory_space<vmem>>, %arg1: memref<32x768xf32, #tpu.memory_space<vmem>>, %arg2: memref<32x2176xf32, #tpu.memory_space<vmem>>, %arg3: memref<768x768xf32, #tpu.memory_space<vmem>>, %arg4: memref<1x768xf32, #tpu.memory_space<vmem>>, %arg5: memref<768x768xf32, #tpu.memory_space<vmem>>, %arg6: memref<1x768xf32, #tpu.memory_space<vmem>>, %arg7: memref<768x768xf32, #tpu.memory_space<vmem>>, %arg8: memref<1x768xf32, #tpu.memory_space<vmem>>, %arg9: memref<2072x768xf32, #tpu.memory_space<vmem>>, %arg10: memref<2072x768xf32, #tpu.memory_space<vmem>>) attributes {dimension_semantics = [], scalar_prefetch = 0 : i64, scratch_operands = 0 : i64, tpu.core_type = #tpu.core_type<tc>} {
    %get3A = arith.constant 0 : index
    %get3A_0 = arith.constant 0 : index
    %get3A_1 = vector.load %arg1[%get3A, %get3A_0] : memref<32x768xf32, #tpu.memory_space<vmem>>, vector<32x768xf32>
    %get3A_2 = arith.constant 0 : index
    %get3A_3 = arith.constant 0 : index
    %get3A_4 = vector.load %arg3[%get3A_2, %get3A_3] : memref<768x768xf32, #tpu.memory_space<vmem>>, vector<768x768xf32>
    %dot_general3A = arith.constant dense<0.000000e+00> : vector<32x768xf32>
    %dot_general3A_5 = tpu.matmul %get3A_1, %get3A_4, %dot_general3A {dimension_numbers = #tpu.dot_dimension_numbers<[1], [1], [0], [0], [0, 0, 1, 0], [], []>, transpose_lhs_hint = false} : vector<32x768xf32>, vector<768x768xf32>, vector<32x768xf32> -> vector<32x768xf32>
    %get3A_6 = arith.constant 0 : index
    %get3A_7 = arith.constant 0 : index
    %get3A_8 = vector.load %arg4[%get3A_6, %get3A_7] : memref<1x768xf32, #tpu.memory_space<vmem>>, vector<1x768xf32>
    %add3A = vector.broadcast %get3A_8 : vector<1x768xf32> to vector<32x768xf32>
    %add3A_9 = arith.addf %dot_general3A_5, %add3A : vector<32x768xf32>
    %get3A_10 = arith.constant 0 : index
    %get3A_11 = arith.constant 0 : index
    %get3A_12 = vector.load %arg5[%get3A_10, %get3A_11] : memref<768x768xf32, #tpu.memory_space<vmem>>, vector<768x768xf32>
    %dot_general3A_13 = arith.constant dense<0.000000e+00> : vector<32x768xf32>
    %dot_general3A_14 = tpu.matmul %get3A_1, %get3A_12, %dot_general3A_13 {dimension_numbers = #tpu.dot_dimension_numbers<[1], [1], [0], [0], [0, 0, 1, 0], [], []>, transpose_lhs_hint = false} : vector<32x768xf32>, vector<768x768xf32>, vector<32x768xf32> -> vector<32x768xf32>
    %get3A_15 = arith.constant 0 : index
    %get3A_16 = arith.constant 0 : index
    %get3A_17 = vector.load %arg6[%get3A_15, %get3A_16] : memref<1x768xf32, #tpu.memory_space<vmem>>, vector<1x768xf32>
    %add3A_18 = vector.broadcast %get3A_17 : vector<1x768xf32> to vector<32x768xf32>
    %add3A_19 = arith.addf %dot_general3A_14, %add3A_18 : vector<32x768xf32>
    %get3A_20 = arith.constant 0 : index
    %get3A_21 = arith.constant 0 : index
    %get3A_22 = vector.load %arg7[%get3A_20, %get3A_21] : memref<768x768xf32, #tpu.memory_space<vmem>>, vector<768x768xf32>
    %dot_general3A_23 = arith.constant dense<0.000000e+00> : vector<32x768xf32>
    %dot_general3A_24 = tpu.matmul %get3A_1, %get3A_22, %dot_general3A_23 {dimension_numbers = #tpu.dot_dimension_numbers<[1], [1], [0], [0], [0, 0, 1, 0], [], []>, transpose_lhs_hint = false} : vector<32x768xf32>, vector<768x768xf32>, vector<32x768xf32> -> vector<32x768xf32>
    %get3A_25 = arith.constant 0 : index
    %get3A_26 = arith.constant 0 : index
    %get3A_27 = vector.load %arg8[%get3A_25, %get3A_26] : memref<1x768xf32, #tpu.memory_space<vmem>>, vector<1x768xf32>
    %add3A_28 = vector.broadcast %get3A_27 : vector<1x768xf32> to vector<32x768xf32>
    %add3A_29 = arith.addf %dot_general3A_24, %add3A_28 : vector<32x768xf32>
    %dot_general3A_30 = arith.constant dense<0.000000e+00> : vector<32x32xf32>
    %dot_general3A_31 = tpu.matmul %add3A_9, %add3A_19, %dot_general3A_30 {dimension_numbers = #tpu.dot_dimension_numbers<[1], [1], [0], [0], [0, 0, 1, 0], [], []>, precision = #tpu.contract_precision<fp32>, transpose_lhs_hint = false} : vector<32x768xf32>, vector<32x768xf32>, vector<32x32xf32> -> vector<32x32xf32>
    %mul3A = arith.constant 0.0360843912 : f32
    %mul3A_32 = vector.broadcast %mul3A : f32 to vector<32x32xf32>
    %mul3A_33 = arith.mulf %dot_general3A_31, %mul3A_32 : vector<32x32xf32>
    %reduce_max3A = arith.constant dense<0xFF800000> : vector<32xf32>
    %reduce_max3A_34 = vector.multi_reduction <maximumf>, %mul3A_33, %reduce_max3A [1] : vector<32x32xf32> to vector<32xf32>
    %broadcast_in_dim3A = vector.shape_cast %reduce_max3A_34 : vector<32xf32> to vector<32x1xf32>
    %sub3A = vector.broadcast %broadcast_in_dim3A : vector<32x1xf32> to vector<32x32xf32>
    %sub3A_35 = arith.subf %mul3A_33, %sub3A : vector<32x32xf32>
    %exp3A = math.exp %sub3A_35 : vector<32x32xf32>
    %reduce_sum3A = arith.constant dense<0.000000e+00> : vector<32xf32>
    %reduce_sum3A_36 = vector.multi_reduction <add>, %exp3A, %reduce_sum3A [1] : vector<32x32xf32> to vector<32xf32>
    %broadcast_in_dim3A_37 = vector.shape_cast %reduce_sum3A_36 : vector<32xf32> to vector<32x1xf32>
    %div3A = vector.broadcast %broadcast_in_dim3A_37 : vector<32x1xf32> to vector<32x32xf32>
    %div3A_38 = arith.divf %exp3A, %div3A : vector<32x32xf32>
    %dot_general3A_39 = arith.constant dense<0.000000e+00> : vector<32x768xf32>
    %dot_general3A_40 = tpu.matmul %div3A_38, %add3A_29, %dot_general3A_39 {dimension_numbers = #tpu.dot_dimension_numbers<[1], [0], [0], [1], [0, 0, 1, 1], [], []>, precision = #tpu.contract_precision<fp32>, transpose_lhs_hint = false} : vector<32x32xf32>, vector<32x768xf32>, vector<32x768xf32> -> vector<32x768xf32>
    %get3A_41 = arith.constant 0 : index
    %get3A_42 = arith.constant 0 : index
    %get3A_43 = vector.load %arg0[%get3A_41, %get3A_42] : memref<1x32xi32, #tpu.memory_space<vmem>>, vector<1x32xi32>
    %get3A_44 = vector.shape_cast %get3A_43 : vector<1x32xi32> to vector<32xi32>
    %eq3A = arith.constant 0 : i32
    %eq3A_45 = vector.broadcast %eq3A : i32 to vector<32xi32>
    %eq3A_46 = arith.cmpi eq, %get3A_44, %eq3A_45 : vector<32xi32>
    %eq3A_47 = arith.constant 1036 : i32
    %eq3A_48 = vector.broadcast %eq3A_47 : i32 to vector<32xi32>
    %eq3A_49 = arith.cmpi eq, %get3A_44, %eq3A_48 : vector<32xi32>
    %or3A = arith.ori %eq3A_46, %eq3A_49 : vector<32xi1>
    %jit3A = arith.constant 1.000000e+00 : f32
    %jit3A_50 = arith.constant 2.000000e+00 : f32
    %broadcast_in_dim3A_51 = vector.broadcast %jit3A : f32 to vector<32xf32>
    %broadcast_in_dim3A_52 = vector.broadcast %jit3A_50 : f32 to vector<32xf32>
    %select_n3A = arith.select %or3A, %broadcast_in_dim3A_51, %broadcast_in_dim3A_52 : vector<32xi1>, vector<32xf32>
    %mul3A_53 = arith.constant 4.82625474E-4 : f32
    %mul3A_54 = vector.broadcast %mul3A_53 : f32 to vector<32xf32>
    %mul3A_55 = arith.mulf %select_n3A, %mul3A_54 : vector<32xf32>
    %broadcast_in_dim3A_56 = vector.shape_cast %mul3A_55 : vector<32xf32> to vector<32x1xf32>
    %mul3A_57 = vector.broadcast %broadcast_in_dim3A_56 : vector<32x1xf32> to vector<32x768xf32>
    %mul3A_58 = arith.mulf %dot_general3A_40, %mul3A_57 : vector<32x768xf32>
    %get3A_59 = arith.constant 0 : index
    %get3A_60 = arith.constant 0 : index
    %get3A_61 = vector.load %arg2[%get3A_59, %get3A_60] : memref<32x2176xf32, #tpu.memory_space<vmem>>, vector<32x2176xf32>
    %dot_general3A_62 = arith.constant dense<0.000000e+00> : vector<2176x768xf32>
    %dot_general3A_63 = tpu.matmul %get3A_61, %mul3A_58, %dot_general3A_62 {dimension_numbers = #tpu.dot_dimension_numbers<[0], [0], [1], [1], [0, 1, 1, 1], [], []>, precision = #tpu.contract_precision<fp32>, transpose_lhs_hint = false} : vector<32x2176xf32>, vector<32x768xf32>, vector<2176x768xf32> -> vector<2176x768xf32>
    %get3A_64 = arith.constant 0 : index
    %get3A_65 = arith.constant 0 : index
    %get3A_66 = vector.load %arg9[%get3A_64, %get3A_65] : memref<2072x768xf32, #tpu.memory_space<vmem>>, vector<2072x768xf32>
    %slice3A = vector.extract_strided_slice %dot_general3A_63 {offsets = [0, 0], sizes = [2072, 768], strides = [1, 1]} : vector<2176x768xf32> to vector<2072x768xf32>
    %add3A_67 = arith.addf %get3A_66, %slice3A : vector<2072x768xf32>
    %swap3A = arith.constant 0 : index
    %swap3A_68 = arith.constant 0 : index
    %swap3A_69 = vector.load %arg10[%swap3A, %swap3A_68] : memref<2072x768xf32, #tpu.memory_space<vmem>>, vector<2072x768xf32>
    tpu.vector_store %arg10[%swap3A, %swap3A_68], %add3A_67 {strides = array<i32>} : memref<2072x768xf32, #tpu.memory_space<vmem>>, vector<2072x768xf32>,
    return
  }
}

module attributes {stable_mosaic.version = 14 : i64} {
  func.func @body(%arg0: i32, %arg1: memref<2072x768xf32, #tpu.memory_space<vmem>>, %arg2: memref<384x768xf32, #tpu.memory_space<vmem>>, %arg3: memref<6x1x64xf32, #tpu.memory_space<vmem>>, %arg4: memref<6x2072x64xf32, #tpu.memory_space<vmem>>) attributes {dimension_semantics = [#tpu.dimension_semantics<arbitrary>], iteration_bounds = array<i64: 6>, scalar_prefetch = 0 : i64, scratch_operands = 0 : i64, tpu.core_type = #tpu.core_type<tc>, window_params = [{pipeline_mode = #tpu.pipeline_mode<synchronous>, transform_indices = @transform_0, window_bounds = array<i64: 2072, 768>}, {transform_indices = @transform_1, window_bounds = array<i64: 384, 768>}, {transform_indices = @transform_2, window_bounds = array<i64: 6, 1, 64>}, {transform_indices = @transform_3, window_bounds = array<i64: 6, 2072, 64>}]} {
    %get3A = arith.constant 0 : index
    %get3A_0 = arith.constant 0 : index
    %get3A_1 = vector.load %arg1[%get3A, %get3A_0] : memref<2072x768xf32, #tpu.memory_space<vmem>>, vector<2072x768xf32>
    %get3A_2 = arith.constant 0 : index
    %get3A_3 = arith.constant 0 : index
    %get3A_4 = vector.load %arg2[%get3A_2, %get3A_3] : memref<384x768xf32, #tpu.memory_space<vmem>>, vector<384x768xf32>
    %dot_general3A = arith.constant dense<0.000000e+00> : vector<2072x384xf32>
    %dot_general3A_5 = tpu.matmul %get3A_1, %get3A_4, %dot_general3A {dimension_numbers = #tpu.dot_dimension_numbers<[1], [1], [0], [0], [0, 0, 1, 0], [], []>, transpose_lhs_hint = false} : vector<2072x768xf32>, vector<384x768xf32>, vector<2072x384xf32> -> vector<2072x384xf32>
    %slice3A = vector.extract_strided_slice %dot_general3A_5 {offsets = [0, 0], sizes = [2072, 64], strides = [1, 1]} : vector<2072x384xf32> to vector<2072x64xf32>
    %get3A_6 = arith.constant 0 : index
    %get3A_7 = arith.constant 0 : index
    %get3A_8 = arith.constant 0 : index
    %get3A_9 = vector.load %arg3[%get3A_6, %get3A_7, %get3A_8] : memref<6x1x64xf32, #tpu.memory_space<vmem>>, vector<1x1x64xf32>
    %get3A_10 = vector.shape_cast %get3A_9 : vector<1x1x64xf32> to vector<1x64xf32>
    %add3A = vector.broadcast %get3A_10 : vector<1x64xf32> to vector<2072x64xf32>
    %add3A_11 = arith.addf %slice3A, %add3A : vector<2072x64xf32>
    %swap3A = arith.constant 0 : index
    %swap3A_12 = arith.constant 0 : index
    %swap3A_13 = arith.constant 0 : index
    %swap3A_14 = vector.load %arg4[%swap3A, %swap3A_12, %swap3A_13] : memref<6x2072x64xf32, #tpu.memory_space<vmem>>, vector<1x2072x64xf32>
    %swap3A_15 = vector.shape_cast %swap3A_14 : vector<1x2072x64xf32> to vector<2072x64xf32>
    %swap3A_16 = vector.shape_cast %add3A_11 : vector<2072x64xf32> to vector<1x2072x64xf32>
    tpu.vector_store %arg4[%swap3A, %swap3A_12, %swap3A_13], %swap3A_16 {strides = array<i32>} : memref<6x2072x64xf32, #tpu.memory_space<vmem>>, vector<1x2072x64xf32>,
    %slice3A_17 = vector.extract_strided_slice %dot_general3A_5 {offsets = [0, 64], sizes = [2072, 64], strides = [1, 1]} : vector<2072x384xf32> to vector<2072x64xf32>
    %get3A_18 = arith.constant 1 : index
    %get3A_19 = arith.constant 0 : index
    %get3A_20 = arith.constant 0 : index
    %get3A_21 = vector.load %arg3[%get3A_18, %get3A_19, %get3A_20] : memref<6x1x64xf32, #tpu.memory_space<vmem>>, vector<1x1x64xf32>
    %get3A_22 = vector.shape_cast %get3A_21 : vector<1x1x64xf32> to vector<1x64xf32>
    %add3A_23 = vector.broadcast %get3A_22 : vector<1x64xf32> to vector<2072x64xf32>
    %add3A_24 = arith.addf %slice3A_17, %add3A_23 : vector<2072x64xf32>
    %swap3A_25 = arith.constant 1 : index
    %swap3A_26 = arith.constant 0 : index
    %swap3A_27 = arith.constant 0 : index
    %swap3A_28 = vector.load %arg4[%swap3A_25, %swap3A_26, %swap3A_27] : memref<6x2072x64xf32, #tpu.memory_space<vmem>>, vector<1x2072x64xf32>
    %swap3A_29 = vector.shape_cast %swap3A_28 : vector<1x2072x64xf32> to vector<2072x64xf32>
    %swap3A_30 = vector.shape_cast %add3A_24 : vector<2072x64xf32> to vector<1x2072x64xf32>
    tpu.vector_store %arg4[%swap3A_25, %swap3A_26, %swap3A_27], %swap3A_30 {strides = array<i32>} : memref<6x2072x64xf32, #tpu.memory_space<vmem>>, vector<1x2072x64xf32>,
    %slice3A_31 = vector.extract_strided_slice %dot_general3A_5 {offsets = [0, 128], sizes = [2072, 64], strides = [1, 1]} : vector<2072x384xf32> to vector<2072x64xf32>
    %get3A_32 = arith.constant 2 : index
    %get3A_33 = arith.constant 0 : index
    %get3A_34 = arith.constant 0 : index
    %get3A_35 = vector.load %arg3[%get3A_32, %get3A_33, %get3A_34] : memref<6x1x64xf32, #tpu.memory_space<vmem>>, vector<1x1x64xf32>
    %get3A_36 = vector.shape_cast %get3A_35 : vector<1x1x64xf32> to vector<1x64xf32>
    %add3A_37 = vector.broadcast %get3A_36 : vector<1x64xf32> to vector<2072x64xf32>
    %add3A_38 = arith.addf %slice3A_31, %add3A_37 : vector<2072x64xf32>
    %swap3A_39 = arith.constant 2 : index
    %swap3A_40 = arith.constant 0 : index
    %swap3A_41 = arith.constant 0 : index
    %swap3A_42 = vector.load %arg4[%swap3A_39, %swap3A_40, %swap3A_41] : memref<6x2072x64xf32, #tpu.memory_space<vmem>>, vector<1x2072x64xf32>
    %swap3A_43 = vector.shape_cast %swap3A_42 : vector<1x2072x64xf32> to vector<2072x64xf32>
    %swap3A_44 = vector.shape_cast %add3A_38 : vector<2072x64xf32> to vector<1x2072x64xf32>
    tpu.vector_store %arg4[%swap3A_39, %swap3A_40, %swap3A_41], %swap3A_44 {strides = array<i32>} : memref<6x2072x64xf32, #tpu.memory_space<vmem>>, vector<1x2072x64xf32>,
    %slice3A_45 = vector.extract_strided_slice %dot_general3A_5 {offsets = [0, 192], sizes = [2072, 64], strides = [1, 1]} : vector<2072x384xf32> to vector<2072x64xf32>
    %get3A_46 = arith.constant 3 : index
    %get3A_47 = arith.constant 0 : index
    %get3A_48 = arith.constant 0 : index
    %get3A_49 = vector.load %arg3[%get3A_46, %get3A_47, %get3A_48] : memref<6x1x64xf32, #tpu.memory_space<vmem>>, vector<1x1x64xf32>
    %get3A_50 = vector.shape_cast %get3A_49 : vector<1x1x64xf32> to vector<1x64xf32>
    %add3A_51 = vector.broadcast %get3A_50 : vector<1x64xf32> to vector<2072x64xf32>
    %add3A_52 = arith.addf %slice3A_45, %add3A_51 : vector<2072x64xf32>
    %swap3A_53 = arith.constant 3 : index
    %swap3A_54 = arith.constant 0 : index
    %swap3A_55 = arith.constant 0 : index
    %swap3A_56 = vector.load %arg4[%swap3A_53, %swap3A_54, %swap3A_55] : memref<6x2072x64xf32, #tpu.memory_space<vmem>>, vector<1x2072x64xf32>
    %swap3A_57 = vector.shape_cast %swap3A_56 : vector<1x2072x64xf32> to vector<2072x64xf32>
    %swap3A_58 = vector.shape_cast %add3A_52 : vector<2072x64xf32> to vector<1x2072x64xf32>
    tpu.vector_store %arg4[%swap3A_53, %swap3A_54, %swap3A_55], %swap3A_58 {strides = array<i32>} : memref<6x2072x64xf32, #tpu.memory_space<vmem>>, vector<1x2072x64xf32>,
    %slice3A_59 = vector.extract_strided_slice %dot_general3A_5 {offsets = [0, 256], sizes = [2072, 64], strides = [1, 1]} : vector<2072x384xf32> to vector<2072x64xf32>
    %get3A_60 = arith.constant 4 : index
    %get3A_61 = arith.constant 0 : index
    %get3A_62 = arith.constant 0 : index
    %get3A_63 = vector.load %arg3[%get3A_60, %get3A_61, %get3A_62] : memref<6x1x64xf32, #tpu.memory_space<vmem>>, vector<1x1x64xf32>
    %get3A_64 = vector.shape_cast %get3A_63 : vector<1x1x64xf32> to vector<1x64xf32>
    %add3A_65 = vector.broadcast %get3A_64 : vector<1x64xf32> to vector<2072x64xf32>
    %add3A_66 = arith.addf %slice3A_59, %add3A_65 : vector<2072x64xf32>
    %swap3A_67 = arith.constant 4 : index
    %swap3A_68 = arith.constant 0 : index
    %swap3A_69 = arith.constant 0 : index
    %swap3A_70 = vector.load %arg4[%swap3A_67, %swap3A_68, %swap3A_69] : memref<6x2072x64xf32, #tpu.memory_space<vmem>>, vector<1x2072x64xf32>
    %swap3A_71 = vector.shape_cast %swap3A_70 : vector<1x2072x64xf32> to vector<2072x64xf32>
    %swap3A_72 = vector.shape_cast %add3A_66 : vector<2072x64xf32> to vector<1x2072x64xf32>
    tpu.vector_store %arg4[%swap3A_67, %swap3A_68, %swap3A_69], %swap3A_72 {strides = array<i32>} : memref<6x2072x64xf32, #tpu.memory_space<vmem>>, vector<1x2072x64xf32>,
    %slice3A_73 = vector.extract_strided_slice %dot_general3A_5 {offsets = [0, 320], sizes = [2072, 64], strides = [1, 1]} : vector<2072x384xf32> to vector<2072x64xf32>
    %get3A_74 = arith.constant 5 : index
    %get3A_75 = arith.constant 0 : index
    %get3A_76 = arith.constant 0 : index
    %get3A_77 = vector.load %arg3[%get3A_74, %get3A_75, %get3A_76] : memref<6x1x64xf32, #tpu.memory_space<vmem>>, vector<1x1x64xf32>
    %get3A_78 = vector.shape_cast %get3A_77 : vector<1x1x64xf32> to vector<1x64xf32>
    %add3A_79 = vector.broadcast %get3A_78 : vector<1x64xf32> to vector<2072x64xf32>
    %add3A_80 = arith.addf %slice3A_73, %add3A_79 : vector<2072x64xf32>
    %swap3A_81 = arith.constant 5 : index
    %swap3A_82 = arith.constant 0 : index
    %swap3A_83 = arith.constant 0 : index
    %swap3A_84 = vector.load %arg4[%swap3A_81, %swap3A_82, %swap3A_83] : memref<6x2072x64xf32, #tpu.memory_space<vmem>>, vector<1x2072x64xf32>
    %swap3A_85 = vector.shape_cast %swap3A_84 : vector<1x2072x64xf32> to vector<2072x64xf32>
    %swap3A_86 = vector.shape_cast %add3A_80 : vector<2072x64xf32> to vector<1x2072x64xf32>
    tpu.vector_store %arg4[%swap3A_81, %swap3A_82, %swap3A_83], %swap3A_86 {strides = array<i32>} : memref<6x2072x64xf32, #tpu.memory_space<vmem>>, vector<1x2072x64xf32>,
    return
  }
  func.func @transform_0(%arg0: i32) -> (i32, i32) {
    %c0_i32 = arith.constant 0 : i32
    %c0_i32_0 = arith.constant 0 : i32
    %c0_i32_1 = arith.constant 0 : i32
    return %c0_i32, %c0_i32_0 : i32, i32
  }
  func.func @transform_1(%arg0: i32) -> (i32, i32) {
    %c0_i32 = arith.constant 0 : i32
    %c0_i32_0 = arith.constant 0 : i32
    return %arg0, %c0_i32 : i32, i32
  }
  func.func @transform_2(%arg0: i32) -> (i32, i32, i32) {
    %c0_i32 = arith.constant 0 : i32
    %c0_i32_0 = arith.constant 0 : i32
    %c0_i32_1 = arith.constant 0 : i32
    return %arg0, %c0_i32, %c0_i32_0 : i32, i32, i32
  }
  func.func @transform_3(%arg0: i32) -> (i32, i32, i32) {
    %c0_i32 = arith.constant 0 : i32
    %c0_i32_0 = arith.constant 0 : i32
    %c0_i32_1 = arith.constant 0 : i32
    return %arg0, %c0_i32, %c0_i32_0 : i32, i32, i32
  }
}

module attributes {stable_mosaic.version = 14 : i64} {
  func.func @body(%arg0: i32, %arg1: memref<2x2072x64xf32, #tpu.memory_space<vmem>>, %arg2: memref<2x2072x64xf32, #tpu.memory_space<vmem>>, %arg3: memref<2x2072x64xf32, #tpu.memory_space<vmem>>, %arg4: memref<2072x128xf32, #tpu.memory_space<vmem>>) attributes {dimension_semantics = [#tpu.dimension_semantics<arbitrary>], iteration_bounds = array<i64: 6>, scalar_prefetch = 0 : i64, scratch_operands = 0 : i64, tpu.core_type = #tpu.core_type<tc>, window_params = [{transform_indices = @transform_0, window_bounds = array<i64: 2, 2072, 64>}, {transform_indices = @transform_1, window_bounds = array<i64: 2, 2072, 64>}, {transform_indices = @transform_2, window_bounds = array<i64: 2, 2072, 64>}, {transform_indices = @transform_3, window_bounds = array<i64: 2072, 128>}]} {
    %get3A = arith.constant 0 : index
    %get3A_0 = arith.constant 0 : index
    %get3A_1 = arith.constant 0 : index
    %get3A_2 = vector.load %arg1[%get3A, %get3A_0, %get3A_1] : memref<2x2072x64xf32, #tpu.memory_space<vmem>>, vector<1x2072x64xf32>
    %get3A_3 = vector.shape_cast %get3A_2 : vector<1x2072x64xf32> to vector<2072x64xf32>
    %get3A_4 = arith.constant 0 : index
    %get3A_5 = arith.constant 0 : index
    %get3A_6 = arith.constant 0 : index
    %get3A_7 = vector.load %arg2[%get3A_4, %get3A_5, %get3A_6] : memref<2x2072x64xf32, #tpu.memory_space<vmem>>, vector<1x2072x64xf32>
    %get3A_8 = vector.shape_cast %get3A_7 : vector<1x2072x64xf32> to vector<2072x64xf32>
    %dot_general3A = arith.constant dense<0.000000e+00> : vector<2072x2072xf32>
    %dot_general3A_9 = tpu.matmul %get3A_3, %get3A_8, %dot_general3A {dimension_numbers = #tpu.dot_dimension_numbers<[1], [1], [0], [0], [0, 0, 1, 0], [], []>, transpose_lhs_hint = false} : vector<2072x64xf32>, vector<2072x64xf32>, vector<2072x2072xf32> -> vector<2072x2072xf32>
    %mul3A = arith.constant 1.250000e-01 : f32
    %mul3A_10 = vector.broadcast %mul3A : f32 to vector<2072x2072xf32>
    %mul3A_11 = arith.mulf %dot_general3A_9, %mul3A_10 : vector<2072x2072xf32>
    %exp3A = math.exp %mul3A_11 : vector<2072x2072xf32>
    %reduce_sum3A = arith.constant dense<0.000000e+00> : vector<2072xf32>
    %reduce_sum3A_12 = vector.multi_reduction <add>, %exp3A, %reduce_sum3A [1] : vector<2072x2072xf32> to vector<2072xf32>
    %broadcast_in_dim3A = vector.shape_cast %reduce_sum3A_12 : vector<2072xf32> to vector<2072x1xf32>
    %div3A = arith.constant 1.000000e+00 : f32
    %div3A_13 = vector.broadcast %div3A : f32 to vector<2072x1xf32>
    %div3A_14 = arith.divf %div3A_13, %broadcast_in_dim3A : vector<2072x1xf32>
    %get3A_15 = arith.constant 0 : index
    %get3A_16 = arith.constant 0 : index
    %get3A_17 = arith.constant 0 : index
    %get3A_18 = vector.load %arg3[%get3A_15, %get3A_16, %get3A_17] : memref<2x2072x64xf32, #tpu.memory_space<vmem>>, vector<1x2072x64xf32>
    %get3A_19 = vector.shape_cast %get3A_18 : vector<1x2072x64xf32> to vector<2072x64xf32>
    %dot_general3A_20 = arith.constant dense<0.000000e+00> : vector<2072x64xf32>
    %dot_general3A_21 = tpu.matmul %exp3A, %get3A_19, %dot_general3A_20 {dimension_numbers = #tpu.dot_dimension_numbers<[1], [0], [0], [1], [0, 0, 1, 1], [], []>, transpose_lhs_hint = false} : vector<2072x2072xf32>, vector<2072x64xf32>, vector<2072x64xf32> -> vector<2072x64xf32>
    %mul3A_22 = vector.broadcast %div3A_14 : vector<2072x1xf32> to vector<2072x64xf32>
    %mul3A_23 = arith.mulf %dot_general3A_21, %mul3A_22 : vector<2072x64xf32>
    %get3A_24 = arith.constant 1 : index
    %get3A_25 = arith.constant 0 : index
    %get3A_26 = arith.constant 0 : index
    %get3A_27 = vector.load %arg1[%get3A_24, %get3A_25, %get3A_26] : memref<2x2072x64xf32, #tpu.memory_space<vmem>>, vector<1x2072x64xf32>
    %get3A_28 = vector.shape_cast %get3A_27 : vector<1x2072x64xf32> to vector<2072x64xf32>
    %get3A_29 = arith.constant 1 : index
    %get3A_30 = arith.constant 0 : index
    %get3A_31 = arith.constant 0 : index
    %get3A_32 = vector.load %arg2[%get3A_29, %get3A_30, %get3A_31] : memref<2x2072x64xf32, #tpu.memory_space<vmem>>, vector<1x2072x64xf32>
    %get3A_33 = vector.shape_cast %get3A_32 : vector<1x2072x64xf32> to vector<2072x64xf32>
    %dot_general3A_34 = arith.constant dense<0.000000e+00> : vector<2072x2072xf32>
    %dot_general3A_35 = tpu.matmul %get3A_28, %get3A_33, %dot_general3A_34 {dimension_numbers = #tpu.dot_dimension_numbers<[1], [1], [0], [0], [0, 0, 1, 0], [], []>, transpose_lhs_hint = false} : vector<2072x64xf32>, vector<2072x64xf32>, vector<2072x2072xf32> -> vector<2072x2072xf32>
    %mul3A_36 = arith.constant 1.250000e-01 : f32
    %mul3A_37 = vector.broadcast %mul3A_36 : f32 to vector<2072x2072xf32>
    %mul3A_38 = arith.mulf %dot_general3A_35, %mul3A_37 : vector<2072x2072xf32>
    %exp3A_39 = math.exp %mul3A_38 : vector<2072x2072xf32>
    %reduce_sum3A_40 = arith.constant dense<0.000000e+00> : vector<2072xf32>
    %reduce_sum3A_41 = vector.multi_reduction <add>, %exp3A_39, %reduce_sum3A_40 [1] : vector<2072x2072xf32> to vector<2072xf32>
    %broadcast_in_dim3A_42 = vector.shape_cast %reduce_sum3A_41 : vector<2072xf32> to vector<2072x1xf32>
    %div3A_43 = arith.constant 1.000000e+00 : f32
    %div3A_44 = vector.broadcast %div3A_43 : f32 to vector<2072x1xf32>
    %div3A_45 = arith.divf %div3A_44, %broadcast_in_dim3A_42 : vector<2072x1xf32>
    %get3A_46 = arith.constant 1 : index
    %get3A_47 = arith.constant 0 : index
    %get3A_48 = arith.constant 0 : index
    %get3A_49 = vector.load %arg3[%get3A_46, %get3A_47, %get3A_48] : memref<2x2072x64xf32, #tpu.memory_space<vmem>>, vector<1x2072x64xf32>
    %get3A_50 = vector.shape_cast %get3A_49 : vector<1x2072x64xf32> to vector<2072x64xf32>
    %dot_general3A_51 = arith.constant dense<0.000000e+00> : vector<2072x64xf32>
    %dot_general3A_52 = tpu.matmul %exp3A_39, %get3A_50, %dot_general3A_51 {dimension_numbers = #tpu.dot_dimension_numbers<[1], [0], [0], [1], [0, 0, 1, 1], [], []>, transpose_lhs_hint = false} : vector<2072x2072xf32>, vector<2072x64xf32>, vector<2072x64xf32> -> vector<2072x64xf32>
    %mul3A_53 = vector.broadcast %div3A_45 : vector<2072x1xf32> to vector<2072x64xf32>
    %mul3A_54 = arith.mulf %dot_general3A_52, %mul3A_53 : vector<2072x64xf32>
    %concatenate3A = tpu.concatenate %mul3A_23, %mul3A_54 in 1 : vector<2072x64xf32>, vector<2072x64xf32> -> vector<2072x128xf32>
    %swap3A = arith.constant 0 : index
    %swap3A_55 = arith.constant 0 : index
    %swap3A_56 = vector.load %arg4[%swap3A, %swap3A_55] : memref<2072x128xf32, #tpu.memory_space<vmem>>, vector<2072x128xf32>
    tpu.vector_store %arg4[%swap3A, %swap3A_55], %concatenate3A {strides = array<i32>} : memref<2072x128xf32, #tpu.memory_space<vmem>>, vector<2072x128xf32>,
    return
  }
  func.func @transform_0(%arg0: i32) -> (i32, i32, i32) {
    %c0_i32 = arith.constant 0 : i32
    %c0_i32_0 = arith.constant 0 : i32
    %c0_i32_1 = arith.constant 0 : i32
    return %arg0, %c0_i32, %c0_i32_0 : i32, i32, i32
  }
  func.func @transform_1(%arg0: i32) -> (i32, i32, i32) {
    %add3A = arith.constant 6 : i32
    %add3A_0 = arith.addi %add3A, %arg0 : i32
    %c0_i32 = arith.constant 0 : i32
    %c0_i32_1 = arith.constant 0 : i32
    %c0_i32_2 = arith.constant 0 : i32
    return %add3A_0, %c0_i32, %c0_i32_1 : i32, i32, i32
  }
  func.func @transform_2(%arg0: i32) -> (i32, i32, i32) {
    %add3A = arith.constant 12 : i32
    %add3A_0 = arith.addi %add3A, %arg0 : i32
    %c0_i32 = arith.constant 0 : i32
    %c0_i32_1 = arith.constant 0 : i32
    %c0_i32_2 = arith.constant 0 : i32
    return %add3A_0, %c0_i32, %c0_i32_1 : i32, i32, i32
  }
  func.func @transform_3(%arg0: i32) -> (i32, i32) {
    %c0_i32 = arith.constant 0 : i32
    %c0_i32_0 = arith.constant 0 : i32
    return %c0_i32, %arg0 : i32, i32
  }
}

module attributes {stable_mosaic.version = 14 : i64} {
  func.func @body(%arg0: i32, %arg1: memref<296x768xf32, #tpu.memory_space<vmem>>, %arg2: memref<768x768xf32, #tpu.memory_space<vmem>>, %arg3: memref<1x768xf32, #tpu.memory_space<vmem>>, %arg4: memref<296x768xf32, #tpu.memory_space<vmem>>, %arg5: memref<1x768xf32, #tpu.memory_space<vmem>>, %arg6: memref<1x768xf32, #tpu.memory_space<vmem>>, %arg7: memref<3072x768xf32, #tpu.memory_space<vmem>>, %arg8: memref<1x3072xf32, #tpu.memory_space<vmem>>, %arg9: memref<768x3072xf32, #tpu.memory_space<vmem>>, %arg10: memref<1x768xf32, #tpu.memory_space<vmem>>, %arg11: memref<1x768xf32, #tpu.memory_space<vmem>>, %arg12: memref<1x768xf32, #tpu.memory_space<vmem>>, %arg13: memref<296x768xf32, #tpu.memory_space<vmem>>) attributes {dimension_semantics = [#tpu.dimension_semantics<arbitrary>], iteration_bounds = array<i64: 7>, scalar_prefetch = 0 : i64, scratch_operands = 0 : i64, tpu.core_type = #tpu.core_type<tc>, window_params = [{transform_indices = @transform_0, window_bounds = array<i64: 296, 768>}, {pipeline_mode = #tpu.pipeline_mode<synchronous>, transform_indices = @transform_1, window_bounds = array<i64: 768, 768>}, {pipeline_mode = #tpu.pipeline_mode<synchronous>, transform_indices = @transform_2, window_bounds = array<i64: 1, 768>}, {transform_indices = @transform_3, window_bounds = array<i64: 296, 768>}, {pipeline_mode = #tpu.pipeline_mode<synchronous>, transform_indices = @transform_4, window_bounds = array<i64: 1, 768>}, {pipeline_mode = #tpu.pipeline_mode<synchronous>, transform_indices = @transform_5, window_bounds = array<i64: 1, 768>}, {pipeline_mode = #tpu.pipeline_mode<synchronous>, transform_indices = @transform_6, window_bounds = array<i64: 3072, 768>}, {pipeline_mode = #tpu.pipeline_mode<synchronous>, transform_indices = @transform_7, window_bounds = array<i64: 1, 3072>}, {pipeline_mode = #tpu.pipeline_mode<synchronous>, transform_indices = @transform_8, window_bounds = array<i64: 768, 3072>}, {pipeline_mode = #tpu.pipeline_mode<synchronous>, transform_indices = @transform_9, window_bounds = array<i64: 1, 768>}, {pipeline_mode = #tpu.pipeline_mode<synchronous>, transform_indices = @transform_10, window_bounds = array<i64: 1, 768>}, {pipeline_mode = #tpu.pipeline_mode<synchronous>, transform_indices = @transform_11, window_bounds = array<i64: 1, 768>}, {transform_indices = @transform_12, window_bounds = array<i64: 296, 768>}]} {
    %get3A = arith.constant 0 : index
    %get3A_0 = arith.constant 0 : index
    %get3A_1 = vector.load %arg1[%get3A, %get3A_0] : memref<296x768xf32, #tpu.memory_space<vmem>>, vector<296x768xf32>
    %get3A_2 = arith.constant 0 : index
    %get3A_3 = arith.constant 0 : index
    %get3A_4 = vector.load %arg2[%get3A_2, %get3A_3] : memref<768x768xf32, #tpu.memory_space<vmem>>, vector<768x768xf32>
    %dot_general3A = arith.constant dense<0.000000e+00> : vector<296x768xf32>
    %dot_general3A_5 = tpu.matmul %get3A_1, %get3A_4, %dot_general3A {dimension_numbers = #tpu.dot_dimension_numbers<[1], [1], [0], [0], [0, 0, 1, 0], [], []>, transpose_lhs_hint = false} : vector<296x768xf32>, vector<768x768xf32>, vector<296x768xf32> -> vector<296x768xf32>
    %get3A_6 = arith.constant 0 : index
    %get3A_7 = arith.constant 0 : index
    %get3A_8 = vector.load %arg3[%get3A_6, %get3A_7] : memref<1x768xf32, #tpu.memory_space<vmem>>, vector<1x768xf32>
    %add3A = vector.broadcast %get3A_8 : vector<1x768xf32> to vector<296x768xf32>
    %add3A_9 = arith.addf %dot_general3A_5, %add3A : vector<296x768xf32>
    %get3A_10 = arith.constant 0 : index
    %get3A_11 = arith.constant 0 : index
    %get3A_12 = vector.load %arg4[%get3A_10, %get3A_11] : memref<296x768xf32, #tpu.memory_space<vmem>>, vector<296x768xf32>
    %add3A_13 = arith.addf %add3A_9, %get3A_12 : vector<296x768xf32>
    %get3A_14 = arith.constant 0 : index
    %get3A_15 = arith.constant 0 : index
    %get3A_16 = vector.load %arg5[%get3A_14, %get3A_15] : memref<1x768xf32, #tpu.memory_space<vmem>>, vector<1x768xf32>
    %get3A_17 = arith.constant 0 : index
    %get3A_18 = arith.constant 0 : index
    %get3A_19 = vector.load %arg6[%get3A_17, %get3A_18] : memref<1x768xf32, #tpu.memory_space<vmem>>, vector<1x768xf32>
    %reduce_sum3A = arith.constant dense<0.000000e+00> : vector<296xf32>
    %reduce_sum3A_20 = vector.multi_reduction <add>, %add3A_13, %reduce_sum3A [1] : vector<296x768xf32> to vector<296xf32>
    %broadcast_in_dim3A = vector.shape_cast %reduce_sum3A_20 : vector<296xf32> to vector<296x1xf32>
    %div3A = arith.constant 7.680000e+02 : f32
    %div3A_21 = vector.broadcast %div3A : f32 to vector<296x1xf32>
    %div3A_22 = arith.divf %broadcast_in_dim3A, %div3A_21 : vector<296x1xf32>
    %mul3A = arith.mulf %add3A_13, %add3A_13 : vector<296x768xf32>
    %reduce_sum3A_23 = arith.constant dense<0.000000e+00> : vector<296xf32>
    %reduce_sum3A_24 = vector.multi_reduction <add>, %mul3A, %reduce_sum3A_23 [1] : vector<296x768xf32> to vector<296xf32>
    %broadcast_in_dim3A_25 = vector.shape_cast %reduce_sum3A_24 : vector<296xf32> to vector<296x1xf32>
    %div3A_26 = arith.constant 7.680000e+02 : f32
    %div3A_27 = vector.broadcast %div3A_26 : f32 to vector<296x1xf32>
    %div3A_28 = arith.divf %broadcast_in_dim3A_25, %div3A_27 : vector<296x1xf32>
    %mul3A_29 = arith.mulf %div3A_22, %div3A_22 : vector<296x1xf32>
    %sub3A = arith.subf %div3A_28, %mul3A_29 : vector<296x1xf32>
    %add3A_30 = arith.constant 9.99999974E-6 : f32
    %add3A_31 = vector.broadcast %add3A_30 : f32 to vector<296x1xf32>
    %add3A_32 = arith.addf %sub3A, %add3A_31 : vector<296x1xf32>
    %sqrt3A = math.sqrt %add3A_32 : vector<296x1xf32>
    %div3A_33 = arith.constant 1.000000e+00 : f32
    %div3A_34 = vector.broadcast %div3A_33 : f32 to vector<296x1xf32>
    %div3A_35 = arith.divf %div3A_34, %sqrt3A : vector<296x1xf32>
    %sub3A_36 = vector.broadcast %div3A_22 : vector<296x1xf32> to vector<296x768xf32>
    %sub3A_37 = arith.subf %add3A_13, %sub3A_36 : vector<296x768xf32>
    %mul3A_38 = vector.broadcast %div3A_35 : vector<296x1xf32> to vector<296x768xf32>
    %mul3A_39 = arith.mulf %sub3A_37, %mul3A_38 : vector<296x768xf32>
    %mul3A_40 = vector.broadcast %get3A_16 : vector<1x768xf32> to vector<296x768xf32>
    %mul3A_41 = arith.mulf %mul3A_39, %mul3A_40 : vector<296x768xf32>
    %add3A_42 = vector.broadcast %get3A_19 : vector<1x768xf32> to vector<296x768xf32>
    %add3A_43 = arith.addf %mul3A_41, %add3A_42 : vector<296x768xf32>
    %get3A_44 = arith.constant 0 : index
    %get3A_45 = arith.constant 0 : index
    %get3A_46 = vector.load %arg7[%get3A_44, %get3A_45] : memref<3072x768xf32, #tpu.memory_space<vmem>>, vector<3072x768xf32>
    %dot_general3A_47 = arith.constant dense<0.000000e+00> : vector<296x3072xf32>
    %dot_general3A_48 = tpu.matmul %add3A_43, %get3A_46, %dot_general3A_47 {dimension_numbers = #tpu.dot_dimension_numbers<[1], [1], [0], [0], [0, 0, 1, 0], [], []>, transpose_lhs_hint = false} : vector<296x768xf32>, vector<3072x768xf32>, vector<296x3072xf32> -> vector<296x3072xf32>
    %get3A_49 = arith.constant 0 : index
    %get3A_50 = arith.constant 0 : index
    %get3A_51 = vector.load %arg8[%get3A_49, %get3A_50] : memref<1x3072xf32, #tpu.memory_space<vmem>>, vector<1x3072xf32>
    %add3A_52 = vector.broadcast %get3A_51 : vector<1x3072xf32> to vector<296x3072xf32>
    %add3A_53 = arith.addf %dot_general3A_48, %add3A_52 : vector<296x3072xf32>
    %max3A = arith.constant 0.000000e+00 : f32
    %max3A_54 = vector.broadcast %max3A : f32 to vector<296x3072xf32>
    %max3A_55 = arith.maximumf %add3A_53, %max3A_54 : vector<296x3072xf32>
    %get3A_56 = arith.constant 0 : index
    %get3A_57 = arith.constant 0 : index
    %get3A_58 = vector.load %arg9[%get3A_56, %get3A_57] : memref<768x3072xf32, #tpu.memory_space<vmem>>, vector<768x3072xf32>
    %dot_general3A_59 = arith.constant dense<0.000000e+00> : vector<296x768xf32>
    %dot_general3A_60 = tpu.matmul %max3A_55, %get3A_58, %dot_general3A_59 {dimension_numbers = #tpu.dot_dimension_numbers<[1], [1], [0], [0], [0, 0, 1, 0], [], []>, transpose_lhs_hint = false} : vector<296x3072xf32>, vector<768x3072xf32>, vector<296x768xf32> -> vector<296x768xf32>
    %get3A_61 = arith.constant 0 : index
    %get3A_62 = arith.constant 0 : index
    %get3A_63 = vector.load %arg10[%get3A_61, %get3A_62] : memref<1x768xf32, #tpu.memory_space<vmem>>, vector<1x768xf32>
    %add3A_64 = vector.broadcast %get3A_63 : vector<1x768xf32> to vector<296x768xf32>
    %add3A_65 = arith.addf %dot_general3A_60, %add3A_64 : vector<296x768xf32>
    %add3A_66 = arith.addf %add3A_65, %add3A_43 : vector<296x768xf32>
    %get3A_67 = arith.constant 0 : index
    %get3A_68 = arith.constant 0 : index
    %get3A_69 = vector.load %arg11[%get3A_67, %get3A_68] : memref<1x768xf32, #tpu.memory_space<vmem>>, vector<1x768xf32>
    %get3A_70 = arith.constant 0 : index
    %get3A_71 = arith.constant 0 : index
    %get3A_72 = vector.load %arg12[%get3A_70, %get3A_71] : memref<1x768xf32, #tpu.memory_space<vmem>>, vector<1x768xf32>
    %reduce_sum3A_73 = arith.constant dense<0.000000e+00> : vector<296xf32>
    %reduce_sum3A_74 = vector.multi_reduction <add>, %add3A_66, %reduce_sum3A_73 [1] : vector<296x768xf32> to vector<296xf32>
    %broadcast_in_dim3A_75 = vector.shape_cast %reduce_sum3A_74 : vector<296xf32> to vector<296x1xf32>
    %div3A_76 = arith.constant 7.680000e+02 : f32
    %div3A_77 = vector.broadcast %div3A_76 : f32 to vector<296x1xf32>
    %div3A_78 = arith.divf %broadcast_in_dim3A_75, %div3A_77 : vector<296x1xf32>
    %mul3A_79 = arith.mulf %add3A_66, %add3A_66 : vector<296x768xf32>
    %reduce_sum3A_80 = arith.constant dense<0.000000e+00> : vector<296xf32>
    %reduce_sum3A_81 = vector.multi_reduction <add>, %mul3A_79, %reduce_sum3A_80 [1] : vector<296x768xf32> to vector<296xf32>
    %broadcast_in_dim3A_82 = vector.shape_cast %reduce_sum3A_81 : vector<296xf32> to vector<296x1xf32>
    %div3A_83 = arith.constant 7.680000e+02 : f32
    %div3A_84 = vector.broadcast %div3A_83 : f32 to vector<296x1xf32>
    %div3A_85 = arith.divf %broadcast_in_dim3A_82, %div3A_84 : vector<296x1xf32>
    %mul3A_86 = arith.mulf %div3A_78, %div3A_78 : vector<296x1xf32>
    %sub3A_87 = arith.subf %div3A_85, %mul3A_86 : vector<296x1xf32>
    %add3A_88 = arith.constant 9.99999974E-6 : f32
    %add3A_89 = vector.broadcast %add3A_88 : f32 to vector<296x1xf32>
    %add3A_90 = arith.addf %sub3A_87, %add3A_89 : vector<296x1xf32>
    %sqrt3A_91 = math.sqrt %add3A_90 : vector<296x1xf32>
    %div3A_92 = arith.constant 1.000000e+00 : f32
    %div3A_93 = vector.broadcast %div3A_92 : f32 to vector<296x1xf32>
    %div3A_94 = arith.divf %div3A_93, %sqrt3A_91 : vector<296x1xf32>
    %sub3A_95 = vector.broadcast %div3A_78 : vector<296x1xf32> to vector<296x768xf32>
    %sub3A_96 = arith.subf %add3A_66, %sub3A_95 : vector<296x768xf32>
    %mul3A_97 = vector.broadcast %div3A_94 : vector<296x1xf32> to vector<296x768xf32>
    %mul3A_98 = arith.mulf %sub3A_96, %mul3A_97 : vector<296x768xf32>
    %mul3A_99 = vector.broadcast %get3A_69 : vector<1x768xf32> to vector<296x768xf32>
    %mul3A_100 = arith.mulf %mul3A_98, %mul3A_99 : vector<296x768xf32>
    %add3A_101 = vector.broadcast %get3A_72 : vector<1x768xf32> to vector<296x768xf32>
    %add3A_102 = arith.addf %mul3A_100, %add3A_101 : vector<296x768xf32>
    %swap3A = arith.constant 0 : index
    %swap3A_103 = arith.constant 0 : index
    %swap3A_104 = vector.load %arg13[%swap3A, %swap3A_103] : memref<296x768xf32, #tpu.memory_space<vmem>>, vector<296x768xf32>
    tpu.vector_store %arg13[%swap3A, %swap3A_103], %add3A_102 {strides = array<i32>} : memref<296x768xf32, #tpu.memory_space<vmem>>, vector<296x768xf32>,
    return
  }
  func.func @transform_0(%arg0: i32) -> (i32, i32) {
    %c0_i32 = arith.constant 0 : i32
    %c0_i32_0 = arith.constant 0 : i32
    return %arg0, %c0_i32 : i32, i32
  }
  func.func @transform_1(%arg0: i32) -> (i32, i32) {
    %c0_i32 = arith.constant 0 : i32
    %c0_i32_0 = arith.constant 0 : i32
    %c0_i32_1 = arith.constant 0 : i32
    return %c0_i32, %c0_i32_0 : i32, i32
  }
  func.func @transform_2(%arg0: i32) -> (i32, i32) {
    %c0_i32 = arith.constant 0 : i32
    %c0_i32_0 = arith.constant 0 : i32
    %c0_i32_1 = arith.constant 0 : i32
    return %c0_i32, %c0_i32_0 : i32, i32
  }
  func.func @transform_3(%arg0: i32) -> (i32, i32) {
    %c0_i32 = arith.constant 0 : i32
    %c0_i32_0 = arith.constant 0 : i32
    return %arg0, %c0_i32 : i32, i32
  }
  func.func @transform_4(%arg0: i32) -> (i32, i32) {
    %c0_i32 = arith.constant 0 : i32
    %c0_i32_0 = arith.constant 0 : i32
    %c0_i32_1 = arith.constant 0 : i32
    return %c0_i32, %c0_i32_0 : i32, i32
  }
  func.func @transform_5(%arg0: i32) -> (i32, i32) {
    %c0_i32 = arith.constant 0 : i32
    %c0_i32_0 = arith.constant 0 : i32
    %c0_i32_1 = arith.constant 0 : i32
    return %c0_i32, %c0_i32_0 : i32, i32
  }
  func.func @transform_6(%arg0: i32) -> (i32, i32) {
    %c0_i32 = arith.constant 0 : i32
    %c0_i32_0 = arith.constant 0 : i32
    %c0_i32_1 = arith.constant 0 : i32
    return %c0_i32, %c0_i32_0 : i32, i32
  }
  func.func @transform_7(%arg0: i32) -> (i32, i32) {
    %c0_i32 = arith.constant 0 : i32
    %c0_i32_0 = arith.constant 0 : i32
    %c0_i32_1 = arith.constant 0 : i32
    return %c0_i32, %c0_i32_0 : i32, i32
  }
  func.func @transform_8(%arg0: i32) -> (i32, i32) {
    %c0_i32 = arith.constant 0 : i32
    %c0_i32_0 = arith.constant 0 : i32
    %c0_i32_1 = arith.constant 0 : i32
    return %c0_i32, %c0_i32_0 : i32, i32
  }
  func.func @transform_9(%arg0: i32) -> (i32, i32) {
    %c0_i32 = arith.constant 0 : i32
    %c0_i32_0 = arith.constant 0 : i32
    %c0_i32_1 = arith.constant 0 : i32
    return %c0_i32, %c0_i32_0 : i32, i32
  }
  func.func @transform_10(%arg0: i32) -> (i32, i32) {
    %c0_i32 = arith.constant 0 : i32
    %c0_i32_0 = arith.constant 0 : i32
    %c0_i32_1 = arith.constant 0 : i32
    return %c0_i32, %c0_i32_0 : i32, i32
  }
  func.func @transform_11(%arg0: i32) -> (i32, i32) {
    %c0_i32 = arith.constant 0 : i32
    %c0_i32_0 = arith.constant 0 : i32
    %c0_i32_1 = arith.constant 0 : i32
    return %c0_i32, %c0_i32_0 : i32, i32
  }
  func.func @transform_12(%arg0: i32) -> (i32, i32) {
    %c0_i32 = arith.constant 0 : i32
    %c0_i32_0 = arith.constant 0 : i32
    return %arg0, %c0_i32 : i32, i32
  }
}

module attributes {stable_mosaic.version = 14 : i64} {
  func.func @body(%arg0: memref<2072x768xf32, #tpu.memory_space<vmem>>, %arg1: memref<768x768xf32, #tpu.memory_space<vmem>>, %arg2: memref<1x768xf32, #tpu.memory_space<vmem>>, %arg3: memref<1x768xf32, #tpu.memory_space<vmem>>) attributes {dimension_semantics = [], scalar_prefetch = 0 : i64, scratch_operands = 0 : i64, tpu.core_type = #tpu.core_type<tc>} {
    %get3A = arith.constant 0 : index
    %get3A_0 = arith.constant 0 : index
    %get3A_1 = vector.load %arg0[%get3A, %get3A_0] : memref<2072x768xf32, #tpu.memory_space<vmem>>, vector<2072x768xf32>
    %reduce_sum3A = arith.constant dense<0.000000e+00> : vector<768xf32>
    %reduce_sum3A_2 = vector.multi_reduction <add>, %get3A_1, %reduce_sum3A [0] : vector<2072x768xf32> to vector<768xf32>
    %broadcast_in_dim3A = vector.shape_cast %reduce_sum3A_2 : vector<768xf32> to vector<1x768xf32>
    %div3A = arith.constant 2.072000e+03 : f32
    %div3A_3 = vector.broadcast %div3A : f32 to vector<1x768xf32>
    %div3A_4 = arith.divf %broadcast_in_dim3A, %div3A_3 : vector<1x768xf32>
    %get3A_5 = arith.constant 0 : index
    %get3A_6 = arith.constant 0 : index
    %get3A_7 = vector.load %arg1[%get3A_5, %get3A_6] : memref<768x768xf32, #tpu.memory_space<vmem>>, vector<768x768xf32>
    %dot_general3A = arith.constant dense<0.000000e+00> : vector<1x768xf32>
    %dot_general3A_8 = tpu.matmul %div3A_4, %get3A_7, %dot_general3A {dimension_numbers = #tpu.dot_dimension_numbers<[1], [1], [0], [0], [0, 0, 1, 0], [], []>, precision = #tpu.contract_precision<fp32>, transpose_lhs_hint = false} : vector<1x768xf32>, vector<768x768xf32>, vector<1x768xf32> -> vector<1x768xf32>
    %get3A_9 = arith.constant 0 : index
    %get3A_10 = arith.constant 0 : index
    %get3A_11 = vector.load %arg2[%get3A_9, %get3A_10] : memref<1x768xf32, #tpu.memory_space<vmem>>, vector<1x768xf32>
    %add3A = arith.addf %dot_general3A_8, %get3A_11 : vector<1x768xf32>
    %swap3A = arith.constant 0 : index
    %swap3A_12 = arith.constant 0 : index
    %swap3A_13 = vector.load %arg3[%swap3A, %swap3A_12] : memref<1x768xf32, #tpu.memory_space<vmem>>, vector<1x768xf32>
    tpu.vector_store %arg3[%swap3A, %swap3A_12], %add3A {strides = array<i32>} : memref<1x768xf32, #tpu.memory_space<vmem>>, vector<1x768xf32>,
    return
  }
}

</mosaic_0001>

<sc_bundles>
// kernel: kernel.16.cloned.1.call-start
scs
__scs_entry_jumppad:
0x0: {  	(pc) =	sbr.rel $0x88, $3  }
0x1: {  	(tag) =	ssettag $0x0;
	lr =	simm.s32 $0x1  }
0x2: {  	[smem:$0x3F78] =	sst lr;
	_ =	strace $0xD0000000  }
0x3: {  	_ = 	snop  }
0x4: {  	_ = 	snop  }
0x5: {  	_ = 	snop  }
0x6: {  	_ = 	snop  }
0x7: {  	_ = 	snop  }
__scs_overlays_trampoline_lowered:
0x8: {  	[smem:$0x3F87] =	sst s0  }
0x9: {  	[smem:$0x3F88] =	sst s1  }
0xa: {  	[smem:$0x3F89] =	sst s2  }
0xb: {  	[smem:$0x3F8A] =	sst s3  }
0xc: {  	[smem:$0x3F8B] =	sst s4  }
0xd: {  	[smem:$0x3F8C] =	sst s5  }
0xe: {  	[smem:$0x3F8D] =	sst s6  }
0xf: {  	[smem:$0x3F8E] =	sst s7  }
0x10: {  	[smem:$0x3F8F] =	sst s8  }
0x11: {  	[smem:$0x3F90] =	sst s9;
	s0 =	simm.s32 @!p0 $0x0  }
0x12: {  	s1 =	sld [smem:$0x3F76];
	s0 =	simm.s32 @p0 $0x1  }
0x13: {  	[smem:$0x3F91] =	sst s0;
	s0 =	simm.s32 @!p1 $0x0  }
0x14: {  	s2 =	sld [smem:$0x3F75];
	s0 =	simm.s32 @p1 $0x1  }
0x15: {  	[smem:$0x3F92] =	sst s0;
	s0 =	simm.s32 @!p2 $0x0  }
0x16: {  	s3 =	sld [smem:$0x3FDB];
	s0 =	simm.s32 @p2 $0x1  }
0x17: {  	s4 =	simm.s32 $0x1BF5;
	[smem:$0x3F94] =	sst s0  }
0x18: {  	s0 =	sld [smem:$0x3F77];
	_ =	swait.ge [sflag:s4], $0x0  }
0x19: {  	s7 =	sld [smem:$0x3F78]  }
0x1a: {  	s8 =	sadd.s32 $0xFFFFE003, lr  }
0x1b: {  	s9 =	sadd.s32 $0xFFFFFEF7, lr;
	s5 =	simm.s32 $0xFFFFFFFF;
	p2 =	slt.u32 s8, $0xFFFFF086  }
0x1c: {  	p1 =	slt.u32 s9, $0xF7A;
	s5 =	simm.s32 @!p2 $0x0  }
0x1d: {  	s5 =	simm.s32 @p1 $0x1;
	p0 =	seq.s32 s7, s2  }
0x1e: {  	s7 =	smul.u32 @!p0 $0xF7A, s2;
	p2 =	seq.s32 @!p0 s5, $0x0  }
0x1f: {  	s9 =	smul.u32 $0xF7A, s1;
	s8 =	simm.s32 @!p0 $0x1BF5;
	p2 =	por !p2, p0  }
0x20: {  	[sflag:s8] =	ssyncset.s32 @!p0 $0xFFFFF086;
	s6 =	sadd.s32 @!p0 s3, s7;
	s7 =	simm.s32 @!p0 $0x108  }
0x21: {  	s3 =	sadd.s32 s3, s9;
	s6 =	sadd.s32 @!p0 $0x88, s6;
	s7 =	simm.s32 @p2 $0x1082  }
0x22: {  	[simem:s7], [sflag:s8] =	dma.local @!p0 [hbm:s6], $0xF7A  }
0x23: {  	s9 =	sor.u32 $0xD0000000, s2;
	s6 =	simm.s32 $0x108;
	_ =	swait.ge @!p0 [sflag:s8], $0x0  }
0x24: {  	s3 =	sadd.s32 $0x88, s3;
	s6 =	simm.s32 @!p1 $0x1082;
	[sflag:s4] =	ssyncset.s32 $0xFFFFF086  }
0x25: {  	[simem:s6], [sflag:s4] =	dma.local [hbm:s3], $0xF7A  }
0x26: {  	[smem:$0x3F78] =	sst s1;
	(tag) =	ssettag s2;
	_ =	strace s9  }
0x27: {  	s1 =	sld [smem:$0x3F88]  }
0x28: {  	s2 =	sld [smem:$0x3F89]  }
0x29: {  	s4 =	sld [smem:$0x3F8B]  }
0x2a: {  	p0 =	seq.s32 s5, $0x0;
	s5 =	sld [smem:$0x3F8C]  }
0x2b: {  	s6 =	sld [smem:$0x3F8D]  }
0x2c: {  	s7 =	sld [smem:$0x3F8E]  }
0x2d: {  	s3 =	simm.s32 $0x108;
	s8 =	sld [smem:$0x3F8F]  }
0x2e: {  	s3 =	simm.s32 @!p0 $0x1082;
	s9 =	sld [smem:$0x3F90]  }
0x2f: {  	lr =	sadd.s32 s0, s3;
	s0 =	sld [smem:$0x3F87]  }
0x30: {  	s3 =	sld [smem:$0x3F8A]  }
0x31: {  	[smem:$0x3F93] =	sst s10  }
0x32: {  	s10 =	sld [smem:$0x3F91];
	_ =	sdelay $0x3  }
0x33: {  	p0 =	seq.s32 s10, $0x1;
	s10 =	sld [smem:$0x3F93];
	_ =	sdelay $0x3  }
0x34: {  	[smem:$0x3F93] =	sst s10  }
0x35: {  	s10 =	sld [smem:$0x3F92];
	_ =	sdelay $0x3  }
0x36: {  	p1 =	seq.s32 s10, $0x1;
	s10 =	sld [smem:$0x3F93];
	_ =	sdelay $0x3  }
0x37: {  	[smem:$0x3F93] =	sst s10  }
0x38: {  	s10 =	sld [smem:$0x3F94]  }
0x39: {  	_ = 	snop;
	(pc) =	sbr.ind lr, $3  }
0x3a: {  	_ = 	snop  }
0x3b: {  	_ = 	snop  }
0x3c: {  	p2 =	seq.s32 s10, $0x1;
	s10 =	sld [smem:$0x3F93]  }
0x3d: {  	_ =	shalt  }
0x3e: {  	_ =	shalt  }
0x3f: {  	_ =	shalt  }
0x40: {  	_ =	shalt  }
0x41: {  	_ =	shalt  }
0x42: {  	_ =	shalt  }
0x43: {  	_ =	shalt  }
0x44: {  	_ =	shalt  }
0x45: {  	_ =	shalt  }
0x46: {  	_ =	shalt  }
0x47: {  	_ =	shalt  }
0x48: {  	_ =	shalt  }
0x49: {  	_ =	shalt  }
0x4a: {  	_ =	shalt  }
0x4b: {  	_ =	shalt  }
0x4c: {  	_ =	shalt  }
0x4d: {  	_ =	shalt  }
0x4e: {  	_ =	shalt  }
0x4f: {  	_ =	shalt  }
0x50: {  	_ =	shalt  }
0x51: {  	_ =	shalt  }
0x52: {  	_ =	shalt  }
0x53: {  	_ =	shalt  }
0x54: {  	_ =	shalt  }
0x55: {  	_ =	shalt  }
0x56: {  	_ =	shalt  }
0x57: {  	_ =	shalt  }
0x58: {  	_ =	shalt  }
0x59: {  	_ =	shalt  }
0x5a: {  	_ =	shalt  }
0x5b: {  	_ =	shalt  }
0x5c: {  	_ =	shalt  }
0x5d: {  	_ =	shalt  }
0x5e: {  	_ =	shalt  }
0x5f: {  	_ =	shalt  }
0x60: {  	_ =	shalt  }
0x61: {  	_ =	shalt  }
0x62: {  	_ =	shalt  }
0x63: {  	_ =	shalt  }
0x64: {  	_ =	shalt  }
0x65: {  	_ =	shalt  }
0x66: {  	_ =	shalt  }
0x67: {  	_ =	shalt  }
0x68: {  	_ =	shalt  }
0x69: {  	_ =	shalt  }
0x6a: {  	_ =	shalt  }
0x6b: {  	_ =	shalt  }
0x6c: {  	_ =	shalt  }
0x6d: {  	_ =	shalt  }
0x6e: {  	_ =	shalt  }
0x6f: {  	_ =	shalt  }
0x70: {  	_ =	shalt  }
0x71: {  	_ =	shalt  }
0x72: {  	_ =	shalt  }
0x73: {  	_ =	shalt  }
0x74: {  	_ =	shalt  }
0x75: {  	_ =	shalt  }
0x76: {  	_ =	shalt  }
0x77: {  	_ =	shalt  }
0x78: {  	_ =	shalt  }
0x79: {  	_ =	shalt  }
0x7a: {  	_ =	shalt  }
0x7b: {  	_ =	shalt  }
0x7c: {  	_ =	shalt  }
0x7d: {  	_ =	shalt  }
0x7e: {  	_ =	shalt  }
0x7f: {  	_ =	shalt  }
0x80: {  	_ =	shalt  }
0x81: {  	_ =	shalt  }
0x82: {  	_ =	shalt  }
0x83: {  	_ =	shalt  }
0x84: {  	_ =	shalt  }
0x85: {  	_ =	shalt  }
0x86: {  	_ =	shalt  }
0x87: {  	_ =	shalt  }
.Lfunc_end0:
.L_simem_size_0:
called_computation_lowered:
.L_overlay_start_0:
0x88: {  	s2 =	sld [smem:$0x3FD9]  }
0x89: {  	s3 =	sld [smem:$0x3FFE];
	_ =	sdelay $0x1  }
0x8a: {  	s1 =	srdreg.scid  }
0x8b: {  	s0 =	sand.u32 $0x1, s1  }
0x8c: {  	s17 =	sshll.u32 s0, $0xA;
	s2 =	sadd.s32 s3, s2  }
0x8d: {  	s2 =	sadd.s32 s2, s17  }
0x8e: {  	[smem:$0x3F9F] =	sst s2  }
0x8f: {  	_ = 	snop  }
0x90: {  	s2 =	sld [smem:$0x3FD0];
	(tm) =	ssettm $0x1  }
0x91: {  	s18 =	sld [smem:$0x3FFB];
	_ =	sdelay $0x3  }
0x92: {  	_ =	strace s18  }
0x93: {  	s3 =	sld [smem:$0x3FFC];
	_ =	sdelay $0x3  }
0x94: {  	_ =	strace s3  }
0x95: {  	s3 =	sld [smem:$0x3FFD];
	_ =	sdelay $0x3  }
0x96: {  	_ =	strace s3  }
0x97: {  	_ =	strace $0x8FFFFFFF  }
0x98: {  	s19 =	sld [smem:$0x3FDB];
	_ =	sdelay $0x1  }
0x99: {  	s4 =	simm.s32 $_scs_section_size  }
0x9a: {  	s5 =	simm.s32 $_size__tile_overlayer_lowered;
	s6 =	simm.s32 $_tile_overlayer_lowered  }
0x9b: {  	s22 =	simm.s32 $0x1BFF;
	s21 =	sshll.u32 s6, $0x1;
	s3 =	sadd.s32 s4, s19  }
0x9c: {  	s7 =	simm.s32 $0x0;
	s20 =	sshll.u32 s5, $0x1;
	s5 =	sadd.s32 s21, s3  }
0x9d: {  	[timem:s7], [sflag:s22] =	dma.local [hbm:s5], s20  }
0x9e: {  	_ =	swait.ge [sflag:s22], s20  }
0x9f: {  	s4 =	ssub.s32 $0x0, s20;
	[sflag:s22] =	ssyncset.done $0x0  }
0xa0: {  	[sflag:s22] =	ssyncadd.s32 s4;
	_ =	sdelay $0x1  }
0xa1: {  	s23 =	simm.s32 $0x1B8B  }
0xa2: {  	_ =	swait.ge [sflag:s23], $0x1  }
0xa3: {  	[sflag:s23] =	ssyncset.done $0x0  }
0xa4: {  	s25 =	simm.s32 $0x1B8E;
	s24 =	sld [smem:$0x3FFE];
	[sflag:s23] =	ssyncadd.s32 $0xFFFFFFFF  }
0xa5: {  	s26 =	simm.s32 $execute0_lowered;
	[smem:$0x3FD2] =	sst s25  }
0xa6: {  	s5 =	sshll.u32 s26, $0x1;
	_ =	strace $0x80000046;
	[dreg:$0x1] =	wrdreg $0xFFFFFFFF  }
0xa7: {  	s28 =	simm.s32 $_size_execute0_lowered;
	s3 =	sadd.s32 s3, s5;
	[dreg:$0x0] =	wrdreg $0x0  }
0xa8: {  	s5 =	sshll.u32 s28, $0x1;
	[dreg:$0x2] =	wrdreg s3  }
0xa9: {  	[dreg:$0x3] =	wrdreg s5  }
0xaa: {  	[dreg:$0x4] =	wrdreg $0xC0  }
0xab: {  	_ =	task [dreg:s7], $0x5FFFF  }
0xac: {  	[dreg:$0x1] =	wrdreg $0xFFFFFFFF  }
0xad: {  	[dreg:$0x0] =	wrdreg $0x60  }
0xae: {  	[dreg:$0x2] =	wrdreg s24  }
0xaf: {  	[dreg:$0x3] =	wrdreg s2  }
0xb0: {  	[dreg:$0x4] =	wrdreg $0x9  }
0xb1: {  	_ =	task.clear_ibuf [dreg:s7], $0x5FFFF;
	_ =	strace $0x90000046  }
0xb2: {  	s29 =	simm.s32 $0x9;
	_ =	strace $0x80000048  }
0xb3: {  	_ =	swait.ge [sflag:s29], $0x1  }
0xb4: {  	[sflag:s29] =	ssyncadd.s32 $0xFFFFFFFF  }
0xb5: {  	_ =	strace $0x90000048  }
0xb6: {  	_ =	sfence  }
0xb7: {  	s30 =	sld [smem:$0x0];
	_ =	sdelay $0x2  }
0xb8: {  	s31 =	sshll.u32 s1, $0xD;
	s1 =	sshrl.u32 s1, $0x2  }
0xb9: {  	s3 =	sand.u32 $0x4000, s31;
	s1 =	sadd.s32 s1, s30  }
0xba: {  	s0 =	sor.u32 s3, s0;
	s1 =	sshll.u32 s1, $0x11  }
0xbb: {  	s0 =	sor.u32 s1, s0  }
0xbc: {  	s0 =	sadd.s32 $0x8F2B, s0  }
0xbd: {  	[sflag:s0] =	ssyncadd.remote.s32 $0x1  }
0xbe: {  	_ =	sfence.sel $0xFFFF  }
0xbf: {  	[dreg:$0x0] =	wrdreg $0xFFFFFFFF;
	(pc) =	sbr.abs _section_cstart, $3  }
0xc0: {  	[dreg:$0x1] =	wrdreg $0xFFFFFFFF  }
0xc1: {  	_ =	task.clear_ibuf [dreg:s7], $0x2FFFF;
	_ =	strace $0x9FFFFFFF  }
0xc2: {  	(tm) =	ssettm $0x7FFFFFFF  }
0xc3: {  	_ =	shalt  }
tec
execute0_lowered:
.L_overlay_start_1:
0x0: {  	(tag) =	ssettag $0x1  }
0x1: {  	s1 =	srdreg.scid  }
0x2: {  	s2 =	stileid.u32;
	s1 =	sand.u32 $0x1, s1  }
0x3: {  	s2 =	sshll.u32 s2, $0x1;
	s3 =	ssub.s32 $0x0, s1  }
0x4: {  	p0 =	sne.s32 s2, s3  }
.Ltmp0:
0x5: {  	_ = 	snop;
	(pc) =	sbr.rel @p0 .LBB2_5-.Ltmp0, $2  }
0x6: {  	_ =	sdelay $0x2  }
0x7: {  	s0 =	rddreg [dreg:$0x0];
	_ =	strace $0x80000047  }
0x8: {  	v9 =	vlaneseq.u32  }
0x9: {  	v0 =	vor.u32 $0x10, v9  }
0xa: {  	v2 =	vor.u32 $0x340, v9;
	[tilespmem:$0x1FBF0] =	vst v0  }
0xb: {  	v1 =	vor.u32 $0x350, v9;
	[tilespmem:$0x1FC50] =	vst v2  }
0xc: {  	v57 =	vor.u32 $0x100, v9;
	[tilespmem:$0x1FC60] =	vst v1  }
0xd: {  	v55 =	vor.u32 $0x130, v9;
	[tilespmem:$0x1FCD0] =	vst v57  }
0xe: {  	v53 =	vor.u32 $0x140, v9;
	[tilespmem:$0x1FCE0] =	vst v55  }
0xf: {  	v52 =	vor.u32 $0x150, v9;
	[tilespmem:$0x1FCF0] =	vst v53  }
0x10: {  	v54 =	vor.u32 $0x160, v9;
	[tilespmem:$0x1FD00] =	vst v52  }
0x11: {  	v58 =	vor.u32 $0x170, v9;
	[tilespmem:$0x1FD10] =	vst v54  }
0x12: {  	v56 =	vor.u32 $0x180, v9;
	[tilespmem:$0x1FD20] =	vst v58  }
0x13: {  	v48 =	vor.u32 $0x190, v9;
	[tilespmem:$0x1FD30] =	vst v56  }
0x14: {  	v47 =	vor.u32 $0x1A0, v9;
	[tilespmem:$0x1FD40] =	vst v48  }
0x15: {  	v46 =	vor.u32 $0x1B0, v9;
	[tilespmem:$0x1FD50] =	vst v47  }
0x16: {  	v45 =	vor.u32 $0x1C0, v9;
	[tilespmem:$0x1FD60] =	vst v46  }
0x17: {  	v44 =	vor.u32 $0x1D0, v9;
	[tilespmem:$0x1FD70] =	vst v45  }
0x18: {  	v43 =	vor.u32 $0x1E0, v9;
	[tilespmem:$0x1FD80] =	vst v44  }
0x19: {  	v42 =	vor.u32 $0x1F0, v9;
	[tilespmem:$0x1FD90] =	vst v43  }
0x1a: {  	v41 =	vor.u32 $0x200, v9;
	[tilespmem:$0x1FDA0] =	vst v42  }
0x1b: {  	v40 =	vor.u32 $0x210, v9;
	[tilespmem:$0x1FDB0] =	vst v41  }
0x1c: {  	v39 =	vor.u32 $0x220, v9;
	[tilespmem:$0x1FDC0] =	vst v40  }
0x1d: {  	v38 =	vor.u32 $0x230, v9;
	[tilespmem:$0x1FDD0] =	vst v39  }
0x1e: {  	v37 =	vor.u32 $0x240, v9;
	[tilespmem:$0x1FDE0] =	vst v38  }
0x1f: {  	v36 =	vor.u32 $0x250, v9;
	[tilespmem:$0x1FDF0] =	vst v37  }
0x20: {  	v35 =	vor.u32 $0x260, v9;
	[tilespmem:$0x1FE00] =	vst v36  }
0x21: {  	v33 =	vor.u32 $0x280, v9;
	[tilespmem:$0x1FE10] =	vst v35  }
0x22: {  	v32 =	vor.u32 $0x290, v9;
	[tilespmem:$0x1FE20] =	vst v33  }
0x23: {  	v59 =	vor.u32 $0x2B0, v9;
	[tilespmem:$0x1FE30] =	vst v32  }
0x24: {  	v60 =	vor.u32 $0x2D0, v9;
	[tilespmem:$0x1FE40] =	vst v59  }
0x25: {  	v28 =	vor.u32 $0x2E0, v9;
	[tilespmem:$0x1FE50] =	vst v60  }
0x26: {  	v29 =	vor.u32 $0x2F0, v9;
	[tilespmem:$0x1FE60] =	vst v28  }
0x27: {  	v34 =	vor.u32 $0x300, v9;
	[tilespmem:$0x1FE70] =	vst v29  }
0x28: {  	v30 =	vor.u32 $0x310, v9;
	[tilespmem:$0x1FE80] =	vst v34  }
0x29: {  	v61 =	vor.u32 $0x330, v9;
	[tilespmem:$0x1FE90] =	vst v30  }
0x2a: {  	v18 =	vor.u32 $0x370, v9;
	[tilespmem:$0x1FEA0] =	vst v61  }
0x2b: {  	v21 =	vor.u32 $0xE0, v9;
	[tilespmem:$0x1FEB0] =	vst v18  }
0x2c: {  	v26 =	vor.u32 $0x110, v9;
	[tilespmem:$0x1FEC0] =	vst v21  }
0x2d: {  	v17 =	vor.u32 $0xD0, v9;
	[tilespmem:$0x1FED0] =	vst v26  }
0x2e: {  	v25 =	vor.u32 $0xF0, v9;
	[tilespmem:$0x1FEE0] =	vst v17  }
0x2f: {  	v27 =	vor.u32 $0x120, v9;
	[tilespmem:$0x1FEF0] =	vst v25  }
0x30: {  	v63 =	vor.u32 $0x380, v9;
	[tilespmem:$0x1FF00] =	vst v27  }
0x31: {  	v51 =	vor.u32 $0x50, v9;
	[tilespmem:$0x1FF20] =	vst v63  }
0x32: {  	v50 =	vor.u32 $0x40, v9;
	[tilespmem:$0x1FF50] =	vst v51  }
0x33: {  	v16 =	vor.u32 $0x30, v9;
	[tilespmem:$0x1FF60] =	vst v50  }
0x34: {  	v3 =	vimm.s32 $0xBA98FEDC;
	v4 =	vimm.s32 $0x32107654;
	v49 =	vor.u32 $0x20, v9;
	[tilespmem:$0x1FF70] =	vst v16  }
0x35: {  	v8 =	vimm.s32 $0xDCFE98BA;
	v6 =	vimm.s32 $0x54761032;
	v10 =	vor.u32 $0x60, v9;
	[tilespmem:$0x1FF90] =	vst v49  }
0x36: {  	v7 =	vimm.s32 $0xEFCDAB89;
	v12 =	vor.u32 $0x70, v9;
	v5 =	vor.u32 $0x80, v9;
	[tilespmem:$0x1FFB0] =	vst v10  }
0x37: {  	v13 =	vor.u32 $0x90, v9;
	v14 =	vor.u32 $0xB0, v9;
	v3 =	vunpack.c.l.s4.s8 v3;
	[tilespmem:$0x1FFC0] =	vst v12  }
0x38: {  	v4 =	vunpack.c.l.s4.s8 v4;
	v11 =	vunpack.c.l.s4.s8 v8;
	v0 =	vor.u32 $0xC0, v9;
	[tilespmem:$0x1FFD0] =	vst v5  }
0x39: {  	v6 =	vunpack.c.l.s4.s8 v6;
	v8 =	vimm.s32 $0x67452301;
	[tilespmem:$0x1FC00] =	vst v0;
	v0 =	vor.u32 $0x270, v9  }
0x3a: {  	v7 =	vunpack.c.l.s4.s8 v7;
	v2 =	vimm.s32 $0xFEDCBA98;
	[tilespmem:$0x1FC10] =	vst v0;
	v0 =	vor.u32 $0x2A0, v9  }
0x3b: {  	v1 =	vor.u32 $0x360, v9;
	v8 =	vunpack.c.l.s4.s8 v8;
	[tilespmem:$0x1FC20] =	vst v0;
	v0 =	vor.u32 $0x2C0, v9  }
0x3c: {  	v2 =	vunpack.c.l.s4.s8 v2;
	v3 =	vunpack.c.0.s8.s32 v3;
	[tilespmem:$0x1FC30] =	vst v0;
	v0 =	vor.u32 $0x320, v9  }
0x3d: {  	v4 =	vunpack.c.0.s8.s32 v4;
	v11 =	vunpack.c.0.s8.s32 v11;
	[tilespmem:$0x1FC40] =	vst v0;
	v0 =	vimm.s32 $0x76543210  }
0x3e: {  	[tilespmem:$0x1FFE0] =	vst v13;
	v6 =	vunpack.c.0.s8.s32 v6;
	v2 =	vunpack.c.0.s8.s32 v2;
	v0 =	vunpack.c.l.s4.s8 v0  }
0x3f: {  	[tilespmem:$0x1FFF0] =	vst v14;
	v3 =	vcombine.low v4, v3;
	v4 =	vunpack.c.0.s8.s32 v7;
	v7 =	vunpack.c.0.s8.s32 v8  }
0x40: {  	s3 =	sadd.s32 $0xAAC00, s0;
	s4 =	sadd.s32 $0x92600, s0;
	[tilespmem:$0x1FF30] =	vst v1;
	v8 =	vcombine.low v6, v11;
	v6 =	vor.u32 $0x390, v9;
	v0 =	vunpack.c.0.s8.s32 v0  }
0x41: {  	s5 =	sadd.s32 $0xAAE00, s0;
	s6 =	sadd.s32 $0x137400, s0;
	[tilespmem:$0x1FC70] =	vst v6;
	v6 =	vor.u32 $0x3A0, v9;
	v2 =	vand.u32 $0xF, v2  }
0x42: {  	s7 =	sadd.s32 $0x135200, s0;
	s8 =	sadd.s32 $0x92700, s0;
	s9 =	sadd.s32 $0x92800, s0;
	[tilespmem:$0x1FC80] =	vst v6;
	v0 =	vcombine.low v2, v0;
	v2 =	vor.u32 $0x3B0, v9  }
0x43: {  	s10 =	sadd.s32 $0xAAF00, s0;
	s11 =	sadd.s32 $0xAB000, s0;
	s12 =	sadd.s32 $0xAB100, s0;
	[tilespmem:$0x1FF10] =	vst v2  }
0x44: {  	s13 =	sadd.s32 $0xAB200, s0;
	s1 =	ssub.s32 $0x2, s1;
	s14 =	sadd.s32 $0xAB300, s0;
	[tilespmem:$0x1FC90] =	vst v0;
	v0 =	vand.u32 $0xF, v3  }
0x45: {  	s15 =	sadd.s32 $0xAB400, s0;
	s16 =	sadd.s32 $0xAB500, s0;
	s17 =	sadd.s32 $0xAB600, s0;
	v4 =	vcombine.low v7, v4;
	v3 =	vor.u32 $0x3D0, v9;
	[tilespmem:$0x1FCA0] =	vst v0  }
0x46: {  	s19 =	simm.s32 $0x0;
	s20 =	simm.s32 $0x2;
	s21 =	simm.s32 $0x500;
	v0 =	vand.u32 $0xF, v8;
	[tilespmem:$0x1FF40] =	vst v3  }
0x47: {  	s31 =	simm.s32 $0x15100;
	s0 =	simm.s32 $0x16100;
	s22 =	simm.s32 $0x16900;
	[tilespmem:$0x1FCB0] =	vst v0;
	v0 =	vand.u32 $0xF, v4  }
0x48: {  	s23 =	simm.s32 $0x17100;
	s24 =	simm.s32 $0x1;
	s2 =	sshrl.u32 s1, $0x1;
	v4 =	vor.u32 $0x3E0, v9;
	[tilespmem:$0x1FCC0] =	vst v0  }
0x49: {  	s25 =	simm.s32 $0x480;
	s26 =	simm.s32 $0x0;
	s30 =	ssub.s32 s1, s2;
	v0 =	vor.u32 $0x3C0, v9;
	[tilespmem:$0x1FF80] =	vst v4  }
0x4a: {  	v62 =	vor.u32 $0xA0, v9;
	s2 =	simm.s32 $0x6500;
	s1 =	simm.s32 $0x15900;
	s18 =	smax.u32 s30, $0x1;
	[tilespmem:$0x1FFA0] =	vst v0  }
.LBB2_2:
0x4b: {  	[tilespmem:s19], [sflag:$0x2] =	stream.linear.gather [hbm4b:s3+s19], $0x480, $0x38;
	[tilespmem:$0x17500] =	vst v63  }
0x4c: {  	_ =	swait.ge [sflag:s20], $0x480  }
0x4d: {  	[sflag:s20] =	ssyncset.done $0x0  }
0x4e: {  	[sflag:s20] =	ssyncadd.s32 $0xFFFFFB80  }
0x4f: {  	v6 =	vld [tilespmem:$0x400]  }
0x50: {  	v7 =	vld [tilespmem:$0x3F0]  }
0x51: {  	v8 =	vld [tilespmem:$0x3E0]  }
0x52: {  	v34 =	vmov v0;
	v0 =	vlaneseq.u32;
	v9 =	vld [tilespmem:$0x3D0]  }
0x53: {  	v59 =	vmovc v13;
	v13 =	vmov v10;
	v37 =	vimm.s32 $0xFFFFFFFF;
	v31 =	vor.u32 $0x3F0, v0;
	v10 =	vld [tilespmem:$0x3C0]  }
0x54: {  	v32 =	vor.u32 $0x400, v0;
	vm7 =	veq.s32 v37, v31  }
0x55: {  	v7 =	vsel vm7, $0xFF61B1E6, v7;
	vm7 =	veq.s32 v37, v32  }
0x56: {  	v6 =	vsel vm7, $0xFF61B1E6, v6;
	vm7 =	veq.s32 v37, v3  }
0x57: {  	vm8 =	veq.s32 v37, v34;
	v15 =	vld [tilespmem:$0x390];
	v9 =	vsel vm7, $0xFF61B1E6, v9;
	vm7 =	veq.s32 v37, v4  }
0x58: {  	[tilespmem:$0x1FBD0] =	vst v6;
	v6 =	vsel vm8, $0xFF61B1E6, v10;
	v10 =	vld [tilespmem:$0x1FC70];
	v8 =	vsel vm7, $0xFF61B1E6, v8  }
0x59: {  	[tilespmem:$0x1FBA0] =	vst v8;
	v8 =	vld [tilespmem:$0x1FC80]  }
0x5a: {  	v28 =	vmov v12;
	v12 =	vld [tilespmem:$0x3A0];
	_ =	sdelay $0x2  }
0x5b: {  	v11 =	vld [tilespmem:$0x3B0];
	vm8 =	veq.s32 v37, v10  }
0x5c: {  	v19 =	vld [tilespmem:$0x360];
	vm7 =	veq.s32 v37, v8;
	v8 =	vsel vm8, $0xFF61B1E6, v15  }
0x5d: {  	[tilespmem:$0x1FB50] =	vst v8;
	v8 =	vsel vm7, $0xFF61B1E6, v12;
	vm7 =	veq.s32 v37, v2;
	v2 =	vld [tilespmem:$0x1FEB0]  }
0x5e: {  	v18 =	vld [tilespmem:$0x370]  }
0x5f: {  	v33 =	vmov v5;
	v5 =	vmov v16;
	v16 =	vld [tilespmem:$0x380];
	_ =	sdelay $0x1  }
0x60: {  	vm8 =	veq.s32 v37, v1  }
0x61: {  	v14 =	vld [tilespmem:$0x350];
	[tilespmem:$0x1FB60] =	vst v8;
	v8 =	vsel vm7, $0xFF61B1E6, v11;
	vm7 =	veq.s32 v37, v2;
	v2 =	vsel vm8, $0xFF61B1E6, v19  }
0x62: {  	v22 =	vld [tilespmem:$0x330];
	[tilespmem:$0x1FB20] =	vst v2;
	v2 =	vsel vm7, $0xFF61B1E6, v18;
	vm7 =	veq.s32 v37, v63  }
0x63: {  	v1 =	vld [tilespmem:$0x1FC50];
	[tilespmem:$0x1FB30] =	vst v2;
	v2 =	vsel vm7, $0xFF61B1E6, v16  }
0x64: {  	[tilespmem:$0x1FB40] =	vst v2;
	v2 =	vld [tilespmem:$0x1FE80]  }
0x65: {  	v20 =	vld [tilespmem:$0x340]  }
0x66: {  	v24 =	vld [tilespmem:$0x310]  }
0x67: {  	v29 =	vld [tilespmem:$0x300]  }
0x68: {  	vm8 =	veq.s32 v37, v61;
	vm7 =	veq.s32 v37, v1;
	v1 =	vld [tilespmem:$0x1FC60]  }
0x69: {  	v22 =	vsel vm8, $0xFF61B1E6, v22;
	vm8 =	veq.s32 v37, v2;
	v2 =	vld [tilespmem:$0x1FE90]  }
0x6a: {  	v61 =	vsel vm7, $0xFF61B1E6, v20;
	v20 =	vld [tilespmem:$0x1FC40]  }
0x6b: {  	v23 =	vld [tilespmem:$0x320]  }
0x6c: {  	[tilespmem:$0x1FBB0] =	vst v7;
	v7 =	vld [tilespmem:$0x2D0]  }
0x6d: {  	vm7 =	veq.s32 v37, v1  }
0x6e: {  	[tilespmem:$0x1FBC0] =	vst v31;
	v63 =	vsel vm7, $0xFF61B1E6, v14;
	v1 =	vsel vm8, $0xFF61B1E6, v29;
	vm7 =	veq.s32 v37, v2;
	v2 =	vld [tilespmem:$0x1FE60]  }
0x6f: {  	[tilespmem:$0x1FAF0] =	vst v1;
	v1 =	vsel vm7, $0xFF61B1E6, v24;
	vm7 =	veq.s32 v37, v20  }
0x70: {  	vm8 =	veq.s32 v37, v60;
	[tilespmem:$0x1FB00] =	vst v1;
	v1 =	vsel vm7, $0xFF61B1E6, v23  }
0x71: {  	v31 =	vld [tilespmem:$0x2E0];
	[tilespmem:$0x1FB10] =	vst v1;
	v1 =	vsel vm8, $0xFF61B1E6, v7  }
0x72: {  	[tilespmem:$0x1FAD0] =	vst v1;
	v1 =	vld [tilespmem:$0x1FC20]  }
0x73: {  	vm7 =	veq.s32 v37, v2;
	v2 =	vld [tilespmem:$0x1FE70]  }
0x74: {  	v30 =	vld [tilespmem:$0x2F0];
	_ =	sdelay $0x2  }
0x75: {  	vm14 =	veq.s32 v37, v53  }
0x76: {  	v53 =	vld [tilespmem:$0x2B0];
	vm8 =	veq.s32 v37, v1;
	v1 =	vsel vm7, $0xFF61B1E6, v31;
	vm7 =	veq.s32 v37, v2  }
0x77: {  	vm11 =	veq.s32 v37, v54;
	v54 =	vld [tilespmem:$0x2A0];
	v2 =	vsel vm7, $0xFF61B1E6, v30  }
0x78: {  	[tilespmem:$0x1FAE0] =	vst v2;
	v2 =	vld [tilespmem:$0x1FE40]  }
0x79: {  	v60 =	vld [tilespmem:$0x1FC30]  }
0x7a: {  	[tilespmem:$0x1FB80] =	vst v6;
	v6 =	vld [tilespmem:$0x2C0];
	_ =	sdelay $0x2  }
0x7b: {  	vm7 =	veq.s32 v37, v2;
	v2 =	vsel vm8, $0xFF61B1E6, v54  }
0x7c: {  	[tilespmem:$0x1FAA0] =	vst v2;
	v2 =	vsel vm7, $0xFF61B1E6, v53;
	vm7 =	veq.s32 v37, v60  }
0x7d: {  	[tilespmem:$0x1FAB0] =	vst v2;
	v2 =	vsel vm7, $0xFF61B1E6, v6  }
0x7e: {  	[tilespmem:$0x1FAC0] =	vst v2;
	v2 =	vld [tilespmem:$0x1FE20];
	_ =	sdelay $0x2  }
0x7f: {  	v36 =	vld [tilespmem:$0x270]  }
0x80: {  	v23 =	vld [tilespmem:$0x1FC10]  }
0x81: {  	vm7 =	veq.s32 v37, v2;
	v2 =	vld [tilespmem:$0x1FDF0];
	_ =	sdelay $0x3  }
0x82: {  	v38 =	vld [tilespmem:$0x280];
	vm8 =	veq.s32 v37, v23  }
0x83: {  	v36 =	vsel vm8, $0xFF61B1E6, v36;
	vm8 =	veq.s32 v37, v2;
	v2 =	vld [tilespmem:$0x1FE30];
	_ =	sdelay $0x3  }
0x84: {  	v35 =	vld [tilespmem:$0x290]  }
0x85: {  	v30 =	vsel vm7, $0xFF61B1E6, v38;
	vm7 =	veq.s32 v37, v2;
	v2 =	vld [tilespmem:$0x1FE00];
	_ =	sdelay $0x3  }
0x86: {  	v24 =	vld [tilespmem:$0x240]  }
0x87: {  	v29 =	vsel vm7, $0xFF61B1E6, v35;
	vm7 =	veq.s32 v37, v2;
	v2 =	vld [tilespmem:$0x1FDC0];
	_ =	sdelay $0x3  }
0x88: {  	v40 =	vld [tilespmem:$0x250]  }
0x89: {  	v38 =	vsel vm8, $0xFF61B1E6, v24;
	vm8 =	veq.s32 v37, v2;
	v2 =	vld [tilespmem:$0x1FE10];
	_ =	sdelay $0x3  }
0x8a: {  	v41 =	vld [tilespmem:$0x210]  }
0x8b: {  	v35 =	vsel vm7, $0xFF61B1E6, v40;
	vm7 =	veq.s32 v37, v2;
	v2 =	vld [tilespmem:$0x1FD90];
	_ =	sdelay $0x2  }
0x8c: {  	v39 =	vld [tilespmem:$0x260]  }
0x8d: {  	v7 =	vld [tilespmem:$0x180]  }
0x8e: {  	v24 =	vsel vm8, $0xFF61B1E6, v41;
	vm8 =	veq.s32 v37, v2;
	v2 =	vld [tilespmem:$0x1FDA0];
	_ =	sdelay $0x3  }
0x8f: {  	vm9 =	veq.s32 v37, v56;
	v6 =	vld [tilespmem:$0x150]  }
0x90: {  	v34 =	vsel vm7, $0xFF61B1E6, v39;
	v39 =	vsel vm9, $0xFF61B1E6, v7;
	vm9 =	veq.s32 v37, v2;
	v2 =	vld [tilespmem:$0x1FDB0];
	_ =	sdelay $0x3  }
0x91: {  	vm10 =	veq.s32 v37, v52;
	v56 =	vld [tilespmem:$0x160]  }
0x92: {  	v40 =	vsel vm10, $0xFF61B1E6, v6;
	vm10 =	veq.s32 v37, v2;
	v2 =	vld [tilespmem:$0x1FDD0];
	_ =	sdelay $0x1  }
0x93: {  	v42 =	vld [tilespmem:$0x140]  }
0x94: {  	v43 =	vld [tilespmem:$0x130]  }
0x95: {  	vm2 =	veq.s32 v37, v45;
	v45 =	vld [tilespmem:$0x120]  }
0x96: {  	v54 =	vsel vm11, $0xFF61B1E6, v56;
	vm11 =	veq.s32 v37, v2;
	v2 =	vld [tilespmem:$0x1FDE0]  }
0x97: {  	vm15 =	veq.s32 v37, v58;
	v58 =	vld [tilespmem:$0xF0]  }
0x98: {  	vm3 =	veq.s32 v37, v46;
	v46 =	vld [tilespmem:$0x0]  }
0x99: {  	vm6 =	veq.s32 v37, v17;
	v31 =	vld [tilespmem:$0x170]  }
0x9a: {  	vm5 =	veq.s32 v37, v21;
	vm13 =	veq.s32 v37, v25;
	vm12 =	veq.s32 v37, v27;
	v7 =	vld [tilespmem:$0x100]  }
0x9b: {  	vm4 =	veq.s32 v37, v26;
	[tilespmem:$0x1FBE0] =	vst v32;
	v32 =	vsel vm12, $0xFF61B1E6, v45;
	vm12 =	veq.s32 v37, v2;
	v2 =	vld [tilespmem:$0x1FBF0]  }
0x9c: {  	vm0 =	veq.s32 v37, v48;
	vm1 =	veq.s32 v37, v47;
	v52 =	vld [tilespmem:$0x10];
	v17 =	vsel vm14, $0xFF61B1E6, v42  }
0x9d: {  	v47 =	vsel vm13, $0xFF61B1E6, v58;
	vm13 =	veq.s32 v37, v0;
	vm14 =	veq.s32 v37, v50  }
0x9e: {  	vm7 =	veq.s32 v37, v44;
	v44 =	vsel vm15, $0xFF61B1E6, v31;
	vm15 =	veq.s32 v37, v55;
	v55 =	vld [tilespmem:$0x20]  }
0x9f: {  	v53 =	vld [tilespmem:$0x30];
	v31 =	vsel vm15, $0xFF61B1E6, v43;
	vm15 =	veq.s32 v37, v57;
	v57 =	vsel vm13, $0xFF61B1E6, v46  }
0xa0: {  	v48 =	vmax.f32 v57, $-3.000000010e+38;
	v58 =	vsel vm15, $0xFF61B1E6, v7;
	vm13 =	veq.s32 v37, v2  }
0xa1: {  	v43 =	vld [tilespmem:$0x40];
	vm15 =	veq.s32 v37, v49;
	v18 =	vsel vm13, $0xFF61B1E6, v52;
	vm13 =	vgt.f32 v57, $-3.000000010e+38  }
0xa2: {  	v52 =	vnsel vm13, $0x40000000, v0;
	vm13 =	vgt.f32 v18, v48;
	v45 =	vmax.f32 v48, v18;
	v48 =	vld [tilespmem:$0x50]  }
0xa3: {  	v56 =	vsel vm15, $0xFF61B1E6, v55;
	v46 =	vsel vm13, v2, v52;
	vm13 =	veq.s32 v37, v5  }
0xa4: {  	vm15 =	vgt.f32 v56, v45;
	v42 =	vmax.f32 v45, v56;
	v55 =	vsel vm13, $0xFF61B1E6, v53  }
0xa5: {  	v41 =	vld [tilespmem:$0x60];
	v53 =	vsel vm15, v49, v46;
	vm13 =	vgt.f32 v55, v42;
	v42 =	vmax.f32 v42, v55  }
0xa6: {  	v46 =	vld [tilespmem:$0x70];
	v45 =	vsel vm13, v5, v53;
	v53 =	vsel vm14, $0xFF61B1E6, v43;
	vm13 =	veq.s32 v37, v51  }
0xa7: {  	v43 =	vld [tilespmem:$0x80];
	vm14 =	vgt.f32 v53, v42;
	v42 =	vmax.f32 v42, v53;
	v52 =	vsel vm13, $0xFF61B1E6, v48  }
0xa8: {  	vm15 =	veq.s32 v37, v62;
	v45 =	vsel vm14, v50, v45;
	vm14 =	vgt.f32 v52, v42  }
0xa9: {  	vm13 =	veq.s32 v37, v33;
	v45 =	vsel vm14, v51, v45;
	vm14 =	veq.s32 v37, v13;
	v51 =	vld [tilespmem:$0x90]  }
0xaa: {  	v0 =	vld [tilespmem:$0x1FFF0];
	v42 =	vmax.f32 v42, v52;
	v50 =	vsel vm14, $0xFF61B1E6, v41;
	vm14 =	veq.s32 v37, v28  }
0xab: {  	v41 =	vld [tilespmem:$0xA0];
	v48 =	vsel vm14, $0xFF61B1E6, v46;
	vm14 =	vgt.f32 v50, v42;
	v42 =	vmax.f32 v42, v50  }
0xac: {  	v46 =	vld [tilespmem:$0xB0];
	v49 =	vsel vm13, $0xFF61B1E6, v43;
	v45 =	vsel vm14, v13, v45;
	vm14 =	vgt.f32 v48, v42  }
0xad: {  	v3 =	vld [tilespmem:$0x1FC00];
	vm13 =	veq.s32 v37, v59;
	v42 =	vmax.f32 v42, v48;
	v45 =	vsel vm14, v28, v45  }
0xae: {  	vm14 =	vgt.f32 v49, v42;
	v42 =	vmax.f32 v42, v49;
	v51 =	vsel vm13, $0xFF61B1E6, v51  }
0xaf: {  	v6 =	vsel vm14, v33, v45;
	vm14 =	vgt.f32 v51, v42;
	v42 =	vmax.f32 v42, v51  }
0xb0: {  	v43 =	vld [tilespmem:$0xC0];
	v45 =	vsel vm15, $0xFF61B1E6, v41;
	vm15 =	veq.s32 v37, v0;
	v6 =	vsel vm14, v59, v6  }
0xb1: {  	v11 =	vld [tilespmem:$0xD0];
	v41 =	vmax.f32 v42, v45;
	v46 =	vsel vm15, $0xFF61B1E6, v46;
	vm14 =	vgt.f32 v45, v42  }
0xb2: {  	vm13 =	veq.s32 v37, v3;
	v37 =	vld [tilespmem:$0x110];
	v6 =	vsel vm14, v62, v6;
	vm14 =	vgt.f32 v46, v41  }
0xb3: {  	v6 =	vsel vm14, v0, v6;
	v0 =	vld [tilespmem:$0x1FEE0]  }
0xb4: {  	[tilespmem:$0x1FB70] =	vst v8;
	v8 =	vld [tilespmem:$0xE0]  }
0xb5: {  	v43 =	vsel vm13, $0xFF61B1E6, v43;
	v59 =	vmax.f32 v41, v46  }
0xb6: {  	v19 =	vsel vm6, $0xFF61B1E6, v11;
	v7 =	vmax.f32 v59, v43;
	vm15 =	vgt.f32 v43, v59  }
0xb7: {  	[tilespmem:$0x1FB90] =	vst v9;
	v9 =	vsel vm15, v3, v6;
	v37 =	vsel vm4, $0xFF61B1E6, v37;
	vm4 =	vgt.f32 v19, v7  }
0xb8: {  	v9 =	vsel vm4, v0, v9;
	v0 =	vld [tilespmem:$0x1FCD0]  }
0xb9: {  	v41 =	vsel vm5, $0xFF61B1E6, v8;
	v8 =	vmax.f32 v7, v19  }
0xba: {  	v33 =	vmax.f32 v8, v41;
	vm5 =	vgt.f32 v41, v8  }
0xbb: {  	v6 =	vmax.f32 v33, v47;
	vm6 =	vgt.f32 v47, v33;
	v9 =	vsel vm5, v21, v9  }
0xbc: {  	vm13 =	vgt.f32 v58, v6;
	v9 =	vsel vm6, v25, v9  }
0xbd: {  	v9 =	vsel vm13, v0, v9;
	v0 =	vld [tilespmem:$0x1FCE0]  }
0xbe: {  	v7 =	vmax.f32 v6, v58  }
0xbf: {  	v6 =	vmax.f32 v7, v37;
	vm14 =	vgt.f32 v37, v7  }
0xc0: {  	vm15 =	vgt.f32 v32, v6;
	v6 =	vmax.f32 v6, v32;
	v9 =	vsel vm14, v26, v9  }
0xc1: {  	v16 =	vld [tilespmem:$0x230];
	vm4 =	vgt.f32 v31, v6;
	v6 =	vmax.f32 v6, v31;
	v9 =	vsel vm15, v27, v9  }
0xc2: {  	vm5 =	vgt.f32 v17, v6;
	v6 =	vmax.f32 v6, v17;
	v9 =	vsel vm4, v0, v9;
	v0 =	vld [tilespmem:$0x1FCF0]  }
0xc3: {  	vm6 =	vgt.f32 v40, v6;
	v6 =	vmax.f32 v6, v40  }
0xc4: {  	vm13 =	vgt.f32 v54, v6;
	v6 =	vmax.f32 v6, v54  }
0xc5: {  	vm14 =	vgt.f32 v44, v6;
	v6 =	vmax.f32 v6, v44  }
0xc6: {  	v8 =	vld [tilespmem:$0x1B0];
	vm15 =	vgt.f32 v39, v6  }
0xc7: {  	[tilespmem:$0x180] =	vst v39;
	v6 =	vmax.f32 v6, v39;
	v39 =	vsel vm12, $0xFF61B1E6, v16;
	v16 =	vsel vm5, v0, v9;
	v0 =	vld [tilespmem:$0x1FD00];
	_ =	sdelay $0x4  }
0xc8: {  	v9 =	vsel vm3, $0xFF61B1E6, v8;
	v8 =	vsel vm6, v0, v16;
	v0 =	vld [tilespmem:$0x1FD10];
	_ =	sdelay $0x3  }
0xc9: {  	[tilespmem:$0x100] =	vst v58;
	v58 =	vld [tilespmem:$0x1FD20]  }
0xca: {  	v8 =	vsel vm13, v0, v8;
	v0 =	vld [tilespmem:$0x1FD30];
	_ =	sdelay $0x2  }
0xcb: {  	v7 =	vld [tilespmem:$0x190]  }
0xcc: {  	v8 =	vsel vm14, v58, v8  }
0xcd: {  	v8 =	vsel vm15, v0, v8;
	v0 =	vld [tilespmem:$0x1FD40];
	_ =	sdelay $0x2  }
0xce: {  	v10 =	vld [tilespmem:$0x1A0];
	v7 =	vsel vm0, $0xFF61B1E6, v7  }
0xcf: {  	vm0 =	vgt.f32 v7, v6  }
0xd0: {  	v8 =	vsel vm0, v0, v8;
	v0 =	vld [tilespmem:$0x1FD50];
	_ =	sdelay $0x2  }
0xd1: {  	v10 =	vsel vm1, $0xFF61B1E6, v10;
	v6 =	vmax.f32 v6, v7  }
0xd2: {  	v13 =	vld [tilespmem:$0x1D0];
	vm6 =	vgt.f32 v10, v6  }
0xd3: {  	v8 =	vsel vm6, v0, v8;
	v0 =	vld [tilespmem:$0x1FD60];
	_ =	sdelay $0x2  }
0xd4: {  	v11 =	vld [tilespmem:$0x1C0];
	v6 =	vmax.f32 v6, v10  }
0xd5: {  	[tilespmem:$0xF0] =	vst v47;
	v12 =	vld [tilespmem:$0x1E0];
	v47 =	vsel vm7, $0xFF61B1E6, v13;
	vm7 =	vgt.f32 v9, v6  }
0xd6: {  	v8 =	vsel vm7, v0, v8;
	v0 =	vld [tilespmem:$0x1FD70];
	_ =	sdelay $0x1  }
0xd7: {  	v15 =	vld [tilespmem:$0x200]  }
0xd8: {  	v11 =	vsel vm2, $0xFF61B1E6, v11;
	[tilespmem:$0x150] =	vst v40;
	v59 =	vld [tilespmem:$0x1F0];
	v6 =	vmax.f32 v6, v9  }
0xd9: {  	[tilespmem:$0x170] =	vst v44;
	v40 =	vsel vm8, $0xFF61B1E6, v12;
	v44 =	vld [tilespmem:$0x1FD80];
	vm8 =	vgt.f32 v11, v6  }
0xda: {  	v8 =	vsel vm8, v0, v8;
	v0 =	vld [tilespmem:$0x1FD90];
	_ =	sdelay $0x1  }
0xdb: {  	v6 =	vmax.f32 v6, v11  }
0xdc: {  	v12 =	vsel vm9, $0xFF61B1E6, v59;
	vm9 =	vgt.f32 v47, v6;
	v6 =	vmax.f32 v6, v47  }
0xdd: {  	v14 =	vld [tilespmem:$0x220];
	v42 =	vsel vm10, $0xFF61B1E6, v15;
	vm10 =	vgt.f32 v40, v6;
	v8 =	vsel vm9, v44, v8  }
0xde: {  	v8 =	vsel vm10, v0, v8;
	v0 =	vld [tilespmem:$0x1FDA0];
	_ =	sdelay $0x2  }
0xdf: {  	v6 =	vmax.f32 v6, v40  }
0xe0: {  	v14 =	vsel vm11, $0xFF61B1E6, v14;
	vm11 =	vgt.f32 v12, v6  }
0xe1: {  	v8 =	vsel vm11, v0, v8;
	v0 =	vld [tilespmem:$0x1FDB0];
	_ =	sdelay $0x2  }
0xe2: {  	v6 =	vmax.f32 v6, v12  }
0xe3: {  	vm12 =	vgt.f32 v42, v6  }
0xe4: {  	[tilespmem:$0x190] =	vst v7;
	v7 =	vsel vm12, v0, v8;
	v0 =	vld [tilespmem:$0x1FDC0];
	_ =	sdelay $0x2  }
0xe5: {  	v6 =	vmax.f32 v6, v42  }
0xe6: {  	vm13 =	vgt.f32 v24, v6  }
0xe7: {  	v7 =	vsel vm13, v0, v7;
	v0 =	vld [tilespmem:$0x1FDD0]  }
0xe8: {  	v6 =	vmax.f32 v6, v24  }
0xe9: {  	vm14 =	vgt.f32 v14, v6;
	v6 =	vmax.f32 v6, v14  }
0xea: {  	vm15 =	vgt.f32 v39, v6;
	v6 =	vmax.f32 v6, v39  }
0xeb: {  	[tilespmem:$0x240] =	vst v38;
	vm4 =	vgt.f32 v38, v6;
	v6 =	vmax.f32 v6, v38;
	v38 =	vld [tilespmem:$0x1FDE0]  }
0xec: {  	v7 =	vsel vm14, v0, v7;
	v0 =	vld [tilespmem:$0x1FDF0];
	_ =	sdelay $0x3  }
0xed: {  	v7 =	vsel vm15, v38, v7  }
0xee: {  	v7 =	vsel vm4, v0, v7;
	v0 =	vld [tilespmem:$0x1FE00];
	_ =	sdelay $0x3  }
0xef: {  	vm5 =	vgt.f32 v35, v6  }
0xf0: {  	v7 =	vsel vm5, v0, v7;
	v0 =	vld [tilespmem:$0x1FE10];
	_ =	sdelay $0x2  }
0xf1: {  	v6 =	vmax.f32 v6, v35  }
0xf2: {  	vm6 =	vgt.f32 v34, v6  }
0xf3: {  	v7 =	vsel vm6, v0, v7;
	v0 =	vld [tilespmem:$0x1FE20];
	_ =	sdelay $0x1  }
0xf4: {  	[tilespmem:$0x80] =	vst v49;
	v49 =	vld [tilespmem:$0x1FC20];
	v6 =	vmax.f32 v6, v34  }
0xf5: {  	v25 =	vld [tilespmem:$0x1FAB0];
	vm7 =	vgt.f32 v36, v6;
	v6 =	vmax.f32 v6, v36  }
0xf6: {  	vm8 =	vgt.f32 v30, v6;
	v8 =	vld [tilespmem:$0x1FAA0];
	v7 =	vsel vm7, v23, v7  }
0xf7: {  	v7 =	vsel vm8, v0, v7;
	v0 =	vld [tilespmem:$0x1FE30]  }
0xf8: {  	v59 =	vld [tilespmem:$0x1FE40]  }
0xf9: {  	[tilespmem:$0x60] =	vst v50;
	v50 =	vmov v23;
	v23 =	vld [tilespmem:$0x1FAC0]  }
0xfa: {  	v15 =	vld [tilespmem:$0x1FAD0];
	v6 =	vmax.f32 v6, v30  }
0xfb: {  	[tilespmem:$0x90] =	vst v51;
	v51 =	vmov v60;
	v60 =	vld [tilespmem:$0x1FE50];
	vm9 =	vgt.f32 v29, v6;
	v6 =	vmax.f32 v6, v29  }
0xfc: {  	vm10 =	vgt.f32 v8, v6;
	v6 =	vmax.f32 v6, v8;
	v7 =	vsel vm9, v0, v7;
	v0 =	vld [tilespmem:$0x1FE60]  }
0xfd: {  	vm11 =	vgt.f32 v25, v6;
	v6 =	vmax.f32 v6, v25;
	v7 =	vsel vm10, v49, v7  }
0xfe: {  	vm12 =	vgt.f32 v23, v6;
	v6 =	vmax.f32 v6, v23;
	v7 =	vsel vm11, v59, v7  }
0xff: {  	vm13 =	vgt.f32 v15, v6;
	v6 =	vmax.f32 v6, v15;
	v7 =	vsel vm12, v51, v7  }
0x100: {  	[tilespmem:$0x140] =	vst v17;
	v17 =	vld [tilespmem:$0x1FAE0];
	vm14 =	vgt.f32 v1, v6;
	v7 =	vsel vm13, v60, v7  }
0x101: {  	v7 =	vsel vm14, v0, v7;
	v0 =	vld [tilespmem:$0x1FE70]  }
0x102: {  	v13 =	vld [tilespmem:$0x1FB10]  }
0x103: {  	v16 =	vld [tilespmem:$0x1FAF0]  }
0x104: {  	[tilespmem:$0x1F0] =	vst v12;
	v12 =	vld [tilespmem:$0x1FB00];
	v6 =	vmax.f32 v6, v1  }
0x105: {  	[tilespmem:$0x260] =	vst v34;
	v34 =	vld [tilespmem:$0x1FE80];
	vm15 =	vgt.f32 v17, v6  }
0x106: {  	v7 =	vsel vm15, v0, v7;
	v0 =	vld [tilespmem:$0x1FE90];
	_ =	sdelay $0x1  }
0x107: {  	v6 =	vmax.f32 v6, v17  }
0x108: {  	vm4 =	vgt.f32 v16, v6;
	v6 =	vmax.f32 v6, v16  }
0x109: {  	[tilespmem:$0x1C0] =	vst v11;
	v11 =	vld [tilespmem:$0x1FB20];
	vm5 =	vgt.f32 v12, v6;
	v6 =	vmax.f32 v6, v12;
	v7 =	vsel vm4, v34, v7  }
0x10a: {  	vm6 =	vgt.f32 v13, v6;
	v6 =	vmax.f32 v6, v13;
	v7 =	vsel vm5, v0, v7;
	v0 =	vld [tilespmem:$0x1FB30]  }
0x10b: {  	vm7 =	vgt.f32 v22, v6;
	v6 =	vmax.f32 v6, v22  }
0x10c: {  	[tilespmem:$0x340] =	vst v61;
	vm8 =	vgt.f32 v61, v6;
	v6 =	vmax.f32 v6, v61;
	v61 =	vld [tilespmem:$0x1FEA0]  }
0x10d: {  	[tilespmem:$0x350] =	vst v63;
	vm9 =	vgt.f32 v63, v6;
	v6 =	vmax.f32 v6, v63;
	v63 =	vld [tilespmem:$0x1FC50]  }
0x10e: {  	v21 =	vld [tilespmem:$0x1FC60];
	vm10 =	vgt.f32 v11, v6;
	v6 =	vmax.f32 v6, v11  }
0x10f: {  	[tilespmem:$0x370] =	vst v0;
	vm11 =	vgt.f32 v0, v6;
	v6 =	vmax.f32 v6, v0;
	v0 =	vld [tilespmem:$0x1FF30]  }
0x110: {  	v7 =	vsel vm6, v20, v7  }
0x111: {  	v7 =	vsel vm7, v61, v7  }
0x112: {  	v7 =	vsel vm8, v63, v7  }
0x113: {  	[tilespmem:$0x220] =	vst v14;
	v14 =	vld [tilespmem:$0x1FB40];
	v7 =	vsel vm9, v21, v7  }
0x114: {  	v7 =	vsel vm10, v0, v7;
	v0 =	vld [tilespmem:$0x1FB50];
	_ =	sdelay $0x3  }
0x115: {  	[tilespmem:$0x10] =	vst v18;
	v18 =	vld [tilespmem:$0x1FEB0];
	vm12 =	vgt.f32 v14, v6;
	v6 =	vmax.f32 v6, v14  }
0x116: {  	[tilespmem:$0x390] =	vst v0;
	vm13 =	vgt.f32 v0, v6;
	v6 =	vmax.f32 v6, v0;
	v0 =	vld [tilespmem:$0x1FF20];
	_ =	sdelay $0x3  }
0x117: {  	v7 =	vsel vm11, v18, v7  }
0x118: {  	v7 =	vsel vm12, v0, v7;
	v0 =	vld [tilespmem:$0x1FC70];
	_ =	sdelay $0x3  }
0x119: {  	[tilespmem:$0x1A0] =	vst v10;
	v10 =	vld [tilespmem:$0x1FB60]  }
0x11a: {  	v7 =	vsel vm13, v0, v7;
	v0 =	vld [tilespmem:$0x1FC80];
	_ =	sdelay $0x3  }
0x11b: {  	v5 =	vld [tilespmem:$0x1FB70];
	vm14 =	vgt.f32 v10, v6  }
0x11c: {  	v7 =	vsel vm14, v0, v7;
	v0 =	vld [tilespmem:$0x1FF10];
	_ =	sdelay $0x2  }
0x11d: {  	v6 =	vmax.f32 v6, v10  }
0x11e: {  	v2 =	vmov v4;
	v4 =	vld [tilespmem:$0x1FB80];
	vm15 =	vgt.f32 v5, v6  }
0x11f: {  	v7 =	vsel vm15, v0, v7;
	v0 =	vld [tilespmem:$0x1FB90];
	_ =	sdelay $0x2  }
0x120: {  	v6 =	vmax.f32 v6, v5  }
0x121: {  	vm4 =	vgt.f32 v4, v6;
	v6 =	vmax.f32 v6, v4  }
0x122: {  	[tilespmem:$0x3D0] =	vst v0;
	vm5 =	vgt.f32 v0, v6;
	v6 =	vmax.f32 v6, v0;
	v0 =	vld [tilespmem:$0x1FFA0];
	_ =	sdelay $0x4  }
0x123: {  	v7 =	vsel vm4, v0, v7;
	v0 =	vld [tilespmem:$0x1FF40]  }
0x124: {  	[tilespmem:$0x120] =	vst v32  }
0x125: {  	[tilespmem:$0x330] =	vst v22  }
0x126: {  	[tilespmem:$0xD0] =	vst v19  }
0x127: {  	[tilespmem:$0x2E0] =	vst v1;
	v1 =	vld [tilespmem:$0x1FBA0]  }
0x128: {  	[tilespmem:$0x160] =	vst v54;
	v7 =	vsel vm5, v0, v7;
	v0 =	vld [tilespmem:$0x1FBB0]  }
0x129: {  	[tilespmem:$0x270] =	vst v36  }
0x12a: {  	[tilespmem:$0x280] =	vst v30  }
0x12b: {  	[tilespmem:$0x290] =	vst v29  }
0x12c: {  	[tilespmem:$0x250] =	vst v35;
	vm6 =	vgt.f32 v1, v6;
	v6 =	vmax.f32 v6, v1  }
0x12d: {  	[tilespmem:$0x3F0] =	vst v0;
	vm7 =	vgt.f32 v0, v6;
	v6 =	vmax.f32 v6, v0;
	v0 =	vld [tilespmem:$0x1FBC0]  }
0x12e: {  	[tilespmem:$0x210] =	vst v24  }
0x12f: {  	[tilespmem:$0x0] =	vst v57  }
0x130: {  	[tilespmem:$0x130] =	vst v31;
	v57 =	vld [tilespmem:$0x1FCD0]  }
0x131: {  	[tilespmem:$0x20] =	vst v56;
	v7 =	vsel vm6, v2, v7;
	v2 =	vld [tilespmem:$0x1FBD0]  }
0x132: {  	[tilespmem:$0x30] =	vst v55;
	v7 =	vsel vm7, v0, v7;
	v0 =	vld [tilespmem:$0x1FBE0]  }
0x133: {  	v56 =	vld [tilespmem:$0x1FD30];
	[tilespmem:$0x40] =	vst v53  }
0x134: {  	v55 =	vld [tilespmem:$0x1FCE0];
	[tilespmem:$0x50] =	vst v52  }
0x135: {  	v53 =	vld [tilespmem:$0x1FCF0];
	[tilespmem:$0x3C0] =	vst v4  }
0x136: {  	v52 =	vld [tilespmem:$0x1FD00];
	[tilespmem:$0x3B0] =	vst v5;
	vm8 =	vgt.f32 v2, v6  }
0x137: {  	[tilespmem:$0x70] =	vst v48;
	v7 =	vsel vm8, v0, v7;
	v0 =	vld [tilespmem:$0x1FC90]  }
0x138: {  	v48 =	vld [tilespmem:$0x1FD40];
	[tilespmem:$0xA0] =	vst v45  }
0x139: {  	v28 =	vld [tilespmem:$0x1FE60];
	[tilespmem:$0xB0] =	vst v46  }
0x13a: {  	v45 =	vld [tilespmem:$0x1FD70];
	[tilespmem:$0xC0] =	vst v43  }
0x13b: {  	v46 =	vld [tilespmem:$0x1FD60];
	[tilespmem:$0x1B0] =	vst v9;
	v6 =	vmax.f32 v6, v2  }
0x13c: {  	v43 =	vld [tilespmem:$0x1FD90];
	[tilespmem:$0x2A0] =	vst v8;
	v8 =	vperm.xlane v6, v0;
	v9 =	vperm.xlane v7, v0  }
0x13d: {  	[tilespmem:$0x200] =	vst v42;
	v0 =	vld [tilespmem:$0x1FCA0]  }
0x13e: {  	[tilespmem:$0xE0] =	vst v41;
	v41 =	vld [tilespmem:$0x1FDB0];
	vm9 =	veq.f32 v8, v6;
	vm10 =	vlt.s32 v9, v7  }
0x13f: {  	[tilespmem:$0x110] =	vst v37;
	v33 =	vld [tilespmem:$0x1FE20];
	vm11 =	vgt.f32 v8, v6;
	vm0 =	vmand vm9, vm10  }
0x140: {  	[tilespmem:$0x2D0] =	vst v15;
	v37 =	vld [tilespmem:$0x1FDF0];
	vm0 =	vmor vm11, vm0  }
0x141: {  	[tilespmem:$0x1D0] =	vst v47;
	v32 =	vld [tilespmem:$0x1FE30];
	v7 =	vsel vm0, v9, v7;
	v6 =	vsel vm0, v8, v6  }
0x142: {  	[tilespmem:$0x320] =	vst v13;
	v54 =	vld [tilespmem:$0x1FD10];
	v8 =	vperm.xlane v6, v0;
	v9 =	vperm.xlane v7, v0  }
0x143: {  	[tilespmem:$0x1E0] =	vst v40;
	v0 =	vld [tilespmem:$0x1FCB0]  }
0x144: {  	[tilespmem:$0x2B0] =	vst v25;
	v47 =	vld [tilespmem:$0x1FD50];
	vm0 =	veq.f32 v8, v6;
	vm12 =	vlt.s32 v9, v7  }
0x145: {  	[tilespmem:$0x2F0] =	vst v17;
	v40 =	vld [tilespmem:$0x1FDC0];
	vm13 =	vgt.f32 v8, v6;
	vm0 =	vmand vm0, vm12  }
0x146: {  	[tilespmem:$0x230] =	vst v39;
	v42 =	vld [tilespmem:$0x1FDA0];
	vm0 =	vmor vm13, vm0  }
0x147: {  	[tilespmem:$0x300] =	vst v16;
	v39 =	vld [tilespmem:$0x1FDD0];
	v7 =	vsel vm0, v9, v7;
	v6 =	vsel vm0, v8, v6  }
0x148: {  	[tilespmem:$0x3A0] =	vst v10;
	v35 =	vld [tilespmem:$0x1FE10];
	v8 =	vperm.xlane v6, v0;
	v9 =	vperm.xlane v7, v0  }
0x149: {  	[tilespmem:$0x360] =	vst v11;
	v0 =	vld [tilespmem:$0x1FCC0]  }
0x14a: {  	[tilespmem:$0x310] =	vst v12;
	v36 =	vld [tilespmem:$0x1FE00];
	vm0 =	veq.f32 v8, v6;
	vm14 =	vlt.s32 v9, v7  }
0x14b: {  	[tilespmem:$0x380] =	vst v14;
	v30 =	vld [tilespmem:$0x1FE90];
	vm15 =	vgt.f32 v8, v6;
	vm0 =	vmand vm0, vm14  }
0x14c: {  	v29 =	vld [tilespmem:$0x1FE70];
	[tilespmem:$0x2C0] =	vst v23;
	vm0 =	vmor vm15, vm0  }
0x14d: {  	[tilespmem:$0x3E0] =	vst v1;
	v4 =	vld [tilespmem:$0x480];
	v13 =	vsel vm0, v9, v7;
	v10 =	vsel vm0, v8, v6  }
0x14e: {  	s28 =	simm.s32 $0x1;
	s29 =	simm.s32 $0x0;
	v27 =	vmov v20;
	v1 =	vld [tilespmem:$0x490];
	[tilespmem:$0x400] =	vst v2;
	v11 =	vperm.xlane v10, v0;
	v14 =	vperm.xlane v13, v0  }
.LBB2_3:
0x14f: {  	v0 =	vld [tilespmem:$0x1FEE0]  }
0x150: {  	vm1 =	veq.f32 v11, v10;
	vm2 =	vlt.s32 v14, v13  }
0x151: {  	v2 =	vld [tilespmem:$0x1FBF0];
	vm0 =	vgt.f32 v11, v10;
	vm1 =	vmand vm1, vm2  }
0x152: {  	vm0 =	vmor vm0, vm1  }
0x153: {  	v31 =	vsel vm0, v14, v13  }
0x154: {  	vm0 =	veq.s32 v31, v0;
	v0 =	vimm.s32 $0x0  }
0x155: {  	v15 =	vmov s29;
	v0 =	vsel vm0, $0xFFFFFFFF, v0  }
0x156: {  	vm13 =	veq.s32 v15, v2;
	[tilespmem:$0x1FA60] =	vst v0;
	v0 =	vlaneseq.u32  }
0x157: {  	vm12 =	veq.s32 v15, v0;
	v15 =	vsel vm13, v31, v1;
	v1 =	vld [tilespmem:$0x1FED0];
	_ =	sdelay $0x4  }
0x158: {  	vm4 =	veq.s32 v31, v1;
	v1 =	vimm.s32 $0x0  }
0x159: {  	v1 =	vsel vm4, $0xFFFFFFFF, v1  }
0x15a: {  	[tilespmem:$0x1FA50] =	vst v1;
	v1 =	vld [tilespmem:$0x1FF00];
	_ =	sdelay $0x4  }
0x15b: {  	vm5 =	veq.s32 v31, v1;
	v1 =	vimm.s32 $0x0  }
0x15c: {  	v1 =	vsel vm5, $0xFFFFFFFF, v1  }
0x15d: {  	vm6 =	veq.s32 v31, v53;
	[tilespmem:$0x1FA10] =	vst v1;
	v1 =	vimm.s32 $0x0  }
0x15e: {  	v1 =	vsel vm6, $0xFFFFFFFF, v1  }
0x15f: {  	vm7 =	veq.s32 v31, v52;
	[tilespmem:$0x1FA20] =	vst v1;
	v1 =	vimm.s32 $0x0  }
0x160: {  	v1 =	vsel vm7, $0xFFFFFFFF, v1  }
0x161: {  	v5 =	vld [tilespmem:$0x1FEC0];
	vm8 =	veq.s32 v31, v54;
	[tilespmem:$0x1F9E0] =	vst v1;
	v1 =	vimm.s32 $0x0  }
0x162: {  	v1 =	vsel vm8, $0xFFFFFFFF, v1  }
0x163: {  	vm9 =	veq.s32 v31, v58;
	[tilespmem:$0x1F9F0] =	vst v1;
	v1 =	vimm.s32 $0x0  }
0x164: {  	v1 =	vsel vm9, $0xFFFFFFFF, v1  }
0x165: {  	vm10 =	veq.s32 v31, v56;
	[tilespmem:$0x1FA00] =	vst v1;
	v1 =	vimm.s32 $0x0  }
0x166: {  	vm14 =	veq.s32 v31, v5;
	v5 =	vimm.s32 $0x0;
	v1 =	vsel vm10, $0xFFFFFFFF, v1  }
0x167: {  	vm11 =	veq.s32 v31, v48;
	v5 =	vsel vm14, $0xFFFFFFFF, v5;
	[tilespmem:$0x1F9B0] =	vst v1;
	v1 =	vimm.s32 $0x0  }
0x168: {  	[tilespmem:$0x1FA70] =	vst v5;
	v1 =	vsel vm11, $0xFFFFFFFF, v1  }
0x169: {  	v5 =	vld [tilespmem:$0x1FEF0];
	v7 =	vsel vm12, v31, v4;
	vm12 =	veq.s32 v31, v47;
	[tilespmem:$0x1F9C0] =	vst v1;
	v1 =	vimm.s32 $0x0  }
0x16a: {  	v1 =	vsel vm12, $0xFFFFFFFF, v1  }
0x16b: {  	vm13 =	veq.s32 v31, v46;
	[tilespmem:$0x1F9D0] =	vst v1;
	v1 =	vimm.s32 $0x0  }
0x16c: {  	v1 =	vsel vm13, $0xFFFFFFFF, v1  }
0x16d: {  	vm14 =	veq.s32 v31, v45;
	[tilespmem:$0x1F980] =	vst v1;
	v1 =	vimm.s32 $0x0  }
0x16e: {  	vm15 =	veq.s32 v31, v5;
	v5 =	vimm.s32 $0x0;
	v1 =	vsel vm14, $0xFFFFFFFF, v1  }
0x16f: {  	v5 =	vsel vm15, $0xFFFFFFFF, v5;
	vm15 =	veq.s32 v31, v44;
	[tilespmem:$0x1F990] =	vst v1;
	v1 =	vimm.s32 $0x0  }
0x170: {  	v1 =	vsel vm15, $0xFFFFFFFF, v1  }
0x171: {  	vm4 =	veq.s32 v31, v43;
	[tilespmem:$0x1F9A0] =	vst v1;
	v1 =	vimm.s32 $0x0  }
0x172: {  	v1 =	vsel vm4, $0xFFFFFFFF, v1  }
0x173: {  	vm5 =	veq.s32 v31, v42;
	[tilespmem:$0x1F950] =	vst v1;
	v1 =	vimm.s32 $0x0  }
0x174: {  	v1 =	vsel vm5, $0xFFFFFFFF, v1  }
0x175: {  	vm6 =	veq.s32 v31, v41;
	[tilespmem:$0x1F960] =	vst v1;
	v1 =	vimm.s32 $0x0  }
0x176: {  	v1 =	vsel vm6, $0xFFFFFFFF, v1  }
0x177: {  	vm7 =	veq.s32 v31, v40;
	[tilespmem:$0x1F970] =	vst v1;
	v1 =	vimm.s32 $0x0  }
0x178: {  	v1 =	vsel vm7, $0xFFFFFFFF, v1  }
0x179: {  	vm8 =	veq.s32 v31, v39;
	[tilespmem:$0x1F920] =	vst v1;
	v1 =	vimm.s32 $0x0  }
0x17a: {  	v1 =	vsel vm8, $0xFFFFFFFF, v1  }
0x17b: {  	vm9 =	veq.s32 v31, v38;
	[tilespmem:$0x1F930] =	vst v1;
	v1 =	vimm.s32 $0x0  }
0x17c: {  	v1 =	vsel vm9, $0xFFFFFFFF, v1  }
0x17d: {  	vm10 =	veq.s32 v31, v37;
	[tilespmem:$0x1F940] =	vst v1;
	v1 =	vimm.s32 $0x0  }
0x17e: {  	v1 =	vsel vm10, $0xFFFFFFFF, v1  }
0x17f: {  	vm11 =	veq.s32 v31, v36;
	[tilespmem:$0x1F8F0] =	vst v1;
	v1 =	vimm.s32 $0x0  }
0x180: {  	v1 =	vsel vm11, $0xFFFFFFFF, v1  }
0x181: {  	vm12 =	veq.s32 v31, v35;
	[tilespmem:$0x1F900] =	vst v1;
	v1 =	vimm.s32 $0x0  }
0x182: {  	v1 =	vsel vm12, $0xFFFFFFFF, v1  }
0x183: {  	vm13 =	veq.s32 v31, v50;
	[tilespmem:$0x1F910] =	vst v1;
	v1 =	vimm.s32 $0x0  }
0x184: {  	v1 =	vsel vm13, $0xFFFFFFFF, v1  }
0x185: {  	vm14 =	veq.s32 v31, v33;
	[tilespmem:$0x1F8C0] =	vst v1;
	v1 =	vimm.s32 $0x0  }
0x186: {  	v1 =	vsel vm14, $0xFFFFFFFF, v1  }
0x187: {  	vm15 =	veq.s32 v31, v32;
	[tilespmem:$0x1F8D0] =	vst v1;
	v1 =	vimm.s32 $0x0  }
0x188: {  	v1 =	vsel vm15, $0xFFFFFFFF, v1  }
0x189: {  	vm4 =	veq.s32 v31, v49;
	[tilespmem:$0x1F8E0] =	vst v1;
	v1 =	vimm.s32 $0x0  }
0x18a: {  	v1 =	vsel vm4, $0xFFFFFFFF, v1  }
0x18b: {  	vm5 =	veq.s32 v31, v59;
	[tilespmem:$0x1F890] =	vst v1;
	v1 =	vimm.s32 $0x0  }
0x18c: {  	v1 =	vsel vm5, $0xFFFFFFFF, v1  }
0x18d: {  	vm6 =	veq.s32 v31, v51;
	[tilespmem:$0x1F8A0] =	vst v1;
	v1 =	vimm.s32 $0x0  }
0x18e: {  	v1 =	vsel vm6, $0xFFFFFFFF, v1  }
0x18f: {  	vm7 =	veq.s32 v31, v60;
	[tilespmem:$0x1F8B0] =	vst v1;
	v1 =	vimm.s32 $0x0  }
0x190: {  	v1 =	vsel vm7, $0xFFFFFFFF, v1  }
0x191: {  	vm8 =	veq.s32 v31, v28;
	[tilespmem:$0x1F860] =	vst v1;
	v1 =	vimm.s32 $0x0  }
0x192: {  	v1 =	vsel vm8, $0xFFFFFFFF, v1  }
0x193: {  	vm9 =	veq.s32 v31, v29;
	[tilespmem:$0x1F870] =	vst v1;
	v1 =	vimm.s32 $0x0  }
0x194: {  	v1 =	vsel vm9, $0xFFFFFFFF, v1  }
0x195: {  	vm10 =	veq.s32 v31, v34;
	[tilespmem:$0x1F880] =	vst v1;
	v1 =	vimm.s32 $0x0  }
0x196: {  	v1 =	vsel vm10, $0xFFFFFFFF, v1  }
0x197: {  	vm11 =	veq.s32 v31, v30;
	[tilespmem:$0x1F840] =	vst v1;
	v1 =	vimm.s32 $0x0  }
0x198: {  	v1 =	vsel vm11, $0xFFFFFFFF, v1  }
0x199: {  	[tilespmem:$0x1F850] =	vst v1;
	v1 =	vld [tilespmem:$0x1FF30];
	_ =	sdelay $0x4  }
0x19a: {  	vm10 =	veq.s32 v31, v1;
	v1 =	vld [tilespmem:$0x1FF20];
	_ =	sdelay $0x4  }
0x19b: {  	vm8 =	veq.s32 v31, v1;
	v1 =	vld [tilespmem:$0x1FC70];
	_ =	sdelay $0x4  }
0x19c: {  	vm6 =	veq.s32 v31, v1;
	v1 =	vld [tilespmem:$0x1FC80];
	_ =	sdelay $0x4  }
0x19d: {  	vm7 =	veq.s32 v31, v1;
	v1 =	vld [tilespmem:$0x1FF10];
	_ =	sdelay $0x4  }
0x19e: {  	vm5 =	veq.s32 v31, v1;
	v1 =	vld [tilespmem:$0x1FFA0];
	_ =	sdelay $0x4  }
0x19f: {  	vm4 =	veq.s32 v31, v1;
	v1 =	vld [tilespmem:$0x1FF40];
	_ =	sdelay $0x4  }
0x1a0: {  	vm3 =	veq.s32 v31, v1;
	v1 =	vld [tilespmem:$0x1FF80];
	_ =	sdelay $0x4  }
0x1a1: {  	vm2 =	veq.s32 v31, v1;
	v1 =	vld [tilespmem:$0x1FBC0];
	_ =	sdelay $0x4  }
0x1a2: {  	vm0 =	veq.s32 v31, v1;
	v1 =	vld [tilespmem:$0x1FBE0];
	_ =	sdelay $0x1  }
0x1a3: {  	v8 =	vld [tilespmem:$0x400];
	_ =	sdelay $0x2  }
0x1a4: {  	vm15 =	veq.s32 v31, v57;
	vm1 =	veq.s32 v31, v1;
	v1 =	vimm.s32 $0x0  }
0x1a5: {  	v1 =	vsel vm15, $0xFFFFFFFF, v1  }
0x1a6: {  	v20 =	vld [tilespmem:$0x330];
	[tilespmem:$0x1FA40] =	vst v1;
	v1 =	vsel vm1, $0xFF61B1E6, v8  }
0x1a7: {  	[tilespmem:$0x1FA80] =	vst v1;
	v1 =	vld [tilespmem:$0x1F840];
	_ =	sdelay $0x3  }
0x1a8: {  	v19 =	vld [tilespmem:$0x340];
	vm12 =	veq.s32 v31, v61  }
0x1a9: {  	vm11 =	veq.s32 v31, v21;
	v21 =	vsel vm12, $0xFF61B1E6, v20;
	vm12 =	vnez.u8 v1;
	v1 =	vld [tilespmem:$0x1F850];
	_ =	sdelay $0x3  }
0x1aa: {  	v12 =	vld [tilespmem:$0x3C0];
	vm13 =	veq.s32 v31, v63  }
0x1ab: {  	v20 =	vsel vm13, $0xFF61B1E6, v19;
	vm13 =	vnez.u8 v1;
	v1 =	vld [tilespmem:$0x1F860];
	_ =	sdelay $0x3  }
0x1ac: {  	v13 =	vld [tilespmem:$0x3B0]  }
0x1ad: {  	v12 =	vsel vm4, $0xFF61B1E6, v12;
	vm4 =	vnez.u8 v1;
	v1 =	vld [tilespmem:$0x1F870];
	_ =	sdelay $0x3  }
0x1ae: {  	[tilespmem:$0x490] =	vst v15;
	v15 =	vld [tilespmem:$0x390]  }
0x1af: {  	v13 =	vsel vm5, $0xFF61B1E6, v13;
	vm5 =	vnez.u8 v1;
	v1 =	vld [tilespmem:$0x1F880];
	_ =	sdelay $0x3  }
0x1b0: {  	v14 =	vld [tilespmem:$0x3A0]  }
0x1b1: {  	v15 =	vsel vm6, $0xFF61B1E6, v15;
	vm6 =	vnez.u8 v1;
	v1 =	vld [tilespmem:$0x1F890];
	_ =	sdelay $0x1  }
0x1b2: {  	v16 =	vld [tilespmem:$0x370]  }
0x1b3: {  	v17 =	vld [tilespmem:$0x360]  }
0x1b4: {  	[tilespmem:$0x480] =	vst v7;
	v7 =	vld [tilespmem:$0x380]  }
0x1b5: {  	v14 =	vsel vm7, $0xFF61B1E6, v14;
	vm7 =	vnez.u8 v1;
	v1 =	vld [tilespmem:$0x1F8A0];
	_ =	sdelay $0x3  }
0x1b6: {  	vm9 =	veq.s32 v31, v18;
	v18 =	vsel vm10, $0xFF61B1E6, v17  }
0x1b7: {  	v17 =	vsel vm9, $0xFF61B1E6, v16;
	v16 =	vsel vm8, $0xFF61B1E6, v7;
	vm8 =	vnez.u8 v1;
	v1 =	vld [tilespmem:$0x1F8B0];
	_ =	sdelay $0x4  }
0x1b8: {  	vm9 =	vnez.u8 v1;
	v1 =	vld [tilespmem:$0x1F8C0];
	_ =	sdelay $0x3  }
0x1b9: {  	v6 =	vld [tilespmem:$0x350]  }
0x1ba: {  	vm10 =	vnez.u8 v1;
	v1 =	vld [tilespmem:$0x1F8D0];
	_ =	sdelay $0x3  }
0x1bb: {  	v24 =	vld [tilespmem:$0x300]  }
0x1bc: {  	v19 =	vsel vm11, $0xFF61B1E6, v6;
	vm11 =	vnez.u8 v1;
	v1 =	vld [tilespmem:$0x1F8E0];
	_ =	sdelay $0x3  }
0x1bd: {  	v23 =	vld [tilespmem:$0x310]  }
0x1be: {  	v24 =	vsel vm12, $0xFF61B1E6, v24;
	vm12 =	vnez.u8 v1;
	v1 =	vld [tilespmem:$0x1F8F0];
	_ =	sdelay $0x3  }
0x1bf: {  	v22 =	vld [tilespmem:$0x320]  }
0x1c0: {  	v23 =	vsel vm13, $0xFF61B1E6, v23;
	vm13 =	vnez.u8 v1;
	v1 =	vld [tilespmem:$0x1F900];
	_ =	sdelay $0x3  }
0x1c1: {  	vm14 =	veq.s32 v31, v27;
	v27 =	vld [tilespmem:$0x2D0]  }
0x1c2: {  	v22 =	vsel vm14, $0xFF61B1E6, v22;
	vm14 =	vnez.u8 v1;
	v1 =	vld [tilespmem:$0x1F910];
	_ =	sdelay $0x3  }
0x1c3: {  	v26 =	vld [tilespmem:$0x2E0]  }
0x1c4: {  	v27 =	vsel vm4, $0xFF61B1E6, v27;
	vm4 =	vnez.u8 v1;
	v1 =	vld [tilespmem:$0x1F920];
	_ =	sdelay $0x3  }
0x1c5: {  	v25 =	vld [tilespmem:$0x2F0]  }
0x1c6: {  	v26 =	vsel vm5, $0xFF61B1E6, v26;
	vm5 =	vnez.u8 v1;
	v1 =	vld [tilespmem:$0x1F930];
	_ =	sdelay $0x3  }
0x1c7: {  	v30 =	vld [tilespmem:$0x2A0]  }
0x1c8: {  	v25 =	vsel vm6, $0xFF61B1E6, v25;
	vm6 =	vnez.u8 v1;
	v1 =	vld [tilespmem:$0x1F940];
	_ =	sdelay $0x3  }
0x1c9: {  	v29 =	vld [tilespmem:$0x2B0]  }
0x1ca: {  	v30 =	vsel vm7, $0xFF61B1E6, v30;
	vm7 =	vnez.u8 v1;
	v1 =	vld [tilespmem:$0x1F950];
	_ =	sdelay $0x3  }
0x1cb: {  	v28 =	vld [tilespmem:$0x2C0]  }
0x1cc: {  	v29 =	vsel vm8, $0xFF61B1E6, v29;
	vm8 =	vnez.u8 v1;
	v1 =	vld [tilespmem:$0x1F960];
	_ =	sdelay $0x3  }
0x1cd: {  	v59 =	vld [tilespmem:$0x270]  }
0x1ce: {  	v28 =	vsel vm9, $0xFF61B1E6, v28;
	vm9 =	vnez.u8 v1;
	v1 =	vld [tilespmem:$0x1F970];
	_ =	sdelay $0x3  }
0x1cf: {  	v58 =	vld [tilespmem:$0x280]  }
0x1d0: {  	v34 =	vsel vm10, $0xFF61B1E6, v59;
	vm10 =	vnez.u8 v1;
	v1 =	vld [tilespmem:$0x1F980];
	_ =	sdelay $0x3  }
0x1d1: {  	v32 =	vld [tilespmem:$0x290]  }
0x1d2: {  	v33 =	vsel vm11, $0xFF61B1E6, v58;
	vm11 =	vnez.u8 v1;
	v1 =	vld [tilespmem:$0x1F990];
	_ =	sdelay $0x3  }
0x1d3: {  	v37 =	vld [tilespmem:$0x240]  }
0x1d4: {  	v32 =	vsel vm12, $0xFF61B1E6, v32;
	vm12 =	vnez.u8 v1;
	v1 =	vld [tilespmem:$0x1F9A0];
	_ =	sdelay $0x4  }
0x1d5: {  	v37 =	vsel vm13, $0xFF61B1E6, v37;
	vm13 =	vnez.u8 v1;
	v1 =	vld [tilespmem:$0x490];
	_ =	sdelay $0x3  }
0x1d6: {  	v36 =	vld [tilespmem:$0x250]  }
0x1d7: {  	[tilespmem:$0x1FA90] =	vst v1;
	v1 =	vld [tilespmem:$0x1F9B0];
	_ =	sdelay $0x3  }
0x1d8: {  	v35 =	vld [tilespmem:$0x260]  }
0x1d9: {  	v36 =	vsel vm14, $0xFF61B1E6, v36;
	vm14 =	vnez.u8 v1;
	v1 =	vld [tilespmem:$0x1F9C0];
	_ =	sdelay $0x3  }
0x1da: {  	v40 =	vld [tilespmem:$0x210]  }
0x1db: {  	v35 =	vsel vm4, $0xFF61B1E6, v35;
	vm4 =	vnez.u8 v1;
	v1 =	vld [tilespmem:$0x1F9D0];
	_ =	sdelay $0x3  }
0x1dc: {  	v39 =	vld [tilespmem:$0x220]  }
0x1dd: {  	v40 =	vsel vm5, $0xFF61B1E6, v40;
	vm5 =	vnez.u8 v1;
	v1 =	vld [tilespmem:$0x1F9E0];
	_ =	sdelay $0x3  }
0x1de: {  	v38 =	vld [tilespmem:$0x230]  }
0x1df: {  	v39 =	vsel vm6, $0xFF61B1E6, v39;
	vm6 =	vnez.u8 v1;
	v1 =	vld [tilespmem:$0x1F9F0];
	_ =	sdelay $0x3  }
0x1e0: {  	v43 =	vld [tilespmem:$0x1E0]  }
0x1e1: {  	v38 =	vsel vm7, $0xFF61B1E6, v38;
	vm7 =	vnez.u8 v1;
	v1 =	vld [tilespmem:$0x1FA00];
	_ =	sdelay $0x3  }
0x1e2: {  	v42 =	vld [tilespmem:$0x1F0]  }
0x1e3: {  	v43 =	vsel vm8, $0xFF61B1E6, v43;
	vm8 =	vnez.u8 v1;
	v1 =	vld [tilespmem:$0x1FA10];
	_ =	sdelay $0x1  }
0x1e4: {  	v9 =	vld [tilespmem:$0x3F0]  }
0x1e5: {  	v48 =	vld [tilespmem:$0x190]  }
0x1e6: {  	v41 =	vld [tilespmem:$0x200]  }
0x1e7: {  	v42 =	vsel vm9, $0xFF61B1E6, v42;
	vm9 =	vnez.u8 v1;
	v1 =	vld [tilespmem:$0x1FA20]  }
0x1e8: {  	v53 =	vld [tilespmem:$0x140]  }
0x1e9: {  	v54 =	vld [tilespmem:$0x130]  }
0x1ea: {  	v56 =	vld [tilespmem:$0x110]  }
0x1eb: {  	v46 =	vld [tilespmem:$0x1B0];
	[tilespmem:$0x1FA30] =	vst v5  }
0x1ec: {  	v41 =	vsel vm10, $0xFF61B1E6, v41;
	vm10 =	vnez.u8 v1;
	v1 =	vld [tilespmem:$0x1FA30]  }
0x1ed: {  	v45 =	vld [tilespmem:$0x1C0]  }
0x1ee: {  	v47 =	vld [tilespmem:$0x1A0]  }
0x1ef: {  	v44 =	vld [tilespmem:$0x1D0]  }
0x1f0: {  	v49 =	vld [tilespmem:$0x180]  }
0x1f1: {  	v46 =	vsel vm11, $0xFF61B1E6, v46;
	vm11 =	vnez.u8 v1;
	v1 =	vld [tilespmem:$0x1FA40]  }
0x1f2: {  	v60 =	vld [tilespmem:$0x150]  }
0x1f3: {  	v61 =	vld [tilespmem:$0x170]  }
0x1f4: {  	v63 =	vld [tilespmem:$0x160]  }
0x1f5: {  	v59 =	vld [tilespmem:$0x0]  }
0x1f6: {  	v45 =	vsel vm12, $0xFF61B1E6, v45;
	vm12 =	vnez.u8 v1;
	v1 =	vld [tilespmem:$0x1FA50]  }
0x1f7: {  	v57 =	vld [tilespmem:$0x100]  }
0x1f8: {  	v52 =	vsel vm6, $0xFF61B1E6, v60;
	v60 =	vld [tilespmem:$0x10]  }
0x1f9: {  	v6 =	vld [tilespmem:$0x1FF70];
	v9 =	vsel vm0, $0xFF61B1E6, v9;
	vm0 =	veq.s32 v31, v3;
	vm15 =	veq.s32 v31, v55  }
0x1fa: {  	vm1 =	veq.s32 v31, v62;
	v58 =	vld [tilespmem:$0xF0];
	v49 =	vsel vm14, $0xFF61B1E6, v49;
	vm14 =	veq.s32 v31, v0  }
0x1fb: {  	v44 =	vsel vm13, $0xFF61B1E6, v44;
	v59 =	vsel vm14, $0xFF61B1E6, v59;
	vm13 =	vnez.u8 v1;
	v1 =	vld [tilespmem:$0x1FF90]  }
0x1fc: {  	v50 =	vsel vm8, $0xFF61B1E6, v61;
	v61 =	vld [tilespmem:$0x20];
	v53 =	vsel vm10, $0xFF61B1E6, v53;
	vm10 =	veq.s32 v31, v2  }
0x1fd: {  	v5 =	vmovc v62;
	v62 =	vld [tilespmem:$0x30];
	v47 =	vsel vm5, $0xFF61B1E6, v47;
	v51 =	vsel vm7, $0xFF61B1E6, v63;
	v60 =	vsel vm10, $0xFF61B1E6, v60  }
0x1fe: {  	v7 =	vld [tilespmem:$0x1FF60];
	[tilespmem:$0x0] =	vst v59;
	v57 =	vsel vm12, $0xFF61B1E6, v57;
	vm12 =	vgt.f32 v59, $-3.000000010e+38;
	v59 =	vmax.f32 v59, $-3.000000010e+38  }
0x1ff: {  	v3 =	vld [tilespmem:$0x1FFB0];
	v58 =	vsel vm11, $0xFF61B1E6, v58;
	v0 =	vnsel vm12, $0x40000000, v0;
	vm5 =	vgt.f32 v60, v59  }
0x200: {  	v55 =	vld [tilespmem:$0x120];
	v59 =	vmax.f32 v59, v60;
	v0 =	vsel vm5, v2, v0;
	vm11 =	veq.s32 v31, v1  }
0x201: {  	v63 =	vld [tilespmem:$0x40];
	[tilespmem:$0x10] =	vst v60;
	v56 =	vsel vm13, $0xFF61B1E6, v56;
	vm13 =	veq.s32 v31, v6;
	v61 =	vsel vm11, $0xFF61B1E6, v61  }
0x202: {  	v60 =	vld [tilespmem:$0x50];
	[tilespmem:$0x20] =	vst v61;
	vm6 =	vgt.f32 v61, v59;
	v59 =	vmax.f32 v59, v61;
	v61 =	vsel vm13, $0xFF61B1E6, v62  }
0x203: {  	v2 =	vld [tilespmem:$0x60];
	v0 =	vsel vm6, v1, v0;
	vm5 =	vgt.f32 v61, v59  }
0x204: {  	v0 =	vsel vm5, v6, v0;
	v6 =	vld [tilespmem:$0x1FF50]  }
0x205: {  	v1 =	vld [tilespmem:$0x1FFC0]  }
0x206: {  	v54 =	vsel vm15, $0xFF61B1E6, v54;
	[tilespmem:$0x30] =	vst v61;
	v59 =	vmax.f32 v59, v61;
	v61 =	vld [tilespmem:$0x70]  }
0x207: {  	vm15 =	veq.s32 v31, v7;
	v55 =	vsel vm9, $0xFF61B1E6, v55;
	vm9 =	veq.s32 v31, v3  }
0x208: {  	v11 =	vld [tilespmem:$0x3D0];
	v48 =	vsel vm4, $0xFF61B1E6, v48;
	v2 =	vsel vm9, $0xFF61B1E6, v2;
	v62 =	vsel vm15, $0xFF61B1E6, v63  }
0x209: {  	vm15 =	vgt.f32 v62, v59;
	v59 =	vmax.f32 v59, v62;
	vm14 =	veq.s32 v31, v6  }
0x20a: {  	v0 =	vsel vm15, v7, v0;
	vm8 =	veq.s32 v31, v1;
	v60 =	vsel vm14, $0xFF61B1E6, v60  }
0x20b: {  	v10 =	vld [tilespmem:$0x3E0];
	v61 =	vsel vm8, $0xFF61B1E6, v61;
	vm4 =	vgt.f32 v60, v59;
	v59 =	vmax.f32 v59, v60  }
0x20c: {  	v4 =	vld [tilespmem:$0x1FFD0];
	[tilespmem:$0x60] =	vst v2;
	v0 =	vsel vm4, v6, v0;
	vm9 =	vgt.f32 v2, v59;
	v2 =	vmax.f32 v59, v2  }
0x20d: {  	v11 =	vsel vm3, $0xFF61B1E6, v11;
	v63 =	vld [tilespmem:$0x80];
	v0 =	vsel vm9, v3, v0;
	vm3 =	vgt.f32 v61, v2  }
0x20e: {  	v0 =	vsel vm3, v1, v0;
	v1 =	vld [tilespmem:$0x1FFE0]  }
0x20f: {  	[tilespmem:$0x50] =	vst v60;
	v60 =	vld [tilespmem:$0x90];
	_ =	sdelay $0x2  }
0x210: {  	v10 =	vsel vm2, $0xFF61B1E6, v10;
	vm2 =	veq.s32 v31, v4  }
0x211: {  	[tilespmem:$0x70] =	vst v61;
	v2 =	vmax.f32 v2, v61;
	v61 =	vsel vm2, $0xFF61B1E6, v63;
	vm10 =	veq.s32 v31, v1  }
0x212: {  	vm11 =	vgt.f32 v61, v2;
	v2 =	vmax.f32 v2, v61;
	v60 =	vsel vm10, $0xFF61B1E6, v60  }
0x213: {  	[tilespmem:$0x40] =	vst v62;
	v62 =	vld [tilespmem:$0xA0];
	v0 =	vsel vm11, v4, v0;
	vm2 =	vgt.f32 v60, v2  }
0x214: {  	v0 =	vsel vm2, v1, v0;
	v1 =	vld [tilespmem:$0x1FFF0]  }
0x215: {  	v59 =	vld [tilespmem:$0xB0];
	_ =	sdelay $0x3  }
0x216: {  	v3 =	vsel vm1, $0xFF61B1E6, v62;
	v2 =	vmax.f32 v2, v60;
	vm12 =	veq.s32 v31, v1  }
0x217: {  	vm13 =	vgt.f32 v3, v2;
	v2 =	vmax.f32 v2, v3;
	v31 =	vsel vm12, $0xFF61B1E6, v59  }
0x218: {  	v0 =	vsel vm13, v5, v0;
	vm1 =	vgt.f32 v31, v2  }
0x219: {  	v0 =	vsel vm1, v1, v0;
	v1 =	vld [tilespmem:$0x1FA60];
	_ =	sdelay $0x4  }
0x21a: {  	vm14 =	vnez.u8 v1;
	v1 =	vld [tilespmem:$0x1FA70];
	_ =	sdelay $0x1  }
0x21b: {  	v63 =	vld [tilespmem:$0xC0]  }
0x21c: {  	[tilespmem:$0x80] =	vst v61;
	v61 =	vld [tilespmem:$0xD0]  }
0x21d: {  	[tilespmem:$0xA0] =	vst v3;
	v3 =	vld [tilespmem:$0x1FC00]  }
0x21e: {  	vm4 =	vnez.u8 v1;
	v1 =	vld [tilespmem:$0x1FEE0];
	_ =	sdelay $0x1  }
0x21f: {  	[tilespmem:$0xB0] =	vst v31;
	v2 =	vmax.f32 v2, v31;
	v31 =	vsel vm0, $0xFF61B1E6, v63  }
0x220: {  	[tilespmem:$0x90] =	vst v60;
	v60 =	vld [tilespmem:$0xE0];
	vm15 =	vgt.f32 v31, v2;
	v2 =	vmax.f32 v2, v31;
	v59 =	vsel vm14, $0xFF61B1E6, v61  }
0x221: {  	v0 =	vsel vm15, v3, v0;
	vm5 =	vgt.f32 v59, v2  }
0x222: {  	v0 =	vsel vm5, v1, v0;
	v1 =	vld [tilespmem:$0x1FEC0];
	_ =	sdelay $0x2  }
0x223: {  	[tilespmem:$0xC0] =	vst v31;
	v2 =	vmax.f32 v2, v59;
	v31 =	vsel vm4, $0xFF61B1E6, v60  }
0x224: {  	vm6 =	vgt.f32 v31, v2  }
0x225: {  	v0 =	vsel vm6, v1, v0;
	v1 =	vld [tilespmem:$0x1FEF0];
	_ =	sdelay $0x1  }
0x226: {  	v2 =	vmax.f32 v2, v31  }
0x227: {  	vm7 =	vgt.f32 v58, v2;
	v2 =	vmax.f32 v2, v58  }
0x228: {  	[tilespmem:$0x100] =	vst v57;
	vm8 =	vgt.f32 v57, v2;
	v2 =	vmax.f32 v2, v57;
	v57 =	vld [tilespmem:$0x1FCD0]  }
0x229: {  	v0 =	vsel vm7, v1, v0;
	v1 =	vld [tilespmem:$0x1FED0];
	_ =	sdelay $0x3  }
0x22a: {  	vm9 =	vgt.f32 v56, v2;
	v2 =	vmax.f32 v2, v56;
	v0 =	vsel vm8, v57, v0  }
0x22b: {  	vm10 =	vgt.f32 v55, v2;
	v2 =	vmax.f32 v2, v55;
	v0 =	vsel vm9, v1, v0;
	v1 =	vld [tilespmem:$0x1FF00]  }
0x22c: {  	[tilespmem:$0x120] =	vst v55;
	v55 =	vld [tilespmem:$0x1FCE0];
	vm11 =	vgt.f32 v54, v2;
	v2 =	vmax.f32 v2, v54  }
0x22d: {  	[tilespmem:$0x140] =	vst v53;
	vm12 =	vgt.f32 v53, v2;
	v2 =	vmax.f32 v2, v53;
	v53 =	vld [tilespmem:$0x1FCF0]  }
0x22e: {  	[tilespmem:$0x150] =	vst v52;
	vm13 =	vgt.f32 v52, v2;
	v2 =	vmax.f32 v2, v52;
	v52 =	vld [tilespmem:$0x1FD00]  }
0x22f: {  	[tilespmem:$0x130] =	vst v54;
	v54 =	vld [tilespmem:$0x1FD10];
	vm14 =	vgt.f32 v51, v2;
	v2 =	vmax.f32 v2, v51  }
0x230: {  	[tilespmem:$0xF0] =	vst v58;
	v58 =	vld [tilespmem:$0x1FD20];
	vm15 =	vgt.f32 v50, v2;
	v2 =	vmax.f32 v2, v50;
	v0 =	vsel vm10, v1, v0  }
0x231: {  	[tilespmem:$0x110] =	vst v56;
	v56 =	vld [tilespmem:$0x1FD30];
	vm4 =	vgt.f32 v49, v2;
	v2 =	vmax.f32 v2, v49;
	v0 =	vsel vm11, v55, v0  }
0x232: {  	[tilespmem:$0x190] =	vst v48;
	vm5 =	vgt.f32 v48, v2;
	v2 =	vmax.f32 v2, v48;
	v48 =	vld [tilespmem:$0x1FD40];
	v0 =	vsel vm12, v53, v0  }
0x233: {  	[tilespmem:$0x1A0] =	vst v47;
	vm6 =	vgt.f32 v47, v2;
	v2 =	vmax.f32 v2, v47;
	v47 =	vld [tilespmem:$0x1FD50];
	v0 =	vsel vm13, v52, v0  }
0x234: {  	[tilespmem:$0x1B0] =	vst v46;
	vm7 =	vgt.f32 v46, v2;
	v2 =	vmax.f32 v2, v46;
	v46 =	vld [tilespmem:$0x1FD60];
	v0 =	vsel vm14, v54, v0  }
0x235: {  	[tilespmem:$0x1C0] =	vst v45;
	vm8 =	vgt.f32 v45, v2;
	v2 =	vmax.f32 v2, v45;
	v45 =	vld [tilespmem:$0x1FD70];
	v0 =	vsel vm15, v58, v0  }
0x236: {  	[tilespmem:$0x1D0] =	vst v44;
	vm9 =	vgt.f32 v44, v2;
	v2 =	vmax.f32 v2, v44;
	v44 =	vld [tilespmem:$0x1FD80];
	v0 =	vsel vm4, v56, v0  }
0x237: {  	[tilespmem:$0x1E0] =	vst v43;
	vm10 =	vgt.f32 v43, v2;
	v2 =	vmax.f32 v2, v43;
	v43 =	vld [tilespmem:$0x1FD90];
	v0 =	vsel vm5, v48, v0  }
0x238: {  	[tilespmem:$0x1F0] =	vst v42;
	vm11 =	vgt.f32 v42, v2;
	v2 =	vmax.f32 v2, v42;
	v42 =	vld [tilespmem:$0x1FDA0];
	v0 =	vsel vm6, v47, v0  }
0x239: {  	[tilespmem:$0x200] =	vst v41;
	vm12 =	vgt.f32 v41, v2;
	v2 =	vmax.f32 v2, v41;
	v41 =	vld [tilespmem:$0x1FDB0];
	v0 =	vsel vm7, v46, v0  }
0x23a: {  	[tilespmem:$0x210] =	vst v40;
	vm13 =	vgt.f32 v40, v2;
	v2 =	vmax.f32 v2, v40;
	v40 =	vld [tilespmem:$0x1FDC0];
	v0 =	vsel vm8, v45, v0  }
0x23b: {  	[tilespmem:$0x220] =	vst v39;
	vm14 =	vgt.f32 v39, v2;
	v2 =	vmax.f32 v2, v39;
	v39 =	vld [tilespmem:$0x1FDD0];
	v0 =	vsel vm9, v44, v0  }
0x23c: {  	[tilespmem:$0x230] =	vst v38;
	vm15 =	vgt.f32 v38, v2;
	v2 =	vmax.f32 v2, v38;
	v38 =	vld [tilespmem:$0x1FDE0];
	v0 =	vsel vm10, v43, v0  }
0x23d: {  	[tilespmem:$0x240] =	vst v37;
	vm4 =	vgt.f32 v37, v2;
	v2 =	vmax.f32 v2, v37;
	v37 =	vld [tilespmem:$0x1FDF0];
	v0 =	vsel vm11, v42, v0  }
0x23e: {  	[tilespmem:$0x250] =	vst v36;
	vm5 =	vgt.f32 v36, v2;
	v2 =	vmax.f32 v2, v36;
	v36 =	vld [tilespmem:$0x1FE00];
	v0 =	vsel vm12, v41, v0  }
0x23f: {  	[tilespmem:$0x260] =	vst v35;
	vm6 =	vgt.f32 v35, v2;
	v2 =	vmax.f32 v2, v35;
	v35 =	vld [tilespmem:$0x1FE10];
	v0 =	vsel vm13, v40, v0  }
0x240: {  	[tilespmem:$0x170] =	vst v50;
	v50 =	vld [tilespmem:$0x1FC10];
	vm7 =	vgt.f32 v34, v2;
	v2 =	vmax.f32 v2, v34;
	v0 =	vsel vm14, v39, v0  }
0x241: {  	[tilespmem:$0x280] =	vst v33;
	vm8 =	vgt.f32 v33, v2;
	v2 =	vmax.f32 v2, v33;
	v33 =	vld [tilespmem:$0x1FE20];
	v0 =	vsel vm15, v38, v0  }
0x242: {  	[tilespmem:$0x290] =	vst v32;
	vm9 =	vgt.f32 v32, v2;
	v2 =	vmax.f32 v2, v32;
	v32 =	vld [tilespmem:$0x1FE30];
	v0 =	vsel vm4, v37, v0  }
0x243: {  	[tilespmem:$0x180] =	vst v49;
	v49 =	vld [tilespmem:$0x1FC20];
	v0 =	vsel vm5, v36, v0  }
0x244: {  	[tilespmem:$0xD0] =	vst v59;
	v59 =	vld [tilespmem:$0x1FE40];
	v0 =	vsel vm6, v35, v0  }
0x245: {  	[tilespmem:$0x160] =	vst v51;
	v51 =	vld [tilespmem:$0x1FC30];
	vm10 =	vgt.f32 v30, v2;
	v2 =	vmax.f32 v2, v30;
	v0 =	vsel vm7, v50, v0  }
0x246: {  	v60 =	vld [tilespmem:$0x1FE50];
	vm11 =	vgt.f32 v29, v2;
	v2 =	vmax.f32 v2, v29;
	v0 =	vsel vm8, v33, v0  }
0x247: {  	[tilespmem:$0x2C0] =	vst v28;
	vm12 =	vgt.f32 v28, v2;
	v2 =	vmax.f32 v2, v28;
	v28 =	vld [tilespmem:$0x1FE60];
	v0 =	vsel vm9, v32, v0  }
0x248: {  	[tilespmem:$0x2B0] =	vst v29;
	v29 =	vld [tilespmem:$0x1FE70];
	vm13 =	vgt.f32 v27, v2;
	v2 =	vmax.f32 v2, v27;
	v0 =	vsel vm10, v49, v0  }
0x249: {  	[tilespmem:$0x270] =	vst v34;
	v34 =	vld [tilespmem:$0x1FE80];
	vm14 =	vgt.f32 v26, v2;
	v2 =	vmax.f32 v2, v26;
	v0 =	vsel vm11, v59, v0  }
0x24a: {  	[tilespmem:$0x2A0] =	vst v30;
	v30 =	vld [tilespmem:$0x1FE90];
	vm15 =	vgt.f32 v25, v2;
	v2 =	vmax.f32 v2, v25;
	v0 =	vsel vm12, v51, v0  }
0x24b: {  	[tilespmem:$0x2D0] =	vst v27;
	v27 =	vld [tilespmem:$0x1FC40];
	vm4 =	vgt.f32 v24, v2;
	v2 =	vmax.f32 v2, v24;
	v0 =	vsel vm13, v60, v0  }
0x24c: {  	v61 =	vld [tilespmem:$0x1FEA0];
	vm5 =	vgt.f32 v23, v2;
	v2 =	vmax.f32 v2, v23;
	v0 =	vsel vm14, v28, v0  }
0x24d: {  	v63 =	vld [tilespmem:$0x1FC50];
	vm6 =	vgt.f32 v22, v2;
	v2 =	vmax.f32 v2, v22;
	v0 =	vsel vm15, v29, v0  }
0x24e: {  	[tilespmem:$0x330] =	vst v21;
	vm7 =	vgt.f32 v21, v2;
	v2 =	vmax.f32 v2, v21;
	v21 =	vld [tilespmem:$0x1FC60];
	v0 =	vsel vm4, v34, v0  }
0x24f: {  	v1 =	vld [tilespmem:$0x1FF30];
	v0 =	vsel vm5, v30, v0  }
0x250: {  	v0 =	vsel vm6, v27, v0  }
0x251: {  	vm8 =	vgt.f32 v20, v2;
	v2 =	vmax.f32 v2, v20;
	v0 =	vsel vm7, v61, v0  }
0x252: {  	vm9 =	vgt.f32 v19, v2;
	v2 =	vmax.f32 v2, v19;
	v0 =	vsel vm8, v63, v0  }
0x253: {  	[tilespmem:$0x360] =	vst v18;
	vm10 =	vgt.f32 v18, v2;
	v2 =	vmax.f32 v2, v18;
	v18 =	vld [tilespmem:$0x1FEB0];
	v0 =	vsel vm9, v21, v0  }
0x254: {  	v0 =	vsel vm10, v1, v0;
	v1 =	vld [tilespmem:$0x1FF20];
	_ =	sdelay $0x2  }
0x255: {  	vm11 =	vgt.f32 v17, v2;
	v2 =	vmax.f32 v2, v17  }
0x256: {  	vm12 =	vgt.f32 v16, v2;
	v0 =	vsel vm11, v18, v0  }
0x257: {  	v0 =	vsel vm12, v1, v0;
	v1 =	vld [tilespmem:$0x1FC70];
	_ =	sdelay $0x2  }
0x258: {  	v2 =	vmax.f32 v2, v16  }
0x259: {  	vm13 =	vgt.f32 v15, v2  }
0x25a: {  	v0 =	vsel vm13, v1, v0;
	v1 =	vld [tilespmem:$0x1FC80];
	_ =	sdelay $0x2  }
0x25b: {  	v2 =	vmax.f32 v2, v15  }
0x25c: {  	vm14 =	vgt.f32 v14, v2  }
0x25d: {  	v0 =	vsel vm14, v1, v0;
	v1 =	vld [tilespmem:$0x1FF10];
	_ =	sdelay $0x2  }
0x25e: {  	v2 =	vmax.f32 v2, v14  }
0x25f: {  	vm15 =	vgt.f32 v13, v2  }
0x260: {  	v0 =	vsel vm15, v1, v0;
	v1 =	vld [tilespmem:$0x1FFA0];
	_ =	sdelay $0x2  }
0x261: {  	v2 =	vmax.f32 v2, v13  }
0x262: {  	vm4 =	vgt.f32 v12, v2  }
0x263: {  	v0 =	vsel vm4, v1, v0;
	v1 =	vld [tilespmem:$0x1FF40];
	_ =	sdelay $0x2  }
0x264: {  	v2 =	vmax.f32 v2, v12  }
0x265: {  	vm5 =	vgt.f32 v11, v2  }
0x266: {  	v0 =	vsel vm5, v1, v0;
	v1 =	vld [tilespmem:$0x1FF80];
	_ =	sdelay $0x2  }
0x267: {  	v2 =	vmax.f32 v2, v11  }
0x268: {  	vm6 =	vgt.f32 v10, v2  }
0x269: {  	v0 =	vsel vm6, v1, v0;
	v1 =	vld [tilespmem:$0x1FBC0];
	_ =	sdelay $0x2  }
0x26a: {  	v2 =	vmax.f32 v2, v10  }
0x26b: {  	v62 =	vmov v5;
	v5 =	vld [tilespmem:$0x1FA80];
	vm7 =	vgt.f32 v9, v2  }
0x26c: {  	v0 =	vsel vm7, v1, v0;
	v1 =	vld [tilespmem:$0x1FBE0];
	_ =	sdelay $0x2  }
0x26d: {  	v2 =	vmax.f32 v2, v9  }
0x26e: {  	v8 =	vld [tilespmem:$0x480];
	vm8 =	vgt.f32 v5, v2  }
0x26f: {  	v0 =	vsel vm8, v1, v0;
	v1 =	vld [tilespmem:$0x1FC90];
	_ =	sdelay $0x3  }
0x270: {  	v2 =	vmax.f32 v2, v5  }
0x271: {  	[tilespmem:$0x3F0] =	vst v9;
	v4 =	vmov v8;
	v8 =	vperm.xlane v2, v1;
	v9 =	vperm.xlane v0, v1  }
0x272: {  	v1 =	vld [tilespmem:$0x1FCA0]  }
0x273: {  	vm10 =	veq.f32 v8, v2;
	vm11 =	vlt.s32 v9, v0  }
0x274: {  	vm9 =	vgt.f32 v8, v2;
	vm1 =	vmand vm10, vm11  }
0x275: {  	vm0 =	vmor vm9, vm1  }
0x276: {  	v0 =	vsel vm0, v9, v0;
	v2 =	vsel vm0, v8, v2  }
0x277: {  	[tilespmem:$0x320] =	vst v22;
	v8 =	vperm.xlane v2, v1;
	v9 =	vperm.xlane v0, v1  }
0x278: {  	[tilespmem:$0x340] =	vst v20;
	v1 =	vld [tilespmem:$0x1FCB0]  }
0x279: {  	[tilespmem:$0x350] =	vst v19;
	vm12 =	veq.f32 v8, v2;
	vm13 =	vlt.s32 v9, v0  }
0x27a: {  	[tilespmem:$0x370] =	vst v17;
	vm0 =	vgt.f32 v8, v2;
	vm1 =	vmand vm12, vm13  }
0x27b: {  	[tilespmem:$0x380] =	vst v16;
	vm0 =	vmor vm0, vm1  }
0x27c: {  	[tilespmem:$0x390] =	vst v15;
	v0 =	vsel vm0, v9, v0;
	v2 =	vsel vm0, v8, v2  }
0x27d: {  	[tilespmem:$0x3A0] =	vst v14;
	v8 =	vperm.xlane v2, v1;
	v9 =	vperm.xlane v0, v1  }
0x27e: {  	[tilespmem:$0x3B0] =	vst v13  }
0x27f: {  	[tilespmem:$0x3C0] =	vst v12;
	vm14 =	veq.f32 v8, v2;
	vm15 =	vlt.s32 v9, v0  }
0x280: {  	[tilespmem:$0x3D0] =	vst v11;
	vm0 =	vgt.f32 v8, v2;
	vm1 =	vmand vm14, vm15  }
0x281: {  	[tilespmem:$0x3E0] =	vst v10;
	vm0 =	vmor vm0, vm1  }
0x282: {  	p0 =	sne.s32 s28, $0x1F;
	[tilespmem:$0x300] =	vst v24;
	v13 =	vsel vm0, v9, v0;
	v0 =	vld [tilespmem:$0x1FCC0]  }
.Ltmp1:
0x283: {  	[tilespmem:$0x310] =	vst v23;
	(pc) =	sbr.rel @p0 .LBB2_3-.Ltmp1, $4  }
0x284: {  	[tilespmem:$0x2E0] =	vst v26  }
0x285: {  	[tilespmem:$0x2F0] =	vst v25  }
0x286: {  	s30 =	smov.u32 s28;
	[tilespmem:$0x400] =	vst v5;
	v10 =	vsel vm0, v8, v2  }
0x287: {  	s28 =	sadd.s32 $0x1, s28;
	s29 =	smov.u32 s30;
	[tilespmem:$0xE0] =	vst v31;
	v1 =	vld [tilespmem:$0x1FA90];
	v11 =	vperm.xlane v10, v0;
	v14 =	vperm.xlane v13, v0  }
0x288: {  	_ = 	snop  }
0x289: {  	vm0 =	veq.f32 v11, v10;
	vm1 =	vlt.s32 v14, v13  }
0x28a: {  	vm2 =	vgt.f32 v11, v10;
	vm0 =	vmand vm0, vm1  }
0x28b: {  	v0 =	vmov s29;
	v10 =	vlaneseq.u32;
	vm0 =	vmor vm2, vm0  }
0x28c: {  	vm12 =	veq.s32 v0, v10;
	v2 =	vsel vm0, v14, v13  }
0x28d: {  	v4 =	vsel vm12, v2, v4  }
0x28e: {  	v5 =	vshrl.u32 v4, $0x3  }
0x28f: {  	v5 =	vmul.u32 $0x30, v5  }
0x290: {  	v11 =	vld [tilespmem:$0x1FBF0];
	v7 =	vand.u32 $0x7, v4  }
0x291: {  	v8 =	vshrl.u32 v10, $0x3;
	v5 =	vor.u32 v7, v5;
	v7 =	vand.u32 $0x7, v10  }
0x292: {  	v8 =	vmul.u32 $0x8, v8;
	v9 =	vperm.xlane v5, v7;
	_ =	sdelay $0x1  }
0x293: {  	v9 =	vadd.s32 v8, v9  }
0x294: {  	vm13 =	veq.s32 v0, v11  }
0x295: {  	v0 =	vsel vm13, v2, v1  }
0x296: {  	[tilespmem:$0x490] =	vst v0;
	v0 =	vor.u32 $0x8, v10  }
0x297: {  	vm14 =	vmmov $0xffff;
	[tilespmem:$0x480] =	vst v4;
	v2 =	vperm.xlane v5, v0  }
0x298: {  	[tilespmem:s21], [sflag:$0x1] =	stream.indirect_vreg.gather [hbm4b:s4+s19], $0x80, v9, vm14, $0xb8;
	[tilespmem:$0x17500] =	vst v63  }
0x299: {  	s28 =	simm.s32 $0xD00;
	v2 =	vadd.s32 v8, v2  }
0x29a: {  	[tilespmem:s28], [sflag:$0x1] =	stream.indirect_vreg.gather [hbm4b:s8+s19], $0x80, v9, vm14, $0xb8;
	[tilespmem:$0x17500] =	vst v63  }
0x29b: {  	s30 =	simm.s32 $0x1500  }
0x29c: {  	[tilespmem:s30], [sflag:$0x1] =	stream.indirect_vreg.gather [hbm4b:s9+s19], $0x80, v9, vm14, $0xb8;
	[tilespmem:$0x17500] =	vst v63  }
0x29d: {  	s29 =	simm.s32 $0x1D00  }
0x29e: {  	[tilespmem:s29], [sflag:$0x1] =	stream.indirect_vreg.gather [hbm4b:s4+s19], $0x80, v2, vm14, $0xb8;
	[tilespmem:$0x17500] =	vst v63  }
0x29f: {  	s30 =	simm.s32 $0x2500  }
0x2a0: {  	[tilespmem:s30], [sflag:$0x1] =	stream.indirect_vreg.gather [hbm4b:s8+s19], $0x80, v2, vm14, $0xb8;
	[tilespmem:$0x17500] =	vst v63  }
0x2a1: {  	s29 =	simm.s32 $0x2D00  }
0x2a2: {  	[tilespmem:s29], [sflag:$0x1] =	stream.indirect_vreg.gather [hbm4b:s9+s19], $0x80, v2, vm14, $0xb8;
	[tilespmem:$0x17500] =	vst v63  }
0x2a3: {  	v2 =	vld [tilespmem:$0x490];
	_ =	sdelay $0x4  }
0x2a4: {  	v4 =	vshrl.u32 v2, $0x3  }
0x2a5: {  	v4 =	vmul.u32 $0x30, v4  }
0x2a6: {  	v2 =	vand.u32 $0x7, v2  }
0x2a7: {  	v2 =	vor.u32 v2, v4  }
0x2a8: {  	v4 =	vperm.xlane v2, v7;
	_ =	sdelay $0x1  }
0x2a9: {  	v4 =	vadd.s32 v8, v4;
	_ =	sdelay $0x3  }
0x2aa: {  	s30 =	simm.s32 $0x3500;
	v2 =	vperm.xlane v2, v0  }
0x2ab: {  	[tilespmem:s30], [sflag:$0x1] =	stream.indirect_vreg.gather [hbm4b:s4+s19], $0x80, v4, vm14, $0xb8;
	[tilespmem:$0x17500] =	vst v63  }
0x2ac: {  	s29 =	simm.s32 $0x3D00;
	v2 =	vadd.s32 v8, v2  }
0x2ad: {  	[tilespmem:s29], [sflag:$0x1] =	stream.indirect_vreg.gather [hbm4b:s8+s19], $0x80, v4, vm14, $0xb8;
	[tilespmem:$0x17500] =	vst v63  }
0x2ae: {  	s30 =	simm.s32 $0x4500  }
0x2af: {  	[tilespmem:s30], [sflag:$0x1] =	stream.indirect_vreg.gather [hbm4b:s9+s19], $0x80, v4, vm14, $0xb8;
	[tilespmem:$0x17500] =	vst v63  }
0x2b0: {  	s29 =	simm.s32 $0x4D00  }
0x2b1: {  	[tilespmem:s29], [sflag:$0x1] =	stream.indirect_vreg.gather [hbm4b:s4+s19], $0x80, v2, vm14, $0xb8;
	[tilespmem:$0x17500] =	vst v63  }
0x2b2: {  	s30 =	simm.s32 $0x5500  }
0x2b3: {  	[tilespmem:s30], [sflag:$0x1] =	stream.indirect_vreg.gather [hbm4b:s8+s19], $0x80, v2, vm14, $0xb8;
	[tilespmem:$0x17500] =	vst v63  }
0x2b4: {  	s29 =	simm.s32 $0x5D00  }
0x2b5: {  	[tilespmem:s29], [sflag:$0x1] =	stream.indirect_vreg.gather [hbm4b:s9+s19], $0x80, v2, vm14, $0xb8;
	[tilespmem:$0x17500] =	vst v63  }
0x2b6: {  	v2 =	vld [tilespmem:$0x480];
	_ =	sdelay $0x4  }
0x2b7: {  	v4 =	vshrl.u32 v2, $0x3  }
0x2b8: {  	v4 =	vmul.u32 $0x88, v4  }
0x2b9: {  	v2 =	vand.u32 $0x7, v2  }
0x2ba: {  	v2 =	vor.u32 v2, v4  }
0x2bb: {  	v4 =	vperm.xlane v2, v7;
	_ =	sdelay $0x1  }
0x2bc: {  	v4 =	vadd.s32 v8, v4;
	_ =	sdelay $0x4  }
0x2bd: {  	[tilespmem:s2], [sflag:$0x1] =	stream.indirect_vreg.gather [hbm4b:s5+s19], $0x80, v4, vm14, $0xb8;
	[tilespmem:$0x17500] =	vst v63  }
0x2be: {  	s30 =	simm.s32 $0x6D00  }
0x2bf: {  	[tilespmem:s30], [sflag:$0x1] =	stream.indirect_vreg.gather [hbm4b:s10+s19], $0x80, v4, vm14, $0xb8;
	[tilespmem:$0x17500] =	vst v63  }
0x2c0: {  	s29 =	simm.s32 $0x7500  }
0x2c1: {  	[tilespmem:s29], [sflag:$0x1] =	stream.indirect_vreg.gather [hbm4b:s11+s19], $0x80, v4, vm14, $0xb8;
	[tilespmem:$0x17500] =	vst v63  }
0x2c2: {  	s30 =	simm.s32 $0x7D00  }
0x2c3: {  	[tilespmem:s30], [sflag:$0x1] =	stream.indirect_vreg.gather [hbm4b:s12+s19], $0x80, v4, vm14, $0xb8;
	[tilespmem:$0x17500] =	vst v63  }
0x2c4: {  	s29 =	simm.s32 $0x8500  }
0x2c5: {  	[tilespmem:s29], [sflag:$0x1] =	stream.indirect_vreg.gather [hbm4b:s13+s19], $0x80, v4, vm14, $0xb8;
	[tilespmem:$0x17500] =	vst v63  }
0x2c6: {  	s30 =	simm.s32 $0x8D00  }
0x2c7: {  	[tilespmem:s30], [sflag:$0x1] =	stream.indirect_vreg.gather [hbm4b:s14+s19], $0x80, v4, vm14, $0xb8;
	[tilespmem:$0x17500] =	vst v63  }
0x2c8: {  	v2 =	vperm.xlane v2, v0;
	s29 =	simm.s32 $0x9500  }
0x2c9: {  	[tilespmem:s29], [sflag:$0x1] =	stream.indirect_vreg.gather [hbm4b:s15+s19], $0x80, v4, vm14, $0xb8;
	[tilespmem:$0x17500] =	vst v63  }
0x2ca: {  	v2 =	vadd.s32 v8, v2;
	s30 =	simm.s32 $0x9D00  }
0x2cb: {  	[tilespmem:s30], [sflag:$0x1] =	stream.indirect_vreg.gather [hbm4b:s16+s19], $0x80, v4, vm14, $0xb8;
	[tilespmem:$0x17500] =	vst v63  }
0x2cc: {  	vm15 =	vmmov $0xff;
	s29 =	simm.s32 $0xA500  }
0x2cd: {  	[tilespmem:s29], [sflag:$0x1] =	stream.indirect_vreg.gather [hbm4b:s17+s19], $0x80, v4, vm15, $0xb8;
	[tilespmem:$0x17500] =	vst v63  }
0x2ce: {  	s30 =	simm.s32 $0xA900  }
0x2cf: {  	[tilespmem:s30], [sflag:$0x1] =	stream.indirect_vreg.gather [hbm4b:s5+s19], $0x80, v2, vm14, $0xb8;
	[tilespmem:$0x17500] =	vst v63  }
0x2d0: {  	s29 =	simm.s32 $0xB100  }
0x2d1: {  	[tilespmem:s29], [sflag:$0x1] =	stream.indirect_vreg.gather [hbm4b:s10+s19], $0x80, v2, vm14, $0xb8;
	[tilespmem:$0x17500] =	vst v63  }
0x2d2: {  	s30 =	simm.s32 $0xB900  }
0x2d3: {  	[tilespmem:s30], [sflag:$0x1] =	stream.indirect_vreg.gather [hbm4b:s11+s19], $0x80, v2, vm14, $0xb8;
	[tilespmem:$0x17500] =	vst v63  }
0x2d4: {  	s29 =	simm.s32 $0xC100  }
0x2d5: {  	[tilespmem:s29], [sflag:$0x1] =	stream.indirect_vreg.gather [hbm4b:s12+s19], $0x80, v2, vm14, $0xb8;
	[tilespmem:$0x17500] =	vst v63  }
0x2d6: {  	s30 =	simm.s32 $0xC900  }
0x2d7: {  	[tilespmem:s30], [sflag:$0x1] =	stream.indirect_vreg.gather [hbm4b:s13+s19], $0x80, v2, vm14, $0xb8;
	[tilespmem:$0x17500] =	vst v63  }
0x2d8: {  	s29 =	simm.s32 $0xD100  }
0x2d9: {  	[tilespmem:s29], [sflag:$0x1] =	stream.indirect_vreg.gather [hbm4b:s14+s19], $0x80, v2, vm14, $0xb8;
	[tilespmem:$0x17500] =	vst v63  }
0x2da: {  	s30 =	simm.s32 $0xD900  }
0x2db: {  	[tilespmem:s30], [sflag:$0x1] =	stream.indirect_vreg.gather [hbm4b:s15+s19], $0x80, v2, vm14, $0xb8;
	[tilespmem:$0x17500] =	vst v63  }
0x2dc: {  	s29 =	simm.s32 $0xE100  }
0x2dd: {  	[tilespmem:s29], [sflag:$0x1] =	stream.indirect_vreg.gather [hbm4b:s16+s19], $0x80, v2, vm14, $0xb8;
	[tilespmem:$0x17500] =	vst v63  }
0x2de: {  	s30 =	simm.s32 $0xE900  }
0x2df: {  	[tilespmem:s30], [sflag:$0x1] =	stream.indirect_vreg.gather [hbm4b:s17+s19], $0x80, v2, vm15, $0xb8;
	[tilespmem:$0x17500] =	vst v63  }
0x2e0: {  	v2 =	vld [tilespmem:$0x490];
	_ =	sdelay $0x4  }
0x2e1: {  	v4 =	vshrl.u32 v2, $0x3  }
0x2e2: {  	v4 =	vmul.u32 $0x88, v4  }
0x2e3: {  	v2 =	vand.u32 $0x7, v2  }
0x2e4: {  	v2 =	vor.u32 v2, v4  }
0x2e5: {  	v4 =	vperm.xlane v2, v7;
	_ =	sdelay $0x1  }
0x2e6: {  	v4 =	vadd.s32 v8, v4;
	_ =	sdelay $0x3  }
0x2e7: {  	s29 =	simm.s32 $0xED00  }
0x2e8: {  	[tilespmem:s29], [sflag:$0x1] =	stream.indirect_vreg.gather [hbm4b:s5+s19], $0x80, v4, vm14, $0xb8;
	[tilespmem:$0x17500] =	vst v63  }
0x2e9: {  	s30 =	simm.s32 $0xF500  }
0x2ea: {  	[tilespmem:s30], [sflag:$0x1] =	stream.indirect_vreg.gather [hbm4b:s10+s19], $0x80, v4, vm14, $0xb8;
	[tilespmem:$0x17500] =	vst v63  }
0x2eb: {  	s29 =	simm.s32 $0xFD00  }
0x2ec: {  	[tilespmem:s29], [sflag:$0x1] =	stream.indirect_vreg.gather [hbm4b:s11+s19], $0x80, v4, vm14, $0xb8;
	[tilespmem:$0x17500] =	vst v63  }
0x2ed: {  	s30 =	simm.s32 $0x10500  }
0x2ee: {  	[tilespmem:s30], [sflag:$0x1] =	stream.indirect_vreg.gather [hbm4b:s12+s19], $0x80, v4, vm14, $0xb8;
	[tilespmem:$0x17500] =	vst v63  }
0x2ef: {  	s29 =	simm.s32 $0x10D00  }
0x2f0: {  	[tilespmem:s29], [sflag:$0x1] =	stream.indirect_vreg.gather [hbm4b:s13+s19], $0x80, v4, vm14, $0xb8;
	[tilespmem:$0x17500] =	vst v63  }
0x2f1: {  	s30 =	simm.s32 $0x11500  }
0x2f2: {  	[tilespmem:s30], [sflag:$0x1] =	stream.indirect_vreg.gather [hbm4b:s14+s19], $0x80, v4, vm14, $0xb8;
	[tilespmem:$0x17500] =	vst v63  }
0x2f3: {  	v0 =	vperm.xlane v2, v0;
	s29 =	simm.s32 $0x11D00  }
0x2f4: {  	[tilespmem:s29], [sflag:$0x1] =	stream.indirect_vreg.gather [hbm4b:s15+s19], $0x80, v4, vm14, $0xb8;
	[tilespmem:$0x17500] =	vst v63  }
0x2f5: {  	v0 =	vadd.s32 v8, v0;
	s30 =	simm.s32 $0x12500  }
0x2f6: {  	[tilespmem:s30], [sflag:$0x1] =	stream.indirect_vreg.gather [hbm4b:s16+s19], $0x80, v4, vm14, $0xb8;
	[tilespmem:$0x17500] =	vst v63  }
0x2f7: {  	s29 =	simm.s32 $0x12D00  }
0x2f8: {  	[tilespmem:s29], [sflag:$0x1] =	stream.indirect_vreg.gather [hbm4b:s17+s19], $0x80, v4, vm15, $0xb8;
	[tilespmem:$0x17500] =	vst v63  }
0x2f9: {  	s30 =	simm.s32 $0x13100  }
0x2fa: {  	[tilespmem:s30], [sflag:$0x1] =	stream.indirect_vreg.gather [hbm4b:s5+s19], $0x80, v0, vm14, $0xb8;
	[tilespmem:$0x17500] =	vst v63  }
0x2fb: {  	s29 =	simm.s32 $0x13900  }
0x2fc: {  	[tilespmem:s29], [sflag:$0x1] =	stream.indirect_vreg.gather [hbm4b:s10+s19], $0x80, v0, vm14, $0xb8;
	[tilespmem:$0x17500] =	vst v63  }
0x2fd: {  	s30 =	simm.s32 $0x14100  }
0x2fe: {  	[tilespmem:s30], [sflag:$0x1] =	stream.indirect_vreg.gather [hbm4b:s11+s19], $0x80, v0, vm14, $0xb8;
	[tilespmem:$0x17500] =	vst v63  }
0x2ff: {  	s29 =	simm.s32 $0x14900  }
0x300: {  	[tilespmem:s29], [sflag:$0x1] =	stream.indirect_vreg.gather [hbm4b:s12+s19], $0x80, v0, vm14, $0xb8;
	[tilespmem:$0x17500] =	vst v63  }
0x301: {  	_ = 	snop  }
0x302: {  	[tilespmem:s31], [sflag:$0x1] =	stream.indirect_vreg.gather [hbm4b:s13+s19], $0x80, v0, vm14, $0xb8;
	[tilespmem:$0x17500] =	vst v63  }
0x303: {  	_ = 	snop  }
0x304: {  	[tilespmem:s1], [sflag:$0x1] =	stream.indirect_vreg.gather [hbm4b:s14+s19], $0x80, v0, vm14, $0xb8;
	[tilespmem:$0x17500] =	vst v63  }
0x305: {  	_ = 	snop  }
0x306: {  	[tilespmem:s0], [sflag:$0x1] =	stream.indirect_vreg.gather [hbm4b:s15+s19], $0x80, v0, vm14, $0xb8;
	[tilespmem:$0x17500] =	vst v63  }
0x307: {  	_ = 	snop  }
0x308: {  	[tilespmem:s22], [sflag:$0x1] =	stream.indirect_vreg.gather [hbm4b:s16+s19], $0x80, v0, vm14, $0xb8;
	[tilespmem:$0x17500] =	vst v63  }
0x309: {  	_ = 	snop  }
0x30a: {  	[tilespmem:s23], [sflag:$0x1] =	stream.indirect_vreg.gather [hbm4b:s17+s19], $0x80, v0, vm15, $0xb8;
	[tilespmem:$0x17500] =	vst v63  }
0x30b: {  	_ =	swait.ge [sflag:s24], $0x6000  }
0x30c: {  	[sflag:s24] =	ssyncset.done $0x0  }
0x30d: {  	[sflag:s24] =	ssyncadd.s32 $0xFFFFA000  }
0x30e: {  	_ =	swait.ge [sflag:s24], $0x11000  }
0x30f: {  	[sflag:s24] =	ssyncset.done $0x0  }
0x310: {  	[sflag:s24] =	ssyncadd.s32 $0xFFFEF000  }
0x311: {  	s30 =	rddreg [dreg:$0x1]  }
0x312: {  	[hbm4b:s30+s19] =	stream.linear.scatter [tilespmem:s25], [sflag:$0x2], $0x80, $0x38;
	[tilespmem:$0x17500] =	vst v63  }
0x313: {  	_ =	swait.ge [sflag:s20], $0x80  }
0x314: {  	[sflag:s20] =	ssyncset.done $0x0  }
0x315: {  	[sflag:s20] =	ssyncadd.s32 $0xFFFFFF80  }
0x316: {  	[hbm4b:s6+s19] =	stream.linear.scatter [tilespmem:s21], [sflag:$0x2], $0x6000, $0x38;
	[tilespmem:$0x17500] =	vst v63  }
0x317: {  	_ =	swait.ge [sflag:s20], $0x6000  }
0x318: {  	[sflag:s20] =	ssyncset.done $0x0  }
0x319: {  	[sflag:s20] =	ssyncadd.s32 $0xFFFFA000  }
0x31a: {  	[hbm4b:s7+s19] =	stream.linear.scatter [tilespmem:s2], [sflag:$0x2], $0x11000, $0x38;
	[tilespmem:$0x17500] =	vst v63  }
0x31b: {  	_ =	swait.ge [sflag:s20], $0x11000  }
0x31c: {  	v49 =	vld [tilespmem:$0x1FF90]  }
0x31d: {  	v16 =	vld [tilespmem:$0x1FF70]  }
0x31e: {  	v50 =	vld [tilespmem:$0x1FF60]  }
0x31f: {  	v51 =	vld [tilespmem:$0x1FF50]  }
0x320: {  	v10 =	vld [tilespmem:$0x1FFB0]  }
0x321: {  	v12 =	vld [tilespmem:$0x1FFC0]  }
0x322: {  	v5 =	vld [tilespmem:$0x1FFD0]  }
0x323: {  	v13 =	vld [tilespmem:$0x1FFE0]  }
0x324: {  	v17 =	vld [tilespmem:$0x1FEE0]  }
0x325: {  	v21 =	vld [tilespmem:$0x1FEC0]  }
0x326: {  	v25 =	vld [tilespmem:$0x1FEF0]  }
0x327: {  	v26 =	vld [tilespmem:$0x1FED0]  }
0x328: {  	s26 =	sadd.s32 $0x1, s26;
	v27 =	vld [tilespmem:$0x1FF00]  }
0x329: {  	p0 =	sne.s32 s26, s18;
	v1 =	vld [tilespmem:$0x1FF30]  }
.Ltmp2:
0x32a: {  	v63 =	vld [tilespmem:$0x1FF20];
	(pc) =	sbr.rel @p0 .LBB2_2-.Ltmp2, $4  }
0x32b: {  	v2 =	vld [tilespmem:$0x1FF10]  }
0x32c: {  	v0 =	vld [tilespmem:$0x1FFA0]  }
0x32d: {  	[sflag:s20] =	ssyncset.done $0x0;
	v3 =	vld [tilespmem:$0x1FF40]  }
0x32e: {  	v4 =	vld [tilespmem:$0x1FF80];
	[sflag:s20] =	ssyncadd.s32 $0xFFFEF000  }
.LBB2_5:
0x32f: {  	_ =	sfence.sel $0x180000  }
0x330: {  	[bflag:$0x0] =	sbarrier.arrive $0xFFFF  }
0x331: {  	_ =	strace $0x90000047  }
0x332: {  	s0 =	stileid.u32;
	[bflag:$0x2] =	sbarrier.arrive $0xFFFF  }
0x333: {  	p0 =	sne.s32 s0, $0x0;
	s0 =	rddreg [dreg:$0x2]  }
0x334: {  	s0 =	sadd.s32 @!p0 $0x100000, s0  }
0x335: {  	[sflag:s0] =	ssyncadd.tile.s32 @!p0 $0x1;
	_ =	shalt  }
.Lfunc_end2:
_tile_overlayer_lowered:
.L_overlay_start_2:
0x336: {  	(tag) =	ssettag $0x2  }
0x337: {  	s0 =	rddreg [dreg:$0x0];
	s2 =	stileid.u32  }
0x338: {  	s1 =	rddreg [dreg:$0x1];
	p0 =	sne.s32 s2, $0x0  }
0x339: {  	s3 =	rddreg [dreg:$0x2];
	[bflag:$0x3] =	sbarrier.arrive $0xFFFF;
	s2 =	simm.s32 @!p0 $0x1C02  }
0x33a: {  	[timem:s3], [sflag:s2] =	dma.local @!p0 [hbm:s0], s1  }
0x33b: {  	s0 =	simm.s32 @!p0 $0x2  }
0x33c: {  	_ =	swait.ge @!p0 [sflag:s0], s1  }
0x33d: {  	s1 =	ssub.s32 @!p0 $0x0, s1;
	[sflag:s0] =	ssyncset.done @!p0 $0x0  }
0x33e: {  	[sflag:s0] =	ssyncadd.s32 @!p0 s1  }
0x33f: {  	[bflag:$0x3] =	sbarrier.arrive $0xFFFF  }
0x340: {  	_ =	shalt  }

// kernel: kernel.19.cloned.1.call-start
scs
__scs_entry_jumppad:
0x0: {  	(pc) =	sbr.rel $0x88, $3  }
0x1: {  	(tag) =	ssettag $0x0;
	lr =	simm.s32 $0x1  }
0x2: {  	[smem:$0x3F78] =	sst lr;
	_ =	strace $0xD0000000  }
0x3: {  	_ = 	snop  }
0x4: {  	_ = 	snop  }
0x5: {  	_ = 	snop  }
0x6: {  	_ = 	snop  }
0x7: {  	_ = 	snop  }
__scs_overlays_trampoline_lowered:
0x8: {  	[smem:$0x3F87] =	sst s0  }
0x9: {  	[smem:$0x3F88] =	sst s1  }
0xa: {  	[smem:$0x3F89] =	sst s2  }
0xb: {  	[smem:$0x3F8A] =	sst s3  }
0xc: {  	[smem:$0x3F8B] =	sst s4  }
0xd: {  	[smem:$0x3F8C] =	sst s5  }
0xe: {  	[smem:$0x3F8D] =	sst s6  }
0xf: {  	[smem:$0x3F8E] =	sst s7  }
0x10: {  	[smem:$0x3F8F] =	sst s8  }
0x11: {  	[smem:$0x3F90] =	sst s9;
	s0 =	simm.s32 @!p0 $0x0  }
0x12: {  	s1 =	sld [smem:$0x3F76];
	s0 =	simm.s32 @p0 $0x1  }
0x13: {  	[smem:$0x3F91] =	sst s0;
	s0 =	simm.s32 @!p1 $0x0  }
0x14: {  	s2 =	sld [smem:$0x3F75];
	s0 =	simm.s32 @p1 $0x1  }
0x15: {  	[smem:$0x3F92] =	sst s0;
	s0 =	simm.s32 @!p2 $0x0  }
0x16: {  	s3 =	sld [smem:$0x3FDB];
	s0 =	simm.s32 @p2 $0x1  }
0x17: {  	s4 =	simm.s32 $0x1BF5;
	[smem:$0x3F94] =	sst s0  }
0x18: {  	s0 =	sld [smem:$0x3F77];
	_ =	swait.ge [sflag:s4], $0x0  }
0x19: {  	s7 =	sld [smem:$0x3F78]  }
0x1a: {  	s8 =	sadd.s32 $0xFFFFE003, lr  }
0x1b: {  	s9 =	sadd.s32 $0xFFFFFEF7, lr;
	s5 =	simm.s32 $0xFFFFFFFF;
	p2 =	slt.u32 s8, $0xFFFFF086  }
0x1c: {  	p1 =	slt.u32 s9, $0xF7A;
	s5 =	simm.s32 @!p2 $0x0  }
0x1d: {  	s5 =	simm.s32 @p1 $0x1;
	p0 =	seq.s32 s7, s2  }
0x1e: {  	s7 =	smul.u32 @!p0 $0xF7A, s2;
	p2 =	seq.s32 @!p0 s5, $0x0  }
0x1f: {  	s9 =	smul.u32 $0xF7A, s1;
	s8 =	simm.s32 @!p0 $0x1BF5;
	p2 =	por !p2, p0  }
0x20: {  	[sflag:s8] =	ssyncset.s32 @!p0 $0xFFFFF086;
	s6 =	sadd.s32 @!p0 s3, s7;
	s7 =	simm.s32 @!p0 $0x108  }
0x21: {  	s3 =	sadd.s32 s3, s9;
	s6 =	sadd.s32 @!p0 $0x88, s6;
	s7 =	simm.s32 @p2 $0x1082  }
0x22: {  	[simem:s7], [sflag:s8] =	dma.local @!p0 [hbm:s6], $0xF7A  }
0x23: {  	s9 =	sor.u32 $0xD0000000, s2;
	s6 =	simm.s32 $0x108;
	_ =	swait.ge @!p0 [sflag:s8], $0x0  }
0x24: {  	s3 =	sadd.s32 $0x88, s3;
	s6 =	simm.s32 @!p1 $0x1082;
	[sflag:s4] =	ssyncset.s32 $0xFFFFF086  }
0x25: {  	[simem:s6], [sflag:s4] =	dma.local [hbm:s3], $0xF7A  }
0x26: {  	[smem:$0x3F78] =	sst s1;
	(tag) =	ssettag s2;
	_ =	strace s9  }
0x27: {  	s1 =	sld [smem:$0x3F88]  }
0x28: {  	s2 =	sld [smem:$0x3F89]  }
0x29: {  	s4 =	sld [smem:$0x3F8B]  }
0x2a: {  	p0 =	seq.s32 s5, $0x0;
	s5 =	sld [smem:$0x3F8C]  }
0x2b: {  	s6 =	sld [smem:$0x3F8D]  }
0x2c: {  	s7 =	sld [smem:$0x3F8E]  }
0x2d: {  	s3 =	simm.s32 $0x108;
	s8 =	sld [smem:$0x3F8F]  }
0x2e: {  	s3 =	simm.s32 @!p0 $0x1082;
	s9 =	sld [smem:$0x3F90]  }
0x2f: {  	lr =	sadd.s32 s0, s3;
	s0 =	sld [smem:$0x3F87]  }
0x30: {  	s3 =	sld [smem:$0x3F8A]  }
0x31: {  	[smem:$0x3F93] =	sst s10  }
0x32: {  	s10 =	sld [smem:$0x3F91];
	_ =	sdelay $0x3  }
0x33: {  	p0 =	seq.s32 s10, $0x1;
	s10 =	sld [smem:$0x3F93];
	_ =	sdelay $0x3  }
0x34: {  	[smem:$0x3F93] =	sst s10  }
0x35: {  	s10 =	sld [smem:$0x3F92];
	_ =	sdelay $0x3  }
0x36: {  	p1 =	seq.s32 s10, $0x1;
	s10 =	sld [smem:$0x3F93];
	_ =	sdelay $0x3  }
0x37: {  	[smem:$0x3F93] =	sst s10  }
0x38: {  	s10 =	sld [smem:$0x3F94]  }
0x39: {  	_ = 	snop;
	(pc) =	sbr.ind lr, $3  }
0x3a: {  	_ = 	snop  }
0x3b: {  	_ = 	snop  }
0x3c: {  	p2 =	seq.s32 s10, $0x1;
	s10 =	sld [smem:$0x3F93]  }
0x3d: {  	_ =	shalt  }
0x3e: {  	_ =	shalt  }
0x3f: {  	_ =	shalt  }
0x40: {  	_ =	shalt  }
0x41: {  	_ =	shalt  }
0x42: {  	_ =	shalt  }
0x43: {  	_ =	shalt  }
0x44: {  	_ =	shalt  }
0x45: {  	_ =	shalt  }
0x46: {  	_ =	shalt  }
0x47: {  	_ =	shalt  }
0x48: {  	_ =	shalt  }
0x49: {  	_ =	shalt  }
0x4a: {  	_ =	shalt  }
0x4b: {  	_ =	shalt  }
0x4c: {  	_ =	shalt  }
0x4d: {  	_ =	shalt  }
0x4e: {  	_ =	shalt  }
0x4f: {  	_ =	shalt  }
0x50: {  	_ =	shalt  }
0x51: {  	_ =	shalt  }
0x52: {  	_ =	shalt  }
0x53: {  	_ =	shalt  }
0x54: {  	_ =	shalt  }
0x55: {  	_ =	shalt  }
0x56: {  	_ =	shalt  }
0x57: {  	_ =	shalt  }
0x58: {  	_ =	shalt  }
0x59: {  	_ =	shalt  }
0x5a: {  	_ =	shalt  }
0x5b: {  	_ =	shalt  }
0x5c: {  	_ =	shalt  }
0x5d: {  	_ =	shalt  }
0x5e: {  	_ =	shalt  }
0x5f: {  	_ =	shalt  }
0x60: {  	_ =	shalt  }
0x61: {  	_ =	shalt  }
0x62: {  	_ =	shalt  }
0x63: {  	_ =	shalt  }
0x64: {  	_ =	shalt  }
0x65: {  	_ =	shalt  }
0x66: {  	_ =	shalt  }
0x67: {  	_ =	shalt  }
0x68: {  	_ =	shalt  }
0x69: {  	_ =	shalt  }
0x6a: {  	_ =	shalt  }
0x6b: {  	_ =	shalt  }
0x6c: {  	_ =	shalt  }
0x6d: {  	_ =	shalt  }
0x6e: {  	_ =	shalt  }
0x6f: {  	_ =	shalt  }
0x70: {  	_ =	shalt  }
0x71: {  	_ =	shalt  }
0x72: {  	_ =	shalt  }
0x73: {  	_ =	shalt  }
0x74: {  	_ =	shalt  }
0x75: {  	_ =	shalt  }
0x76: {  	_ =	shalt  }
0x77: {  	_ =	shalt  }
0x78: {  	_ =	shalt  }
0x79: {  	_ =	shalt  }
0x7a: {  	_ =	shalt  }
0x7b: {  	_ =	shalt  }
0x7c: {  	_ =	shalt  }
0x7d: {  	_ =	shalt  }
0x7e: {  	_ =	shalt  }
0x7f: {  	_ =	shalt  }
0x80: {  	_ =	shalt  }
0x81: {  	_ =	shalt  }
0x82: {  	_ =	shalt  }
0x83: {  	_ =	shalt  }
0x84: {  	_ =	shalt  }
0x85: {  	_ =	shalt  }
0x86: {  	_ =	shalt  }
0x87: {  	_ =	shalt  }
.Lfunc_end0:
.L_simem_size_0:
called_computation.1_lowered:
.L_overlay_start_0:
0x88: {  	s2 =	sld [smem:$0x3FD9]  }
0x89: {  	s3 =	sld [smem:$0x3FFE];
	_ =	sdelay $0x1  }
0x8a: {  	s1 =	srdreg.scid  }
0x8b: {  	s0 =	sand.u32 $0x1, s1  }
0x8c: {  	s17 =	sshll.u32 s0, $0xA;
	s2 =	sadd.s32 s3, s2  }
0x8d: {  	s2 =	sadd.s32 s2, s17  }
0x8e: {  	[smem:$0x3F9F] =	sst s2  }
0x8f: {  	_ = 	snop  }
0x90: {  	s2 =	sld [smem:$0x3FD0];
	(tm) =	ssettm $0x1  }
0x91: {  	s18 =	sld [smem:$0x3FFB];
	_ =	sdelay $0x3  }
0x92: {  	_ =	strace s18  }
0x93: {  	s3 =	sld [smem:$0x3FFC];
	_ =	sdelay $0x3  }
0x94: {  	_ =	strace s3  }
0x95: {  	s3 =	sld [smem:$0x3FFD];
	_ =	sdelay $0x3  }
0x96: {  	_ =	strace s3  }
0x97: {  	_ =	strace $0x8FFFFFFF  }
0x98: {  	s19 =	sld [smem:$0x3FDB];
	_ =	sdelay $0x1  }
0x99: {  	s4 =	simm.s32 $_scs_section_size  }
0x9a: {  	s5 =	simm.s32 $_size__tile_overlayer_lowered;
	s6 =	simm.s32 $_tile_overlayer_lowered  }
0x9b: {  	s22 =	simm.s32 $0x1BFF;
	s21 =	sshll.u32 s6, $0x1;
	s3 =	sadd.s32 s4, s19  }
0x9c: {  	s7 =	simm.s32 $0x0;
	s20 =	sshll.u32 s5, $0x1;
	s5 =	sadd.s32 s21, s3  }
0x9d: {  	[timem:s7], [sflag:s22] =	dma.local [hbm:s5], s20  }
0x9e: {  	_ =	swait.ge [sflag:s22], s20  }
0x9f: {  	s4 =	ssub.s32 $0x0, s20;
	[sflag:s22] =	ssyncset.done $0x0  }
0xa0: {  	[sflag:s22] =	ssyncadd.s32 s4;
	_ =	sdelay $0x1  }
0xa1: {  	s23 =	simm.s32 $0x1B8B  }
0xa2: {  	_ =	swait.ge [sflag:s23], $0x1  }
0xa3: {  	[sflag:s23] =	ssyncset.done $0x0  }
0xa4: {  	s25 =	simm.s32 $0x1B8E;
	s24 =	sld [smem:$0x3FFE];
	[sflag:s23] =	ssyncadd.s32 $0xFFFFFFFF  }
0xa5: {  	s26 =	simm.s32 $execute0_lowered;
	[smem:$0x3FD2] =	sst s25  }
0xa6: {  	s5 =	sshll.u32 s26, $0x1;
	_ =	strace $0x80000049;
	[dreg:$0x1] =	wrdreg $0xFFFFFFFF  }
0xa7: {  	s28 =	simm.s32 $_size_execute0_lowered;
	s3 =	sadd.s32 s3, s5;
	[dreg:$0x0] =	wrdreg $0x0  }
0xa8: {  	s5 =	sshll.u32 s28, $0x1;
	[dreg:$0x2] =	wrdreg s3  }
0xa9: {  	[dreg:$0x3] =	wrdreg s5  }
0xaa: {  	[dreg:$0x4] =	wrdreg $0xC0  }
0xab: {  	_ =	task [dreg:s7], $0x5FFFF  }
0xac: {  	[dreg:$0x1] =	wrdreg $0xFFFFFFFF  }
0xad: {  	[dreg:$0x0] =	wrdreg $0x60  }
0xae: {  	[dreg:$0x2] =	wrdreg s24  }
0xaf: {  	[dreg:$0x3] =	wrdreg s2  }
0xb0: {  	[dreg:$0x4] =	wrdreg $0x9  }
0xb1: {  	_ =	task.clear_ibuf [dreg:s7], $0x5FFFF;
	_ =	strace $0x90000049  }
0xb2: {  	s29 =	simm.s32 $0x9;
	_ =	strace $0x8000004B  }
0xb3: {  	_ =	swait.ge [sflag:s29], $0x1  }
0xb4: {  	[sflag:s29] =	ssyncadd.s32 $0xFFFFFFFF  }
0xb5: {  	_ =	strace $0x9000004B  }
0xb6: {  	_ =	sfence  }
0xb7: {  	s30 =	sld [smem:$0x0];
	_ =	sdelay $0x2  }
0xb8: {  	s31 =	sshll.u32 s1, $0xD;
	s1 =	sshrl.u32 s1, $0x2  }
0xb9: {  	s3 =	sand.u32 $0x4000, s31;
	s1 =	sadd.s32 s1, s30  }
0xba: {  	s0 =	sor.u32 s3, s0;
	s1 =	sshll.u32 s1, $0x11  }
0xbb: {  	s0 =	sor.u32 s1, s0  }
0xbc: {  	s0 =	sadd.s32 $0x8F2B, s0  }
0xbd: {  	[sflag:s0] =	ssyncadd.remote.s32 $0x1  }
0xbe: {  	_ =	sfence.sel $0xFFFF  }
0xbf: {  	[dreg:$0x0] =	wrdreg $0xFFFFFFFF;
	(pc) =	sbr.abs _section_cstart, $3  }
0xc0: {  	[dreg:$0x1] =	wrdreg $0xFFFFFFFF  }
0xc1: {  	_ =	task.clear_ibuf [dreg:s7], $0x2FFFF;
	_ =	strace $0x9FFFFFFF  }
0xc2: {  	(tm) =	ssettm $0x7FFFFFFF  }
0xc3: {  	_ =	shalt  }
tec
execute0_lowered:
.L_overlay_start_1:
0x0: {  	(tag) =	ssettag $0x1  }
0x1: {  	s1 =	srdreg.scid  }
0x2: {  	s2 =	stileid.u32;
	s1 =	sand.u32 $0x1, s1  }
0x3: {  	s2 =	sshll.u32 s2, $0x1;
	s3 =	ssub.s32 $0x0, s1  }
0x4: {  	p0 =	sne.s32 s2, s3  }
.Ltmp0:
0x5: {  	_ = 	snop;
	(pc) =	sbr.rel @p0 .LBB2_5-.Ltmp0, $2  }
0x6: {  	_ =	sdelay $0x2  }
0x7: {  	s0 =	rddreg [dreg:$0x0];
	_ =	strace $0x8000004A  }
0x8: {  	v9 =	vlaneseq.u32  }
0x9: {  	v0 =	vor.u32 $0x10, v9  }
0xa: {  	v2 =	vor.u32 $0x340, v9;
	[tilespmem:$0x1FBF0] =	vst v0  }
0xb: {  	v1 =	vor.u32 $0x350, v9;
	[tilespmem:$0x1FC50] =	vst v2  }
0xc: {  	v57 =	vor.u32 $0x100, v9;
	[tilespmem:$0x1FC60] =	vst v1  }
0xd: {  	v55 =	vor.u32 $0x130, v9;
	[tilespmem:$0x1FCD0] =	vst v57  }
0xe: {  	v53 =	vor.u32 $0x140, v9;
	[tilespmem:$0x1FCE0] =	vst v55  }
0xf: {  	v52 =	vor.u32 $0x150, v9;
	[tilespmem:$0x1FCF0] =	vst v53  }
0x10: {  	v54 =	vor.u32 $0x160, v9;
	[tilespmem:$0x1FD00] =	vst v52  }
0x11: {  	v58 =	vor.u32 $0x170, v9;
	[tilespmem:$0x1FD10] =	vst v54  }
0x12: {  	v56 =	vor.u32 $0x180, v9;
	[tilespmem:$0x1FD20] =	vst v58  }
0x13: {  	v48 =	vor.u32 $0x190, v9;
	[tilespmem:$0x1FD30] =	vst v56  }
0x14: {  	v47 =	vor.u32 $0x1A0, v9;
	[tilespmem:$0x1FD40] =	vst v48  }
0x15: {  	v46 =	vor.u32 $0x1B0, v9;
	[tilespmem:$0x1FD50] =	vst v47  }
0x16: {  	v45 =	vor.u32 $0x1C0, v9;
	[tilespmem:$0x1FD60] =	vst v46  }
0x17: {  	v44 =	vor.u32 $0x1D0, v9;
	[tilespmem:$0x1FD70] =	vst v45  }
0x18: {  	v43 =	vor.u32 $0x1E0, v9;
	[tilespmem:$0x1FD80] =	vst v44  }
0x19: {  	v42 =	vor.u32 $0x1F0, v9;
	[tilespmem:$0x1FD90] =	vst v43  }
0x1a: {  	v41 =	vor.u32 $0x200, v9;
	[tilespmem:$0x1FDA0] =	vst v42  }
0x1b: {  	v40 =	vor.u32 $0x210, v9;
	[tilespmem:$0x1FDB0] =	vst v41  }
0x1c: {  	v39 =	vor.u32 $0x220, v9;
	[tilespmem:$0x1FDC0] =	vst v40  }
0x1d: {  	v38 =	vor.u32 $0x230, v9;
	[tilespmem:$0x1FDD0] =	vst v39  }
0x1e: {  	v37 =	vor.u32 $0x240, v9;
	[tilespmem:$0x1FDE0] =	vst v38  }
0x1f: {  	v36 =	vor.u32 $0x250, v9;
	[tilespmem:$0x1FDF0] =	vst v37  }
0x20: {  	v35 =	vor.u32 $0x260, v9;
	[tilespmem:$0x1FE00] =	vst v36  }
0x21: {  	v33 =	vor.u32 $0x280, v9;
	[tilespmem:$0x1FE10] =	vst v35  }
0x22: {  	v32 =	vor.u32 $0x290, v9;
	[tilespmem:$0x1FE20] =	vst v33  }
0x23: {  	v59 =	vor.u32 $0x2B0, v9;
	[tilespmem:$0x1FE30] =	vst v32  }
0x24: {  	v60 =	vor.u32 $0x2D0, v9;
	[tilespmem:$0x1FE40] =	vst v59  }
0x25: {  	v28 =	vor.u32 $0x2E0, v9;
	[tilespmem:$0x1FE50] =	vst v60  }
0x26: {  	v29 =	vor.u32 $0x2F0, v9;
	[tilespmem:$0x1FE60] =	vst v28  }
0x27: {  	v34 =	vor.u32 $0x300, v9;
	[tilespmem:$0x1FE70] =	vst v29  }
0x28: {  	v30 =	vor.u32 $0x310, v9;
	[tilespmem:$0x1FE80] =	vst v34  }
0x29: {  	v61 =	vor.u32 $0x330, v9;
	[tilespmem:$0x1FE90] =	vst v30  }
0x2a: {  	v18 =	vor.u32 $0x370, v9;
	[tilespmem:$0x1FEA0] =	vst v61  }
0x2b: {  	v21 =	vor.u32 $0xE0, v9;
	[tilespmem:$0x1FEB0] =	vst v18  }
0x2c: {  	v26 =	vor.u32 $0x110, v9;
	[tilespmem:$0x1FEC0] =	vst v21  }
0x2d: {  	v17 =	vor.u32 $0xD0, v9;
	[tilespmem:$0x1FED0] =	vst v26  }
0x2e: {  	v25 =	vor.u32 $0xF0, v9;
	[tilespmem:$0x1FEE0] =	vst v17  }
0x2f: {  	v27 =	vor.u32 $0x120, v9;
	[tilespmem:$0x1FEF0] =	vst v25  }
0x30: {  	v63 =	vor.u32 $0x380, v9;
	[tilespmem:$0x1FF00] =	vst v27  }
0x31: {  	v51 =	vor.u32 $0x50, v9;
	[tilespmem:$0x1FF20] =	vst v63  }
0x32: {  	v50 =	vor.u32 $0x40, v9;
	[tilespmem:$0x1FF50] =	vst v51  }
0x33: {  	v16 =	vor.u32 $0x30, v9;
	[tilespmem:$0x1FF60] =	vst v50  }
0x34: {  	v3 =	vimm.s32 $0xBA98FEDC;
	v4 =	vimm.s32 $0x32107654;
	v49 =	vor.u32 $0x20, v9;
	[tilespmem:$0x1FF70] =	vst v16  }
0x35: {  	v8 =	vimm.s32 $0xDCFE98BA;
	v6 =	vimm.s32 $0x54761032;
	v10 =	vor.u32 $0x60, v9;
	[tilespmem:$0x1FF90] =	vst v49  }
0x36: {  	v7 =	vimm.s32 $0xEFCDAB89;
	v12 =	vor.u32 $0x70, v9;
	v5 =	vor.u32 $0x80, v9;
	[tilespmem:$0x1FFB0] =	vst v10  }
0x37: {  	v13 =	vor.u32 $0x90, v9;
	v14 =	vor.u32 $0xB0, v9;
	v3 =	vunpack.c.l.s4.s8 v3;
	[tilespmem:$0x1FFC0] =	vst v12  }
0x38: {  	v4 =	vunpack.c.l.s4.s8 v4;
	v11 =	vunpack.c.l.s4.s8 v8;
	v0 =	vor.u32 $0xC0, v9;
	[tilespmem:$0x1FFD0] =	vst v5  }
0x39: {  	v6 =	vunpack.c.l.s4.s8 v6;
	v8 =	vimm.s32 $0x67452301;
	[tilespmem:$0x1FC00] =	vst v0;
	v0 =	vor.u32 $0x270, v9  }
0x3a: {  	v7 =	vunpack.c.l.s4.s8 v7;
	v2 =	vimm.s32 $0xFEDCBA98;
	[tilespmem:$0x1FC10] =	vst v0;
	v0 =	vor.u32 $0x2A0, v9  }
0x3b: {  	v1 =	vor.u32 $0x360, v9;
	v8 =	vunpack.c.l.s4.s8 v8;
	[tilespmem:$0x1FC20] =	vst v0;
	v0 =	vor.u32 $0x2C0, v9  }
0x3c: {  	v2 =	vunpack.c.l.s4.s8 v2;
	v3 =	vunpack.c.0.s8.s32 v3;
	[tilespmem:$0x1FC30] =	vst v0;
	v0 =	vor.u32 $0x320, v9  }
0x3d: {  	v4 =	vunpack.c.0.s8.s32 v4;
	v11 =	vunpack.c.0.s8.s32 v11;
	[tilespmem:$0x1FC40] =	vst v0;
	v0 =	vimm.s32 $0x76543210  }
0x3e: {  	[tilespmem:$0x1FFE0] =	vst v13;
	v6 =	vunpack.c.0.s8.s32 v6;
	v2 =	vunpack.c.0.s8.s32 v2;
	v0 =	vunpack.c.l.s4.s8 v0  }
0x3f: {  	[tilespmem:$0x1FFF0] =	vst v14;
	v3 =	vcombine.low v4, v3;
	v4 =	vunpack.c.0.s8.s32 v7;
	v7 =	vunpack.c.0.s8.s32 v8  }
0x40: {  	s3 =	sadd.s32 $0x20400, s0;
	[tilespmem:$0x1FF30] =	vst v1;
	v8 =	vcombine.low v6, v11;
	v6 =	vor.u32 $0x390, v9;
	v0 =	vunpack.c.0.s8.s32 v0  }
0x41: {  	s4 =	sadd.s32 $0x7E00, s0;
	s5 =	sadd.s32 $0xF0000, s0;
	s6 =	sadd.s32 $0x22800, s0;
	[tilespmem:$0x1FC70] =	vst v6;
	v6 =	vor.u32 $0x3A0, v9;
	v2 =	vand.u32 $0xF, v2  }
0x42: {  	s7 =	sadd.s32 $0x20600, s0;
	s8 =	sadd.s32 $0x7F00, s0;
	s9 =	sadd.s32 $0x8000, s0;
	[tilespmem:$0x1FC80] =	vst v6;
	v0 =	vcombine.low v2, v0;
	v2 =	vor.u32 $0x3B0, v9  }
0x43: {  	s10 =	sadd.s32 $0xF0100, s0;
	s11 =	sadd.s32 $0xF0200, s0;
	s12 =	sadd.s32 $0xF0300, s0;
	[tilespmem:$0x1FF10] =	vst v2  }
0x44: {  	s13 =	sadd.s32 $0xF0400, s0;
	s1 =	ssub.s32 $0x2, s1;
	s14 =	sadd.s32 $0xF0500, s0;
	[tilespmem:$0x1FC90] =	vst v0;
	v0 =	vand.u32 $0xF, v3  }
0x45: {  	s15 =	sadd.s32 $0xF0600, s0;
	s16 =	sadd.s32 $0xF0700, s0;
	s17 =	sadd.s32 $0xF0800, s0;
	v4 =	vcombine.low v7, v4;
	v3 =	vor.u32 $0x3D0, v9;
	[tilespmem:$0x1FCA0] =	vst v0  }
0x46: {  	s19 =	simm.s32 $0x0;
	s20 =	simm.s32 $0x2;
	s21 =	simm.s32 $0x500;
	v0 =	vand.u32 $0xF, v8;
	[tilespmem:$0x1FF40] =	vst v3  }
0x47: {  	s31 =	simm.s32 $0x15100;
	s0 =	simm.s32 $0x16100;
	s22 =	simm.s32 $0x16900;
	[tilespmem:$0x1FCB0] =	vst v0;
	v0 =	vand.u32 $0xF, v4  }
0x48: {  	s23 =	simm.s32 $0x17100;
	s24 =	simm.s32 $0x1;
	s2 =	sshrl.u32 s1, $0x1;
	v4 =	vor.u32 $0x3E0, v9;
	[tilespmem:$0x1FCC0] =	vst v0  }
0x49: {  	s25 =	simm.s32 $0x480;
	s26 =	simm.s32 $0x0;
	s30 =	ssub.s32 s1, s2;
	v0 =	vor.u32 $0x3C0, v9;
	[tilespmem:$0x1FF80] =	vst v4  }
0x4a: {  	v62 =	vor.u32 $0xA0, v9;
	s2 =	simm.s32 $0x6500;
	s1 =	simm.s32 $0x15900;
	s18 =	smax.u32 s30, $0x1;
	[tilespmem:$0x1FFA0] =	vst v0  }
.LBB2_2:
0x4b: {  	[tilespmem:s19], [sflag:$0x2] =	stream.linear.gather [hbm4b:s3+s19], $0x480, $0x38;
	[tilespmem:$0x17500] =	vst v63  }
0x4c: {  	_ =	swait.ge [sflag:s20], $0x480  }
0x4d: {  	[sflag:s20] =	ssyncset.done $0x0  }
0x4e: {  	[sflag:s20] =	ssyncadd.s32 $0xFFFFFB80  }
0x4f: {  	v6 =	vld [tilespmem:$0x400]  }
0x50: {  	v7 =	vld [tilespmem:$0x3F0]  }
0x51: {  	v8 =	vld [tilespmem:$0x3E0]  }
0x52: {  	v34 =	vmov v0;
	v0 =	vlaneseq.u32;
	v9 =	vld [tilespmem:$0x3D0]  }
0x53: {  	v59 =	vmovc v13;
	v13 =	vmov v10;
	v37 =	vimm.s32 $0xFFFFFFFF;
	v31 =	vor.u32 $0x3F0, v0;
	v10 =	vld [tilespmem:$0x3C0]  }
0x54: {  	v32 =	vor.u32 $0x400, v0;
	vm7 =	veq.s32 v37, v31  }
0x55: {  	v7 =	vsel vm7, $0xFF61B1E6, v7;
	vm7 =	veq.s32 v37, v32  }
0x56: {  	v6 =	vsel vm7, $0xFF61B1E6, v6;
	vm7 =	veq.s32 v37, v3  }
0x57: {  	vm8 =	veq.s32 v37, v34;
	v15 =	vld [tilespmem:$0x390];
	v9 =	vsel vm7, $0xFF61B1E6, v9;
	vm7 =	veq.s32 v37, v4  }
0x58: {  	[tilespmem:$0x1FBD0] =	vst v6;
	v6 =	vsel vm8, $0xFF61B1E6, v10;
	v10 =	vld [tilespmem:$0x1FC70];
	v8 =	vsel vm7, $0xFF61B1E6, v8  }
0x59: {  	[tilespmem:$0x1FBA0] =	vst v8;
	v8 =	vld [tilespmem:$0x1FC80]  }
0x5a: {  	v28 =	vmov v12;
	v12 =	vld [tilespmem:$0x3A0];
	_ =	sdelay $0x2  }
0x5b: {  	v11 =	vld [tilespmem:$0x3B0];
	vm8 =	veq.s32 v37, v10  }
0x5c: {  	v19 =	vld [tilespmem:$0x360];
	vm7 =	veq.s32 v37, v8;
	v8 =	vsel vm8, $0xFF61B1E6, v15  }
0x5d: {  	[tilespmem:$0x1FB50] =	vst v8;
	v8 =	vsel vm7, $0xFF61B1E6, v12;
	vm7 =	veq.s32 v37, v2;
	v2 =	vld [tilespmem:$0x1FEB0]  }
0x5e: {  	v18 =	vld [tilespmem:$0x370]  }
0x5f: {  	v33 =	vmov v5;
	v5 =	vmov v16;
	v16 =	vld [tilespmem:$0x380];
	_ =	sdelay $0x1  }
0x60: {  	vm8 =	veq.s32 v37, v1  }
0x61: {  	v14 =	vld [tilespmem:$0x350];
	[tilespmem:$0x1FB60] =	vst v8;
	v8 =	vsel vm7, $0xFF61B1E6, v11;
	vm7 =	veq.s32 v37, v2;
	v2 =	vsel vm8, $0xFF61B1E6, v19  }
0x62: {  	v22 =	vld [tilespmem:$0x330];
	[tilespmem:$0x1FB20] =	vst v2;
	v2 =	vsel vm7, $0xFF61B1E6, v18;
	vm7 =	veq.s32 v37, v63  }
0x63: {  	v1 =	vld [tilespmem:$0x1FC50];
	[tilespmem:$0x1FB30] =	vst v2;
	v2 =	vsel vm7, $0xFF61B1E6, v16  }
0x64: {  	[tilespmem:$0x1FB40] =	vst v2;
	v2 =	vld [tilespmem:$0x1FE80]  }
0x65: {  	v20 =	vld [tilespmem:$0x340]  }
0x66: {  	v24 =	vld [tilespmem:$0x310]  }
0x67: {  	v29 =	vld [tilespmem:$0x300]  }
0x68: {  	vm8 =	veq.s32 v37, v61;
	vm7 =	veq.s32 v37, v1;
	v1 =	vld [tilespmem:$0x1FC60]  }
0x69: {  	v22 =	vsel vm8, $0xFF61B1E6, v22;
	vm8 =	veq.s32 v37, v2;
	v2 =	vld [tilespmem:$0x1FE90]  }
0x6a: {  	v61 =	vsel vm7, $0xFF61B1E6, v20;
	v20 =	vld [tilespmem:$0x1FC40]  }
0x6b: {  	v23 =	vld [tilespmem:$0x320]  }
0x6c: {  	[tilespmem:$0x1FBB0] =	vst v7;
	v7 =	vld [tilespmem:$0x2D0]  }
0x6d: {  	vm7 =	veq.s32 v37, v1  }
0x6e: {  	[tilespmem:$0x1FBC0] =	vst v31;
	v63 =	vsel vm7, $0xFF61B1E6, v14;
	v1 =	vsel vm8, $0xFF61B1E6, v29;
	vm7 =	veq.s32 v37, v2;
	v2 =	vld [tilespmem:$0x1FE60]  }
0x6f: {  	[tilespmem:$0x1FAF0] =	vst v1;
	v1 =	vsel vm7, $0xFF61B1E6, v24;
	vm7 =	veq.s32 v37, v20  }
0x70: {  	vm8 =	veq.s32 v37, v60;
	[tilespmem:$0x1FB00] =	vst v1;
	v1 =	vsel vm7, $0xFF61B1E6, v23  }
0x71: {  	v31 =	vld [tilespmem:$0x2E0];
	[tilespmem:$0x1FB10] =	vst v1;
	v1 =	vsel vm8, $0xFF61B1E6, v7  }
0x72: {  	[tilespmem:$0x1FAD0] =	vst v1;
	v1 =	vld [tilespmem:$0x1FC20]  }
0x73: {  	vm7 =	veq.s32 v37, v2;
	v2 =	vld [tilespmem:$0x1FE70]  }
0x74: {  	v30 =	vld [tilespmem:$0x2F0];
	_ =	sdelay $0x2  }
0x75: {  	vm14 =	veq.s32 v37, v53  }
0x76: {  	v53 =	vld [tilespmem:$0x2B0];
	vm8 =	veq.s32 v37, v1;
	v1 =	vsel vm7, $0xFF61B1E6, v31;
	vm7 =	veq.s32 v37, v2  }
0x77: {  	vm11 =	veq.s32 v37, v54;
	v54 =	vld [tilespmem:$0x2A0];
	v2 =	vsel vm7, $0xFF61B1E6, v30  }
0x78: {  	[tilespmem:$0x1FAE0] =	vst v2;
	v2 =	vld [tilespmem:$0x1FE40]  }
0x79: {  	v60 =	vld [tilespmem:$0x1FC30]  }
0x7a: {  	[tilespmem:$0x1FB80] =	vst v6;
	v6 =	vld [tilespmem:$0x2C0];
	_ =	sdelay $0x2  }
0x7b: {  	vm7 =	veq.s32 v37, v2;
	v2 =	vsel vm8, $0xFF61B1E6, v54  }
0x7c: {  	[tilespmem:$0x1FAA0] =	vst v2;
	v2 =	vsel vm7, $0xFF61B1E6, v53;
	vm7 =	veq.s32 v37, v60  }
0x7d: {  	[tilespmem:$0x1FAB0] =	vst v2;
	v2 =	vsel vm7, $0xFF61B1E6, v6  }
0x7e: {  	[tilespmem:$0x1FAC0] =	vst v2;
	v2 =	vld [tilespmem:$0x1FE20];
	_ =	sdelay $0x2  }
0x7f: {  	v36 =	vld [tilespmem:$0x270]  }
0x80: {  	v23 =	vld [tilespmem:$0x1FC10]  }
0x81: {  	vm7 =	veq.s32 v37, v2;
	v2 =	vld [tilespmem:$0x1FDF0];
	_ =	sdelay $0x3  }
0x82: {  	v38 =	vld [tilespmem:$0x280];
	vm8 =	veq.s32 v37, v23  }
0x83: {  	v36 =	vsel vm8, $0xFF61B1E6, v36;
	vm8 =	veq.s32 v37, v2;
	v2 =	vld [tilespmem:$0x1FE30];
	_ =	sdelay $0x3  }
0x84: {  	v35 =	vld [tilespmem:$0x290]  }
0x85: {  	v30 =	vsel vm7, $0xFF61B1E6, v38;
	vm7 =	veq.s32 v37, v2;
	v2 =	vld [tilespmem:$0x1FE00];
	_ =	sdelay $0x3  }
0x86: {  	v24 =	vld [tilespmem:$0x240]  }
0x87: {  	v29 =	vsel vm7, $0xFF61B1E6, v35;
	vm7 =	veq.s32 v37, v2;
	v2 =	vld [tilespmem:$0x1FDC0];
	_ =	sdelay $0x3  }
0x88: {  	v40 =	vld [tilespmem:$0x250]  }
0x89: {  	v38 =	vsel vm8, $0xFF61B1E6, v24;
	vm8 =	veq.s32 v37, v2;
	v2 =	vld [tilespmem:$0x1FE10];
	_ =	sdelay $0x3  }
0x8a: {  	v41 =	vld [tilespmem:$0x210]  }
0x8b: {  	v35 =	vsel vm7, $0xFF61B1E6, v40;
	vm7 =	veq.s32 v37, v2;
	v2 =	vld [tilespmem:$0x1FD90];
	_ =	sdelay $0x2  }
0x8c: {  	v39 =	vld [tilespmem:$0x260]  }
0x8d: {  	v7 =	vld [tilespmem:$0x180]  }
0x8e: {  	v24 =	vsel vm8, $0xFF61B1E6, v41;
	vm8 =	veq.s32 v37, v2;
	v2 =	vld [tilespmem:$0x1FDA0];
	_ =	sdelay $0x3  }
0x8f: {  	vm9 =	veq.s32 v37, v56;
	v6 =	vld [tilespmem:$0x150]  }
0x90: {  	v34 =	vsel vm7, $0xFF61B1E6, v39;
	v39 =	vsel vm9, $0xFF61B1E6, v7;
	vm9 =	veq.s32 v37, v2;
	v2 =	vld [tilespmem:$0x1FDB0];
	_ =	sdelay $0x3  }
0x91: {  	vm10 =	veq.s32 v37, v52;
	v56 =	vld [tilespmem:$0x160]  }
0x92: {  	v40 =	vsel vm10, $0xFF61B1E6, v6;
	vm10 =	veq.s32 v37, v2;
	v2 =	vld [tilespmem:$0x1FDD0];
	_ =	sdelay $0x1  }
0x93: {  	v42 =	vld [tilespmem:$0x140]  }
0x94: {  	v43 =	vld [tilespmem:$0x130]  }
0x95: {  	vm2 =	veq.s32 v37, v45;
	v45 =	vld [tilespmem:$0x120]  }
0x96: {  	v54 =	vsel vm11, $0xFF61B1E6, v56;
	vm11 =	veq.s32 v37, v2;
	v2 =	vld [tilespmem:$0x1FDE0]  }
0x97: {  	vm15 =	veq.s32 v37, v58;
	v58 =	vld [tilespmem:$0xF0]  }
0x98: {  	vm3 =	veq.s32 v37, v46;
	v46 =	vld [tilespmem:$0x0]  }
0x99: {  	vm6 =	veq.s32 v37, v17;
	v31 =	vld [tilespmem:$0x170]  }
0x9a: {  	vm5 =	veq.s32 v37, v21;
	vm13 =	veq.s32 v37, v25;
	vm12 =	veq.s32 v37, v27;
	v7 =	vld [tilespmem:$0x100]  }
0x9b: {  	vm4 =	veq.s32 v37, v26;
	[tilespmem:$0x1FBE0] =	vst v32;
	v32 =	vsel vm12, $0xFF61B1E6, v45;
	vm12 =	veq.s32 v37, v2;
	v2 =	vld [tilespmem:$0x1FBF0]  }
0x9c: {  	vm0 =	veq.s32 v37, v48;
	vm1 =	veq.s32 v37, v47;
	v52 =	vld [tilespmem:$0x10];
	v17 =	vsel vm14, $0xFF61B1E6, v42  }
0x9d: {  	v47 =	vsel vm13, $0xFF61B1E6, v58;
	vm13 =	veq.s32 v37, v0;
	vm14 =	veq.s32 v37, v50  }
0x9e: {  	vm7 =	veq.s32 v37, v44;
	v44 =	vsel vm15, $0xFF61B1E6, v31;
	vm15 =	veq.s32 v37, v55;
	v55 =	vld [tilespmem:$0x20]  }
0x9f: {  	v53 =	vld [tilespmem:$0x30];
	v31 =	vsel vm15, $0xFF61B1E6, v43;
	vm15 =	veq.s32 v37, v57;
	v57 =	vsel vm13, $0xFF61B1E6, v46  }
0xa0: {  	v48 =	vmax.f32 v57, $-3.000000010e+38;
	v58 =	vsel vm15, $0xFF61B1E6, v7;
	vm13 =	veq.s32 v37, v2  }
0xa1: {  	v43 =	vld [tilespmem:$0x40];
	vm15 =	veq.s32 v37, v49;
	v18 =	vsel vm13, $0xFF61B1E6, v52;
	vm13 =	vgt.f32 v57, $-3.000000010e+38  }
0xa2: {  	v52 =	vnsel vm13, $0x40000000, v0;
	vm13 =	vgt.f32 v18, v48;
	v45 =	vmax.f32 v48, v18;
	v48 =	vld [tilespmem:$0x50]  }
0xa3: {  	v56 =	vsel vm15, $0xFF61B1E6, v55;
	v46 =	vsel vm13, v2, v52;
	vm13 =	veq.s32 v37, v5  }
0xa4: {  	vm15 =	vgt.f32 v56, v45;
	v42 =	vmax.f32 v45, v56;
	v55 =	vsel vm13, $0xFF61B1E6, v53  }
0xa5: {  	v41 =	vld [tilespmem:$0x60];
	v53 =	vsel vm15, v49, v46;
	vm13 =	vgt.f32 v55, v42;
	v42 =	vmax.f32 v42, v55  }
0xa6: {  	v46 =	vld [tilespmem:$0x70];
	v45 =	vsel vm13, v5, v53;
	v53 =	vsel vm14, $0xFF61B1E6, v43;
	vm13 =	veq.s32 v37, v51  }
0xa7: {  	v43 =	vld [tilespmem:$0x80];
	vm14 =	vgt.f32 v53, v42;
	v42 =	vmax.f32 v42, v53;
	v52 =	vsel vm13, $0xFF61B1E6, v48  }
0xa8: {  	vm15 =	veq.s32 v37, v62;
	v45 =	vsel vm14, v50, v45;
	vm14 =	vgt.f32 v52, v42  }
0xa9: {  	vm13 =	veq.s32 v37, v33;
	v45 =	vsel vm14, v51, v45;
	vm14 =	veq.s32 v37, v13;
	v51 =	vld [tilespmem:$0x90]  }
0xaa: {  	v0 =	vld [tilespmem:$0x1FFF0];
	v42 =	vmax.f32 v42, v52;
	v50 =	vsel vm14, $0xFF61B1E6, v41;
	vm14 =	veq.s32 v37, v28  }
0xab: {  	v41 =	vld [tilespmem:$0xA0];
	v48 =	vsel vm14, $0xFF61B1E6, v46;
	vm14 =	vgt.f32 v50, v42;
	v42 =	vmax.f32 v42, v50  }
0xac: {  	v46 =	vld [tilespmem:$0xB0];
	v49 =	vsel vm13, $0xFF61B1E6, v43;
	v45 =	vsel vm14, v13, v45;
	vm14 =	vgt.f32 v48, v42  }
0xad: {  	v3 =	vld [tilespmem:$0x1FC00];
	vm13 =	veq.s32 v37, v59;
	v42 =	vmax.f32 v42, v48;
	v45 =	vsel vm14, v28, v45  }
0xae: {  	vm14 =	vgt.f32 v49, v42;
	v42 =	vmax.f32 v42, v49;
	v51 =	vsel vm13, $0xFF61B1E6, v51  }
0xaf: {  	v6 =	vsel vm14, v33, v45;
	vm14 =	vgt.f32 v51, v42;
	v42 =	vmax.f32 v42, v51  }
0xb0: {  	v43 =	vld [tilespmem:$0xC0];
	v45 =	vsel vm15, $0xFF61B1E6, v41;
	vm15 =	veq.s32 v37, v0;
	v6 =	vsel vm14, v59, v6  }
0xb1: {  	v11 =	vld [tilespmem:$0xD0];
	v41 =	vmax.f32 v42, v45;
	v46 =	vsel vm15, $0xFF61B1E6, v46;
	vm14 =	vgt.f32 v45, v42  }
0xb2: {  	vm13 =	veq.s32 v37, v3;
	v37 =	vld [tilespmem:$0x110];
	v6 =	vsel vm14, v62, v6;
	vm14 =	vgt.f32 v46, v41  }
0xb3: {  	v6 =	vsel vm14, v0, v6;
	v0 =	vld [tilespmem:$0x1FEE0]  }
0xb4: {  	[tilespmem:$0x1FB70] =	vst v8;
	v8 =	vld [tilespmem:$0xE0]  }
0xb5: {  	v43 =	vsel vm13, $0xFF61B1E6, v43;
	v59 =	vmax.f32 v41, v46  }
0xb6: {  	v19 =	vsel vm6, $0xFF61B1E6, v11;
	v7 =	vmax.f32 v59, v43;
	vm15 =	vgt.f32 v43, v59  }
0xb7: {  	[tilespmem:$0x1FB90] =	vst v9;
	v9 =	vsel vm15, v3, v6;
	v37 =	vsel vm4, $0xFF61B1E6, v37;
	vm4 =	vgt.f32 v19, v7  }
0xb8: {  	v9 =	vsel vm4, v0, v9;
	v0 =	vld [tilespmem:$0x1FCD0]  }
0xb9: {  	v41 =	vsel vm5, $0xFF61B1E6, v8;
	v8 =	vmax.f32 v7, v19  }
0xba: {  	v33 =	vmax.f32 v8, v41;
	vm5 =	vgt.f32 v41, v8  }
0xbb: {  	v6 =	vmax.f32 v33, v47;
	vm6 =	vgt.f32 v47, v33;
	v9 =	vsel vm5, v21, v9  }
0xbc: {  	vm13 =	vgt.f32 v58, v6;
	v9 =	vsel vm6, v25, v9  }
0xbd: {  	v9 =	vsel vm13, v0, v9;
	v0 =	vld [tilespmem:$0x1FCE0]  }
0xbe: {  	v7 =	vmax.f32 v6, v58  }
0xbf: {  	v6 =	vmax.f32 v7, v37;
	vm14 =	vgt.f32 v37, v7  }
0xc0: {  	vm15 =	vgt.f32 v32, v6;
	v6 =	vmax.f32 v6, v32;
	v9 =	vsel vm14, v26, v9  }
0xc1: {  	v16 =	vld [tilespmem:$0x230];
	vm4 =	vgt.f32 v31, v6;
	v6 =	vmax.f32 v6, v31;
	v9 =	vsel vm15, v27, v9  }
0xc2: {  	vm5 =	vgt.f32 v17, v6;
	v6 =	vmax.f32 v6, v17;
	v9 =	vsel vm4, v0, v9;
	v0 =	vld [tilespmem:$0x1FCF0]  }
0xc3: {  	vm6 =	vgt.f32 v40, v6;
	v6 =	vmax.f32 v6, v40  }
0xc4: {  	vm13 =	vgt.f32 v54, v6;
	v6 =	vmax.f32 v6, v54  }
0xc5: {  	vm14 =	vgt.f32 v44, v6;
	v6 =	vmax.f32 v6, v44  }
0xc6: {  	v8 =	vld [tilespmem:$0x1B0];
	vm15 =	vgt.f32 v39, v6  }
0xc7: {  	[tilespmem:$0x180] =	vst v39;
	v6 =	vmax.f32 v6, v39;
	v39 =	vsel vm12, $0xFF61B1E6, v16;
	v16 =	vsel vm5, v0, v9;
	v0 =	vld [tilespmem:$0x1FD00];
	_ =	sdelay $0x4  }
0xc8: {  	v9 =	vsel vm3, $0xFF61B1E6, v8;
	v8 =	vsel vm6, v0, v16;
	v0 =	vld [tilespmem:$0x1FD10];
	_ =	sdelay $0x3  }
0xc9: {  	[tilespmem:$0x100] =	vst v58;
	v58 =	vld [tilespmem:$0x1FD20]  }
0xca: {  	v8 =	vsel vm13, v0, v8;
	v0 =	vld [tilespmem:$0x1FD30];
	_ =	sdelay $0x2  }
0xcb: {  	v7 =	vld [tilespmem:$0x190]  }
0xcc: {  	v8 =	vsel vm14, v58, v8  }
0xcd: {  	v8 =	vsel vm15, v0, v8;
	v0 =	vld [tilespmem:$0x1FD40];
	_ =	sdelay $0x2  }
0xce: {  	v10 =	vld [tilespmem:$0x1A0];
	v7 =	vsel vm0, $0xFF61B1E6, v7  }
0xcf: {  	vm0 =	vgt.f32 v7, v6  }
0xd0: {  	v8 =	vsel vm0, v0, v8;
	v0 =	vld [tilespmem:$0x1FD50];
	_ =	sdelay $0x2  }
0xd1: {  	v10 =	vsel vm1, $0xFF61B1E6, v10;
	v6 =	vmax.f32 v6, v7  }
0xd2: {  	v13 =	vld [tilespmem:$0x1D0];
	vm6 =	vgt.f32 v10, v6  }
0xd3: {  	v8 =	vsel vm6, v0, v8;
	v0 =	vld [tilespmem:$0x1FD60];
	_ =	sdelay $0x2  }
0xd4: {  	v11 =	vld [tilespmem:$0x1C0];
	v6 =	vmax.f32 v6, v10  }
0xd5: {  	[tilespmem:$0xF0] =	vst v47;
	v12 =	vld [tilespmem:$0x1E0];
	v47 =	vsel vm7, $0xFF61B1E6, v13;
	vm7 =	vgt.f32 v9, v6  }
0xd6: {  	v8 =	vsel vm7, v0, v8;
	v0 =	vld [tilespmem:$0x1FD70];
	_ =	sdelay $0x1  }
0xd7: {  	v15 =	vld [tilespmem:$0x200]  }
0xd8: {  	v11 =	vsel vm2, $0xFF61B1E6, v11;
	[tilespmem:$0x150] =	vst v40;
	v59 =	vld [tilespmem:$0x1F0];
	v6 =	vmax.f32 v6, v9  }
0xd9: {  	[tilespmem:$0x170] =	vst v44;
	v40 =	vsel vm8, $0xFF61B1E6, v12;
	v44 =	vld [tilespmem:$0x1FD80];
	vm8 =	vgt.f32 v11, v6  }
0xda: {  	v8 =	vsel vm8, v0, v8;
	v0 =	vld [tilespmem:$0x1FD90];
	_ =	sdelay $0x1  }
0xdb: {  	v6 =	vmax.f32 v6, v11  }
0xdc: {  	v12 =	vsel vm9, $0xFF61B1E6, v59;
	vm9 =	vgt.f32 v47, v6;
	v6 =	vmax.f32 v6, v47  }
0xdd: {  	v14 =	vld [tilespmem:$0x220];
	v42 =	vsel vm10, $0xFF61B1E6, v15;
	vm10 =	vgt.f32 v40, v6;
	v8 =	vsel vm9, v44, v8  }
0xde: {  	v8 =	vsel vm10, v0, v8;
	v0 =	vld [tilespmem:$0x1FDA0];
	_ =	sdelay $0x2  }
0xdf: {  	v6 =	vmax.f32 v6, v40  }
0xe0: {  	v14 =	vsel vm11, $0xFF61B1E6, v14;
	vm11 =	vgt.f32 v12, v6  }
0xe1: {  	v8 =	vsel vm11, v0, v8;
	v0 =	vld [tilespmem:$0x1FDB0];
	_ =	sdelay $0x2  }
0xe2: {  	v6 =	vmax.f32 v6, v12  }
0xe3: {  	vm12 =	vgt.f32 v42, v6  }
0xe4: {  	[tilespmem:$0x190] =	vst v7;
	v7 =	vsel vm12, v0, v8;
	v0 =	vld [tilespmem:$0x1FDC0];
	_ =	sdelay $0x2  }
0xe5: {  	v6 =	vmax.f32 v6, v42  }
0xe6: {  	vm13 =	vgt.f32 v24, v6  }
0xe7: {  	v7 =	vsel vm13, v0, v7;
	v0 =	vld [tilespmem:$0x1FDD0]  }
0xe8: {  	v6 =	vmax.f32 v6, v24  }
0xe9: {  	vm14 =	vgt.f32 v14, v6;
	v6 =	vmax.f32 v6, v14  }
0xea: {  	vm15 =	vgt.f32 v39, v6;
	v6 =	vmax.f32 v6, v39  }
0xeb: {  	[tilespmem:$0x240] =	vst v38;
	vm4 =	vgt.f32 v38, v6;
	v6 =	vmax.f32 v6, v38;
	v38 =	vld [tilespmem:$0x1FDE0]  }
0xec: {  	v7 =	vsel vm14, v0, v7;
	v0 =	vld [tilespmem:$0x1FDF0];
	_ =	sdelay $0x3  }
0xed: {  	v7 =	vsel vm15, v38, v7  }
0xee: {  	v7 =	vsel vm4, v0, v7;
	v0 =	vld [tilespmem:$0x1FE00];
	_ =	sdelay $0x3  }
0xef: {  	vm5 =	vgt.f32 v35, v6  }
0xf0: {  	v7 =	vsel vm5, v0, v7;
	v0 =	vld [tilespmem:$0x1FE10];
	_ =	sdelay $0x2  }
0xf1: {  	v6 =	vmax.f32 v6, v35  }
0xf2: {  	vm6 =	vgt.f32 v34, v6  }
0xf3: {  	v7 =	vsel vm6, v0, v7;
	v0 =	vld [tilespmem:$0x1FE20];
	_ =	sdelay $0x1  }
0xf4: {  	[tilespmem:$0x80] =	vst v49;
	v49 =	vld [tilespmem:$0x1FC20];
	v6 =	vmax.f32 v6, v34  }
0xf5: {  	v25 =	vld [tilespmem:$0x1FAB0];
	vm7 =	vgt.f32 v36, v6;
	v6 =	vmax.f32 v6, v36  }
0xf6: {  	vm8 =	vgt.f32 v30, v6;
	v8 =	vld [tilespmem:$0x1FAA0];
	v7 =	vsel vm7, v23, v7  }
0xf7: {  	v7 =	vsel vm8, v0, v7;
	v0 =	vld [tilespmem:$0x1FE30]  }
0xf8: {  	v59 =	vld [tilespmem:$0x1FE40]  }
0xf9: {  	[tilespmem:$0x60] =	vst v50;
	v50 =	vmov v23;
	v23 =	vld [tilespmem:$0x1FAC0]  }
0xfa: {  	v15 =	vld [tilespmem:$0x1FAD0];
	v6 =	vmax.f32 v6, v30  }
0xfb: {  	[tilespmem:$0x90] =	vst v51;
	v51 =	vmov v60;
	v60 =	vld [tilespmem:$0x1FE50];
	vm9 =	vgt.f32 v29, v6;
	v6 =	vmax.f32 v6, v29  }
0xfc: {  	vm10 =	vgt.f32 v8, v6;
	v6 =	vmax.f32 v6, v8;
	v7 =	vsel vm9, v0, v7;
	v0 =	vld [tilespmem:$0x1FE60]  }
0xfd: {  	vm11 =	vgt.f32 v25, v6;
	v6 =	vmax.f32 v6, v25;
	v7 =	vsel vm10, v49, v7  }
0xfe: {  	vm12 =	vgt.f32 v23, v6;
	v6 =	vmax.f32 v6, v23;
	v7 =	vsel vm11, v59, v7  }
0xff: {  	vm13 =	vgt.f32 v15, v6;
	v6 =	vmax.f32 v6, v15;
	v7 =	vsel vm12, v51, v7  }
0x100: {  	[tilespmem:$0x140] =	vst v17;
	v17 =	vld [tilespmem:$0x1FAE0];
	vm14 =	vgt.f32 v1, v6;
	v7 =	vsel vm13, v60, v7  }
0x101: {  	v7 =	vsel vm14, v0, v7;
	v0 =	vld [tilespmem:$0x1FE70]  }
0x102: {  	v13 =	vld [tilespmem:$0x1FB10]  }
0x103: {  	v16 =	vld [tilespmem:$0x1FAF0]  }
0x104: {  	[tilespmem:$0x1F0] =	vst v12;
	v12 =	vld [tilespmem:$0x1FB00];
	v6 =	vmax.f32 v6, v1  }
0x105: {  	[tilespmem:$0x260] =	vst v34;
	v34 =	vld [tilespmem:$0x1FE80];
	vm15 =	vgt.f32 v17, v6  }
0x106: {  	v7 =	vsel vm15, v0, v7;
	v0 =	vld [tilespmem:$0x1FE90];
	_ =	sdelay $0x1  }
0x107: {  	v6 =	vmax.f32 v6, v17  }
0x108: {  	vm4 =	vgt.f32 v16, v6;
	v6 =	vmax.f32 v6, v16  }
0x109: {  	[tilespmem:$0x1C0] =	vst v11;
	v11 =	vld [tilespmem:$0x1FB20];
	vm5 =	vgt.f32 v12, v6;
	v6 =	vmax.f32 v6, v12;
	v7 =	vsel vm4, v34, v7  }
0x10a: {  	vm6 =	vgt.f32 v13, v6;
	v6 =	vmax.f32 v6, v13;
	v7 =	vsel vm5, v0, v7;
	v0 =	vld [tilespmem:$0x1FB30]  }
0x10b: {  	vm7 =	vgt.f32 v22, v6;
	v6 =	vmax.f32 v6, v22  }
0x10c: {  	[tilespmem:$0x340] =	vst v61;
	vm8 =	vgt.f32 v61, v6;
	v6 =	vmax.f32 v6, v61;
	v61 =	vld [tilespmem:$0x1FEA0]  }
0x10d: {  	[tilespmem:$0x350] =	vst v63;
	vm9 =	vgt.f32 v63, v6;
	v6 =	vmax.f32 v6, v63;
	v63 =	vld [tilespmem:$0x1FC50]  }
0x10e: {  	v21 =	vld [tilespmem:$0x1FC60];
	vm10 =	vgt.f32 v11, v6;
	v6 =	vmax.f32 v6, v11  }
0x10f: {  	[tilespmem:$0x370] =	vst v0;
	vm11 =	vgt.f32 v0, v6;
	v6 =	vmax.f32 v6, v0;
	v0 =	vld [tilespmem:$0x1FF30]  }
0x110: {  	v7 =	vsel vm6, v20, v7  }
0x111: {  	v7 =	vsel vm7, v61, v7  }
0x112: {  	v7 =	vsel vm8, v63, v7  }
0x113: {  	[tilespmem:$0x220] =	vst v14;
	v14 =	vld [tilespmem:$0x1FB40];
	v7 =	vsel vm9, v21, v7  }
0x114: {  	v7 =	vsel vm10, v0, v7;
	v0 =	vld [tilespmem:$0x1FB50];
	_ =	sdelay $0x3  }
0x115: {  	[tilespmem:$0x10] =	vst v18;
	v18 =	vld [tilespmem:$0x1FEB0];
	vm12 =	vgt.f32 v14, v6;
	v6 =	vmax.f32 v6, v14  }
0x116: {  	[tilespmem:$0x390] =	vst v0;
	vm13 =	vgt.f32 v0, v6;
	v6 =	vmax.f32 v6, v0;
	v0 =	vld [tilespmem:$0x1FF20];
	_ =	sdelay $0x3  }
0x117: {  	v7 =	vsel vm11, v18, v7  }
0x118: {  	v7 =	vsel vm12, v0, v7;
	v0 =	vld [tilespmem:$0x1FC70];
	_ =	sdelay $0x3  }
0x119: {  	[tilespmem:$0x1A0] =	vst v10;
	v10 =	vld [tilespmem:$0x1FB60]  }
0x11a: {  	v7 =	vsel vm13, v0, v7;
	v0 =	vld [tilespmem:$0x1FC80];
	_ =	sdelay $0x3  }
0x11b: {  	v5 =	vld [tilespmem:$0x1FB70];
	vm14 =	vgt.f32 v10, v6  }
0x11c: {  	v7 =	vsel vm14, v0, v7;
	v0 =	vld [tilespmem:$0x1FF10];
	_ =	sdelay $0x2  }
0x11d: {  	v6 =	vmax.f32 v6, v10  }
0x11e: {  	v2 =	vmov v4;
	v4 =	vld [tilespmem:$0x1FB80];
	vm15 =	vgt.f32 v5, v6  }
0x11f: {  	v7 =	vsel vm15, v0, v7;
	v0 =	vld [tilespmem:$0x1FB90];
	_ =	sdelay $0x2  }
0x120: {  	v6 =	vmax.f32 v6, v5  }
0x121: {  	vm4 =	vgt.f32 v4, v6;
	v6 =	vmax.f32 v6, v4  }
0x122: {  	[tilespmem:$0x3D0] =	vst v0;
	vm5 =	vgt.f32 v0, v6;
	v6 =	vmax.f32 v6, v0;
	v0 =	vld [tilespmem:$0x1FFA0];
	_ =	sdelay $0x4  }
0x123: {  	v7 =	vsel vm4, v0, v7;
	v0 =	vld [tilespmem:$0x1FF40]  }
0x124: {  	[tilespmem:$0x120] =	vst v32  }
0x125: {  	[tilespmem:$0x330] =	vst v22  }
0x126: {  	[tilespmem:$0xD0] =	vst v19  }
0x127: {  	[tilespmem:$0x2E0] =	vst v1;
	v1 =	vld [tilespmem:$0x1FBA0]  }
0x128: {  	[tilespmem:$0x160] =	vst v54;
	v7 =	vsel vm5, v0, v7;
	v0 =	vld [tilespmem:$0x1FBB0]  }
0x129: {  	[tilespmem:$0x270] =	vst v36  }
0x12a: {  	[tilespmem:$0x280] =	vst v30  }
0x12b: {  	[tilespmem:$0x290] =	vst v29  }
0x12c: {  	[tilespmem:$0x250] =	vst v35;
	vm6 =	vgt.f32 v1, v6;
	v6 =	vmax.f32 v6, v1  }
0x12d: {  	[tilespmem:$0x3F0] =	vst v0;
	vm7 =	vgt.f32 v0, v6;
	v6 =	vmax.f32 v6, v0;
	v0 =	vld [tilespmem:$0x1FBC0]  }
0x12e: {  	[tilespmem:$0x210] =	vst v24  }
0x12f: {  	[tilespmem:$0x0] =	vst v57  }
0x130: {  	[tilespmem:$0x130] =	vst v31;
	v57 =	vld [tilespmem:$0x1FCD0]  }
0x131: {  	[tilespmem:$0x20] =	vst v56;
	v7 =	vsel vm6, v2, v7;
	v2 =	vld [tilespmem:$0x1FBD0]  }
0x132: {  	[tilespmem:$0x30] =	vst v55;
	v7 =	vsel vm7, v0, v7;
	v0 =	vld [tilespmem:$0x1FBE0]  }
0x133: {  	v56 =	vld [tilespmem:$0x1FD30];
	[tilespmem:$0x40] =	vst v53  }
0x134: {  	v55 =	vld [tilespmem:$0x1FCE0];
	[tilespmem:$0x50] =	vst v52  }
0x135: {  	v53 =	vld [tilespmem:$0x1FCF0];
	[tilespmem:$0x3C0] =	vst v4  }
0x136: {  	v52 =	vld [tilespmem:$0x1FD00];
	[tilespmem:$0x3B0] =	vst v5;
	vm8 =	vgt.f32 v2, v6  }
0x137: {  	[tilespmem:$0x70] =	vst v48;
	v7 =	vsel vm8, v0, v7;
	v0 =	vld [tilespmem:$0x1FC90]  }
0x138: {  	v48 =	vld [tilespmem:$0x1FD40];
	[tilespmem:$0xA0] =	vst v45  }
0x139: {  	v28 =	vld [tilespmem:$0x1FE60];
	[tilespmem:$0xB0] =	vst v46  }
0x13a: {  	v45 =	vld [tilespmem:$0x1FD70];
	[tilespmem:$0xC0] =	vst v43  }
0x13b: {  	v46 =	vld [tilespmem:$0x1FD60];
	[tilespmem:$0x1B0] =	vst v9;
	v6 =	vmax.f32 v6, v2  }
0x13c: {  	v43 =	vld [tilespmem:$0x1FD90];
	[tilespmem:$0x2A0] =	vst v8;
	v8 =	vperm.xlane v6, v0;
	v9 =	vperm.xlane v7, v0  }
0x13d: {  	[tilespmem:$0x200] =	vst v42;
	v0 =	vld [tilespmem:$0x1FCA0]  }
0x13e: {  	[tilespmem:$0xE0] =	vst v41;
	v41 =	vld [tilespmem:$0x1FDB0];
	vm9 =	veq.f32 v8, v6;
	vm10 =	vlt.s32 v9, v7  }
0x13f: {  	[tilespmem:$0x110] =	vst v37;
	v33 =	vld [tilespmem:$0x1FE20];
	vm11 =	vgt.f32 v8, v6;
	vm0 =	vmand vm9, vm10  }
0x140: {  	[tilespmem:$0x2D0] =	vst v15;
	v37 =	vld [tilespmem:$0x1FDF0];
	vm0 =	vmor vm11, vm0  }
0x141: {  	[tilespmem:$0x1D0] =	vst v47;
	v32 =	vld [tilespmem:$0x1FE30];
	v7 =	vsel vm0, v9, v7;
	v6 =	vsel vm0, v8, v6  }
0x142: {  	[tilespmem:$0x320] =	vst v13;
	v54 =	vld [tilespmem:$0x1FD10];
	v8 =	vperm.xlane v6, v0;
	v9 =	vperm.xlane v7, v0  }
0x143: {  	[tilespmem:$0x1E0] =	vst v40;
	v0 =	vld [tilespmem:$0x1FCB0]  }
0x144: {  	[tilespmem:$0x2B0] =	vst v25;
	v47 =	vld [tilespmem:$0x1FD50];
	vm0 =	veq.f32 v8, v6;
	vm12 =	vlt.s32 v9, v7  }
0x145: {  	[tilespmem:$0x2F0] =	vst v17;
	v40 =	vld [tilespmem:$0x1FDC0];
	vm13 =	vgt.f32 v8, v6;
	vm0 =	vmand vm0, vm12  }
0x146: {  	[tilespmem:$0x230] =	vst v39;
	v42 =	vld [tilespmem:$0x1FDA0];
	vm0 =	vmor vm13, vm0  }
0x147: {  	[tilespmem:$0x300] =	vst v16;
	v39 =	vld [tilespmem:$0x1FDD0];
	v7 =	vsel vm0, v9, v7;
	v6 =	vsel vm0, v8, v6  }
0x148: {  	[tilespmem:$0x3A0] =	vst v10;
	v35 =	vld [tilespmem:$0x1FE10];
	v8 =	vperm.xlane v6, v0;
	v9 =	vperm.xlane v7, v0  }
0x149: {  	[tilespmem:$0x360] =	vst v11;
	v0 =	vld [tilespmem:$0x1FCC0]  }
0x14a: {  	[tilespmem:$0x310] =	vst v12;
	v36 =	vld [tilespmem:$0x1FE00];
	vm0 =	veq.f32 v8, v6;
	vm14 =	vlt.s32 v9, v7  }
0x14b: {  	[tilespmem:$0x380] =	vst v14;
	v30 =	vld [tilespmem:$0x1FE90];
	vm15 =	vgt.f32 v8, v6;
	vm0 =	vmand vm0, vm14  }
0x14c: {  	v29 =	vld [tilespmem:$0x1FE70];
	[tilespmem:$0x2C0] =	vst v23;
	vm0 =	vmor vm15, vm0  }
0x14d: {  	[tilespmem:$0x3E0] =	vst v1;
	v4 =	vld [tilespmem:$0x480];
	v13 =	vsel vm0, v9, v7;
	v10 =	vsel vm0, v8, v6  }
0x14e: {  	s28 =	simm.s32 $0x1;
	s29 =	simm.s32 $0x0;
	v27 =	vmov v20;
	v1 =	vld [tilespmem:$0x490];
	[tilespmem:$0x400] =	vst v2;
	v11 =	vperm.xlane v10, v0;
	v14 =	vperm.xlane v13, v0  }
.LBB2_3:
0x14f: {  	v0 =	vld [tilespmem:$0x1FEE0]  }
0x150: {  	vm1 =	veq.f32 v11, v10;
	vm2 =	vlt.s32 v14, v13  }
0x151: {  	v2 =	vld [tilespmem:$0x1FBF0];
	vm0 =	vgt.f32 v11, v10;
	vm1 =	vmand vm1, vm2  }
0x152: {  	vm0 =	vmor vm0, vm1  }
0x153: {  	v31 =	vsel vm0, v14, v13  }
0x154: {  	vm0 =	veq.s32 v31, v0;
	v0 =	vimm.s32 $0x0  }
0x155: {  	v15 =	vmov s29;
	v0 =	vsel vm0, $0xFFFFFFFF, v0  }
0x156: {  	vm13 =	veq.s32 v15, v2;
	[tilespmem:$0x1FA60] =	vst v0;
	v0 =	vlaneseq.u32  }
0x157: {  	vm12 =	veq.s32 v15, v0;
	v15 =	vsel vm13, v31, v1;
	v1 =	vld [tilespmem:$0x1FED0];
	_ =	sdelay $0x4  }
0x158: {  	vm4 =	veq.s32 v31, v1;
	v1 =	vimm.s32 $0x0  }
0x159: {  	v1 =	vsel vm4, $0xFFFFFFFF, v1  }
0x15a: {  	[tilespmem:$0x1FA50] =	vst v1;
	v1 =	vld [tilespmem:$0x1FF00];
	_ =	sdelay $0x4  }
0x15b: {  	vm5 =	veq.s32 v31, v1;
	v1 =	vimm.s32 $0x0  }
0x15c: {  	v1 =	vsel vm5, $0xFFFFFFFF, v1  }
0x15d: {  	vm6 =	veq.s32 v31, v53;
	[tilespmem:$0x1FA10] =	vst v1;
	v1 =	vimm.s32 $0x0  }
0x15e: {  	v1 =	vsel vm6, $0xFFFFFFFF, v1  }
0x15f: {  	vm7 =	veq.s32 v31, v52;
	[tilespmem:$0x1FA20] =	vst v1;
	v1 =	vimm.s32 $0x0  }
0x160: {  	v1 =	vsel vm7, $0xFFFFFFFF, v1  }
0x161: {  	v5 =	vld [tilespmem:$0x1FEC0];
	vm8 =	veq.s32 v31, v54;
	[tilespmem:$0x1F9E0] =	vst v1;
	v1 =	vimm.s32 $0x0  }
0x162: {  	v1 =	vsel vm8, $0xFFFFFFFF, v1  }
0x163: {  	vm9 =	veq.s32 v31, v58;
	[tilespmem:$0x1F9F0] =	vst v1;
	v1 =	vimm.s32 $0x0  }
0x164: {  	v1 =	vsel vm9, $0xFFFFFFFF, v1  }
0x165: {  	vm10 =	veq.s32 v31, v56;
	[tilespmem:$0x1FA00] =	vst v1;
	v1 =	vimm.s32 $0x0  }
0x166: {  	vm14 =	veq.s32 v31, v5;
	v5 =	vimm.s32 $0x0;
	v1 =	vsel vm10, $0xFFFFFFFF, v1  }
0x167: {  	vm11 =	veq.s32 v31, v48;
	v5 =	vsel vm14, $0xFFFFFFFF, v5;
	[tilespmem:$0x1F9B0] =	vst v1;
	v1 =	vimm.s32 $0x0  }
0x168: {  	[tilespmem:$0x1FA70] =	vst v5;
	v1 =	vsel vm11, $0xFFFFFFFF, v1  }
0x169: {  	v5 =	vld [tilespmem:$0x1FEF0];
	v7 =	vsel vm12, v31, v4;
	vm12 =	veq.s32 v31, v47;
	[tilespmem:$0x1F9C0] =	vst v1;
	v1 =	vimm.s32 $0x0  }
0x16a: {  	v1 =	vsel vm12, $0xFFFFFFFF, v1  }
0x16b: {  	vm13 =	veq.s32 v31, v46;
	[tilespmem:$0x1F9D0] =	vst v1;
	v1 =	vimm.s32 $0x0  }
0x16c: {  	v1 =	vsel vm13, $0xFFFFFFFF, v1  }
0x16d: {  	vm14 =	veq.s32 v31, v45;
	[tilespmem:$0x1F980] =	vst v1;
	v1 =	vimm.s32 $0x0  }
0x16e: {  	vm15 =	veq.s32 v31, v5;
	v5 =	vimm.s32 $0x0;
	v1 =	vsel vm14, $0xFFFFFFFF, v1  }
0x16f: {  	v5 =	vsel vm15, $0xFFFFFFFF, v5;
	vm15 =	veq.s32 v31, v44;
	[tilespmem:$0x1F990] =	vst v1;
	v1 =	vimm.s32 $0x0  }
0x170: {  	v1 =	vsel vm15, $0xFFFFFFFF, v1  }
0x171: {  	vm4 =	veq.s32 v31, v43;
	[tilespmem:$0x1F9A0] =	vst v1;
	v1 =	vimm.s32 $0x0  }
0x172: {  	v1 =	vsel vm4, $0xFFFFFFFF, v1  }
0x173: {  	vm5 =	veq.s32 v31, v42;
	[tilespmem:$0x1F950] =	vst v1;
	v1 =	vimm.s32 $0x0  }
0x174: {  	v1 =	vsel vm5, $0xFFFFFFFF, v1  }
0x175: {  	vm6 =	veq.s32 v31, v41;
	[tilespmem:$0x1F960] =	vst v1;
	v1 =	vimm.s32 $0x0  }
0x176: {  	v1 =	vsel vm6, $0xFFFFFFFF, v1  }
0x177: {  	vm7 =	veq.s32 v31, v40;
	[tilespmem:$0x1F970] =	vst v1;
	v1 =	vimm.s32 $0x0  }
0x178: {  	v1 =	vsel vm7, $0xFFFFFFFF, v1  }
0x179: {  	vm8 =	veq.s32 v31, v39;
	[tilespmem:$0x1F920] =	vst v1;
	v1 =	vimm.s32 $0x0  }
0x17a: {  	v1 =	vsel vm8, $0xFFFFFFFF, v1  }
0x17b: {  	vm9 =	veq.s32 v31, v38;
	[tilespmem:$0x1F930] =	vst v1;
	v1 =	vimm.s32 $0x0  }
0x17c: {  	v1 =	vsel vm9, $0xFFFFFFFF, v1  }
0x17d: {  	vm10 =	veq.s32 v31, v37;
	[tilespmem:$0x1F940] =	vst v1;
	v1 =	vimm.s32 $0x0  }
0x17e: {  	v1 =	vsel vm10, $0xFFFFFFFF, v1  }
0x17f: {  	vm11 =	veq.s32 v31, v36;
	[tilespmem:$0x1F8F0] =	vst v1;
	v1 =	vimm.s32 $0x0  }
0x180: {  	v1 =	vsel vm11, $0xFFFFFFFF, v1  }
0x181: {  	vm12 =	veq.s32 v31, v35;
	[tilespmem:$0x1F900] =	vst v1;
	v1 =	vimm.s32 $0x0  }
0x182: {  	v1 =	vsel vm12, $0xFFFFFFFF, v1  }
0x183: {  	vm13 =	veq.s32 v31, v50;
	[tilespmem:$0x1F910] =	vst v1;
	v1 =	vimm.s32 $0x0  }
0x184: {  	v1 =	vsel vm13, $0xFFFFFFFF, v1  }
0x185: {  	vm14 =	veq.s32 v31, v33;
	[tilespmem:$0x1F8C0] =	vst v1;
	v1 =	vimm.s32 $0x0  }
0x186: {  	v1 =	vsel vm14, $0xFFFFFFFF, v1  }
0x187: {  	vm15 =	veq.s32 v31, v32;
	[tilespmem:$0x1F8D0] =	vst v1;
	v1 =	vimm.s32 $0x0  }
0x188: {  	v1 =	vsel vm15, $0xFFFFFFFF, v1  }
0x189: {  	vm4 =	veq.s32 v31, v49;
	[tilespmem:$0x1F8E0] =	vst v1;
	v1 =	vimm.s32 $0x0  }
0x18a: {  	v1 =	vsel vm4, $0xFFFFFFFF, v1  }
0x18b: {  	vm5 =	veq.s32 v31, v59;
	[tilespmem:$0x1F890] =	vst v1;
	v1 =	vimm.s32 $0x0  }
0x18c: {  	v1 =	vsel vm5, $0xFFFFFFFF, v1  }
0x18d: {  	vm6 =	veq.s32 v31, v51;
	[tilespmem:$0x1F8A0] =	vst v1;
	v1 =	vimm.s32 $0x0  }
0x18e: {  	v1 =	vsel vm6, $0xFFFFFFFF, v1  }
0x18f: {  	vm7 =	veq.s32 v31, v60;
	[tilespmem:$0x1F8B0] =	vst v1;
	v1 =	vimm.s32 $0x0  }
0x190: {  	v1 =	vsel vm7, $0xFFFFFFFF, v1  }
0x191: {  	vm8 =	veq.s32 v31, v28;
	[tilespmem:$0x1F860] =	vst v1;
	v1 =	vimm.s32 $0x0  }
0x192: {  	v1 =	vsel vm8, $0xFFFFFFFF, v1  }
0x193: {  	vm9 =	veq.s32 v31, v29;
	[tilespmem:$0x1F870] =	vst v1;
	v1 =	vimm.s32 $0x0  }
0x194: {  	v1 =	vsel vm9, $0xFFFFFFFF, v1  }
0x195: {  	vm10 =	veq.s32 v31, v34;
	[tilespmem:$0x1F880] =	vst v1;
	v1 =	vimm.s32 $0x0  }
0x196: {  	v1 =	vsel vm10, $0xFFFFFFFF, v1  }
0x197: {  	vm11 =	veq.s32 v31, v30;
	[tilespmem:$0x1F840] =	vst v1;
	v1 =	vimm.s32 $0x0  }
0x198: {  	v1 =	vsel vm11, $0xFFFFFFFF, v1  }
0x199: {  	[tilespmem:$0x1F850] =	vst v1;
	v1 =	vld [tilespmem:$0x1FF30];
	_ =	sdelay $0x4  }
0x19a: {  	vm10 =	veq.s32 v31, v1;
	v1 =	vld [tilespmem:$0x1FF20];
	_ =	sdelay $0x4  }
0x19b: {  	vm8 =	veq.s32 v31, v1;
	v1 =	vld [tilespmem:$0x1FC70];
	_ =	sdelay $0x4  }
0x19c: {  	vm6 =	veq.s32 v31, v1;
	v1 =	vld [tilespmem:$0x1FC80];
	_ =	sdelay $0x4  }
0x19d: {  	vm7 =	veq.s32 v31, v1;
	v1 =	vld [tilespmem:$0x1FF10];
	_ =	sdelay $0x4  }
0x19e: {  	vm5 =	veq.s32 v31, v1;
	v1 =	vld [tilespmem:$0x1FFA0];
	_ =	sdelay $0x4  }
0x19f: {  	vm4 =	veq.s32 v31, v1;
	v1 =	vld [tilespmem:$0x1FF40];
	_ =	sdelay $0x4  }
0x1a0: {  	vm3 =	veq.s32 v31, v1;
	v1 =	vld [tilespmem:$0x1FF80];
	_ =	sdelay $0x4  }
0x1a1: {  	vm2 =	veq.s32 v31, v1;
	v1 =	vld [tilespmem:$0x1FBC0];
	_ =	sdelay $0x4  }
0x1a2: {  	vm0 =	veq.s32 v31, v1;
	v1 =	vld [tilespmem:$0x1FBE0];
	_ =	sdelay $0x1  }
0x1a3: {  	v8 =	vld [tilespmem:$0x400];
	_ =	sdelay $0x2  }
0x1a4: {  	vm15 =	veq.s32 v31, v57;
	vm1 =	veq.s32 v31, v1;
	v1 =	vimm.s32 $0x0  }
0x1a5: {  	v1 =	vsel vm15, $0xFFFFFFFF, v1  }
0x1a6: {  	v20 =	vld [tilespmem:$0x330];
	[tilespmem:$0x1FA40] =	vst v1;
	v1 =	vsel vm1, $0xFF61B1E6, v8  }
0x1a7: {  	[tilespmem:$0x1FA80] =	vst v1;
	v1 =	vld [tilespmem:$0x1F840];
	_ =	sdelay $0x3  }
0x1a8: {  	v19 =	vld [tilespmem:$0x340];
	vm12 =	veq.s32 v31, v61  }
0x1a9: {  	vm11 =	veq.s32 v31, v21;
	v21 =	vsel vm12, $0xFF61B1E6, v20;
	vm12 =	vnez.u8 v1;
	v1 =	vld [tilespmem:$0x1F850];
	_ =	sdelay $0x3  }
0x1aa: {  	v12 =	vld [tilespmem:$0x3C0];
	vm13 =	veq.s32 v31, v63  }
0x1ab: {  	v20 =	vsel vm13, $0xFF61B1E6, v19;
	vm13 =	vnez.u8 v1;
	v1 =	vld [tilespmem:$0x1F860];
	_ =	sdelay $0x3  }
0x1ac: {  	v13 =	vld [tilespmem:$0x3B0]  }
0x1ad: {  	v12 =	vsel vm4, $0xFF61B1E6, v12;
	vm4 =	vnez.u8 v1;
	v1 =	vld [tilespmem:$0x1F870];
	_ =	sdelay $0x3  }
0x1ae: {  	[tilespmem:$0x490] =	vst v15;
	v15 =	vld [tilespmem:$0x390]  }
0x1af: {  	v13 =	vsel vm5, $0xFF61B1E6, v13;
	vm5 =	vnez.u8 v1;
	v1 =	vld [tilespmem:$0x1F880];
	_ =	sdelay $0x3  }
0x1b0: {  	v14 =	vld [tilespmem:$0x3A0]  }
0x1b1: {  	v15 =	vsel vm6, $0xFF61B1E6, v15;
	vm6 =	vnez.u8 v1;
	v1 =	vld [tilespmem:$0x1F890];
	_ =	sdelay $0x1  }
0x1b2: {  	v16 =	vld [tilespmem:$0x370]  }
0x1b3: {  	v17 =	vld [tilespmem:$0x360]  }
0x1b4: {  	[tilespmem:$0x480] =	vst v7;
	v7 =	vld [tilespmem:$0x380]  }
0x1b5: {  	v14 =	vsel vm7, $0xFF61B1E6, v14;
	vm7 =	vnez.u8 v1;
	v1 =	vld [tilespmem:$0x1F8A0];
	_ =	sdelay $0x3  }
0x1b6: {  	vm9 =	veq.s32 v31, v18;
	v18 =	vsel vm10, $0xFF61B1E6, v17  }
0x1b7: {  	v17 =	vsel vm9, $0xFF61B1E6, v16;
	v16 =	vsel vm8, $0xFF61B1E6, v7;
	vm8 =	vnez.u8 v1;
	v1 =	vld [tilespmem:$0x1F8B0];
	_ =	sdelay $0x4  }
0x1b8: {  	vm9 =	vnez.u8 v1;
	v1 =	vld [tilespmem:$0x1F8C0];
	_ =	sdelay $0x3  }
0x1b9: {  	v6 =	vld [tilespmem:$0x350]  }
0x1ba: {  	vm10 =	vnez.u8 v1;
	v1 =	vld [tilespmem:$0x1F8D0];
	_ =	sdelay $0x3  }
0x1bb: {  	v24 =	vld [tilespmem:$0x300]  }
0x1bc: {  	v19 =	vsel vm11, $0xFF61B1E6, v6;
	vm11 =	vnez.u8 v1;
	v1 =	vld [tilespmem:$0x1F8E0];
	_ =	sdelay $0x3  }
0x1bd: {  	v23 =	vld [tilespmem:$0x310]  }
0x1be: {  	v24 =	vsel vm12, $0xFF61B1E6, v24;
	vm12 =	vnez.u8 v1;
	v1 =	vld [tilespmem:$0x1F8F0];
	_ =	sdelay $0x3  }
0x1bf: {  	v22 =	vld [tilespmem:$0x320]  }
0x1c0: {  	v23 =	vsel vm13, $0xFF61B1E6, v23;
	vm13 =	vnez.u8 v1;
	v1 =	vld [tilespmem:$0x1F900];
	_ =	sdelay $0x3  }
0x1c1: {  	vm14 =	veq.s32 v31, v27;
	v27 =	vld [tilespmem:$0x2D0]  }
0x1c2: {  	v22 =	vsel vm14, $0xFF61B1E6, v22;
	vm14 =	vnez.u8 v1;
	v1 =	vld [tilespmem:$0x1F910];
	_ =	sdelay $0x3  }
0x1c3: {  	v26 =	vld [tilespmem:$0x2E0]  }
0x1c4: {  	v27 =	vsel vm4, $0xFF61B1E6, v27;
	vm4 =	vnez.u8 v1;
	v1 =	vld [tilespmem:$0x1F920];
	_ =	sdelay $0x3  }
0x1c5: {  	v25 =	vld [tilespmem:$0x2F0]  }
0x1c6: {  	v26 =	vsel vm5, $0xFF61B1E6, v26;
	vm5 =	vnez.u8 v1;
	v1 =	vld [tilespmem:$0x1F930];
	_ =	sdelay $0x3  }
0x1c7: {  	v30 =	vld [tilespmem:$0x2A0]  }
0x1c8: {  	v25 =	vsel vm6, $0xFF61B1E6, v25;
	vm6 =	vnez.u8 v1;
	v1 =	vld [tilespmem:$0x1F940];
	_ =	sdelay $0x3  }
0x1c9: {  	v29 =	vld [tilespmem:$0x2B0]  }
0x1ca: {  	v30 =	vsel vm7, $0xFF61B1E6, v30;
	vm7 =	vnez.u8 v1;
	v1 =	vld [tilespmem:$0x1F950];
	_ =	sdelay $0x3  }
0x1cb: {  	v28 =	vld [tilespmem:$0x2C0]  }
0x1cc: {  	v29 =	vsel vm8, $0xFF61B1E6, v29;
	vm8 =	vnez.u8 v1;
	v1 =	vld [tilespmem:$0x1F960];
	_ =	sdelay $0x3  }
0x1cd: {  	v59 =	vld [tilespmem:$0x270]  }
0x1ce: {  	v28 =	vsel vm9, $0xFF61B1E6, v28;
	vm9 =	vnez.u8 v1;
	v1 =	vld [tilespmem:$0x1F970];
	_ =	sdelay $0x3  }
0x1cf: {  	v58 =	vld [tilespmem:$0x280]  }
0x1d0: {  	v34 =	vsel vm10, $0xFF61B1E6, v59;
	vm10 =	vnez.u8 v1;
	v1 =	vld [tilespmem:$0x1F980];
	_ =	sdelay $0x3  }
0x1d1: {  	v32 =	vld [tilespmem:$0x290]  }
0x1d2: {  	v33 =	vsel vm11, $0xFF61B1E6, v58;
	vm11 =	vnez.u8 v1;
	v1 =	vld [tilespmem:$0x1F990];
	_ =	sdelay $0x3  }
0x1d3: {  	v37 =	vld [tilespmem:$0x240]  }
0x1d4: {  	v32 =	vsel vm12, $0xFF61B1E6, v32;
	vm12 =	vnez.u8 v1;
	v1 =	vld [tilespmem:$0x1F9A0];
	_ =	sdelay $0x4  }
0x1d5: {  	v37 =	vsel vm13, $0xFF61B1E6, v37;
	vm13 =	vnez.u8 v1;
	v1 =	vld [tilespmem:$0x490];
	_ =	sdelay $0x3  }
0x1d6: {  	v36 =	vld [tilespmem:$0x250]  }
0x1d7: {  	[tilespmem:$0x1FA90] =	vst v1;
	v1 =	vld [tilespmem:$0x1F9B0];
	_ =	sdelay $0x3  }
0x1d8: {  	v35 =	vld [tilespmem:$0x260]  }
0x1d9: {  	v36 =	vsel vm14, $0xFF61B1E6, v36;
	vm14 =	vnez.u8 v1;
	v1 =	vld [tilespmem:$0x1F9C0];
	_ =	sdelay $0x3  }
0x1da: {  	v40 =	vld [tilespmem:$0x210]  }
0x1db: {  	v35 =	vsel vm4, $0xFF61B1E6, v35;
	vm4 =	vnez.u8 v1;
	v1 =	vld [tilespmem:$0x1F9D0];
	_ =	sdelay $0x3  }
0x1dc: {  	v39 =	vld [tilespmem:$0x220]  }
0x1dd: {  	v40 =	vsel vm5, $0xFF61B1E6, v40;
	vm5 =	vnez.u8 v1;
	v1 =	vld [tilespmem:$0x1F9E0];
	_ =	sdelay $0x3  }
0x1de: {  	v38 =	vld [tilespmem:$0x230]  }
0x1df: {  	v39 =	vsel vm6, $0xFF61B1E6, v39;
	vm6 =	vnez.u8 v1;
	v1 =	vld [tilespmem:$0x1F9F0];
	_ =	sdelay $0x3  }
0x1e0: {  	v43 =	vld [tilespmem:$0x1E0]  }
0x1e1: {  	v38 =	vsel vm7, $0xFF61B1E6, v38;
	vm7 =	vnez.u8 v1;
	v1 =	vld [tilespmem:$0x1FA00];
	_ =	sdelay $0x3  }
0x1e2: {  	v42 =	vld [tilespmem:$0x1F0]  }
0x1e3: {  	v43 =	vsel vm8, $0xFF61B1E6, v43;
	vm8 =	vnez.u8 v1;
	v1 =	vld [tilespmem:$0x1FA10];
	_ =	sdelay $0x1  }
0x1e4: {  	v9 =	vld [tilespmem:$0x3F0]  }
0x1e5: {  	v48 =	vld [tilespmem:$0x190]  }
0x1e6: {  	v41 =	vld [tilespmem:$0x200]  }
0x1e7: {  	v42 =	vsel vm9, $0xFF61B1E6, v42;
	vm9 =	vnez.u8 v1;
	v1 =	vld [tilespmem:$0x1FA20]  }
0x1e8: {  	v53 =	vld [tilespmem:$0x140]  }
0x1e9: {  	v54 =	vld [tilespmem:$0x130]  }
0x1ea: {  	v56 =	vld [tilespmem:$0x110]  }
0x1eb: {  	v46 =	vld [tilespmem:$0x1B0];
	[tilespmem:$0x1FA30] =	vst v5  }
0x1ec: {  	v41 =	vsel vm10, $0xFF61B1E6, v41;
	vm10 =	vnez.u8 v1;
	v1 =	vld [tilespmem:$0x1FA30]  }
0x1ed: {  	v45 =	vld [tilespmem:$0x1C0]  }
0x1ee: {  	v47 =	vld [tilespmem:$0x1A0]  }
0x1ef: {  	v44 =	vld [tilespmem:$0x1D0]  }
0x1f0: {  	v49 =	vld [tilespmem:$0x180]  }
0x1f1: {  	v46 =	vsel vm11, $0xFF61B1E6, v46;
	vm11 =	vnez.u8 v1;
	v1 =	vld [tilespmem:$0x1FA40]  }
0x1f2: {  	v60 =	vld [tilespmem:$0x150]  }
0x1f3: {  	v61 =	vld [tilespmem:$0x170]  }
0x1f4: {  	v63 =	vld [tilespmem:$0x160]  }
0x1f5: {  	v59 =	vld [tilespmem:$0x0]  }
0x1f6: {  	v45 =	vsel vm12, $0xFF61B1E6, v45;
	vm12 =	vnez.u8 v1;
	v1 =	vld [tilespmem:$0x1FA50]  }
0x1f7: {  	v57 =	vld [tilespmem:$0x100]  }
0x1f8: {  	v52 =	vsel vm6, $0xFF61B1E6, v60;
	v60 =	vld [tilespmem:$0x10]  }
0x1f9: {  	v6 =	vld [tilespmem:$0x1FF70];
	v9 =	vsel vm0, $0xFF61B1E6, v9;
	vm0 =	veq.s32 v31, v3;
	vm15 =	veq.s32 v31, v55  }
0x1fa: {  	vm1 =	veq.s32 v31, v62;
	v58 =	vld [tilespmem:$0xF0];
	v49 =	vsel vm14, $0xFF61B1E6, v49;
	vm14 =	veq.s32 v31, v0  }
0x1fb: {  	v44 =	vsel vm13, $0xFF61B1E6, v44;
	v59 =	vsel vm14, $0xFF61B1E6, v59;
	vm13 =	vnez.u8 v1;
	v1 =	vld [tilespmem:$0x1FF90]  }
0x1fc: {  	v50 =	vsel vm8, $0xFF61B1E6, v61;
	v61 =	vld [tilespmem:$0x20];
	v53 =	vsel vm10, $0xFF61B1E6, v53;
	vm10 =	veq.s32 v31, v2  }
0x1fd: {  	v5 =	vmovc v62;
	v62 =	vld [tilespmem:$0x30];
	v47 =	vsel vm5, $0xFF61B1E6, v47;
	v51 =	vsel vm7, $0xFF61B1E6, v63;
	v60 =	vsel vm10, $0xFF61B1E6, v60  }
0x1fe: {  	v7 =	vld [tilespmem:$0x1FF60];
	[tilespmem:$0x0] =	vst v59;
	v57 =	vsel vm12, $0xFF61B1E6, v57;
	vm12 =	vgt.f32 v59, $-3.000000010e+38;
	v59 =	vmax.f32 v59, $-3.000000010e+38  }
0x1ff: {  	v3 =	vld [tilespmem:$0x1FFB0];
	v58 =	vsel vm11, $0xFF61B1E6, v58;
	v0 =	vnsel vm12, $0x40000000, v0;
	vm5 =	vgt.f32 v60, v59  }
0x200: {  	v55 =	vld [tilespmem:$0x120];
	v59 =	vmax.f32 v59, v60;
	v0 =	vsel vm5, v2, v0;
	vm11 =	veq.s32 v31, v1  }
0x201: {  	v63 =	vld [tilespmem:$0x40];
	[tilespmem:$0x10] =	vst v60;
	v56 =	vsel vm13, $0xFF61B1E6, v56;
	vm13 =	veq.s32 v31, v6;
	v61 =	vsel vm11, $0xFF61B1E6, v61  }
0x202: {  	v60 =	vld [tilespmem:$0x50];
	[tilespmem:$0x20] =	vst v61;
	vm6 =	vgt.f32 v61, v59;
	v59 =	vmax.f32 v59, v61;
	v61 =	vsel vm13, $0xFF61B1E6, v62  }
0x203: {  	v2 =	vld [tilespmem:$0x60];
	v0 =	vsel vm6, v1, v0;
	vm5 =	vgt.f32 v61, v59  }
0x204: {  	v0 =	vsel vm5, v6, v0;
	v6 =	vld [tilespmem:$0x1FF50]  }
0x205: {  	v1 =	vld [tilespmem:$0x1FFC0]  }
0x206: {  	v54 =	vsel vm15, $0xFF61B1E6, v54;
	[tilespmem:$0x30] =	vst v61;
	v59 =	vmax.f32 v59, v61;
	v61 =	vld [tilespmem:$0x70]  }
0x207: {  	vm15 =	veq.s32 v31, v7;
	v55 =	vsel vm9, $0xFF61B1E6, v55;
	vm9 =	veq.s32 v31, v3  }
0x208: {  	v11 =	vld [tilespmem:$0x3D0];
	v48 =	vsel vm4, $0xFF61B1E6, v48;
	v2 =	vsel vm9, $0xFF61B1E6, v2;
	v62 =	vsel vm15, $0xFF61B1E6, v63  }
0x209: {  	vm15 =	vgt.f32 v62, v59;
	v59 =	vmax.f32 v59, v62;
	vm14 =	veq.s32 v31, v6  }
0x20a: {  	v0 =	vsel vm15, v7, v0;
	vm8 =	veq.s32 v31, v1;
	v60 =	vsel vm14, $0xFF61B1E6, v60  }
0x20b: {  	v10 =	vld [tilespmem:$0x3E0];
	v61 =	vsel vm8, $0xFF61B1E6, v61;
	vm4 =	vgt.f32 v60, v59;
	v59 =	vmax.f32 v59, v60  }
0x20c: {  	v4 =	vld [tilespmem:$0x1FFD0];
	[tilespmem:$0x60] =	vst v2;
	v0 =	vsel vm4, v6, v0;
	vm9 =	vgt.f32 v2, v59;
	v2 =	vmax.f32 v59, v2  }
0x20d: {  	v11 =	vsel vm3, $0xFF61B1E6, v11;
	v63 =	vld [tilespmem:$0x80];
	v0 =	vsel vm9, v3, v0;
	vm3 =	vgt.f32 v61, v2  }
0x20e: {  	v0 =	vsel vm3, v1, v0;
	v1 =	vld [tilespmem:$0x1FFE0]  }
0x20f: {  	[tilespmem:$0x50] =	vst v60;
	v60 =	vld [tilespmem:$0x90];
	_ =	sdelay $0x2  }
0x210: {  	v10 =	vsel vm2, $0xFF61B1E6, v10;
	vm2 =	veq.s32 v31, v4  }
0x211: {  	[tilespmem:$0x70] =	vst v61;
	v2 =	vmax.f32 v2, v61;
	v61 =	vsel vm2, $0xFF61B1E6, v63;
	vm10 =	veq.s32 v31, v1  }
0x212: {  	vm11 =	vgt.f32 v61, v2;
	v2 =	vmax.f32 v2, v61;
	v60 =	vsel vm10, $0xFF61B1E6, v60  }
0x213: {  	[tilespmem:$0x40] =	vst v62;
	v62 =	vld [tilespmem:$0xA0];
	v0 =	vsel vm11, v4, v0;
	vm2 =	vgt.f32 v60, v2  }
0x214: {  	v0 =	vsel vm2, v1, v0;
	v1 =	vld [tilespmem:$0x1FFF0]  }
0x215: {  	v59 =	vld [tilespmem:$0xB0];
	_ =	sdelay $0x3  }
0x216: {  	v3 =	vsel vm1, $0xFF61B1E6, v62;
	v2 =	vmax.f32 v2, v60;
	vm12 =	veq.s32 v31, v1  }
0x217: {  	vm13 =	vgt.f32 v3, v2;
	v2 =	vmax.f32 v2, v3;
	v31 =	vsel vm12, $0xFF61B1E6, v59  }
0x218: {  	v0 =	vsel vm13, v5, v0;
	vm1 =	vgt.f32 v31, v2  }
0x219: {  	v0 =	vsel vm1, v1, v0;
	v1 =	vld [tilespmem:$0x1FA60];
	_ =	sdelay $0x4  }
0x21a: {  	vm14 =	vnez.u8 v1;
	v1 =	vld [tilespmem:$0x1FA70];
	_ =	sdelay $0x1  }
0x21b: {  	v63 =	vld [tilespmem:$0xC0]  }
0x21c: {  	[tilespmem:$0x80] =	vst v61;
	v61 =	vld [tilespmem:$0xD0]  }
0x21d: {  	[tilespmem:$0xA0] =	vst v3;
	v3 =	vld [tilespmem:$0x1FC00]  }
0x21e: {  	vm4 =	vnez.u8 v1;
	v1 =	vld [tilespmem:$0x1FEE0];
	_ =	sdelay $0x1  }
0x21f: {  	[tilespmem:$0xB0] =	vst v31;
	v2 =	vmax.f32 v2, v31;
	v31 =	vsel vm0, $0xFF61B1E6, v63  }
0x220: {  	[tilespmem:$0x90] =	vst v60;
	v60 =	vld [tilespmem:$0xE0];
	vm15 =	vgt.f32 v31, v2;
	v2 =	vmax.f32 v2, v31;
	v59 =	vsel vm14, $0xFF61B1E6, v61  }
0x221: {  	v0 =	vsel vm15, v3, v0;
	vm5 =	vgt.f32 v59, v2  }
0x222: {  	v0 =	vsel vm5, v1, v0;
	v1 =	vld [tilespmem:$0x1FEC0];
	_ =	sdelay $0x2  }
0x223: {  	[tilespmem:$0xC0] =	vst v31;
	v2 =	vmax.f32 v2, v59;
	v31 =	vsel vm4, $0xFF61B1E6, v60  }
0x224: {  	vm6 =	vgt.f32 v31, v2  }
0x225: {  	v0 =	vsel vm6, v1, v0;
	v1 =	vld [tilespmem:$0x1FEF0];
	_ =	sdelay $0x1  }
0x226: {  	v2 =	vmax.f32 v2, v31  }
0x227: {  	vm7 =	vgt.f32 v58, v2;
	v2 =	vmax.f32 v2, v58  }
0x228: {  	[tilespmem:$0x100] =	vst v57;
	vm8 =	vgt.f32 v57, v2;
	v2 =	vmax.f32 v2, v57;
	v57 =	vld [tilespmem:$0x1FCD0]  }
0x229: {  	v0 =	vsel vm7, v1, v0;
	v1 =	vld [tilespmem:$0x1FED0];
	_ =	sdelay $0x3  }
0x22a: {  	vm9 =	vgt.f32 v56, v2;
	v2 =	vmax.f32 v2, v56;
	v0 =	vsel vm8, v57, v0  }
0x22b: {  	vm10 =	vgt.f32 v55, v2;
	v2 =	vmax.f32 v2, v55;
	v0 =	vsel vm9, v1, v0;
	v1 =	vld [tilespmem:$0x1FF00]  }
0x22c: {  	[tilespmem:$0x120] =	vst v55;
	v55 =	vld [tilespmem:$0x1FCE0];
	vm11 =	vgt.f32 v54, v2;
	v2 =	vmax.f32 v2, v54  }
0x22d: {  	[tilespmem:$0x140] =	vst v53;
	vm12 =	vgt.f32 v53, v2;
	v2 =	vmax.f32 v2, v53;
	v53 =	vld [tilespmem:$0x1FCF0]  }
0x22e: {  	[tilespmem:$0x150] =	vst v52;
	vm13 =	vgt.f32 v52, v2;
	v2 =	vmax.f32 v2, v52;
	v52 =	vld [tilespmem:$0x1FD00]  }
0x22f: {  	[tilespmem:$0x130] =	vst v54;
	v54 =	vld [tilespmem:$0x1FD10];
	vm14 =	vgt.f32 v51, v2;
	v2 =	vmax.f32 v2, v51  }
0x230: {  	[tilespmem:$0xF0] =	vst v58;
	v58 =	vld [tilespmem:$0x1FD20];
	vm15 =	vgt.f32 v50, v2;
	v2 =	vmax.f32 v2, v50;
	v0 =	vsel vm10, v1, v0  }
0x231: {  	[tilespmem:$0x110] =	vst v56;
	v56 =	vld [tilespmem:$0x1FD30];
	vm4 =	vgt.f32 v49, v2;
	v2 =	vmax.f32 v2, v49;
	v0 =	vsel vm11, v55, v0  }
0x232: {  	[tilespmem:$0x190] =	vst v48;
	vm5 =	vgt.f32 v48, v2;
	v2 =	vmax.f32 v2, v48;
	v48 =	vld [tilespmem:$0x1FD40];
	v0 =	vsel vm12, v53, v0  }
0x233: {  	[tilespmem:$0x1A0] =	vst v47;
	vm6 =	vgt.f32 v47, v2;
	v2 =	vmax.f32 v2, v47;
	v47 =	vld [tilespmem:$0x1FD50];
	v0 =	vsel vm13, v52, v0  }
0x234: {  	[tilespmem:$0x1B0] =	vst v46;
	vm7 =	vgt.f32 v46, v2;
	v2 =	vmax.f32 v2, v46;
	v46 =	vld [tilespmem:$0x1FD60];
	v0 =	vsel vm14, v54, v0  }
0x235: {  	[tilespmem:$0x1C0] =	vst v45;
	vm8 =	vgt.f32 v45, v2;
	v2 =	vmax.f32 v2, v45;
	v45 =	vld [tilespmem:$0x1FD70];
	v0 =	vsel vm15, v58, v0  }
0x236: {  	[tilespmem:$0x1D0] =	vst v44;
	vm9 =	vgt.f32 v44, v2;
	v2 =	vmax.f32 v2, v44;
	v44 =	vld [tilespmem:$0x1FD80];
	v0 =	vsel vm4, v56, v0  }
0x237: {  	[tilespmem:$0x1E0] =	vst v43;
	vm10 =	vgt.f32 v43, v2;
	v2 =	vmax.f32 v2, v43;
	v43 =	vld [tilespmem:$0x1FD90];
	v0 =	vsel vm5, v48, v0  }
0x238: {  	[tilespmem:$0x1F0] =	vst v42;
	vm11 =	vgt.f32 v42, v2;
	v2 =	vmax.f32 v2, v42;
	v42 =	vld [tilespmem:$0x1FDA0];
	v0 =	vsel vm6, v47, v0  }
0x239: {  	[tilespmem:$0x200] =	vst v41;
	vm12 =	vgt.f32 v41, v2;
	v2 =	vmax.f32 v2, v41;
	v41 =	vld [tilespmem:$0x1FDB0];
	v0 =	vsel vm7, v46, v0  }
0x23a: {  	[tilespmem:$0x210] =	vst v40;
	vm13 =	vgt.f32 v40, v2;
	v2 =	vmax.f32 v2, v40;
	v40 =	vld [tilespmem:$0x1FDC0];
	v0 =	vsel vm8, v45, v0  }
0x23b: {  	[tilespmem:$0x220] =	vst v39;
	vm14 =	vgt.f32 v39, v2;
	v2 =	vmax.f32 v2, v39;
	v39 =	vld [tilespmem:$0x1FDD0];
	v0 =	vsel vm9, v44, v0  }
0x23c: {  	[tilespmem:$0x230] =	vst v38;
	vm15 =	vgt.f32 v38, v2;
	v2 =	vmax.f32 v2, v38;
	v38 =	vld [tilespmem:$0x1FDE0];
	v0 =	vsel vm10, v43, v0  }
0x23d: {  	[tilespmem:$0x240] =	vst v37;
	vm4 =	vgt.f32 v37, v2;
	v2 =	vmax.f32 v2, v37;
	v37 =	vld [tilespmem:$0x1FDF0];
	v0 =	vsel vm11, v42, v0  }
0x23e: {  	[tilespmem:$0x250] =	vst v36;
	vm5 =	vgt.f32 v36, v2;
	v2 =	vmax.f32 v2, v36;
	v36 =	vld [tilespmem:$0x1FE00];
	v0 =	vsel vm12, v41, v0  }
0x23f: {  	[tilespmem:$0x260] =	vst v35;
	vm6 =	vgt.f32 v35, v2;
	v2 =	vmax.f32 v2, v35;
	v35 =	vld [tilespmem:$0x1FE10];
	v0 =	vsel vm13, v40, v0  }
0x240: {  	[tilespmem:$0x170] =	vst v50;
	v50 =	vld [tilespmem:$0x1FC10];
	vm7 =	vgt.f32 v34, v2;
	v2 =	vmax.f32 v2, v34;
	v0 =	vsel vm14, v39, v0  }
0x241: {  	[tilespmem:$0x280] =	vst v33;
	vm8 =	vgt.f32 v33, v2;
	v2 =	vmax.f32 v2, v33;
	v33 =	vld [tilespmem:$0x1FE20];
	v0 =	vsel vm15, v38, v0  }
0x242: {  	[tilespmem:$0x290] =	vst v32;
	vm9 =	vgt.f32 v32, v2;
	v2 =	vmax.f32 v2, v32;
	v32 =	vld [tilespmem:$0x1FE30];
	v0 =	vsel vm4, v37, v0  }
0x243: {  	[tilespmem:$0x180] =	vst v49;
	v49 =	vld [tilespmem:$0x1FC20];
	v0 =	vsel vm5, v36, v0  }
0x244: {  	[tilespmem:$0xD0] =	vst v59;
	v59 =	vld [tilespmem:$0x1FE40];
	v0 =	vsel vm6, v35, v0  }
0x245: {  	[tilespmem:$0x160] =	vst v51;
	v51 =	vld [tilespmem:$0x1FC30];
	vm10 =	vgt.f32 v30, v2;
	v2 =	vmax.f32 v2, v30;
	v0 =	vsel vm7, v50, v0  }
0x246: {  	v60 =	vld [tilespmem:$0x1FE50];
	vm11 =	vgt.f32 v29, v2;
	v2 =	vmax.f32 v2, v29;
	v0 =	vsel vm8, v33, v0  }
0x247: {  	[tilespmem:$0x2C0] =	vst v28;
	vm12 =	vgt.f32 v28, v2;
	v2 =	vmax.f32 v2, v28;
	v28 =	vld [tilespmem:$0x1FE60];
	v0 =	vsel vm9, v32, v0  }
0x248: {  	[tilespmem:$0x2B0] =	vst v29;
	v29 =	vld [tilespmem:$0x1FE70];
	vm13 =	vgt.f32 v27, v2;
	v2 =	vmax.f32 v2, v27;
	v0 =	vsel vm10, v49, v0  }
0x249: {  	[tilespmem:$0x270] =	vst v34;
	v34 =	vld [tilespmem:$0x1FE80];
	vm14 =	vgt.f32 v26, v2;
	v2 =	vmax.f32 v2, v26;
	v0 =	vsel vm11, v59, v0  }
0x24a: {  	[tilespmem:$0x2A0] =	vst v30;
	v30 =	vld [tilespmem:$0x1FE90];
	vm15 =	vgt.f32 v25, v2;
	v2 =	vmax.f32 v2, v25;
	v0 =	vsel vm12, v51, v0  }
0x24b: {  	[tilespmem:$0x2D0] =	vst v27;
	v27 =	vld [tilespmem:$0x1FC40];
	vm4 =	vgt.f32 v24, v2;
	v2 =	vmax.f32 v2, v24;
	v0 =	vsel vm13, v60, v0  }
0x24c: {  	v61 =	vld [tilespmem:$0x1FEA0];
	vm5 =	vgt.f32 v23, v2;
	v2 =	vmax.f32 v2, v23;
	v0 =	vsel vm14, v28, v0  }
0x24d: {  	v63 =	vld [tilespmem:$0x1FC50];
	vm6 =	vgt.f32 v22, v2;
	v2 =	vmax.f32 v2, v22;
	v0 =	vsel vm15, v29, v0  }
0x24e: {  	[tilespmem:$0x330] =	vst v21;
	vm7 =	vgt.f32 v21, v2;
	v2 =	vmax.f32 v2, v21;
	v21 =	vld [tilespmem:$0x1FC60];
	v0 =	vsel vm4, v34, v0  }
0x24f: {  	v1 =	vld [tilespmem:$0x1FF30];
	v0 =	vsel vm5, v30, v0  }
0x250: {  	v0 =	vsel vm6, v27, v0  }
0x251: {  	vm8 =	vgt.f32 v20, v2;
	v2 =	vmax.f32 v2, v20;
	v0 =	vsel vm7, v61, v0  }
0x252: {  	vm9 =	vgt.f32 v19, v2;
	v2 =	vmax.f32 v2, v19;
	v0 =	vsel vm8, v63, v0  }
0x253: {  	[tilespmem:$0x360] =	vst v18;
	vm10 =	vgt.f32 v18, v2;
	v2 =	vmax.f32 v2, v18;
	v18 =	vld [tilespmem:$0x1FEB0];
	v0 =	vsel vm9, v21, v0  }
0x254: {  	v0 =	vsel vm10, v1, v0;
	v1 =	vld [tilespmem:$0x1FF20];
	_ =	sdelay $0x2  }
0x255: {  	vm11 =	vgt.f32 v17, v2;
	v2 =	vmax.f32 v2, v17  }
0x256: {  	vm12 =	vgt.f32 v16, v2;
	v0 =	vsel vm11, v18, v0  }
0x257: {  	v0 =	vsel vm12, v1, v0;
	v1 =	vld [tilespmem:$0x1FC70];
	_ =	sdelay $0x2  }
0x258: {  	v2 =	vmax.f32 v2, v16  }
0x259: {  	vm13 =	vgt.f32 v15, v2  }
0x25a: {  	v0 =	vsel vm13, v1, v0;
	v1 =	vld [tilespmem:$0x1FC80];
	_ =	sdelay $0x2  }
0x25b: {  	v2 =	vmax.f32 v2, v15  }
0x25c: {  	vm14 =	vgt.f32 v14, v2  }
0x25d: {  	v0 =	vsel vm14, v1, v0;
	v1 =	vld [tilespmem:$0x1FF10];
	_ =	sdelay $0x2  }
0x25e: {  	v2 =	vmax.f32 v2, v14  }
0x25f: {  	vm15 =	vgt.f32 v13, v2  }
0x260: {  	v0 =	vsel vm15, v1, v0;
	v1 =	vld [tilespmem:$0x1FFA0];
	_ =	sdelay $0x2  }
0x261: {  	v2 =	vmax.f32 v2, v13  }
0x262: {  	vm4 =	vgt.f32 v12, v2  }
0x263: {  	v0 =	vsel vm4, v1, v0;
	v1 =	vld [tilespmem:$0x1FF40];
	_ =	sdelay $0x2  }
0x264: {  	v2 =	vmax.f32 v2, v12  }
0x265: {  	vm5 =	vgt.f32 v11, v2  }
0x266: {  	v0 =	vsel vm5, v1, v0;
	v1 =	vld [tilespmem:$0x1FF80];
	_ =	sdelay $0x2  }
0x267: {  	v2 =	vmax.f32 v2, v11  }
0x268: {  	vm6 =	vgt.f32 v10, v2  }
0x269: {  	v0 =	vsel vm6, v1, v0;
	v1 =	vld [tilespmem:$0x1FBC0];
	_ =	sdelay $0x2  }
0x26a: {  	v2 =	vmax.f32 v2, v10  }
0x26b: {  	v62 =	vmov v5;
	v5 =	vld [tilespmem:$0x1FA80];
	vm7 =	vgt.f32 v9, v2  }
0x26c: {  	v0 =	vsel vm7, v1, v0;
	v1 =	vld [tilespmem:$0x1FBE0];
	_ =	sdelay $0x2  }
0x26d: {  	v2 =	vmax.f32 v2, v9  }
0x26e: {  	v8 =	vld [tilespmem:$0x480];
	vm8 =	vgt.f32 v5, v2  }
0x26f: {  	v0 =	vsel vm8, v1, v0;
	v1 =	vld [tilespmem:$0x1FC90];
	_ =	sdelay $0x3  }
0x270: {  	v2 =	vmax.f32 v2, v5  }
0x271: {  	[tilespmem:$0x3F0] =	vst v9;
	v4 =	vmov v8;
	v8 =	vperm.xlane v2, v1;
	v9 =	vperm.xlane v0, v1  }
0x272: {  	v1 =	vld [tilespmem:$0x1FCA0]  }
0x273: {  	vm10 =	veq.f32 v8, v2;
	vm11 =	vlt.s32 v9, v0  }
0x274: {  	vm9 =	vgt.f32 v8, v2;
	vm1 =	vmand vm10, vm11  }
0x275: {  	vm0 =	vmor vm9, vm1  }
0x276: {  	v0 =	vsel vm0, v9, v0;
	v2 =	vsel vm0, v8, v2  }
0x277: {  	[tilespmem:$0x320] =	vst v22;
	v8 =	vperm.xlane v2, v1;
	v9 =	vperm.xlane v0, v1  }
0x278: {  	[tilespmem:$0x340] =	vst v20;
	v1 =	vld [tilespmem:$0x1FCB0]  }
0x279: {  	[tilespmem:$0x350] =	vst v19;
	vm12 =	veq.f32 v8, v2;
	vm13 =	vlt.s32 v9, v0  }
0x27a: {  	[tilespmem:$0x370] =	vst v17;
	vm0 =	vgt.f32 v8, v2;
	vm1 =	vmand vm12, vm13  }
0x27b: {  	[tilespmem:$0x380] =	vst v16;
	vm0 =	vmor vm0, vm1  }
0x27c: {  	[tilespmem:$0x390] =	vst v15;
	v0 =	vsel vm0, v9, v0;
	v2 =	vsel vm0, v8, v2  }
0x27d: {  	[tilespmem:$0x3A0] =	vst v14;
	v8 =	vperm.xlane v2, v1;
	v9 =	vperm.xlane v0, v1  }
0x27e: {  	[tilespmem:$0x3B0] =	vst v13  }
0x27f: {  	[tilespmem:$0x3C0] =	vst v12;
	vm14 =	veq.f32 v8, v2;
	vm15 =	vlt.s32 v9, v0  }
0x280: {  	[tilespmem:$0x3D0] =	vst v11;
	vm0 =	vgt.f32 v8, v2;
	vm1 =	vmand vm14, vm15  }
0x281: {  	[tilespmem:$0x3E0] =	vst v10;
	vm0 =	vmor vm0, vm1  }
0x282: {  	p0 =	sne.s32 s28, $0x1F;
	[tilespmem:$0x300] =	vst v24;
	v13 =	vsel vm0, v9, v0;
	v0 =	vld [tilespmem:$0x1FCC0]  }
.Ltmp1:
0x283: {  	[tilespmem:$0x310] =	vst v23;
	(pc) =	sbr.rel @p0 .LBB2_3-.Ltmp1, $4  }
0x284: {  	[tilespmem:$0x2E0] =	vst v26  }
0x285: {  	[tilespmem:$0x2F0] =	vst v25  }
0x286: {  	s30 =	smov.u32 s28;
	[tilespmem:$0x400] =	vst v5;
	v10 =	vsel vm0, v8, v2  }
0x287: {  	s28 =	sadd.s32 $0x1, s28;
	s29 =	smov.u32 s30;
	[tilespmem:$0xE0] =	vst v31;
	v1 =	vld [tilespmem:$0x1FA90];
	v11 =	vperm.xlane v10, v0;
	v14 =	vperm.xlane v13, v0  }
0x288: {  	_ = 	snop  }
0x289: {  	vm0 =	veq.f32 v11, v10;
	vm1 =	vlt.s32 v14, v13  }
0x28a: {  	vm2 =	vgt.f32 v11, v10;
	vm0 =	vmand vm0, vm1  }
0x28b: {  	v0 =	vmov s29;
	v10 =	vlaneseq.u32;
	vm0 =	vmor vm2, vm0  }
0x28c: {  	vm12 =	veq.s32 v0, v10;
	v2 =	vsel vm0, v14, v13  }
0x28d: {  	v4 =	vsel vm12, v2, v4  }
0x28e: {  	v5 =	vshrl.u32 v4, $0x3  }
0x28f: {  	v5 =	vmul.u32 $0x30, v5  }
0x290: {  	v11 =	vld [tilespmem:$0x1FBF0];
	v7 =	vand.u32 $0x7, v4  }
0x291: {  	v8 =	vshrl.u32 v10, $0x3;
	v5 =	vor.u32 v7, v5;
	v7 =	vand.u32 $0x7, v10  }
0x292: {  	v8 =	vmul.u32 $0x8, v8;
	v9 =	vperm.xlane v5, v7;
	_ =	sdelay $0x1  }
0x293: {  	v9 =	vadd.s32 v8, v9  }
0x294: {  	vm13 =	veq.s32 v0, v11  }
0x295: {  	v0 =	vsel vm13, v2, v1  }
0x296: {  	[tilespmem:$0x490] =	vst v0;
	v0 =	vor.u32 $0x8, v10  }
0x297: {  	vm14 =	vmmov $0xffff;
	[tilespmem:$0x480] =	vst v4;
	v2 =	vperm.xlane v5, v0  }
0x298: {  	[tilespmem:s21], [sflag:$0x1] =	stream.indirect_vreg.gather [hbm4b:s4+s19], $0x80, v9, vm14, $0xb8;
	[tilespmem:$0x17500] =	vst v63  }
0x299: {  	s28 =	simm.s32 $0xD00;
	v2 =	vadd.s32 v8, v2  }
0x29a: {  	[tilespmem:s28], [sflag:$0x1] =	stream.indirect_vreg.gather [hbm4b:s8+s19], $0x80, v9, vm14, $0xb8;
	[tilespmem:$0x17500] =	vst v63  }
0x29b: {  	s30 =	simm.s32 $0x1500  }
0x29c: {  	[tilespmem:s30], [sflag:$0x1] =	stream.indirect_vreg.gather [hbm4b:s9+s19], $0x80, v9, vm14, $0xb8;
	[tilespmem:$0x17500] =	vst v63  }
0x29d: {  	s29 =	simm.s32 $0x1D00  }
0x29e: {  	[tilespmem:s29], [sflag:$0x1] =	stream.indirect_vreg.gather [hbm4b:s4+s19], $0x80, v2, vm14, $0xb8;
	[tilespmem:$0x17500] =	vst v63  }
0x29f: {  	s30 =	simm.s32 $0x2500  }
0x2a0: {  	[tilespmem:s30], [sflag:$0x1] =	stream.indirect_vreg.gather [hbm4b:s8+s19], $0x80, v2, vm14, $0xb8;
	[tilespmem:$0x17500] =	vst v63  }
0x2a1: {  	s29 =	simm.s32 $0x2D00  }
0x2a2: {  	[tilespmem:s29], [sflag:$0x1] =	stream.indirect_vreg.gather [hbm4b:s9+s19], $0x80, v2, vm14, $0xb8;
	[tilespmem:$0x17500] =	vst v63  }
0x2a3: {  	v2 =	vld [tilespmem:$0x490];
	_ =	sdelay $0x4  }
0x2a4: {  	v4 =	vshrl.u32 v2, $0x3  }
0x2a5: {  	v4 =	vmul.u32 $0x30, v4  }
0x2a6: {  	v2 =	vand.u32 $0x7, v2  }
0x2a7: {  	v2 =	vor.u32 v2, v4  }
0x2a8: {  	v4 =	vperm.xlane v2, v7;
	_ =	sdelay $0x1  }
0x2a9: {  	v4 =	vadd.s32 v8, v4;
	_ =	sdelay $0x3  }
0x2aa: {  	s30 =	simm.s32 $0x3500;
	v2 =	vperm.xlane v2, v0  }
0x2ab: {  	[tilespmem:s30], [sflag:$0x1] =	stream.indirect_vreg.gather [hbm4b:s4+s19], $0x80, v4, vm14, $0xb8;
	[tilespmem:$0x17500] =	vst v63  }
0x2ac: {  	s29 =	simm.s32 $0x3D00;
	v2 =	vadd.s32 v8, v2  }
0x2ad: {  	[tilespmem:s29], [sflag:$0x1] =	stream.indirect_vreg.gather [hbm4b:s8+s19], $0x80, v4, vm14, $0xb8;
	[tilespmem:$0x17500] =	vst v63  }
0x2ae: {  	s30 =	simm.s32 $0x4500  }
0x2af: {  	[tilespmem:s30], [sflag:$0x1] =	stream.indirect_vreg.gather [hbm4b:s9+s19], $0x80, v4, vm14, $0xb8;
	[tilespmem:$0x17500] =	vst v63  }
0x2b0: {  	s29 =	simm.s32 $0x4D00  }
0x2b1: {  	[tilespmem:s29], [sflag:$0x1] =	stream.indirect_vreg.gather [hbm4b:s4+s19], $0x80, v2, vm14, $0xb8;
	[tilespmem:$0x17500] =	vst v63  }
0x2b2: {  	s30 =	simm.s32 $0x5500  }
0x2b3: {  	[tilespmem:s30], [sflag:$0x1] =	stream.indirect_vreg.gather [hbm4b:s8+s19], $0x80, v2, vm14, $0xb8;
	[tilespmem:$0x17500] =	vst v63  }
0x2b4: {  	s29 =	simm.s32 $0x5D00  }
0x2b5: {  	[tilespmem:s29], [sflag:$0x1] =	stream.indirect_vreg.gather [hbm4b:s9+s19], $0x80, v2, vm14, $0xb8;
	[tilespmem:$0x17500] =	vst v63  }
0x2b6: {  	v2 =	vld [tilespmem:$0x480];
	_ =	sdelay $0x4  }
0x2b7: {  	v4 =	vshrl.u32 v2, $0x3  }
0x2b8: {  	v4 =	vmul.u32 $0x88, v4  }
0x2b9: {  	v2 =	vand.u32 $0x7, v2  }
0x2ba: {  	v2 =	vor.u32 v2, v4  }
0x2bb: {  	v4 =	vperm.xlane v2, v7;
	_ =	sdelay $0x1  }
0x2bc: {  	v4 =	vadd.s32 v8, v4;
	_ =	sdelay $0x4  }
0x2bd: {  	[tilespmem:s2], [sflag:$0x1] =	stream.indirect_vreg.gather [hbm4b:s5+s19], $0x80, v4, vm14, $0xb8;
	[tilespmem:$0x17500] =	vst v63  }
0x2be: {  	s30 =	simm.s32 $0x6D00  }
0x2bf: {  	[tilespmem:s30], [sflag:$0x1] =	stream.indirect_vreg.gather [hbm4b:s10+s19], $0x80, v4, vm14, $0xb8;
	[tilespmem:$0x17500] =	vst v63  }
0x2c0: {  	s29 =	simm.s32 $0x7500  }
0x2c1: {  	[tilespmem:s29], [sflag:$0x1] =	stream.indirect_vreg.gather [hbm4b:s11+s19], $0x80, v4, vm14, $0xb8;
	[tilespmem:$0x17500] =	vst v63  }
0x2c2: {  	s30 =	simm.s32 $0x7D00  }
0x2c3: {  	[tilespmem:s30], [sflag:$0x1] =	stream.indirect_vreg.gather [hbm4b:s12+s19], $0x80, v4, vm14, $0xb8;
	[tilespmem:$0x17500] =	vst v63  }
0x2c4: {  	s29 =	simm.s32 $0x8500  }
0x2c5: {  	[tilespmem:s29], [sflag:$0x1] =	stream.indirect_vreg.gather [hbm4b:s13+s19], $0x80, v4, vm14, $0xb8;
	[tilespmem:$0x17500] =	vst v63  }
0x2c6: {  	s30 =	simm.s32 $0x8D00  }
0x2c7: {  	[tilespmem:s30], [sflag:$0x1] =	stream.indirect_vreg.gather [hbm4b:s14+s19], $0x80, v4, vm14, $0xb8;
	[tilespmem:$0x17500] =	vst v63  }
0x2c8: {  	v2 =	vperm.xlane v2, v0;
	s29 =	simm.s32 $0x9500  }
0x2c9: {  	[tilespmem:s29], [sflag:$0x1] =	stream.indirect_vreg.gather [hbm4b:s15+s19], $0x80, v4, vm14, $0xb8;
	[tilespmem:$0x17500] =	vst v63  }
0x2ca: {  	v2 =	vadd.s32 v8, v2;
	s30 =	simm.s32 $0x9D00  }
0x2cb: {  	[tilespmem:s30], [sflag:$0x1] =	stream.indirect_vreg.gather [hbm4b:s16+s19], $0x80, v4, vm14, $0xb8;
	[tilespmem:$0x17500] =	vst v63  }
0x2cc: {  	vm15 =	vmmov $0xff;
	s29 =	simm.s32 $0xA500  }
0x2cd: {  	[tilespmem:s29], [sflag:$0x1] =	stream.indirect_vreg.gather [hbm4b:s17+s19], $0x80, v4, vm15, $0xb8;
	[tilespmem:$0x17500] =	vst v63  }
0x2ce: {  	s30 =	simm.s32 $0xA900  }
0x2cf: {  	[tilespmem:s30], [sflag:$0x1] =	stream.indirect_vreg.gather [hbm4b:s5+s19], $0x80, v2, vm14, $0xb8;
	[tilespmem:$0x17500] =	vst v63  }
0x2d0: {  	s29 =	simm.s32 $0xB100  }
0x2d1: {  	[tilespmem:s29], [sflag:$0x1] =	stream.indirect_vreg.gather [hbm4b:s10+s19], $0x80, v2, vm14, $0xb8;
	[tilespmem:$0x17500] =	vst v63  }
0x2d2: {  	s30 =	simm.s32 $0xB900  }
0x2d3: {  	[tilespmem:s30], [sflag:$0x1] =	stream.indirect_vreg.gather [hbm4b:s11+s19], $0x80, v2, vm14, $0xb8;
	[tilespmem:$0x17500] =	vst v63  }
0x2d4: {  	s29 =	simm.s32 $0xC100  }
0x2d5: {  	[tilespmem:s29], [sflag:$0x1] =	stream.indirect_vreg.gather [hbm4b:s12+s19], $0x80, v2, vm14, $0xb8;
	[tilespmem:$0x17500] =	vst v63  }
0x2d6: {  	s30 =	simm.s32 $0xC900  }
0x2d7: {  	[tilespmem:s30], [sflag:$0x1] =	stream.indirect_vreg.gather [hbm4b:s13+s19], $0x80, v2, vm14, $0xb8;
	[tilespmem:$0x17500] =	vst v63  }
0x2d8: {  	s29 =	simm.s32 $0xD100  }
0x2d9: {  	[tilespmem:s29], [sflag:$0x1] =	stream.indirect_vreg.gather [hbm4b:s14+s19], $0x80, v2, vm14, $0xb8;
	[tilespmem:$0x17500] =	vst v63  }
0x2da: {  	s30 =	simm.s32 $0xD900  }
0x2db: {  	[tilespmem:s30], [sflag:$0x1] =	stream.indirect_vreg.gather [hbm4b:s15+s19], $0x80, v2, vm14, $0xb8;
	[tilespmem:$0x17500] =	vst v63  }
0x2dc: {  	s29 =	simm.s32 $0xE100  }
0x2dd: {  	[tilespmem:s29], [sflag:$0x1] =	stream.indirect_vreg.gather [hbm4b:s16+s19], $0x80, v2, vm14, $0xb8;
	[tilespmem:$0x17500] =	vst v63  }
0x2de: {  	s30 =	simm.s32 $0xE900  }
0x2df: {  	[tilespmem:s30], [sflag:$0x1] =	stream.indirect_vreg.gather [hbm4b:s17+s19], $0x80, v2, vm15, $0xb8;
	[tilespmem:$0x17500] =	vst v63  }
0x2e0: {  	v2 =	vld [tilespmem:$0x490];
	_ =	sdelay $0x4  }
0x2e1: {  	v4 =	vshrl.u32 v2, $0x3  }
0x2e2: {  	v4 =	vmul.u32 $0x88, v4  }
0x2e3: {  	v2 =	vand.u32 $0x7, v2  }
0x2e4: {  	v2 =	vor.u32 v2, v4  }
0x2e5: {  	v4 =	vperm.xlane v2, v7;
	_ =	sdelay $0x1  }
0x2e6: {  	v4 =	vadd.s32 v8, v4;
	_ =	sdelay $0x3  }
0x2e7: {  	s29 =	simm.s32 $0xED00  }
0x2e8: {  	[tilespmem:s29], [sflag:$0x1] =	stream.indirect_vreg.gather [hbm4b:s5+s19], $0x80, v4, vm14, $0xb8;
	[tilespmem:$0x17500] =	vst v63  }
0x2e9: {  	s30 =	simm.s32 $0xF500  }
0x2ea: {  	[tilespmem:s30], [sflag:$0x1] =	stream.indirect_vreg.gather [hbm4b:s10+s19], $0x80, v4, vm14, $0xb8;
	[tilespmem:$0x17500] =	vst v63  }
0x2eb: {  	s29 =	simm.s32 $0xFD00  }
0x2ec: {  	[tilespmem:s29], [sflag:$0x1] =	stream.indirect_vreg.gather [hbm4b:s11+s19], $0x80, v4, vm14, $0xb8;
	[tilespmem:$0x17500] =	vst v63  }
0x2ed: {  	s30 =	simm.s32 $0x10500  }
0x2ee: {  	[tilespmem:s30], [sflag:$0x1] =	stream.indirect_vreg.gather [hbm4b:s12+s19], $0x80, v4, vm14, $0xb8;
	[tilespmem:$0x17500] =	vst v63  }
0x2ef: {  	s29 =	simm.s32 $0x10D00  }
0x2f0: {  	[tilespmem:s29], [sflag:$0x1] =	stream.indirect_vreg.gather [hbm4b:s13+s19], $0x80, v4, vm14, $0xb8;
	[tilespmem:$0x17500] =	vst v63  }
0x2f1: {  	s30 =	simm.s32 $0x11500  }
0x2f2: {  	[tilespmem:s30], [sflag:$0x1] =	stream.indirect_vreg.gather [hbm4b:s14+s19], $0x80, v4, vm14, $0xb8;
	[tilespmem:$0x17500] =	vst v63  }
0x2f3: {  	v0 =	vperm.xlane v2, v0;
	s29 =	simm.s32 $0x11D00  }
0x2f4: {  	[tilespmem:s29], [sflag:$0x1] =	stream.indirect_vreg.gather [hbm4b:s15+s19], $0x80, v4, vm14, $0xb8;
	[tilespmem:$0x17500] =	vst v63  }
0x2f5: {  	v0 =	vadd.s32 v8, v0;
	s30 =	simm.s32 $0x12500  }
0x2f6: {  	[tilespmem:s30], [sflag:$0x1] =	stream.indirect_vreg.gather [hbm4b:s16+s19], $0x80, v4, vm14, $0xb8;
	[tilespmem:$0x17500] =	vst v63  }
0x2f7: {  	s29 =	simm.s32 $0x12D00  }
0x2f8: {  	[tilespmem:s29], [sflag:$0x1] =	stream.indirect_vreg.gather [hbm4b:s17+s19], $0x80, v4, vm15, $0xb8;
	[tilespmem:$0x17500] =	vst v63  }
0x2f9: {  	s30 =	simm.s32 $0x13100  }
0x2fa: {  	[tilespmem:s30], [sflag:$0x1] =	stream.indirect_vreg.gather [hbm4b:s5+s19], $0x80, v0, vm14, $0xb8;
	[tilespmem:$0x17500] =	vst v63  }
0x2fb: {  	s29 =	simm.s32 $0x13900  }
0x2fc: {  	[tilespmem:s29], [sflag:$0x1] =	stream.indirect_vreg.gather [hbm4b:s10+s19], $0x80, v0, vm14, $0xb8;
	[tilespmem:$0x17500] =	vst v63  }
0x2fd: {  	s30 =	simm.s32 $0x14100  }
0x2fe: {  	[tilespmem:s30], [sflag:$0x1] =	stream.indirect_vreg.gather [hbm4b:s11+s19], $0x80, v0, vm14, $0xb8;
	[tilespmem:$0x17500] =	vst v63  }
0x2ff: {  	s29 =	simm.s32 $0x14900  }
0x300: {  	[tilespmem:s29], [sflag:$0x1] =	stream.indirect_vreg.gather [hbm4b:s12+s19], $0x80, v0, vm14, $0xb8;
	[tilespmem:$0x17500] =	vst v63  }
0x301: {  	_ = 	snop  }
0x302: {  	[tilespmem:s31], [sflag:$0x1] =	stream.indirect_vreg.gather [hbm4b:s13+s19], $0x80, v0, vm14, $0xb8;
	[tilespmem:$0x17500] =	vst v63  }
0x303: {  	_ = 	snop  }
0x304: {  	[tilespmem:s1], [sflag:$0x1] =	stream.indirect_vreg.gather [hbm4b:s14+s19], $0x80, v0, vm14, $0xb8;
	[tilespmem:$0x17500] =	vst v63  }
0x305: {  	_ = 	snop  }
0x306: {  	[tilespmem:s0], [sflag:$0x1] =	stream.indirect_vreg.gather [hbm4b:s15+s19], $0x80, v0, vm14, $0xb8;
	[tilespmem:$0x17500] =	vst v63  }
0x307: {  	_ = 	snop  }
0x308: {  	[tilespmem:s22], [sflag:$0x1] =	stream.indirect_vreg.gather [hbm4b:s16+s19], $0x80, v0, vm14, $0xb8;
	[tilespmem:$0x17500] =	vst v63  }
0x309: {  	_ = 	snop  }
0x30a: {  	[tilespmem:s23], [sflag:$0x1] =	stream.indirect_vreg.gather [hbm4b:s17+s19], $0x80, v0, vm15, $0xb8;
	[tilespmem:$0x17500] =	vst v63  }
0x30b: {  	_ =	swait.ge [sflag:s24], $0x6000  }
0x30c: {  	[sflag:s24] =	ssyncset.done $0x0  }
0x30d: {  	[sflag:s24] =	ssyncadd.s32 $0xFFFFA000  }
0x30e: {  	_ =	swait.ge [sflag:s24], $0x11000  }
0x30f: {  	[sflag:s24] =	ssyncset.done $0x0  }
0x310: {  	[sflag:s24] =	ssyncadd.s32 $0xFFFEF000  }
0x311: {  	s30 =	rddreg [dreg:$0x1]  }
0x312: {  	[hbm4b:s30+s19] =	stream.linear.scatter [tilespmem:s25], [sflag:$0x2], $0x80, $0x38;
	[tilespmem:$0x17500] =	vst v63  }
0x313: {  	_ =	swait.ge [sflag:s20], $0x80  }
0x314: {  	[sflag:s20] =	ssyncset.done $0x0  }
0x315: {  	[sflag:s20] =	ssyncadd.s32 $0xFFFFFF80  }
0x316: {  	[hbm4b:s6+s19] =	stream.linear.scatter [tilespmem:s21], [sflag:$0x2], $0x6000, $0x38;
	[tilespmem:$0x17500] =	vst v63  }
0x317: {  	_ =	swait.ge [sflag:s20], $0x6000  }
0x318: {  	[sflag:s20] =	ssyncset.done $0x0  }
0x319: {  	[sflag:s20] =	ssyncadd.s32 $0xFFFFA000  }
0x31a: {  	[hbm4b:s7+s19] =	stream.linear.scatter [tilespmem:s2], [sflag:$0x2], $0x11000, $0x38;
	[tilespmem:$0x17500] =	vst v63  }
0x31b: {  	_ =	swait.ge [sflag:s20], $0x11000  }
0x31c: {  	v49 =	vld [tilespmem:$0x1FF90]  }
0x31d: {  	v16 =	vld [tilespmem:$0x1FF70]  }
0x31e: {  	v50 =	vld [tilespmem:$0x1FF60]  }
0x31f: {  	v51 =	vld [tilespmem:$0x1FF50]  }
0x320: {  	v10 =	vld [tilespmem:$0x1FFB0]  }
0x321: {  	v12 =	vld [tilespmem:$0x1FFC0]  }
0x322: {  	v5 =	vld [tilespmem:$0x1FFD0]  }
0x323: {  	v13 =	vld [tilespmem:$0x1FFE0]  }
0x324: {  	v17 =	vld [tilespmem:$0x1FEE0]  }
0x325: {  	v21 =	vld [tilespmem:$0x1FEC0]  }
0x326: {  	v25 =	vld [tilespmem:$0x1FEF0]  }
0x327: {  	v26 =	vld [tilespmem:$0x1FED0]  }
0x328: {  	s26 =	sadd.s32 $0x1, s26;
	v27 =	vld [tilespmem:$0x1FF00]  }
0x329: {  	p0 =	sne.s32 s26, s18;
	v1 =	vld [tilespmem:$0x1FF30]  }
.Ltmp2:
0x32a: {  	v63 =	vld [tilespmem:$0x1FF20];
	(pc) =	sbr.rel @p0 .LBB2_2-.Ltmp2, $4  }
0x32b: {  	v2 =	vld [tilespmem:$0x1FF10]  }
0x32c: {  	v0 =	vld [tilespmem:$0x1FFA0]  }
0x32d: {  	[sflag:s20] =	ssyncset.done $0x0;
	v3 =	vld [tilespmem:$0x1FF40]  }
0x32e: {  	v4 =	vld [tilespmem:$0x1FF80];
	[sflag:s20] =	ssyncadd.s32 $0xFFFEF000  }
.LBB2_5:
0x32f: {  	_ =	sfence.sel $0x180000  }
0x330: {  	[bflag:$0x0] =	sbarrier.arrive $0xFFFF  }
0x331: {  	_ =	strace $0x9000004A  }
0x332: {  	s0 =	stileid.u32;
	[bflag:$0x2] =	sbarrier.arrive $0xFFFF  }
0x333: {  	p0 =	sne.s32 s0, $0x0;
	s0 =	rddreg [dreg:$0x2]  }
0x334: {  	s0 =	sadd.s32 @!p0 $0x100000, s0  }
0x335: {  	[sflag:s0] =	ssyncadd.tile.s32 @!p0 $0x1;
	_ =	shalt  }
.Lfunc_end2:
_tile_overlayer_lowered:
.L_overlay_start_2:
0x336: {  	(tag) =	ssettag $0x2  }
0x337: {  	s0 =	rddreg [dreg:$0x0];
	s2 =	stileid.u32  }
0x338: {  	s1 =	rddreg [dreg:$0x1];
	p0 =	sne.s32 s2, $0x0  }
0x339: {  	s3 =	rddreg [dreg:$0x2];
	[bflag:$0x3] =	sbarrier.arrive $0xFFFF;
	s2 =	simm.s32 @!p0 $0x1C02  }
0x33a: {  	[timem:s3], [sflag:s2] =	dma.local @!p0 [hbm:s0], s1  }
0x33b: {  	s0 =	simm.s32 @!p0 $0x2  }
0x33c: {  	_ =	swait.ge @!p0 [sflag:s0], s1  }
0x33d: {  	s1 =	ssub.s32 @!p0 $0x0, s1;
	[sflag:s0] =	ssyncset.done @!p0 $0x0  }
0x33e: {  	[sflag:s0] =	ssyncadd.s32 @!p0 s1  }
0x33f: {  	[bflag:$0x3] =	sbarrier.arrive $0xFFFF  }
0x340: {  	_ =	shalt  }

</sc_bundles>
